<compile_context>
chip_gen: v7x
topology: tpu7x:2x2x1
jax: 0.10.2.dev20260603
libtpu: 0.0.44.dev20260713+nightly
codegen_flags: <defaults>
</compile_context>

<pallas_src>
import functools
import jax
import jax.numpy as jnp
from jax import lax
from jax.experimental import pallas as pl
from jax.experimental.pallas import tpu as pltpu, tpu_sc as plsc

NUM_C = 2000
EMB = 128
SIZE_M = 32
NUM_STU = 2048
B = 16
L = 200
F32 = jnp.float32


def _sig(x):
    return 1.0 / (1.0 + jnp.exp(-x))


def _dot(a, b):
    return jnp.dot(a, b, preferred_element_type=F32)


def _x1_body(stu_ref, w_ref, b_ref, o_ref):
    o_ref[...] = _dot(stu_ref[...], w_ref[...]) + b_ref[...]


def _x1(stu, W1, b1row):
    return pl.pallas_call(
        _x1_body,
        out_shape=jax.ShapeDtypeStruct((NUM_STU, EMB), F32),
    )(stu, W1, b1row)


_GBLK = 256


def _gmm_epi_body(g_ref, x_ref, w2_ref, b2_ref, o_ref):
    t = _dot(g_ref[...], x_ref[...])
    o_ref[...] = _dot(jnp.maximum(t, 0.0), w2_ref[...]) + b2_ref[...]


def _gmm_body(g_ref, x_ref, o_ref):
    o_ref[...] = _dot(g_ref[...], x_ref[...])


def _gmm_epi(G, X, W2, b2row):
    n = NUM_STU // _GBLK
    return pl.pallas_call(
        _gmm_epi_body,
        grid=(n,),
        in_specs=[
            pl.BlockSpec((_GBLK, NUM_STU), lambda i: (i, 0)),
            pl.BlockSpec((NUM_STU, EMB), lambda i: (0, 0)),
            pl.BlockSpec((EMB, EMB), lambda i: (0, 0)),
            pl.BlockSpec((1, EMB), lambda i: (0, 0)),
        ],
        out_specs=pl.BlockSpec((_GBLK, EMB), lambda i: (i, 0)),
        out_shape=jax.ShapeDtypeStruct((NUM_STU, EMB), F32),
    )(G, X, W2, b2row)


def _gmm(G, X):
    n = NUM_STU // _GBLK
    return pl.pallas_call(
        _gmm_body,
        grid=(n,),
        in_specs=[
            pl.BlockSpec((_GBLK, NUM_STU), lambda i: (i, 0)),
            pl.BlockSpec((NUM_STU, EMB), lambda i: (0, 0)),
        ],
        out_specs=pl.BlockSpec((_GBLK, EMB), lambda i: (i, 0)),
        out_shape=jax.ShapeDtypeStruct((NUM_STU, EMB), F32),
    )(G, X)


_PAD = 3328
_WCOLS = 384


def _packhl(a, b):
    au = lax.bitcast_convert_type(a.astype(jnp.bfloat16), jnp.uint16)
    bu = lax.bitcast_convert_type(b.astype(jnp.bfloat16), jnp.uint16)
    w = jnp.left_shift(au.astype(jnp.uint32), 16) | bu.astype(jnp.uint32)
    return lax.bitcast_convert_type(w, F32)


def _hi(w):
    wu = lax.bitcast_convert_type(w, jnp.int32)
    return lax.bitcast_convert_type(wu & -65536, F32)


def _lo(w):
    wu = lax.bitcast_convert_type(w, jnp.int32)
    return lax.bitcast_convert_type(jnp.left_shift(wu, 16), F32)


def _sc_gather(widths, *tabs_and_idx, dtype=F32):
    n = len(widths)
    info = plsc.get_sparse_core_info()
    nc, ns = info.num_cores, info.num_subcores
    nw = nc * ns
    bpw = _PAD // nw
    mesh = plsc.VectorSubcoreMesh(core_axis_name="c", subcore_axis_name="s")

    scratch = []
    for w in widths:
        scratch.append(pltpu.VMEM((bpw,), jnp.int32))
        scratch.append(pltpu.VMEM((bpw, w), dtype))
    scratch.append(pltpu.SemaphoreType.DMA)

    @functools.partial(
        pl.kernel,
        mesh=mesh,
        out_type=[jax.ShapeDtypeStruct((_PAD, w), dtype) for w in widths],
        scratch_types=scratch,
    )
    def gather_k(*refs):
        tabs = refs[0:2 * n:2]
        idxs = refs[1:2 * n:2]
        outs = refs[2 * n:3 * n]
        ivs = refs[3 * n:3 * n + 2 * n:2]
        rvs = refs[3 * n + 1:3 * n + 2 * n:2]
        sem = refs[-1]
        wid = lax.axis_index("s") * nc + lax.axis_index("c")
        base = wid * bpw
        for th, ih, oh, iv, rv in zip(tabs, idxs, outs, ivs, rvs):
            pltpu.sync_copy(ih.at[pl.ds(base, bpw)], iv)
            pltpu.async_copy(th.at[iv], rv, sem).wait()
            pltpu.sync_copy(rv, oh.at[pl.ds(base, bpw)])

    return gather_k(*tabs_and_idx)


def _prep_body(sh_ref, kv_ref, scol_ref, srow_ref, sncol_ref,
               snrow_ref, m_ref, g1w_ref, g1b_ref, g2w_ref, g2b_ref,
               gkh_ref, gvh_ref, gkd_ref, gvd_ref, mkt_ref,
               ehw_ref, ehb_ref, ahw_ref, ahb_ref,
               edw_ref, edb_ref, adw_ref, adb_ref,
               kh_o, kd_o, wh_o, wd_o, eh_o, ah_o, ed_o, ad_o):
    sh = sh_ref[0]
    kvp = kv_ref[0]
    k0 = _hi(kvp)
    v0 = _lo(kvp)
    scol = scol_ref[0]
    srow = srow_ref[0]
    sncol = sncol_ref[0]
    snrow = snrow_ref[0]
    mcol = m_ref[0]

    emask = (snrow == scol).astype(F32)
    emask2 = (sncol == srow).astype(F32)
    deg_col = 1.0 + jnp.sum(emask, axis=1, keepdims=True)
    deg_row = 1.0 + jnp.sum(emask2, axis=0, keepdims=True)
    e_adj = emask * lax.rsqrt(deg_col) * lax.rsqrt(deg_row)
    selfco = 1.0 / deg_col
    xw1 = _dot(k0, g1w_ref[...])
    h1 = jnp.maximum(_dot(e_adj, xw1) + selfco * xw1 + g1b_ref[...], 0.0)
    xw2 = _dot(h1, g2w_ref[...])
    out2 = _dot(e_adj, xw2) + selfco * xw2 + g2b_ref[...]
    mean_h = jnp.sum(mcol * out2, axis=0, keepdims=True) * (1.0 / L)
    ash = jnp.broadcast_to(mean_h, (L, EMB))

    def gate(a, c, w_ref):
        w = w_ref[...]
        g = _sig(_dot(a, w[:EMB]) + _dot(c, w[EMB:]))
        return g * a + (1.0 - g) * c

    kh = gate(sh, k0, gkh_ref)
    vh = gate(sh, v0, gvh_ref)
    kd = gate(ash, k0, gkd_ref)
    vd = gate(ash, v0, gvd_ref)

    mkt = mkt_ref[...]

    def softmax32(x):
        m = jnp.max(x, axis=1, keepdims=True)
        ex = jnp.exp(x - m)
        return ex / jnp.sum(ex, axis=1, keepdims=True)

    kh_o[0] = kh
    kd_o[0] = kd
    wh_o[0] = softmax32(_dot(kh, mkt))
    wd_o[0] = softmax32(_dot(kd, mkt))
    eh_o[0] = _sig(_dot(vh, ehw_ref[...]) + ehb_ref[...])
    ah_o[0] = jnp.tanh(_dot(vh, ahw_ref[...]) + ahb_ref[...])
    ed_o[0] = _sig(_dot(vd, edw_ref[...]) + edb_ref[...])
    ad_o[0] = jnp.tanh(_dot(vd, adw_ref[...]) + adb_ref[...])


def _prep(sh, kv, scol, srow, sncol, snrow, maskc, p, MkT):
    bl128 = pl.BlockSpec((1, L, EMB), lambda b: (b, 0, 0))
    full = lambda shape: pl.BlockSpec(shape, lambda b: tuple(0 for _ in shape))
    ins = [
        bl128, bl128,
        pl.BlockSpec((1, L, 1), lambda b: (b, 0, 0)),
        pl.BlockSpec((1, 1, L), lambda b: (b, 0, 0)),
        pl.BlockSpec((1, L, 1), lambda b: (b, 0, 0)),
        pl.BlockSpec((1, 1, L), lambda b: (b, 0, 0)),
        pl.BlockSpec((1, L, 1), lambda b: (b, 0, 0)),
        full((EMB, 8)), full((1, 8)), full((8, EMB)), full((1, EMB)),
        full((2 * EMB, 1)), full((2 * EMB, 1)), full((2 * EMB, 1)),
        full((2 * EMB, 1)), full((EMB, SIZE_M)),
        full((EMB, EMB)), full((1, EMB)), full((EMB, EMB)), full((1, EMB)),
        full((EMB, EMB)), full((1, EMB)), full((EMB, EMB)), full((1, EMB)),
    ]
    bl32 = pl.BlockSpec((1, L, SIZE_M), lambda b: (b, 0, 0))
    outs = [bl128, bl128, bl32, bl32, bl128, bl128, bl128, bl128]
    oshape = [
        jax.ShapeDtypeStruct((B, L, EMB), F32),
        jax.ShapeDtypeStruct((B, L, EMB), F32),
        jax.ShapeDtypeStruct((B, L, SIZE_M), F32),
        jax.ShapeDtypeStruct((B, L, SIZE_M), F32),
        jax.ShapeDtypeStruct((B, L, EMB), F32),
        jax.ShapeDtypeStruct((B, L, EMB), F32),
        jax.ShapeDtypeStruct((B, L, EMB), F32),
        jax.ShapeDtypeStruct((B, L, EMB), F32),
    ]
    r1 = lambda v: v.reshape(1, -1)
    return pl.pallas_call(
        _prep_body,
        grid=(B,),
        in_specs=ins,
        out_specs=outs,
        out_shape=oshape,
    )(sh, kv, scol, srow, sncol, snrow, maskc,
      p['g1_W'], r1(p['g1_b']), p['g2_W'], r1(p['g2_b']),
      p['gkh_W'], p['gvh_W'], p['gkd_W'], p['gvd_W'], MkT,
      p['eh_W'], r1(p['eh_b']), p['ah_W'], r1(p['ah_b']),
      p['ed_W'], r1(p['ed_b']), p['ad_W'], r1(p['ad_b']))


_TCH = 40


def _scan_body(mv0_ref, wh_ref, eh_ref, ah_ref, wd_ref, ed_ref, ad_ref,
               fh_ref, fd_ref, mv_s):
    @pl.when(pl.program_id(0) == 0)
    def _init():
        mv_s[...] = jnp.broadcast_to(mv0_ref[...][None, None],
                                     (2, B, SIZE_M, EMB))

    for j in range(_TCH):
        for idx, (w_ref, e_ref, a_ref, f_ref) in enumerate(
                ((wh_ref, eh_ref, ah_ref, fh_ref),
                 (wd_ref, ed_ref, ad_ref, fd_ref))):
            mv = mv_s[idx]
            wt = w_ref[:, j, :]
            et = e_ref[:, j, :]
            at = a_ref[:, j, :]
            pmat = mv * wt[:, :, None]
            f_ref[:, j, :] = jnp.sum(pmat, axis=1)
            mv_s[idx] = mv - pmat * et[:, None, :] + wt[:, :, None] * at[:, None, :]


def _scan(Mv0, wh, eh, ah, wd, ed, ad):
    n = L // _TCH
    b32 = pl.BlockSpec((B, _TCH, SIZE_M), lambda i: (0, i, 0))
    b128 = pl.BlockSpec((B, _TCH, EMB), lambda i: (0, i, 0))
    return pl.pallas_call(
        _scan_body,
        grid=(n,),
        in_specs=[pl.BlockSpec((SIZE_M, EMB), lambda i: (0, 0)),
                  b32, b128, b128, b32, b128, b128],
        out_specs=[b128, b128],
        out_shape=[jax.ShapeDtypeStruct((B, L, EMB), F32),
                   jax.ShapeDtypeStruct((B, L, EMB), F32)],
        scratch_shapes=[pltpu.VMEM((2, B, SIZE_M, EMB), F32)],
    )(Mv0, wh, eh, ah, wd, ed, ad)


def _final_body(fh_ref, fd_ref, kh_ref, kd_ref, wg_ref,
                fhw_ref, fhb_ref, fdw_ref, fdb_ref,
                w1_ref, w2_ref, wb_ref,
                ph_o, pd_o, pe_o):
    fh = fh_ref[0]
    fd = fd_ref[0]
    kh = kh_ref[0]
    kd = kd_ref[0]
    fhw = fhw_ref[...]
    fdw = fdw_ref[...]
    h = jnp.tanh(_dot(fh, fhw[:EMB]) + _dot(kh, fhw[EMB:]) + fhb_ref[...])
    d = jnp.tanh(_dot(fd, fdw[:EMB]) + _dot(kd, fdw[EMB:]) + fdb_ref[...])
    th = _sig(_dot(h, w1_ref[...]) + _dot(d, w2_ref[...]) + wb_ref[...])
    h2 = th * h
    d2 = (1.0 - th) * d
    wg = wg_ref[0]
    hc = h[:L - 1]
    dc = d[:L - 1]
    h2c = h2[:L - 1]
    d2c = d2[:L - 1]
    whd = wg[:, :EMB]
    wens = wg[:, EMB:2 * EMB]
    bhd = wg[:, 2 * EMB:2 * EMB + 1]
    bens = wg[:, 2 * EMB + 1:2 * EMB + 2]
    ph_o[0] = jnp.sum(hc * _hi(whd), axis=1, keepdims=True) + _hi(bhd)
    pd_o[0] = jnp.sum(dc * _lo(whd), axis=1, keepdims=True) + _lo(bhd)
    pe_o[0] = jnp.sum(h2c * _hi(wens), axis=1, keepdims=True) \
        + jnp.sum(d2c * _lo(wens), axis=1, keepdims=True) + _hi(bens)


def _final(fh, fd, kh, kd, Wg, p, wbrow):
    bl128 = pl.BlockSpec((1, L, EMB), lambda b: (b, 0, 0))
    full = lambda shape: pl.BlockSpec(shape, lambda b: tuple(0 for _ in shape))
    r1 = lambda v: v.reshape(1, -1)
    out1 = pl.BlockSpec((1, L - 1, 1), lambda b: (b, 0, 0))
    osh = jax.ShapeDtypeStruct((B, L - 1, 1), F32)
    return pl.pallas_call(
        _final_body,
        grid=(B,),
        in_specs=[bl128, bl128, bl128, bl128,
                  pl.BlockSpec((1, L - 1, _WCOLS), lambda b: (b, 0, 0)),
                  full((2 * EMB, EMB)), full((1, EMB)),
                  full((2 * EMB, EMB)), full((1, EMB)),
                  full((EMB, EMB)), full((EMB, EMB)), full((1, EMB))],
        out_specs=[out1, out1, out1],
        out_shape=[osh, osh, osh],
    )(fh, fd, kh, kd, Wg,
      p['fh_W'], r1(p['fh_b']), p['fd_W'], r1(p['fd_b']),
      p['w1_W'], p['w2_W'], wbrow)


def kernel(params, G, student, skill, answer):
    p = params

    answer_x = jnp.where(answer == 2, 1, answer)
    x_idx = skill + NUM_C * answer_x
    pad = lambda v: jnp.concatenate(
        [v.ravel(), jnp.zeros((_PAD - v.size,), jnp.int32)])
    idx_stu = pad(student - 1)
    idx_v = pad(x_idx)
    idx_w = pad(skill[:, 1:])

    ensWt = p['ens_W'].T
    Wpack = jnp.concatenate(
        [_packhl(p['h_W'].T, p['d_W'].T),
         _packhl(ensWt[:, :EMB], ensWt[:, EMB:]),
         _packhl(p['h_b'][:, None], p['d_b'][:, None]),
         _packhl(p['ens_b'][:, None], jnp.zeros((NUM_C, 1), F32)),
         jnp.zeros((NUM_C, _WCOLS - 2 * EMB - 2), F32)], 1)
    kv_top = jnp.concatenate(
        [p['k_emb'][:NUM_C], p['k_emb'][:NUM_C], p['k_emb'][:1]], 0)
    kv_pack = _packhl(kv_top, p['v_emb'])

    sf = skill.astype(F32)
    snf = jnp.concatenate([sf[:, 1:], jnp.full((B, 1), -1.0, F32)], 1)
    maskf = (answer != 2).astype(F32)
    scol = sf.reshape(B, L, 1)
    srow = sf.reshape(B, 1, L)
    sncol = snf.reshape(B, L, 1)
    snrow = snf.reshape(B, 1, L)
    maskc = maskf.reshape(B, L, 1)
    MkT = p['Mk'].T
    wbrow = (p['w1_b'] + p['w2_b']).reshape(1, EMB)

    g_kv, g_w = _sc_gather((EMB, _WCOLS), kv_pack, idx_v, Wpack, idx_w)

    X1 = _x1(p['stu'], p['hg_W1'], p['hg_b1'].reshape(1, EMB))
    X3 = _gmm_epi(G, X1, p['hg_W2'], p['hg_b2'].reshape(1, EMB))
    stu_emb = _gmm(G, X3)

    (g_stu,) = _sc_gather((EMB,), stu_emb, idx_stu)
    stu_h = g_stu[:B * L].reshape(B, L, EMB)
    kv = g_kv[:B * L].reshape(B, L, EMB)
    Wg = g_w[:B * (L - 1)].reshape(B, L - 1, _WCOLS)

    kh, kd, wh, wd, eh, ah, ed, ad = _prep(
        stu_h, kv, scol, srow, sncol, snrow, maskc, p, MkT)

    fh, fd = _scan(p['Mv0'], wh, eh, ah, wd, ed, ad)

    ph, pd, pe = _final(fh, fd, kh, kd, Wg, p, wbrow)
    return ph[..., 0], pd[..., 0], pe[..., 0]

# --- scband reference (transcript-rebuilt; emitter-appended) ---
"""Pipeline reference for scband-dkvmn-58944131170323 (READ-ONLY COPY).

The authoritative reference and input builder live on the scoring server;
editing this copy changes nothing except your own understanding.
"""

import jax, jax.numpy as jnp
import numpy as np

NUM_C = 2000
EMB = 128
SIZE_M = 32
NUM_STU = 2048
B = 16
L = 200


def _nrm(k, shape, scale):
    return jax.random.normal(k, shape, dtype=jnp.float32) * scale


def setup_inputs(seed: int = 0):
    key = jax.random.key(seed)
    def kk(i):
        return jax.random.fold_in(key, i)
    s = 0.09
    params = {
        'stu': _nrm(kk(3), (NUM_STU, EMB), 1.0),
        'hg_W1': _nrm(kk(4), (EMB, EMB), s), 'hg_b1': jnp.zeros((EMB,), jnp.float32),
        'hg_W2': _nrm(kk(5), (EMB, EMB), s), 'hg_b2': jnp.zeros((EMB,), jnp.float32),
        'gkh_W': _nrm(kk(6), (2 * EMB, 1), s), 'gkh_b': jnp.zeros((1,), jnp.float32),
        'gvh_W': _nrm(kk(7), (2 * EMB, 1), s), 'gvh_b': jnp.zeros((1,), jnp.float32),
        'gkd_W': _nrm(kk(8), (2 * EMB, 1), s), 'gkd_b': jnp.zeros((1,), jnp.float32),
        'gvd_W': _nrm(kk(9), (2 * EMB, 1), s), 'gvd_b': jnp.zeros((1,), jnp.float32),
        'k_emb': _nrm(kk(10), (NUM_C + 1, EMB), 1.0),
        'v_emb': _nrm(kk(11), (2 * NUM_C + 1, EMB), 1.0),
        'Mk': _nrm(kk(12), (SIZE_M, EMB), s), 'Mv0': _nrm(kk(13), (SIZE_M, EMB), s),
        'g1_W': _nrm(kk(14), (EMB, 8), s), 'g1_b': jnp.zeros((8,), jnp.float32),
        'g2_W': _nrm(kk(15), (8, EMB), 0.35), 'g2_b': jnp.zeros((EMB,), jnp.float32),
        'fh_W': _nrm(kk(16), (2 * EMB, EMB), s), 'fh_b': jnp.zeros((EMB,), jnp.float32),
        'fd_W': _nrm(kk(17), (2 * EMB, EMB), s), 'fd_b': jnp.zeros((EMB,), jnp.float32),
        'h_W': _nrm(kk(18), (EMB, NUM_C), s), 'h_b': jnp.zeros((NUM_C,), jnp.float32),
        'd_W': _nrm(kk(19), (EMB, NUM_C), s), 'd_b': jnp.zeros((NUM_C,), jnp.float32),
        'eh_W': _nrm(kk(20), (EMB, EMB), s), 'eh_b': jnp.zeros((EMB,), jnp.float32),
        'ah_W': _nrm(kk(21), (EMB, EMB), s), 'ah_b': jnp.zeros((EMB,), jnp.float32),
        'ed_W': _nrm(kk(22), (EMB, EMB), s), 'ed_b': jnp.zeros((EMB,), jnp.float32),
        'ad_W': _nrm(kk(23), (EMB, EMB), s), 'ad_b': jnp.zeros((EMB,), jnp.float32),
        'w1_W': _nrm(kk(24), (EMB, EMB), s), 'w1_b': jnp.zeros((EMB,), jnp.float32),
        'w2_W': _nrm(kk(25), (EMB, EMB), s), 'w2_b': jnp.zeros((EMB,), jnp.float32),
        'ens_W': _nrm(kk(26), (2 * EMB, NUM_C), s), 'ens_b': jnp.zeros((NUM_C,), jnp.float32),
    }
    G = jax.random.uniform(kk(27), (NUM_STU, NUM_STU), dtype=jnp.float32) * (2.0 / NUM_STU)
    student = jax.random.randint(kk(0), (B, L), 1, NUM_STU + 1, dtype=jnp.int32)
    skill = jax.random.randint(kk(1), (B, L), 0, NUM_C, dtype=jnp.int32)
    answer = jax.random.randint(kk(2), (B, L), 0, 3, dtype=jnp.int32)
    return {'params': params, 'G': G, 'student': student, 'skill': skill, 'answer': answer}


def _gcn_conv(x, src, dst, W, b):
    N = x.shape[0]
    loop = jnp.arange(N, dtype=src.dtype)
    s = jnp.concatenate([src, loop])
    d = jnp.concatenate([dst, loop])
    deg = jnp.zeros((N,), jnp.float32).at[d].add(1.0)
    dis = jnp.where(deg > 0, 1.0 / jnp.sqrt(deg), 0.0)
    norm = dis[s] * dis[d]
    xw = x @ W
    out = jnp.zeros((N, W.shape[1]), jnp.float32).at[d].add(xw[s] * norm[:, None])
    return out + b


def _memory(k, v, Mk, Mv0, We, be, Wa, ba):
    Bn = k.shape[0]
    w = jax.nn.softmax(k @ Mk.T, axis=-1)
    e = jax.nn.sigmoid(v @ We + be)
    a = jnp.tanh(v @ Wa + ba)
    Mvt0 = jnp.broadcast_to(Mv0[None], (Bn,) + Mv0.shape)
    def step(Mvt, inp):
        et, at, wt = inp
        new = Mvt * (1.0 - wt[:, :, None] * et[:, None, :]) + wt[:, :, None] * at[:, None, :]
        return new, Mvt
    _, Mv_pre = jax.lax.scan(step, Mvt0, (jnp.swapaxes(e, 0, 1), jnp.swapaxes(a, 0, 1), jnp.swapaxes(w, 0, 1)))
    Mv_pre = jnp.swapaxes(Mv_pre, 0, 1)
    f = (w[..., None] * Mv_pre).sum(-2)
    return f


def _forward(p, G, student, skill, answer):
    stu_emb = G @ (jax.nn.relu(G @ (p['stu'] @ p['hg_W1'] + p['hg_b1'])) @ p['hg_W2'] + p['hg_b2'])
    stu_oh = jax.nn.one_hot(student - 1, NUM_STU, dtype=jnp.float32)
    stu_h = stu_oh @ stu_emb
    answer_x = jnp.where(answer == 2, 1, answer)
    x_idx = skill + NUM_C * answer_x
    k0 = p['k_emb'][skill]
    v0 = p['v_emb'][x_idx]
    gate = jax.nn.sigmoid(jnp.concatenate([stu_h, k0], -1) @ p['gkh_W'] + p['gkh_b'])
    kh = gate * stu_h + (1 - gate) * k0
    gate = jax.nn.sigmoid(jnp.concatenate([stu_h, v0], -1) @ p['gvh_W'] + p['gvh_b'])
    vh = gate * stu_h + (1 - gate) * v0
    fh = _memory(kh, vh, p['Mk'], p['Mv0'], p['eh_W'], p['eh_b'], p['ah_W'], p['ah_b'])
    h = jnp.tanh(jnp.concatenate([fh, kh], -1) @ p['fh_W'] + p['fh_b'])
    logit_h = h @ p['h_W'] + p['h_b']
    def branch(src, dst):
        h1 = jax.nn.relu(_gcn_conv(p['k_emb'], src, dst, p['g1_W'], p['g1_b']))
        return _gcn_conv(h1, src, dst, p['g2_W'], p['g2_b'])
    all_stu = jax.vmap(branch)(skill[:, :-1], skill[:, 1:])
    gat = jnp.take_along_axis(all_stu, skill[:, :, None], axis=1)
    mask = (answer != 2).astype(jnp.float32)[:, :, None]
    mean_h = jnp.mean(gat * mask, axis=1)
    all_stu_h = jnp.broadcast_to(mean_h[:, None, :], (mean_h.shape[0], skill.shape[1], mean_h.shape[1]))
    gate = jax.nn.sigmoid(jnp.concatenate([all_stu_h, k0], -1) @ p['gkd_W'] + p['gkd_b'])
    kd = gate * all_stu_h + (1 - gate) * k0
    gate = jax.nn.sigmoid(jnp.concatenate([all_stu_h, v0], -1) @ p['gvd_W'] + p['gvd_b'])
    vd = gate * all_stu_h + (1 - gate) * v0
    fd = _memory(kd, vd, p['Mk'], p['Mv0'], p['ed_W'], p['ed_b'], p['ad_W'], p['ad_b'])
    d = jnp.tanh(jnp.concatenate([fd, kd], -1) @ p['fd_W'] + p['fd_b'])
    logit_d = d @ p['d_W'] + p['d_b']
    theta = jax.nn.sigmoid(h @ p['w1_W'] + p['w1_b'] + d @ p['w2_W'] + p['w2_b'])
    h2 = theta * h
    d2 = (1 - theta) * d
    logit_e = jnp.concatenate([h2, d2], -1) @ p['ens_W'] + p['ens_b']
    oh = jnp.concatenate([jnp.eye(NUM_C, dtype=jnp.float32), jnp.zeros((1, NUM_C), jnp.float32)], 0)
    ohs = oh[skill[:, 1:]]
    def pred(res):
        return (res[:, :-1, :] * ohs).sum(-1)
    return (pred(logit_h), pred(logit_d), pred(logit_e))


def reference(params, G, student, skill, answer):
    return _forward(params, G, student, skill, answer)

if __name__ == "__main__":
    import jax
    _d = setup_inputs()
    print(jax.jit(kernel)(*tuple(_d.values())))

</pallas_src>

<mosaic_0001>
#map = affine_map<(d0, d1) -> (0, 0)>
#map1 = affine_map<(d0, d1) -> (0)>
module attributes {stable_mosaic.version = 14 : i64} {
  func.func @gather_k(%arg0: i32, %arg1: i32, %arg2: memref<2048x128xf32, #tpu.memory_space<hbm>>, %arg3: memref<3328xi32, #tpu.memory_space<hbm>>, %arg4: memref<3328x128xf32, #tpu.memory_space<hbm>>, %arg5: memref<104xi32, #tpu.memory_space<vmem>>, %arg6: memref<104x128xf32, #tpu.memory_space<vmem>>, %arg7: memref<!tpu.dma_semaphore, #tpu.memory_space<semaphore_mem>>) attributes {dimension_semantics = [#tpu.dimension_semantics<core_parallel>, #tpu.dimension_semantics<subcore_parallel>], iteration_bounds = array<i64: 2, 16>, scalar_prefetch = 0 : i64, scratch_operands = 3 : i64, tpu.core_type = #tpu.core_type<sc_vector_subcore>, window_params = [{transform_indices = #map}, {transform_indices = #map1}, {transform_indices = #map}]} {
    %mul3A = arith.constant 2 : i32
    %mul3A_0 = arith.muli %arg1, %mul3A : i32
    %add3A = arith.addi %mul3A_0, %arg0 : i32
    %mul3A_1 = arith.constant 104 : i32
    %mul3A_2 = arith.muli %add3A, %mul3A_1 : i32
    "tpu.region"() ({
      %run_scoped3A = tpu.sem_alloc : memref<!tpu.dma_semaphore, #tpu.memory_space<semaphore_mem>>
      %dma_start3A_7 = tpu.memref_slice %arg3[%mul3A_2] : memref<3328xi32, #tpu.memory_space<hbm>> -> memref<104xi32, #tpu.memory_space<hbm>>
      %dma_start3A_8 = tpu.memref_slice %arg3[%mul3A_2] : memref<3328xi32, #tpu.memory_space<hbm>> -> memref<104xi32, #tpu.memory_space<hbm>>
      tpu.enqueue_dma source(%dma_start3A_8 : memref<104xi32, #tpu.memory_space<hbm>>) target(%arg5 : memref<104xi32, #tpu.memory_space<vmem>>) target_semaphore(%run_scoped3A : memref<!tpu.dma_semaphore, #tpu.memory_space<semaphore_mem>>)
      %dma_wait3A_9 = tpu.memref_slice %arg3[%mul3A_2] : memref<3328xi32, #tpu.memory_space<hbm>> -> memref<104xi32, #tpu.memory_space<hbm>>
      %dma_wait3A_10 = tpu.memref_slice %arg3[%mul3A_2] : memref<3328xi32, #tpu.memory_space<hbm>> -> memref<104xi32, #tpu.memory_space<hbm>>
      tpu.wait_dma2 semaphore(%run_scoped3A : memref<!tpu.dma_semaphore, #tpu.memory_space<semaphore_mem>>) src(%dma_wait3A_10 : memref<104xi32, #tpu.memory_space<hbm>>) dst(%arg5 : memref<104xi32, #tpu.memory_space<vmem>>)
      tpu.yield
    }) : () -> ()
    %dma_start3A = arith.constant 0 : i32
    %dma_start3A_3 = arith.constant 0 : i32
    %dma_start3A_4 = tpu.memref_slice %arg2[%dma_start3A, %dma_start3A_3] : memref<2048x128xf32, #tpu.memory_space<hbm>> -> memref<2048x128xf32, #tpu.memory_space<hbm>>
    tpu.enqueue_indirect_dma source(%dma_start3A_4 : memref<2048x128xf32, #tpu.memory_space<hbm>>) target(%arg6 : memref<104x128xf32, #tpu.memory_space<vmem>>) offsets(%arg5 : memref<104xi32, #tpu.memory_space<vmem>>) semaphore(%arg7 : memref<!tpu.dma_semaphore, #tpu.memory_space<semaphore_mem>>)
    %dma_wait3A = arith.constant 0 : i32
    %dma_wait3A_5 = arith.constant 0 : i32
    %dma_wait3A_6 = tpu.memref_slice %arg2[%dma_wait3A, %dma_wait3A_5] : memref<2048x128xf32, #tpu.memory_space<hbm>> -> memref<2048x128xf32, #tpu.memory_space<hbm>>
    tpu.wait_indirect_dma semaphore(%arg7 : memref<!tpu.dma_semaphore, #tpu.memory_space<semaphore_mem>>) src(%dma_wait3A_6 : memref<2048x128xf32, #tpu.memory_space<hbm>>) dst(%arg6 : memref<104x128xf32, #tpu.memory_space<vmem>>)
    "tpu.region"() ({
      %run_scoped3A = tpu.sem_alloc : memref<!tpu.dma_semaphore, #tpu.memory_space<semaphore_mem>>
      %dma_start3A_7 = arith.constant 0 : i32
      %dma_start3A_8 = tpu.memref_slice %arg4[%mul3A_2, %dma_start3A_7] : memref<3328x128xf32, #tpu.memory_space<hbm>> -> memref<104x128xf32, #tpu.memory_space<hbm>>
      %dma_start3A_9 = arith.constant 0 : i32
      %dma_start3A_10 = tpu.memref_slice %arg4[%mul3A_2, %dma_start3A_9] : memref<3328x128xf32, #tpu.memory_space<hbm>> -> memref<104x128xf32, #tpu.memory_space<hbm>>
      tpu.enqueue_dma source(%arg6 : memref<104x128xf32, #tpu.memory_space<vmem>>) target(%dma_start3A_10 : memref<104x128xf32, #tpu.memory_space<hbm>>) target_semaphore(%run_scoped3A : memref<!tpu.dma_semaphore, #tpu.memory_space<semaphore_mem>>)
      %dma_wait3A_11 = arith.constant 0 : i32
      %dma_wait3A_12 = tpu.memref_slice %arg4[%mul3A_2, %dma_wait3A_11] : memref<3328x128xf32, #tpu.memory_space<hbm>> -> memref<104x128xf32, #tpu.memory_space<hbm>>
      %dma_wait3A_13 = arith.constant 0 : i32
      %dma_wait3A_14 = tpu.memref_slice %arg4[%mul3A_2, %dma_wait3A_13] : memref<3328x128xf32, #tpu.memory_space<hbm>> -> memref<104x128xf32, #tpu.memory_space<hbm>>
      tpu.wait_dma2 semaphore(%run_scoped3A : memref<!tpu.dma_semaphore, #tpu.memory_space<semaphore_mem>>) src(%arg6 : memref<104x128xf32, #tpu.memory_space<vmem>>) dst(%dma_wait3A_14 : memref<104x128xf32, #tpu.memory_space<hbm>>)
      tpu.yield
    }) : () -> ()
    return
  }
}

#map = affine_map<(d0, d1) -> (0, 0)>
#map1 = affine_map<(d0, d1) -> (0)>
module attributes {stable_mosaic.version = 14 : i64} {
  func.func @gather_k(%arg0: i32, %arg1: i32, %arg2: memref<4001x128xf32, #tpu.memory_space<hbm>>, %arg3: memref<3328xi32, #tpu.memory_space<hbm>>, %arg4: memref<2000x384xf32, #tpu.memory_space<hbm>>, %arg5: memref<3328xi32, #tpu.memory_space<hbm>>, %arg6: memref<3328x128xf32, #tpu.memory_space<hbm>>, %arg7: memref<3328x384xf32, #tpu.memory_space<hbm>>, %arg8: memref<104xi32, #tpu.memory_space<vmem>>, %arg9: memref<104x128xf32, #tpu.memory_space<vmem>>, %arg10: memref<104xi32, #tpu.memory_space<vmem>>, %arg11: memref<104x384xf32, #tpu.memory_space<vmem>>, %arg12: memref<!tpu.dma_semaphore, #tpu.memory_space<semaphore_mem>>) attributes {dimension_semantics = [#tpu.dimension_semantics<core_parallel>, #tpu.dimension_semantics<subcore_parallel>], iteration_bounds = array<i64: 2, 16>, scalar_prefetch = 0 : i64, scratch_operands = 5 : i64, tpu.core_type = #tpu.core_type<sc_vector_subcore>, window_params = [{transform_indices = #map}, {transform_indices = #map1}, {transform_indices = #map}, {transform_indices = #map1}, {transform_indices = #map}, {transform_indices = #map}]} {
    %mul3A = arith.constant 2 : i32
    %mul3A_0 = arith.muli %arg1, %mul3A : i32
    %add3A = arith.addi %mul3A_0, %arg0 : i32
    %mul3A_1 = arith.constant 104 : i32
    %mul3A_2 = arith.muli %add3A, %mul3A_1 : i32
    "tpu.region"() ({
      %run_scoped3A = tpu.sem_alloc : memref<!tpu.dma_semaphore, #tpu.memory_space<semaphore_mem>>
      %dma_start3A_13 = tpu.memref_slice %arg3[%mul3A_2] : memref<3328xi32, #tpu.memory_space<hbm>> -> memref<104xi32, #tpu.memory_space<hbm>>
      %dma_start3A_14 = tpu.memref_slice %arg3[%mul3A_2] : memref<3328xi32, #tpu.memory_space<hbm>> -> memref<104xi32, #tpu.memory_space<hbm>>
      tpu.enqueue_dma source(%dma_start3A_14 : memref<104xi32, #tpu.memory_space<hbm>>) target(%arg8 : memref<104xi32, #tpu.memory_space<vmem>>) target_semaphore(%run_scoped3A : memref<!tpu.dma_semaphore, #tpu.memory_space<semaphore_mem>>)
      %dma_wait3A_15 = tpu.memref_slice %arg3[%mul3A_2] : memref<3328xi32, #tpu.memory_space<hbm>> -> memref<104xi32, #tpu.memory_space<hbm>>
      %dma_wait3A_16 = tpu.memref_slice %arg3[%mul3A_2] : memref<3328xi32, #tpu.memory_space<hbm>> -> memref<104xi32, #tpu.memory_space<hbm>>
      tpu.wait_dma2 semaphore(%run_scoped3A : memref<!tpu.dma_semaphore, #tpu.memory_space<semaphore_mem>>) src(%dma_wait3A_16 : memref<104xi32, #tpu.memory_space<hbm>>) dst(%arg8 : memref<104xi32, #tpu.memory_space<vmem>>)
      tpu.yield
    }) : () -> ()
    %dma_start3A = arith.constant 0 : i32
    %dma_start3A_3 = arith.constant 0 : i32
    %dma_start3A_4 = tpu.memref_slice %arg2[%dma_start3A, %dma_start3A_3] : memref<4001x128xf32, #tpu.memory_space<hbm>> -> memref<4001x128xf32, #tpu.memory_space<hbm>>
    tpu.enqueue_indirect_dma source(%dma_start3A_4 : memref<4001x128xf32, #tpu.memory_space<hbm>>) target(%arg9 : memref<104x128xf32, #tpu.memory_space<vmem>>) offsets(%arg8 : memref<104xi32, #tpu.memory_space<vmem>>) semaphore(%arg12 : memref<!tpu.dma_semaphore, #tpu.memory_space<semaphore_mem>>)
    %dma_wait3A = arith.constant 0 : i32
    %dma_wait3A_5 = arith.constant 0 : i32
    %dma_wait3A_6 = tpu.memref_slice %arg2[%dma_wait3A, %dma_wait3A_5] : memref<4001x128xf32, #tpu.memory_space<hbm>> -> memref<4001x128xf32, #tpu.memory_space<hbm>>
    tpu.wait_indirect_dma semaphore(%arg12 : memref<!tpu.dma_semaphore, #tpu.memory_space<semaphore_mem>>) src(%dma_wait3A_6 : memref<4001x128xf32, #tpu.memory_space<hbm>>) dst(%arg9 : memref<104x128xf32, #tpu.memory_space<vmem>>)
    "tpu.region"() ({
      %run_scoped3A = tpu.sem_alloc : memref<!tpu.dma_semaphore, #tpu.memory_space<semaphore_mem>>
      %dma_start3A_13 = arith.constant 0 : i32
      %dma_start3A_14 = tpu.memref_slice %arg6[%mul3A_2, %dma_start3A_13] : memref<3328x128xf32, #tpu.memory_space<hbm>> -> memref<104x128xf32, #tpu.memory_space<hbm>>
      %dma_start3A_15 = arith.constant 0 : i32
      %dma_start3A_16 = tpu.memref_slice %arg6[%mul3A_2, %dma_start3A_15] : memref<3328x128xf32, #tpu.memory_space<hbm>> -> memref<104x128xf32, #tpu.memory_space<hbm>>
      tpu.enqueue_dma source(%arg9 : memref<104x128xf32, #tpu.memory_space<vmem>>) target(%dma_start3A_16 : memref<104x128xf32, #tpu.memory_space<hbm>>) target_semaphore(%run_scoped3A : memref<!tpu.dma_semaphore, #tpu.memory_space<semaphore_mem>>)
      %dma_wait3A_17 = arith.constant 0 : i32
      %dma_wait3A_18 = tpu.memref_slice %arg6[%mul3A_2, %dma_wait3A_17] : memref<3328x128xf32, #tpu.memory_space<hbm>> -> memref<104x128xf32, #tpu.memory_space<hbm>>
      %dma_wait3A_19 = arith.constant 0 : i32
      %dma_wait3A_20 = tpu.memref_slice %arg6[%mul3A_2, %dma_wait3A_19] : memref<3328x128xf32, #tpu.memory_space<hbm>> -> memref<104x128xf32, #tpu.memory_space<hbm>>
      tpu.wait_dma2 semaphore(%run_scoped3A : memref<!tpu.dma_semaphore, #tpu.memory_space<semaphore_mem>>) src(%arg9 : memref<104x128xf32, #tpu.memory_space<vmem>>) dst(%dma_wait3A_20 : memref<104x128xf32, #tpu.memory_space<hbm>>)
      tpu.yield
    }) : () -> ()
    "tpu.region"() ({
      %run_scoped3A = tpu.sem_alloc : memref<!tpu.dma_semaphore, #tpu.memory_space<semaphore_mem>>
      %dma_start3A_13 = tpu.memref_slice %arg5[%mul3A_2] : memref<3328xi32, #tpu.memory_space<hbm>> -> memref<104xi32, #tpu.memory_space<hbm>>
      %dma_start3A_14 = tpu.memref_slice %arg5[%mul3A_2] : memref<3328xi32, #tpu.memory_space<hbm>> -> memref<104xi32, #tpu.memory_space<hbm>>
      tpu.enqueue_dma source(%dma_start3A_14 : memref<104xi32, #tpu.memory_space<hbm>>) target(%arg10 : memref<104xi32, #tpu.memory_space<vmem>>) target_semaphore(%run_scoped3A : memref<!tpu.dma_semaphore, #tpu.memory_space<semaphore_mem>>)
      %dma_wait3A_15 = tpu.memref_slice %arg5[%mul3A_2] : memref<3328xi32, #tpu.memory_space<hbm>> -> memref<104xi32, #tpu.memory_space<hbm>>
      %dma_wait3A_16 = tpu.memref_slice %arg5[%mul3A_2] : memref<3328xi32, #tpu.memory_space<hbm>> -> memref<104xi32, #tpu.memory_space<hbm>>
      tpu.wait_dma2 semaphore(%run_scoped3A : memref<!tpu.dma_semaphore, #tpu.memory_space<semaphore_mem>>) src(%dma_wait3A_16 : memref<104xi32, #tpu.memory_space<hbm>>) dst(%arg10 : memref<104xi32, #tpu.memory_space<vmem>>)
      tpu.yield
    }) : () -> ()
    %dma_start3A_7 = arith.constant 0 : i32
    %dma_start3A_8 = arith.constant 0 : i32
    %dma_start3A_9 = tpu.memref_slice %arg4[%dma_start3A_7, %dma_start3A_8] : memref<2000x384xf32, #tpu.memory_space<hbm>> -> memref<2000x384xf32, #tpu.memory_space<hbm>>
    tpu.enqueue_indirect_dma source(%dma_start3A_9 : memref<2000x384xf32, #tpu.memory_space<hbm>>) target(%arg11 : memref<104x384xf32, #tpu.memory_space<vmem>>) offsets(%arg10 : memref<104xi32, #tpu.memory_space<vmem>>) semaphore(%arg12 : memref<!tpu.dma_semaphore, #tpu.memory_space<semaphore_mem>>)
    %dma_wait3A_10 = arith.constant 0 : i32
    %dma_wait3A_11 = arith.constant 0 : i32
    %dma_wait3A_12 = tpu.memref_slice %arg4[%dma_wait3A_10, %dma_wait3A_11] : memref<2000x384xf32, #tpu.memory_space<hbm>> -> memref<2000x384xf32, #tpu.memory_space<hbm>>
    tpu.wait_indirect_dma semaphore(%arg12 : memref<!tpu.dma_semaphore, #tpu.memory_space<semaphore_mem>>) src(%dma_wait3A_12 : memref<2000x384xf32, #tpu.memory_space<hbm>>) dst(%arg11 : memref<104x384xf32, #tpu.memory_space<vmem>>)
    "tpu.region"() ({
      %run_scoped3A = tpu.sem_alloc : memref<!tpu.dma_semaphore, #tpu.memory_space<semaphore_mem>>
      %dma_start3A_13 = arith.constant 0 : i32
      %dma_start3A_14 = tpu.memref_slice %arg7[%mul3A_2, %dma_start3A_13] : memref<3328x384xf32, #tpu.memory_space<hbm>> -> memref<104x384xf32, #tpu.memory_space<hbm>>
      %dma_start3A_15 = arith.constant 0 : i32
      %dma_start3A_16 = tpu.memref_slice %arg7[%mul3A_2, %dma_start3A_15] : memref<3328x384xf32, #tpu.memory_space<hbm>> -> memref<104x384xf32, #tpu.memory_space<hbm>>
      tpu.enqueue_dma source(%arg11 : memref<104x384xf32, #tpu.memory_space<vmem>>) target(%dma_start3A_16 : memref<104x384xf32, #tpu.memory_space<hbm>>) target_semaphore(%run_scoped3A : memref<!tpu.dma_semaphore, #tpu.memory_space<semaphore_mem>>)
      %dma_wait3A_17 = arith.constant 0 : i32
      %dma_wait3A_18 = tpu.memref_slice %arg7[%mul3A_2, %dma_wait3A_17] : memref<3328x384xf32, #tpu.memory_space<hbm>> -> memref<104x384xf32, #tpu.memory_space<hbm>>
      %dma_wait3A_19 = arith.constant 0 : i32
      %dma_wait3A_20 = tpu.memref_slice %arg7[%mul3A_2, %dma_wait3A_19] : memref<3328x384xf32, #tpu.memory_space<hbm>> -> memref<104x384xf32, #tpu.memory_space<hbm>>
      tpu.wait_dma2 semaphore(%run_scoped3A : memref<!tpu.dma_semaphore, #tpu.memory_space<semaphore_mem>>) src(%arg11 : memref<104x384xf32, #tpu.memory_space<vmem>>) dst(%dma_wait3A_20 : memref<104x384xf32, #tpu.memory_space<hbm>>)
      tpu.yield
    }) : () -> ()
    return
  }
}

module attributes {stable_mosaic.version = 14 : i64} {
  func.func @_x1_body(%arg0: memref<2048x128xf32, #tpu.memory_space<vmem>>, %arg1: memref<128x128xf32, #tpu.memory_space<vmem>>, %arg2: memref<1x128xf32, #tpu.memory_space<vmem>>, %arg3: memref<2048x128xf32, #tpu.memory_space<vmem>>) attributes {dimension_semantics = [], scalar_prefetch = 0 : i64, scratch_operands = 0 : i64, tpu.core_type = #tpu.core_type<tc>} {
    %get3A = arith.constant 0 : index
    %get3A_0 = arith.constant 0 : index
    %get3A_1 = vector.load %arg0[%get3A, %get3A_0] : memref<2048x128xf32, #tpu.memory_space<vmem>>, vector<2048x128xf32>
    %get3A_2 = arith.constant 0 : index
    %get3A_3 = arith.constant 0 : index
    %get3A_4 = vector.load %arg1[%get3A_2, %get3A_3] : memref<128x128xf32, #tpu.memory_space<vmem>>, vector<128x128xf32>
    %dot_general3A = arith.constant dense<0.000000e+00> : vector<2048x128xf32>
    %dot_general3A_5 = tpu.matmul %get3A_1, %get3A_4, %dot_general3A {dimension_numbers = #tpu.dot_dimension_numbers<[1], [0], [0], [1], [0, 0, 1, 1], [], []>, transpose_lhs_hint = false} : vector<2048x128xf32>, vector<128x128xf32>, vector<2048x128xf32> -> vector<2048x128xf32>
    %get3A_6 = arith.constant 0 : index
    %get3A_7 = arith.constant 0 : index
    %get3A_8 = vector.load %arg2[%get3A_6, %get3A_7] : memref<1x128xf32, #tpu.memory_space<vmem>>, vector<1x128xf32>
    %add3A = vector.broadcast %get3A_8 : vector<1x128xf32> to vector<2048x128xf32>
    %add3A_9 = arith.addf %dot_general3A_5, %add3A : vector<2048x128xf32>
    %swap3A = arith.constant 0 : index
    %swap3A_10 = arith.constant 0 : index
    %swap3A_11 = vector.load %arg3[%swap3A, %swap3A_10] : memref<2048x128xf32, #tpu.memory_space<vmem>>, vector<2048x128xf32>
    tpu.vector_store %arg3[%swap3A, %swap3A_10], %add3A_9 {strides = array<i32>} : memref<2048x128xf32, #tpu.memory_space<vmem>>, vector<2048x128xf32>,
    return
  }
}

module attributes {stable_mosaic.version = 14 : i64} {
  func.func @_gmm_epi_body(%arg0: i32, %arg1: memref<256x2048xf32, #tpu.memory_space<vmem>>, %arg2: memref<2048x128xf32, #tpu.memory_space<vmem>>, %arg3: memref<128x128xf32, #tpu.memory_space<vmem>>, %arg4: memref<1x128xf32, #tpu.memory_space<vmem>>, %arg5: memref<256x128xf32, #tpu.memory_space<vmem>>) attributes {dimension_semantics = [#tpu.dimension_semantics<arbitrary>], iteration_bounds = array<i64: 8>, scalar_prefetch = 0 : i64, scratch_operands = 0 : i64, tpu.core_type = #tpu.core_type<tc>, window_params = [{transform_indices = @transform_0, window_bounds = array<i64: 256, 2048>}, {pipeline_mode = #tpu.pipeline_mode<synchronous>, transform_indices = @transform_1, window_bounds = array<i64: 2048, 128>}, {pipeline_mode = #tpu.pipeline_mode<synchronous>, transform_indices = @transform_2, window_bounds = array<i64: 128, 128>}, {pipeline_mode = #tpu.pipeline_mode<synchronous>, transform_indices = @transform_3, window_bounds = array<i64: 1, 128>}, {transform_indices = @transform_4, window_bounds = array<i64: 256, 128>}]} {
    %get3A = arith.constant 0 : index
    %get3A_0 = arith.constant 0 : index
    %get3A_1 = vector.load %arg1[%get3A, %get3A_0] : memref<256x2048xf32, #tpu.memory_space<vmem>>, vector<256x2048xf32>
    %get3A_2 = arith.constant 0 : index
    %get3A_3 = arith.constant 0 : index
    %get3A_4 = vector.load %arg2[%get3A_2, %get3A_3] : memref<2048x128xf32, #tpu.memory_space<vmem>>, vector<2048x128xf32>
    %dot_general3A = arith.constant dense<0.000000e+00> : vector<256x128xf32>
    %dot_general3A_5 = tpu.matmul %get3A_1, %get3A_4, %dot_general3A {dimension_numbers = #tpu.dot_dimension_numbers<[1], [0], [0], [1], [0, 0, 1, 1], [], []>, transpose_lhs_hint = false} : vector<256x2048xf32>, vector<2048x128xf32>, vector<256x128xf32> -> vector<256x128xf32>
    %max3A = arith.constant 0.000000e+00 : f32
    %max3A_6 = vector.broadcast %max3A : f32 to vector<256x128xf32>
    %max3A_7 = arith.maximumf %dot_general3A_5, %max3A_6 : vector<256x128xf32>
    %get3A_8 = arith.constant 0 : index
    %get3A_9 = arith.constant 0 : index
    %get3A_10 = vector.load %arg3[%get3A_8, %get3A_9] : memref<128x128xf32, #tpu.memory_space<vmem>>, vector<128x128xf32>
    %dot_general3A_11 = arith.constant dense<0.000000e+00> : vector<256x128xf32>
    %dot_general3A_12 = tpu.matmul %max3A_7, %get3A_10, %dot_general3A_11 {dimension_numbers = #tpu.dot_dimension_numbers<[1], [0], [0], [1], [0, 0, 1, 1], [], []>, transpose_lhs_hint = false} : vector<256x128xf32>, vector<128x128xf32>, vector<256x128xf32> -> vector<256x128xf32>
    %get3A_13 = arith.constant 0 : index
    %get3A_14 = arith.constant 0 : index
    %get3A_15 = vector.load %arg4[%get3A_13, %get3A_14] : memref<1x128xf32, #tpu.memory_space<vmem>>, vector<1x128xf32>
    %add3A = vector.broadcast %get3A_15 : vector<1x128xf32> to vector<256x128xf32>
    %add3A_16 = arith.addf %dot_general3A_12, %add3A : vector<256x128xf32>
    %swap3A = arith.constant 0 : index
    %swap3A_17 = arith.constant 0 : index
    %swap3A_18 = vector.load %arg5[%swap3A, %swap3A_17] : memref<256x128xf32, #tpu.memory_space<vmem>>, vector<256x128xf32>
    tpu.vector_store %arg5[%swap3A, %swap3A_17], %add3A_16 {strides = array<i32>} : memref<256x128xf32, #tpu.memory_space<vmem>>, vector<256x128xf32>,
    return
  }
  func.func @transform_0(%arg0: i32) -> (i32, i32) {
    %c0_i32 = arith.constant 0 : i32
    %c0_i32_0 = arith.constant 0 : i32
    return %arg0, %c0_i32 : i32, i32
  }
  func.func @transform_1(%arg0: i32) -> (i32, i32) {
    %c0_i32 = arith.constant 0 : i32
    %c0_i32_0 = arith.constant 0 : i32
    %c0_i32_1 = arith.constant 0 : i32
    return %c0_i32, %c0_i32_0 : i32, i32
  }
  func.func @transform_2(%arg0: i32) -> (i32, i32) {
    %c0_i32 = arith.constant 0 : i32
    %c0_i32_0 = arith.constant 0 : i32
    %c0_i32_1 = arith.constant 0 : i32
    return %c0_i32, %c0_i32_0 : i32, i32
  }
  func.func @transform_3(%arg0: i32) -> (i32, i32) {
    %c0_i32 = arith.constant 0 : i32
    %c0_i32_0 = arith.constant 0 : i32
    %c0_i32_1 = arith.constant 0 : i32
    return %c0_i32, %c0_i32_0 : i32, i32
  }
  func.func @transform_4(%arg0: i32) -> (i32, i32) {
    %c0_i32 = arith.constant 0 : i32
    %c0_i32_0 = arith.constant 0 : i32
    return %arg0, %c0_i32 : i32, i32
  }
}

module attributes {stable_mosaic.version = 14 : i64} {
  func.func @_gmm_body(%arg0: i32, %arg1: memref<256x2048xf32, #tpu.memory_space<vmem>>, %arg2: memref<2048x128xf32, #tpu.memory_space<vmem>>, %arg3: memref<256x128xf32, #tpu.memory_space<vmem>>) attributes {dimension_semantics = [#tpu.dimension_semantics<arbitrary>], iteration_bounds = array<i64: 8>, scalar_prefetch = 0 : i64, scratch_operands = 0 : i64, tpu.core_type = #tpu.core_type<tc>, window_params = [{transform_indices = @transform_0, window_bounds = array<i64: 256, 2048>}, {pipeline_mode = #tpu.pipeline_mode<synchronous>, transform_indices = @transform_1, window_bounds = array<i64: 2048, 128>}, {transform_indices = @transform_2, window_bounds = array<i64: 256, 128>}]} {
    %get3A = arith.constant 0 : index
    %get3A_0 = arith.constant 0 : index
    %get3A_1 = vector.load %arg1[%get3A, %get3A_0] : memref<256x2048xf32, #tpu.memory_space<vmem>>, vector<256x2048xf32>
    %get3A_2 = arith.constant 0 : index
    %get3A_3 = arith.constant 0 : index
    %get3A_4 = vector.load %arg2[%get3A_2, %get3A_3] : memref<2048x128xf32, #tpu.memory_space<vmem>>, vector<2048x128xf32>
    %dot_general3A = arith.constant dense<0.000000e+00> : vector<256x128xf32>
    %dot_general3A_5 = tpu.matmul %get3A_1, %get3A_4, %dot_general3A {dimension_numbers = #tpu.dot_dimension_numbers<[1], [0], [0], [1], [0, 0, 1, 1], [], []>, transpose_lhs_hint = false} : vector<256x2048xf32>, vector<2048x128xf32>, vector<256x128xf32> -> vector<256x128xf32>
    %swap3A = arith.constant 0 : index
    %swap3A_6 = arith.constant 0 : index
    %swap3A_7 = vector.load %arg3[%swap3A, %swap3A_6] : memref<256x128xf32, #tpu.memory_space<vmem>>, vector<256x128xf32>
    tpu.vector_store %arg3[%swap3A, %swap3A_6], %dot_general3A_5 {strides = array<i32>} : memref<256x128xf32, #tpu.memory_space<vmem>>, vector<256x128xf32>,
    return
  }
  func.func @transform_0(%arg0: i32) -> (i32, i32) {
    %c0_i32 = arith.constant 0 : i32
    %c0_i32_0 = arith.constant 0 : i32
    return %arg0, %c0_i32 : i32, i32
  }
  func.func @transform_1(%arg0: i32) -> (i32, i32) {
    %c0_i32 = arith.constant 0 : i32
    %c0_i32_0 = arith.constant 0 : i32
    %c0_i32_1 = arith.constant 0 : i32
    return %c0_i32, %c0_i32_0 : i32, i32
  }
  func.func @transform_2(%arg0: i32) -> (i32, i32) {
    %c0_i32 = arith.constant 0 : i32
    %c0_i32_0 = arith.constant 0 : i32
    return %arg0, %c0_i32 : i32, i32
  }
}

module attributes {stable_mosaic.version = 14 : i64} {
  func.func @_prep_body(%arg0: i32, %arg1: memref<1x200x128xf32, #tpu.memory_space<vmem>>, %arg2: memref<1x200x128xf32, #tpu.memory_space<vmem>>, %arg3: memref<1x200x1xf32, #tpu.memory_space<vmem>>, %arg4: memref<1x1x200xf32, #tpu.memory_space<vmem>>, %arg5: memref<1x200x1xf32, #tpu.memory_space<vmem>>, %arg6: memref<1x1x200xf32, #tpu.memory_space<vmem>>, %arg7: memref<1x200x1xf32, #tpu.memory_space<vmem>>, %arg8: memref<128x8xf32, #tpu.memory_space<vmem>>, %arg9: memref<1x8xf32, #tpu.memory_space<vmem>>, %arg10: memref<8x128xf32, #tpu.memory_space<vmem>>, %arg11: memref<1x128xf32, #tpu.memory_space<vmem>>, %arg12: memref<256x1xf32, #tpu.memory_space<vmem>>, %arg13: memref<256x1xf32, #tpu.memory_space<vmem>>, %arg14: memref<256x1xf32, #tpu.memory_space<vmem>>, %arg15: memref<256x1xf32, #tpu.memory_space<vmem>>, %arg16: memref<128x32xf32, #tpu.memory_space<vmem>>, %arg17: memref<128x128xf32, #tpu.memory_space<vmem>>, %arg18: memref<1x128xf32, #tpu.memory_space<vmem>>, %arg19: memref<128x128xf32, #tpu.memory_space<vmem>>, %arg20: memref<1x128xf32, #tpu.memory_space<vmem>>, %arg21: memref<128x128xf32, #tpu.memory_space<vmem>>, %arg22: memref<1x128xf32, #tpu.memory_space<vmem>>, %arg23: memref<128x128xf32, #tpu.memory_space<vmem>>, %arg24: memref<1x128xf32, #tpu.memory_space<vmem>>, %arg25: memref<1x200x128xf32, #tpu.memory_space<vmem>>, %arg26: memref<1x200x128xf32, #tpu.memory_space<vmem>>, %arg27: memref<1x200x32xf32, #tpu.memory_space<vmem>>, %arg28: memref<1x200x32xf32, #tpu.memory_space<vmem>>, %arg29: memref<1x200x128xf32, #tpu.memory_space<vmem>>, %arg30: memref<1x200x128xf32, #tpu.memory_space<vmem>>, %arg31: memref<1x200x128xf32, #tpu.memory_space<vmem>>, %arg32: memref<1x200x128xf32, #tpu.memory_space<vmem>>) attributes {dimension_semantics = [#tpu.dimension_semantics<arbitrary>], iteration_bounds = array<i64: 16>, scalar_prefetch = 0 : i64, scratch_operands = 0 : i64, tpu.core_type = #tpu.core_type<tc>, window_params = [{transform_indices = @transform_0, window_bounds = array<i64: 1, 200, 128>}, {transform_indices = @transform_1, window_bounds = array<i64: 1, 200, 128>}, {transform_indices = @transform_2, window_bounds = array<i64: 1, 200, 1>}, {transform_indices = @transform_3, window_bounds = array<i64: 1, 1, 200>}, {transform_indices = @transform_4, window_bounds = array<i64: 1, 200, 1>}, {transform_indices = @transform_5, window_bounds = array<i64: 1, 1, 200>}, {transform_indices = @transform_6, window_bounds = array<i64: 1, 200, 1>}, {pipeline_mode = #tpu.pipeline_mode<synchronous>, transform_indices = @transform_7, window_bounds = array<i64: 128, 8>}, {pipeline_mode = #tpu.pipeline_mode<synchronous>, transform_indices = @transform_8, window_bounds = array<i64: 1, 8>}, {pipeline_mode = #tpu.pipeline_mode<synchronous>, transform_indices = @transform_9, window_bounds = array<i64: 8, 128>}, {pipeline_mode = #tpu.pipeline_mode<synchronous>, transform_indices = @transform_10, window_bounds = array<i64: 1, 128>}, {pipeline_mode = #tpu.pipeline_mode<synchronous>, transform_indices = @transform_11, window_bounds = array<i64: 256, 1>}, {pipeline_mode = #tpu.pipeline_mode<synchronous>, transform_indices = @transform_12, window_bounds = array<i64: 256, 1>}, {pipeline_mode = #tpu.pipeline_mode<synchronous>, transform_indices = @transform_13, window_bounds = array<i64: 256, 1>}, {pipeline_mode = #tpu.pipeline_mode<synchronous>, transform_indices = @transform_14, window_bounds = array<i64: 256, 1>}, {pipeline_mode = #tpu.pipeline_mode<synchronous>, transform_indices = @transform_15, window_bounds = array<i64: 128, 32>}, {pipeline_mode = #tpu.pipeline_mode<synchronous>, transform_indices = @transform_16, window_bounds = array<i64: 128, 128>}, {pipeline_mode = #tpu.pipeline_mode<synchronous>, transform_indices = @transform_17, window_bounds = array<i64: 1, 128>}, {pipeline_mode = #tpu.pipeline_mode<synchronous>, transform_indices = @transform_18, window_bounds = array<i64: 128, 128>}, {pipeline_mode = #tpu.pipeline_mode<synchronous>, transform_indices = @transform_19, window_bounds = array<i64: 1, 128>}, {pipeline_mode = #tpu.pipeline_mode<synchronous>, transform_indices = @transform_20, window_bounds = array<i64: 128, 128>}, {pipeline_mode = #tpu.pipeline_mode<synchronous>, transform_indices = @transform_21, window_bounds = array<i64: 1, 128>}, {pipeline_mode = #tpu.pipeline_mode<synchronous>, transform_indices = @transform_22, window_bounds = array<i64: 128, 128>}, {pipeline_mode = #tpu.pipeline_mode<synchronous>, transform_indices = @transform_23, window_bounds = array<i64: 1, 128>}, {transform_indices = @transform_24, window_bounds = array<i64: 1, 200, 128>}, {transform_indices = @transform_25, window_bounds = array<i64: 1, 200, 128>}, {transform_indices = @transform_26, window_bounds = array<i64: 1, 200, 32>}, {transform_indices = @transform_27, window_bounds = array<i64: 1, 200, 32>}, {transform_indices = @transform_28, window_bounds = array<i64: 1, 200, 128>}, {transform_indices = @transform_29, window_bounds = array<i64: 1, 200, 128>}, {transform_indices = @transform_30, window_bounds = array<i64: 1, 200, 128>}, {transform_indices = @transform_31, window_bounds = array<i64: 1, 200, 128>}]} {
    %get3A = arith.constant 0 : index
    %get3A_0 = arith.constant 0 : index
    %get3A_1 = arith.constant 0 : index
    %get3A_2 = vector.load %arg1[%get3A, %get3A_0, %get3A_1] : memref<1x200x128xf32, #tpu.memory_space<vmem>>, vector<1x200x128xf32>
    %get3A_3 = vector.shape_cast %get3A_2 : vector<1x200x128xf32> to vector<200x128xf32>
    %get3A_4 = arith.constant 0 : index
    %get3A_5 = arith.constant 0 : index
    %get3A_6 = arith.constant 0 : index
    %get3A_7 = vector.load %arg2[%get3A_4, %get3A_5, %get3A_6] : memref<1x200x128xf32, #tpu.memory_space<vmem>>, vector<1x200x128xf32>
    %get3A_8 = vector.shape_cast %get3A_7 : vector<1x200x128xf32> to vector<200x128xf32>
    %bitcast_convert_type3A = tpu.bitcast %get3A_8 : vector<200x128xf32> -> vector<200x128xi32>
    %and3A = arith.constant -65536 : i32
    %and3A_9 = vector.broadcast %and3A : i32 to vector<200x128xi32>
    %and3A_10 = arith.andi %bitcast_convert_type3A, %and3A_9 : vector<200x128xi32>
    %bitcast_convert_type3A_11 = tpu.bitcast %and3A_10 : vector<200x128xi32> -> vector<200x128xf32>
    %bitcast_convert_type3A_12 = tpu.bitcast %get3A_8 : vector<200x128xf32> -> vector<200x128xi32>
    %shift_left3A = arith.constant 16 : i32
    %shift_left3A_13 = vector.broadcast %shift_left3A : i32 to vector<200x128xi32>
    %shift_left3A_14 = arith.shli %bitcast_convert_type3A_12, %shift_left3A_13 : vector<200x128xi32>
    %bitcast_convert_type3A_15 = tpu.bitcast %shift_left3A_14 : vector<200x128xi32> -> vector<200x128xf32>
    %get3A_16 = arith.constant 0 : index
    %get3A_17 = arith.constant 0 : index
    %get3A_18 = arith.constant 0 : index
    %get3A_19 = vector.load %arg3[%get3A_16, %get3A_17, %get3A_18] : memref<1x200x1xf32, #tpu.memory_space<vmem>>, vector<1x200x1xf32>
    %get3A_20 = vector.shape_cast %get3A_19 : vector<1x200x1xf32> to vector<200x1xf32>
    %get3A_21 = arith.constant 0 : index
    %get3A_22 = arith.constant 0 : index
    %get3A_23 = arith.constant 0 : index
    %get3A_24 = vector.load %arg4[%get3A_21, %get3A_22, %get3A_23] : memref<1x1x200xf32, #tpu.memory_space<vmem>>, vector<1x1x200xf32>
    %get3A_25 = vector.shape_cast %get3A_24 : vector<1x1x200xf32> to vector<1x200xf32>
    %get3A_26 = arith.constant 0 : index
    %get3A_27 = arith.constant 0 : index
    %get3A_28 = arith.constant 0 : index
    %get3A_29 = vector.load %arg5[%get3A_26, %get3A_27, %get3A_28] : memref<1x200x1xf32, #tpu.memory_space<vmem>>, vector<1x200x1xf32>
    %get3A_30 = vector.shape_cast %get3A_29 : vector<1x200x1xf32> to vector<200x1xf32>
    %get3A_31 = arith.constant 0 : index
    %get3A_32 = arith.constant 0 : index
    %get3A_33 = arith.constant 0 : index
    %get3A_34 = vector.load %arg6[%get3A_31, %get3A_32, %get3A_33] : memref<1x1x200xf32, #tpu.memory_space<vmem>>, vector<1x1x200xf32>
    %get3A_35 = vector.shape_cast %get3A_34 : vector<1x1x200xf32> to vector<1x200xf32>
    %get3A_36 = arith.constant 0 : index
    %get3A_37 = arith.constant 0 : index
    %get3A_38 = arith.constant 0 : index
    %get3A_39 = vector.load %arg7[%get3A_36, %get3A_37, %get3A_38] : memref<1x200x1xf32, #tpu.memory_space<vmem>>, vector<1x200x1xf32>
    %get3A_40 = vector.shape_cast %get3A_39 : vector<1x200x1xf32> to vector<200x1xf32>
    %eq3A = vector.broadcast %get3A_35 : vector<1x200xf32> to vector<200x200xf32>
    %eq3A_41 = vector.broadcast %get3A_20 : vector<200x1xf32> to vector<200x200xf32>
    %eq3A_42 = arith.cmpf oeq, %eq3A, %eq3A_41 : vector<200x200xf32>
    %convert_element_type3A = arith.extui %eq3A_42 : vector<200x200xi1> to vector<200x200xi32>
    %convert_element_type3A_43 = arith.sitofp %convert_element_type3A : vector<200x200xi32> to vector<200x200xf32>
    %eq3A_44 = vector.broadcast %get3A_30 : vector<200x1xf32> to vector<200x200xf32>
    %eq3A_45 = vector.broadcast %get3A_25 : vector<1x200xf32> to vector<200x200xf32>
    %eq3A_46 = arith.cmpf oeq, %eq3A_44, %eq3A_45 : vector<200x200xf32>
    %convert_element_type3A_47 = arith.extui %eq3A_46 : vector<200x200xi1> to vector<200x200xi32>
    %convert_element_type3A_48 = arith.sitofp %convert_element_type3A_47 : vector<200x200xi32> to vector<200x200xf32>
    %reduce_sum3A = arith.constant dense<0.000000e+00> : vector<200xf32>
    %reduce_sum3A_49 = vector.multi_reduction <add>, %convert_element_type3A_43, %reduce_sum3A [1] : vector<200x200xf32> to vector<200xf32>
    %broadcast_in_dim3A = vector.shape_cast %reduce_sum3A_49 : vector<200xf32> to vector<200x1xf32>
    %add3A = arith.constant 1.000000e+00 : f32
    %add3A_50 = vector.broadcast %add3A : f32 to vector<200x1xf32>
    %add3A_51 = arith.addf %add3A_50, %broadcast_in_dim3A : vector<200x1xf32>
    %reduce_sum3A_52 = arith.constant dense<0.000000e+00> : vector<200xf32>
    %reduce_sum3A_53 = vector.multi_reduction <add>, %convert_element_type3A_48, %reduce_sum3A_52 [0] : vector<200x200xf32> to vector<200xf32>
    %broadcast_in_dim3A_54 = vector.shape_cast %reduce_sum3A_53 : vector<200xf32> to vector<1x200xf32>
    %add3A_55 = arith.constant 1.000000e+00 : f32
    %add3A_56 = vector.broadcast %add3A_55 : f32 to vector<1x200xf32>
    %add3A_57 = arith.addf %add3A_56, %broadcast_in_dim3A_54 : vector<1x200xf32>
    %rsqrt3A = math.rsqrt %add3A_51 : vector<200x1xf32>
    %mul3A = vector.broadcast %rsqrt3A : vector<200x1xf32> to vector<200x200xf32>
    %mul3A_58 = arith.mulf %convert_element_type3A_43, %mul3A : vector<200x200xf32>
    %rsqrt3A_59 = math.rsqrt %add3A_57 : vector<1x200xf32>
    %mul3A_60 = vector.broadcast %rsqrt3A_59 : vector<1x200xf32> to vector<200x200xf32>
    %mul3A_61 = arith.mulf %mul3A_58, %mul3A_60 : vector<200x200xf32>
    %div3A = arith.constant 1.000000e+00 : f32
    %div3A_62 = vector.broadcast %div3A : f32 to vector<200x1xf32>
    %div3A_63 = arith.divf %div3A_62, %add3A_51 : vector<200x1xf32>
    %get3A_64 = arith.constant 0 : index
    %get3A_65 = arith.constant 0 : index
    %get3A_66 = vector.load %arg8[%get3A_64, %get3A_65] : memref<128x8xf32, #tpu.memory_space<vmem>>, vector<128x8xf32>
    %dot_general3A = arith.constant dense<0.000000e+00> : vector<200x8xf32>
    %dot_general3A_67 = tpu.matmul %bitcast_convert_type3A_11, %get3A_66, %dot_general3A {dimension_numbers = #tpu.dot_dimension_numbers<[1], [0], [0], [1], [0, 0, 1, 1], [], []>, transpose_lhs_hint = false} : vector<200x128xf32>, vector<128x8xf32>, vector<200x8xf32> -> vector<200x8xf32>
    %dot_general3A_68 = arith.constant dense<0.000000e+00> : vector<200x8xf32>
    %dot_general3A_69 = tpu.matmul %mul3A_61, %dot_general3A_67, %dot_general3A_68 {dimension_numbers = #tpu.dot_dimension_numbers<[1], [0], [0], [1], [0, 0, 1, 1], [], []>, transpose_lhs_hint = false} : vector<200x200xf32>, vector<200x8xf32>, vector<200x8xf32> -> vector<200x8xf32>
    %mul3A_70 = vector.broadcast %div3A_63 : vector<200x1xf32> to vector<200x8xf32>
    %mul3A_71 = arith.mulf %mul3A_70, %dot_general3A_67 : vector<200x8xf32>
    %add3A_72 = arith.addf %dot_general3A_69, %mul3A_71 : vector<200x8xf32>
    %get3A_73 = arith.constant 0 : index
    %get3A_74 = arith.constant 0 : index
    %get3A_75 = vector.load %arg9[%get3A_73, %get3A_74] : memref<1x8xf32, #tpu.memory_space<vmem>>, vector<1x8xf32>
    %add3A_76 = vector.broadcast %get3A_75 : vector<1x8xf32> to vector<200x8xf32>
    %add3A_77 = arith.addf %add3A_72, %add3A_76 : vector<200x8xf32>
    %max3A = arith.constant 0.000000e+00 : f32
    %max3A_78 = vector.broadcast %max3A : f32 to vector<200x8xf32>
    %max3A_79 = arith.maximumf %add3A_77, %max3A_78 : vector<200x8xf32>
    %get3A_80 = arith.constant 0 : index
    %get3A_81 = arith.constant 0 : index
    %get3A_82 = vector.load %arg10[%get3A_80, %get3A_81] : memref<8x128xf32, #tpu.memory_space<vmem>>, vector<8x128xf32>
    %dot_general3A_83 = arith.constant dense<0.000000e+00> : vector<200x128xf32>
    %dot_general3A_84 = tpu.matmul %max3A_79, %get3A_82, %dot_general3A_83 {dimension_numbers = #tpu.dot_dimension_numbers<[1], [0], [0], [1], [0, 0, 1, 1], [], []>, transpose_lhs_hint = false} : vector<200x8xf32>, vector<8x128xf32>, vector<200x128xf32> -> vector<200x128xf32>
    %dot_general3A_85 = arith.constant dense<0.000000e+00> : vector<200x128xf32>
    %dot_general3A_86 = tpu.matmul %mul3A_61, %dot_general3A_84, %dot_general3A_85 {dimension_numbers = #tpu.dot_dimension_numbers<[1], [0], [0], [1], [0, 0, 1, 1], [], []>, transpose_lhs_hint = false} : vector<200x200xf32>, vector<200x128xf32>, vector<200x128xf32> -> vector<200x128xf32>
    %mul3A_87 = vector.broadcast %div3A_63 : vector<200x1xf32> to vector<200x128xf32>
    %mul3A_88 = arith.mulf %mul3A_87, %dot_general3A_84 : vector<200x128xf32>
    %add3A_89 = arith.addf %dot_general3A_86, %mul3A_88 : vector<200x128xf32>
    %get3A_90 = arith.constant 0 : index
    %get3A_91 = arith.constant 0 : index
    %get3A_92 = vector.load %arg11[%get3A_90, %get3A_91] : memref<1x128xf32, #tpu.memory_space<vmem>>, vector<1x128xf32>
    %add3A_93 = vector.broadcast %get3A_92 : vector<1x128xf32> to vector<200x128xf32>
    %add3A_94 = arith.addf %add3A_89, %add3A_93 : vector<200x128xf32>
    %mul3A_95 = vector.broadcast %get3A_40 : vector<200x1xf32> to vector<200x128xf32>
    %mul3A_96 = arith.mulf %mul3A_95, %add3A_94 : vector<200x128xf32>
    %reduce_sum3A_97 = arith.constant dense<0.000000e+00> : vector<128xf32>
    %reduce_sum3A_98 = vector.multi_reduction <add>, %mul3A_96, %reduce_sum3A_97 [0] : vector<200x128xf32> to vector<128xf32>
    %broadcast_in_dim3A_99 = vector.shape_cast %reduce_sum3A_98 : vector<128xf32> to vector<1x128xf32>
    %mul3A_100 = arith.constant 5.000000e-03 : f32
    %mul3A_101 = vector.broadcast %mul3A_100 : f32 to vector<1x128xf32>
    %mul3A_102 = arith.mulf %broadcast_in_dim3A_99, %mul3A_101 : vector<1x128xf32>
    %broadcast_in_dim3A_103 = vector.shape_cast %mul3A_102 : vector<1x128xf32> to vector<1x128xf32>
    %broadcast_in_dim3A_104 = vector.broadcast %broadcast_in_dim3A_103 : vector<1x128xf32> to vector<200x128xf32>
    %get3A_105 = arith.constant 0 : index
    %get3A_106 = arith.constant 0 : index
    %get3A_107 = vector.load %arg12[%get3A_105, %get3A_106] : memref<256x1xf32, #tpu.memory_space<vmem>>, vector<256x1xf32>
    %slice3A = vector.extract_strided_slice %get3A_107 {offsets = [0, 0], sizes = [128, 1], strides = [1, 1]} : vector<256x1xf32> to vector<128x1xf32>
    %dot_general3A_108 = arith.constant dense<0.000000e+00> : vector<200x1xf32>
    %dot_general3A_109 = tpu.matmul %get3A_3, %slice3A, %dot_general3A_108 {dimension_numbers = #tpu.dot_dimension_numbers<[1], [0], [0], [1], [0, 0, 1, 1], [], []>, transpose_lhs_hint = false} : vector<200x128xf32>, vector<128x1xf32>, vector<200x1xf32> -> vector<200x1xf32>
    %slice3A_110 = vector.extract_strided_slice %get3A_107 {offsets = [128, 0], sizes = [128, 1], strides = [1, 1]} : vector<256x1xf32> to vector<128x1xf32>
    %dot_general3A_111 = arith.constant dense<0.000000e+00> : vector<200x1xf32>
    %dot_general3A_112 = tpu.matmul %bitcast_convert_type3A_11, %slice3A_110, %dot_general3A_111 {dimension_numbers = #tpu.dot_dimension_numbers<[1], [0], [0], [1], [0, 0, 1, 1], [], []>, transpose_lhs_hint = false} : vector<200x128xf32>, vector<128x1xf32>, vector<200x1xf32> -> vector<200x1xf32>
    %add3A_113 = arith.addf %dot_general3A_109, %dot_general3A_112 : vector<200x1xf32>
    %neg3A = arith.constant 0.000000e+00 : f32
    %neg3A_114 = vector.broadcast %neg3A : f32 to vector<200x1xf32>
    %neg3A_115 = arith.subf %neg3A_114, %add3A_113 : vector<200x1xf32>
    %exp3A = math.exp %neg3A_115 : vector<200x1xf32>
    %add3A_116 = arith.constant 1.000000e+00 : f32
    %add3A_117 = vector.broadcast %add3A_116 : f32 to vector<200x1xf32>
    %add3A_118 = arith.addf %add3A_117, %exp3A : vector<200x1xf32>
    %div3A_119 = arith.constant 1.000000e+00 : f32
    %div3A_120 = vector.broadcast %div3A_119 : f32 to vector<200x1xf32>
    %div3A_121 = arith.divf %div3A_120, %add3A_118 : vector<200x1xf32>
    %mul3A_122 = vector.broadcast %div3A_121 : vector<200x1xf32> to vector<200x128xf32>
    %mul3A_123 = arith.mulf %mul3A_122, %get3A_3 : vector<200x128xf32>
    %sub3A = arith.constant 1.000000e+00 : f32
    %sub3A_124 = vector.broadcast %sub3A : f32 to vector<200x1xf32>
    %sub3A_125 = arith.subf %sub3A_124, %div3A_121 : vector<200x1xf32>
    %mul3A_126 = vector.broadcast %sub3A_125 : vector<200x1xf32> to vector<200x128xf32>
    %mul3A_127 = arith.mulf %mul3A_126, %bitcast_convert_type3A_11 : vector<200x128xf32>
    %add3A_128 = arith.addf %mul3A_123, %mul3A_127 : vector<200x128xf32>
    %get3A_129 = arith.constant 0 : index
    %get3A_130 = arith.constant 0 : index
    %get3A_131 = vector.load %arg13[%get3A_129, %get3A_130] : memref<256x1xf32, #tpu.memory_space<vmem>>, vector<256x1xf32>
    %slice3A_132 = vector.extract_strided_slice %get3A_131 {offsets = [0, 0], sizes = [128, 1], strides = [1, 1]} : vector<256x1xf32> to vector<128x1xf32>
    %dot_general3A_133 = arith.constant dense<0.000000e+00> : vector<200x1xf32>
    %dot_general3A_134 = tpu.matmul %get3A_3, %slice3A_132, %dot_general3A_133 {dimension_numbers = #tpu.dot_dimension_numbers<[1], [0], [0], [1], [0, 0, 1, 1], [], []>, transpose_lhs_hint = false} : vector<200x128xf32>, vector<128x1xf32>, vector<200x1xf32> -> vector<200x1xf32>
    %slice3A_135 = vector.extract_strided_slice %get3A_131 {offsets = [128, 0], sizes = [128, 1], strides = [1, 1]} : vector<256x1xf32> to vector<128x1xf32>
    %dot_general3A_136 = arith.constant dense<0.000000e+00> : vector<200x1xf32>
    %dot_general3A_137 = tpu.matmul %bitcast_convert_type3A_15, %slice3A_135, %dot_general3A_136 {dimension_numbers = #tpu.dot_dimension_numbers<[1], [0], [0], [1], [0, 0, 1, 1], [], []>, transpose_lhs_hint = false} : vector<200x128xf32>, vector<128x1xf32>, vector<200x1xf32> -> vector<200x1xf32>
    %add3A_138 = arith.addf %dot_general3A_134, %dot_general3A_137 : vector<200x1xf32>
    %neg3A_139 = arith.constant 0.000000e+00 : f32
    %neg3A_140 = vector.broadcast %neg3A_139 : f32 to vector<200x1xf32>
    %neg3A_141 = arith.subf %neg3A_140, %add3A_138 : vector<200x1xf32>
    %exp3A_142 = math.exp %neg3A_141 : vector<200x1xf32>
    %add3A_143 = arith.constant 1.000000e+00 : f32
    %add3A_144 = vector.broadcast %add3A_143 : f32 to vector<200x1xf32>
    %add3A_145 = arith.addf %add3A_144, %exp3A_142 : vector<200x1xf32>
    %div3A_146 = arith.constant 1.000000e+00 : f32
    %div3A_147 = vector.broadcast %div3A_146 : f32 to vector<200x1xf32>
    %div3A_148 = arith.divf %div3A_147, %add3A_145 : vector<200x1xf32>
    %mul3A_149 = vector.broadcast %div3A_148 : vector<200x1xf32> to vector<200x128xf32>
    %mul3A_150 = arith.mulf %mul3A_149, %get3A_3 : vector<200x128xf32>
    %sub3A_151 = arith.constant 1.000000e+00 : f32
    %sub3A_152 = vector.broadcast %sub3A_151 : f32 to vector<200x1xf32>
    %sub3A_153 = arith.subf %sub3A_152, %div3A_148 : vector<200x1xf32>
    %mul3A_154 = vector.broadcast %sub3A_153 : vector<200x1xf32> to vector<200x128xf32>
    %mul3A_155 = arith.mulf %mul3A_154, %bitcast_convert_type3A_15 : vector<200x128xf32>
    %add3A_156 = arith.addf %mul3A_150, %mul3A_155 : vector<200x128xf32>
    %get3A_157 = arith.constant 0 : index
    %get3A_158 = arith.constant 0 : index
    %get3A_159 = vector.load %arg14[%get3A_157, %get3A_158] : memref<256x1xf32, #tpu.memory_space<vmem>>, vector<256x1xf32>
    %slice3A_160 = vector.extract_strided_slice %get3A_159 {offsets = [0, 0], sizes = [128, 1], strides = [1, 1]} : vector<256x1xf32> to vector<128x1xf32>
    %dot_general3A_161 = arith.constant dense<0.000000e+00> : vector<200x1xf32>
    %dot_general3A_162 = tpu.matmul %broadcast_in_dim3A_104, %slice3A_160, %dot_general3A_161 {dimension_numbers = #tpu.dot_dimension_numbers<[1], [0], [0], [1], [0, 0, 1, 1], [], []>, transpose_lhs_hint = false} : vector<200x128xf32>, vector<128x1xf32>, vector<200x1xf32> -> vector<200x1xf32>
    %slice3A_163 = vector.extract_strided_slice %get3A_159 {offsets = [128, 0], sizes = [128, 1], strides = [1, 1]} : vector<256x1xf32> to vector<128x1xf32>
    %dot_general3A_164 = arith.constant dense<0.000000e+00> : vector<200x1xf32>
    %dot_general3A_165 = tpu.matmul %bitcast_convert_type3A_11, %slice3A_163, %dot_general3A_164 {dimension_numbers = #tpu.dot_dimension_numbers<[1], [0], [0], [1], [0, 0, 1, 1], [], []>, transpose_lhs_hint = false} : vector<200x128xf32>, vector<128x1xf32>, vector<200x1xf32> -> vector<200x1xf32>
    %add3A_166 = arith.addf %dot_general3A_162, %dot_general3A_165 : vector<200x1xf32>
    %neg3A_167 = arith.constant 0.000000e+00 : f32
    %neg3A_168 = vector.broadcast %neg3A_167 : f32 to vector<200x1xf32>
    %neg3A_169 = arith.subf %neg3A_168, %add3A_166 : vector<200x1xf32>
    %exp3A_170 = math.exp %neg3A_169 : vector<200x1xf32>
    %add3A_171 = arith.constant 1.000000e+00 : f32
    %add3A_172 = vector.broadcast %add3A_171 : f32 to vector<200x1xf32>
    %add3A_173 = arith.addf %add3A_172, %exp3A_170 : vector<200x1xf32>
    %div3A_174 = arith.constant 1.000000e+00 : f32
    %div3A_175 = vector.broadcast %div3A_174 : f32 to vector<200x1xf32>
    %div3A_176 = arith.divf %div3A_175, %add3A_173 : vector<200x1xf32>
    %mul3A_177 = vector.broadcast %div3A_176 : vector<200x1xf32> to vector<200x128xf32>
    %mul3A_178 = arith.mulf %mul3A_177, %broadcast_in_dim3A_104 : vector<200x128xf32>
    %sub3A_179 = arith.constant 1.000000e+00 : f32
    %sub3A_180 = vector.broadcast %sub3A_179 : f32 to vector<200x1xf32>
    %sub3A_181 = arith.subf %sub3A_180, %div3A_176 : vector<200x1xf32>
    %mul3A_182 = vector.broadcast %sub3A_181 : vector<200x1xf32> to vector<200x128xf32>
    %mul3A_183 = arith.mulf %mul3A_182, %bitcast_convert_type3A_11 : vector<200x128xf32>
    %add3A_184 = arith.addf %mul3A_178, %mul3A_183 : vector<200x128xf32>
    %get3A_185 = arith.constant 0 : index
    %get3A_186 = arith.constant 0 : index
    %get3A_187 = vector.load %arg15[%get3A_185, %get3A_186] : memref<256x1xf32, #tpu.memory_space<vmem>>, vector<256x1xf32>
    %slice3A_188 = vector.extract_strided_slice %get3A_187 {offsets = [0, 0], sizes = [128, 1], strides = [1, 1]} : vector<256x1xf32> to vector<128x1xf32>
    %dot_general3A_189 = arith.constant dense<0.000000e+00> : vector<200x1xf32>
    %dot_general3A_190 = tpu.matmul %broadcast_in_dim3A_104, %slice3A_188, %dot_general3A_189 {dimension_numbers = #tpu.dot_dimension_numbers<[1], [0], [0], [1], [0, 0, 1, 1], [], []>, transpose_lhs_hint = false} : vector<200x128xf32>, vector<128x1xf32>, vector<200x1xf32> -> vector<200x1xf32>
    %slice3A_191 = vector.extract_strided_slice %get3A_187 {offsets = [128, 0], sizes = [128, 1], strides = [1, 1]} : vector<256x1xf32> to vector<128x1xf32>
    %dot_general3A_192 = arith.constant dense<0.000000e+00> : vector<200x1xf32>
    %dot_general3A_193 = tpu.matmul %bitcast_convert_type3A_15, %slice3A_191, %dot_general3A_192 {dimension_numbers = #tpu.dot_dimension_numbers<[1], [0], [0], [1], [0, 0, 1, 1], [], []>, transpose_lhs_hint = false} : vector<200x128xf32>, vector<128x1xf32>, vector<200x1xf32> -> vector<200x1xf32>
    %add3A_194 = arith.addf %dot_general3A_190, %dot_general3A_193 : vector<200x1xf32>
    %neg3A_195 = arith.constant 0.000000e+00 : f32
    %neg3A_196 = vector.broadcast %neg3A_195 : f32 to vector<200x1xf32>
    %neg3A_197 = arith.subf %neg3A_196, %add3A_194 : vector<200x1xf32>
    %exp3A_198 = math.exp %neg3A_197 : vector<200x1xf32>
    %add3A_199 = arith.constant 1.000000e+00 : f32
    %add3A_200 = vector.broadcast %add3A_199 : f32 to vector<200x1xf32>
    %add3A_201 = arith.addf %add3A_200, %exp3A_198 : vector<200x1xf32>
    %div3A_202 = arith.constant 1.000000e+00 : f32
    %div3A_203 = vector.broadcast %div3A_202 : f32 to vector<200x1xf32>
    %div3A_204 = arith.divf %div3A_203, %add3A_201 : vector<200x1xf32>
    %mul3A_205 = vector.broadcast %div3A_204 : vector<200x1xf32> to vector<200x128xf32>
    %mul3A_206 = arith.mulf %mul3A_205, %broadcast_in_dim3A_104 : vector<200x128xf32>
    %sub3A_207 = arith.constant 1.000000e+00 : f32
    %sub3A_208 = vector.broadcast %sub3A_207 : f32 to vector<200x1xf32>
    %sub3A_209 = arith.subf %sub3A_208, %div3A_204 : vector<200x1xf32>
    %mul3A_210 = vector.broadcast %sub3A_209 : vector<200x1xf32> to vector<200x128xf32>
    %mul3A_211 = arith.mulf %mul3A_210, %bitcast_convert_type3A_15 : vector<200x128xf32>
    %add3A_212 = arith.addf %mul3A_206, %mul3A_211 : vector<200x128xf32>
    %get3A_213 = arith.constant 0 : index
    %get3A_214 = arith.constant 0 : index
    %get3A_215 = vector.load %arg16[%get3A_213, %get3A_214] : memref<128x32xf32, #tpu.memory_space<vmem>>, vector<128x32xf32>
    %swap3A = arith.constant 0 : index
    %swap3A_216 = arith.constant 0 : index
    %swap3A_217 = arith.constant 0 : index
    %swap3A_218 = vector.load %arg25[%swap3A, %swap3A_216, %swap3A_217] : memref<1x200x128xf32, #tpu.memory_space<vmem>>, vector<1x200x128xf32>
    %swap3A_219 = vector.shape_cast %swap3A_218 : vector<1x200x128xf32> to vector<200x128xf32>
    %swap3A_220 = vector.shape_cast %add3A_128 : vector<200x128xf32> to vector<1x200x128xf32>
    tpu.vector_store %arg25[%swap3A, %swap3A_216, %swap3A_217], %swap3A_220 {strides = array<i32>} : memref<1x200x128xf32, #tpu.memory_space<vmem>>, vector<1x200x128xf32>,
    %swap3A_221 = arith.constant 0 : index
    %swap3A_222 = arith.constant 0 : index
    %swap3A_223 = arith.constant 0 : index
    %swap3A_224 = vector.load %arg26[%swap3A_221, %swap3A_222, %swap3A_223] : memref<1x200x128xf32, #tpu.memory_space<vmem>>, vector<1x200x128xf32>
    %swap3A_225 = vector.shape_cast %swap3A_224 : vector<1x200x128xf32> to vector<200x128xf32>
    %swap3A_226 = vector.shape_cast %add3A_184 : vector<200x128xf32> to vector<1x200x128xf32>
    tpu.vector_store %arg26[%swap3A_221, %swap3A_222, %swap3A_223], %swap3A_226 {strides = array<i32>} : memref<1x200x128xf32, #tpu.memory_space<vmem>>, vector<1x200x128xf32>,
    %dot_general3A_227 = arith.constant dense<0.000000e+00> : vector<200x32xf32>
    %dot_general3A_228 = tpu.matmul %add3A_128, %get3A_215, %dot_general3A_227 {dimension_numbers = #tpu.dot_dimension_numbers<[1], [0], [0], [1], [0, 0, 1, 1], [], []>, transpose_lhs_hint = false} : vector<200x128xf32>, vector<128x32xf32>, vector<200x32xf32> -> vector<200x32xf32>
    %reduce_max3A = arith.constant dense<0xFF800000> : vector<200xf32>
    %reduce_max3A_229 = vector.multi_reduction <maximumf>, %dot_general3A_228, %reduce_max3A [1] : vector<200x32xf32> to vector<200xf32>
    %broadcast_in_dim3A_230 = vector.shape_cast %reduce_max3A_229 : vector<200xf32> to vector<200x1xf32>
    %sub3A_231 = vector.broadcast %broadcast_in_dim3A_230 : vector<200x1xf32> to vector<200x32xf32>
    %sub3A_232 = arith.subf %dot_general3A_228, %sub3A_231 : vector<200x32xf32>
    %exp3A_233 = math.exp %sub3A_232 : vector<200x32xf32>
    %reduce_sum3A_234 = arith.constant dense<0.000000e+00> : vector<200xf32>
    %reduce_sum3A_235 = vector.multi_reduction <add>, %exp3A_233, %reduce_sum3A_234 [1] : vector<200x32xf32> to vector<200xf32>
    %broadcast_in_dim3A_236 = vector.shape_cast %reduce_sum3A_235 : vector<200xf32> to vector<200x1xf32>
    %div3A_237 = vector.broadcast %broadcast_in_dim3A_236 : vector<200x1xf32> to vector<200x32xf32>
    %div3A_238 = arith.divf %exp3A_233, %div3A_237 : vector<200x32xf32>
    %swap3A_239 = arith.constant 0 : index
    %swap3A_240 = arith.constant 0 : index
    %swap3A_241 = arith.constant 0 : index
    %swap3A_242 = vector.load %arg27[%swap3A_239, %swap3A_240, %swap3A_241] : memref<1x200x32xf32, #tpu.memory_space<vmem>>, vector<1x200x32xf32>
    %swap3A_243 = vector.shape_cast %swap3A_242 : vector<1x200x32xf32> to vector<200x32xf32>
    %swap3A_244 = vector.shape_cast %div3A_238 : vector<200x32xf32> to vector<1x200x32xf32>
    tpu.vector_store %arg27[%swap3A_239, %swap3A_240, %swap3A_241], %swap3A_244 {strides = array<i32>} : memref<1x200x32xf32, #tpu.memory_space<vmem>>, vector<1x200x32xf32>,
    %dot_general3A_245 = arith.constant dense<0.000000e+00> : vector<200x32xf32>
    %dot_general3A_246 = tpu.matmul %add3A_184, %get3A_215, %dot_general3A_245 {dimension_numbers = #tpu.dot_dimension_numbers<[1], [0], [0], [1], [0, 0, 1, 1], [], []>, transpose_lhs_hint = false} : vector<200x128xf32>, vector<128x32xf32>, vector<200x32xf32> -> vector<200x32xf32>
    %reduce_max3A_247 = arith.constant dense<0xFF800000> : vector<200xf32>
    %reduce_max3A_248 = vector.multi_reduction <maximumf>, %dot_general3A_246, %reduce_max3A_247 [1] : vector<200x32xf32> to vector<200xf32>
    %broadcast_in_dim3A_249 = vector.shape_cast %reduce_max3A_248 : vector<200xf32> to vector<200x1xf32>
    %sub3A_250 = vector.broadcast %broadcast_in_dim3A_249 : vector<200x1xf32> to vector<200x32xf32>
    %sub3A_251 = arith.subf %dot_general3A_246, %sub3A_250 : vector<200x32xf32>
    %exp3A_252 = math.exp %sub3A_251 : vector<200x32xf32>
    %reduce_sum3A_253 = arith.constant dense<0.000000e+00> : vector<200xf32>
    %reduce_sum3A_254 = vector.multi_reduction <add>, %exp3A_252, %reduce_sum3A_253 [1] : vector<200x32xf32> to vector<200xf32>
    %broadcast_in_dim3A_255 = vector.shape_cast %reduce_sum3A_254 : vector<200xf32> to vector<200x1xf32>
    %div3A_256 = vector.broadcast %broadcast_in_dim3A_255 : vector<200x1xf32> to vector<200x32xf32>
    %div3A_257 = arith.divf %exp3A_252, %div3A_256 : vector<200x32xf32>
    %swap3A_258 = arith.constant 0 : index
    %swap3A_259 = arith.constant 0 : index
    %swap3A_260 = arith.constant 0 : index
    %swap3A_261 = vector.load %arg28[%swap3A_258, %swap3A_259, %swap3A_260] : memref<1x200x32xf32, #tpu.memory_space<vmem>>, vector<1x200x32xf32>
    %swap3A_262 = vector.shape_cast %swap3A_261 : vector<1x200x32xf32> to vector<200x32xf32>
    %swap3A_263 = vector.shape_cast %div3A_257 : vector<200x32xf32> to vector<1x200x32xf32>
    tpu.vector_store %arg28[%swap3A_258, %swap3A_259, %swap3A_260], %swap3A_263 {strides = array<i32>} : memref<1x200x32xf32, #tpu.memory_space<vmem>>, vector<1x200x32xf32>,
    %get3A_264 = arith.constant 0 : index
    %get3A_265 = arith.constant 0 : index
    %get3A_266 = vector.load %arg17[%get3A_264, %get3A_265] : memref<128x128xf32, #tpu.memory_space<vmem>>, vector<128x128xf32>
    %dot_general3A_267 = arith.constant dense<0.000000e+00> : vector<200x128xf32>
    %dot_general3A_268 = tpu.matmul %add3A_156, %get3A_266, %dot_general3A_267 {dimension_numbers = #tpu.dot_dimension_numbers<[1], [0], [0], [1], [0, 0, 1, 1], [], []>, transpose_lhs_hint = false} : vector<200x128xf32>, vector<128x128xf32>, vector<200x128xf32> -> vector<200x128xf32>
    %get3A_269 = arith.constant 0 : index
    %get3A_270 = arith.constant 0 : index
    %get3A_271 = vector.load %arg18[%get3A_269, %get3A_270] : memref<1x128xf32, #tpu.memory_space<vmem>>, vector<1x128xf32>
    %add3A_272 = vector.broadcast %get3A_271 : vector<1x128xf32> to vector<200x128xf32>
    %add3A_273 = arith.addf %dot_general3A_268, %add3A_272 : vector<200x128xf32>
    %neg3A_274 = arith.constant 0.000000e+00 : f32
    %neg3A_275 = vector.broadcast %neg3A_274 : f32 to vector<200x128xf32>
    %neg3A_276 = arith.subf %neg3A_275, %add3A_273 : vector<200x128xf32>
    %exp3A_277 = math.exp %neg3A_276 : vector<200x128xf32>
    %add3A_278 = arith.constant 1.000000e+00 : f32
    %add3A_279 = vector.broadcast %add3A_278 : f32 to vector<200x128xf32>
    %add3A_280 = arith.addf %add3A_279, %exp3A_277 : vector<200x128xf32>
    %div3A_281 = arith.constant 1.000000e+00 : f32
    %div3A_282 = vector.broadcast %div3A_281 : f32 to vector<200x128xf32>
    %div3A_283 = arith.divf %div3A_282, %add3A_280 : vector<200x128xf32>
    %swap3A_284 = arith.constant 0 : index
    %swap3A_285 = arith.constant 0 : index
    %swap3A_286 = arith.constant 0 : index
    %swap3A_287 = vector.load %arg29[%swap3A_284, %swap3A_285, %swap3A_286] : memref<1x200x128xf32, #tpu.memory_space<vmem>>, vector<1x200x128xf32>
    %swap3A_288 = vector.shape_cast %swap3A_287 : vector<1x200x128xf32> to vector<200x128xf32>
    %swap3A_289 = vector.shape_cast %div3A_283 : vector<200x128xf32> to vector<1x200x128xf32>
    tpu.vector_store %arg29[%swap3A_284, %swap3A_285, %swap3A_286], %swap3A_289 {strides = array<i32>} : memref<1x200x128xf32, #tpu.memory_space<vmem>>, vector<1x200x128xf32>,
    %get3A_290 = arith.constant 0 : index
    %get3A_291 = arith.constant 0 : index
    %get3A_292 = vector.load %arg19[%get3A_290, %get3A_291] : memref<128x128xf32, #tpu.memory_space<vmem>>, vector<128x128xf32>
    %dot_general3A_293 = arith.constant dense<0.000000e+00> : vector<200x128xf32>
    %dot_general3A_294 = tpu.matmul %add3A_156, %get3A_292, %dot_general3A_293 {dimension_numbers = #tpu.dot_dimension_numbers<[1], [0], [0], [1], [0, 0, 1, 1], [], []>, transpose_lhs_hint = false} : vector<200x128xf32>, vector<128x128xf32>, vector<200x128xf32> -> vector<200x128xf32>
    %get3A_295 = arith.constant 0 : index
    %get3A_296 = arith.constant 0 : index
    %get3A_297 = vector.load %arg20[%get3A_295, %get3A_296] : memref<1x128xf32, #tpu.memory_space<vmem>>, vector<1x128xf32>
    %add3A_298 = vector.broadcast %get3A_297 : vector<1x128xf32> to vector<200x128xf32>
    %add3A_299 = arith.addf %dot_general3A_294, %add3A_298 : vector<200x128xf32>
    %tanh3A = math.tanh %add3A_299 : vector<200x128xf32>
    %swap3A_300 = arith.constant 0 : index
    %swap3A_301 = arith.constant 0 : index
    %swap3A_302 = arith.constant 0 : index
    %swap3A_303 = vector.load %arg30[%swap3A_300, %swap3A_301, %swap3A_302] : memref<1x200x128xf32, #tpu.memory_space<vmem>>, vector<1x200x128xf32>
    %swap3A_304 = vector.shape_cast %swap3A_303 : vector<1x200x128xf32> to vector<200x128xf32>
    %swap3A_305 = vector.shape_cast %tanh3A : vector<200x128xf32> to vector<1x200x128xf32>
    tpu.vector_store %arg30[%swap3A_300, %swap3A_301, %swap3A_302], %swap3A_305 {strides = array<i32>} : memref<1x200x128xf32, #tpu.memory_space<vmem>>, vector<1x200x128xf32>,
    %get3A_306 = arith.constant 0 : index
    %get3A_307 = arith.constant 0 : index
    %get3A_308 = vector.load %arg21[%get3A_306, %get3A_307] : memref<128x128xf32, #tpu.memory_space<vmem>>, vector<128x128xf32>
    %dot_general3A_309 = arith.constant dense<0.000000e+00> : vector<200x128xf32>
    %dot_general3A_310 = tpu.matmul %add3A_212, %get3A_308, %dot_general3A_309 {dimension_numbers = #tpu.dot_dimension_numbers<[1], [0], [0], [1], [0, 0, 1, 1], [], []>, transpose_lhs_hint = false} : vector<200x128xf32>, vector<128x128xf32>, vector<200x128xf32> -> vector<200x128xf32>
    %get3A_311 = arith.constant 0 : index
    %get3A_312 = arith.constant 0 : index
    %get3A_313 = vector.load %arg22[%get3A_311, %get3A_312] : memref<1x128xf32, #tpu.memory_space<vmem>>, vector<1x128xf32>
    %add3A_314 = vector.broadcast %get3A_313 : vector<1x128xf32> to vector<200x128xf32>
    %add3A_315 = arith.addf %dot_general3A_310, %add3A_314 : vector<200x128xf32>
    %neg3A_316 = arith.constant 0.000000e+00 : f32
    %neg3A_317 = vector.broadcast %neg3A_316 : f32 to vector<200x128xf32>
    %neg3A_318 = arith.subf %neg3A_317, %add3A_315 : vector<200x128xf32>
    %exp3A_319 = math.exp %neg3A_318 : vector<200x128xf32>
    %add3A_320 = arith.constant 1.000000e+00 : f32
    %add3A_321 = vector.broadcast %add3A_320 : f32 to vector<200x128xf32>
    %add3A_322 = arith.addf %add3A_321, %exp3A_319 : vector<200x128xf32>
    %div3A_323 = arith.constant 1.000000e+00 : f32
    %div3A_324 = vector.broadcast %div3A_323 : f32 to vector<200x128xf32>
    %div3A_325 = arith.divf %div3A_324, %add3A_322 : vector<200x128xf32>
    %swap3A_326 = arith.constant 0 : index
    %swap3A_327 = arith.constant 0 : index
    %swap3A_328 = arith.constant 0 : index
    %swap3A_329 = vector.load %arg31[%swap3A_326, %swap3A_327, %swap3A_328] : memref<1x200x128xf32, #tpu.memory_space<vmem>>, vector<1x200x128xf32>
    %swap3A_330 = vector.shape_cast %swap3A_329 : vector<1x200x128xf32> to vector<200x128xf32>
    %swap3A_331 = vector.shape_cast %div3A_325 : vector<200x128xf32> to vector<1x200x128xf32>
    tpu.vector_store %arg31[%swap3A_326, %swap3A_327, %swap3A_328], %swap3A_331 {strides = array<i32>} : memref<1x200x128xf32, #tpu.memory_space<vmem>>, vector<1x200x128xf32>,
    %get3A_332 = arith.constant 0 : index
    %get3A_333 = arith.constant 0 : index
    %get3A_334 = vector.load %arg23[%get3A_332, %get3A_333] : memref<128x128xf32, #tpu.memory_space<vmem>>, vector<128x128xf32>
    %dot_general3A_335 = arith.constant dense<0.000000e+00> : vector<200x128xf32>
    %dot_general3A_336 = tpu.matmul %add3A_212, %get3A_334, %dot_general3A_335 {dimension_numbers = #tpu.dot_dimension_numbers<[1], [0], [0], [1], [0, 0, 1, 1], [], []>, transpose_lhs_hint = false} : vector<200x128xf32>, vector<128x128xf32>, vector<200x128xf32> -> vector<200x128xf32>
    %get3A_337 = arith.constant 0 : index
    %get3A_338 = arith.constant 0 : index
    %get3A_339 = vector.load %arg24[%get3A_337, %get3A_338] : memref<1x128xf32, #tpu.memory_space<vmem>>, vector<1x128xf32>
    %add3A_340 = vector.broadcast %get3A_339 : vector<1x128xf32> to vector<200x128xf32>
    %add3A_341 = arith.addf %dot_general3A_336, %add3A_340 : vector<200x128xf32>
    %tanh3A_342 = math.tanh %add3A_341 : vector<200x128xf32>
    %swap3A_343 = arith.constant 0 : index
    %swap3A_344 = arith.constant 0 : index
    %swap3A_345 = arith.constant 0 : index
    %swap3A_346 = vector.load %arg32[%swap3A_343, %swap3A_344, %swap3A_345] : memref<1x200x128xf32, #tpu.memory_space<vmem>>, vector<1x200x128xf32>
    %swap3A_347 = vector.shape_cast %swap3A_346 : vector<1x200x128xf32> to vector<200x128xf32>
    %swap3A_348 = vector.shape_cast %tanh3A_342 : vector<200x128xf32> to vector<1x200x128xf32>
    tpu.vector_store %arg32[%swap3A_343, %swap3A_344, %swap3A_345], %swap3A_348 {strides = array<i32>} : memref<1x200x128xf32, #tpu.memory_space<vmem>>, vector<1x200x128xf32>,
    return
  }
  func.func @transform_0(%arg0: i32) -> (i32, i32, i32) {
    %c0_i32 = arith.constant 0 : i32
    %c0_i32_0 = arith.constant 0 : i32
    %c0_i32_1 = arith.constant 0 : i32
    return %arg0, %c0_i32, %c0_i32_0 : i32, i32, i32
  }
  func.func @transform_1(%arg0: i32) -> (i32, i32, i32) {
    %c0_i32 = arith.constant 0 : i32
    %c0_i32_0 = arith.constant 0 : i32
    %c0_i32_1 = arith.constant 0 : i32
    return %arg0, %c0_i32, %c0_i32_0 : i32, i32, i32
  }
  func.func @transform_2(%arg0: i32) -> (i32, i32, i32) {
    %c0_i32 = arith.constant 0 : i32
    %c0_i32_0 = arith.constant 0 : i32
    %c0_i32_1 = arith.constant 0 : i32
    return %arg0, %c0_i32, %c0_i32_0 : i32, i32, i32
  }
  func.func @transform_3(%arg0: i32) -> (i32, i32, i32) {
    %c0_i32 = arith.constant 0 : i32
    %c0_i32_0 = arith.constant 0 : i32
    %c0_i32_1 = arith.constant 0 : i32
    return %arg0, %c0_i32, %c0_i32_0 : i32, i32, i32
  }
  func.func @transform_4(%arg0: i32) -> (i32, i32, i32) {
    %c0_i32 = arith.constant 0 : i32
    %c0_i32_0 = arith.constant 0 : i32
    %c0_i32_1 = arith.constant 0 : i32
    return %arg0, %c0_i32, %c0_i32_0 : i32, i32, i32
  }
  func.func @transform_5(%arg0: i32) -> (i32, i32, i32) {
    %c0_i32 = arith.constant 0 : i32
    %c0_i32_0 = arith.constant 0 : i32
    %c0_i32_1 = arith.constant 0 : i32
    return %arg0, %c0_i32, %c0_i32_0 : i32, i32, i32
  }
  func.func @transform_6(%arg0: i32) -> (i32, i32, i32) {
    %c0_i32 = arith.constant 0 : i32
    %c0_i32_0 = arith.constant 0 : i32
    %c0_i32_1 = arith.constant 0 : i32
    return %arg0, %c0_i32, %c0_i32_0 : i32, i32, i32
  }
  func.func @transform_7(%arg0: i32) -> (i32, i32) {
    %c0_i32 = arith.constant 0 : i32
    %c0_i32_0 = arith.constant 0 : i32
    %c0_i32_1 = arith.constant 0 : i32
    return %c0_i32, %c0_i32_0 : i32, i32
  }
  func.func @transform_8(%arg0: i32) -> (i32, i32) {
    %c0_i32 = arith.constant 0 : i32
    %c0_i32_0 = arith.constant 0 : i32
    %c0_i32_1 = arith.constant 0 : i32
    return %c0_i32, %c0_i32_0 : i32, i32
  }
  func.func @transform_9(%arg0: i32) -> (i32, i32) {
    %c0_i32 = arith.constant 0 : i32
    %c0_i32_0 = arith.constant 0 : i32
    %c0_i32_1 = arith.constant 0 : i32
    return %c0_i32, %c0_i32_0 : i32, i32
  }
  func.func @transform_10(%arg0: i32) -> (i32, i32) {
    %c0_i32 = arith.constant 0 : i32
    %c0_i32_0 = arith.constant 0 : i32
    %c0_i32_1 = arith.constant 0 : i32
    return %c0_i32, %c0_i32_0 : i32, i32
  }
  func.func @transform_11(%arg0: i32) -> (i32, i32) {
    %c0_i32 = arith.constant 0 : i32
    %c0_i32_0 = arith.constant 0 : i32
    %c0_i32_1 = arith.constant 0 : i32
    return %c0_i32, %c0_i32_0 : i32, i32
  }
  func.func @transform_12(%arg0: i32) -> (i32, i32) {
    %c0_i32 = arith.constant 0 : i32
    %c0_i32_0 = arith.constant 0 : i32
    %c0_i32_1 = arith.constant 0 : i32
    return %c0_i32, %c0_i32_0 : i32, i32
  }
  func.func @transform_13(%arg0: i32) -> (i32, i32) {
    %c0_i32 = arith.constant 0 : i32
    %c0_i32_0 = arith.constant 0 : i32
    %c0_i32_1 = arith.constant 0 : i32
    return %c0_i32, %c0_i32_0 : i32, i32
  }
  func.func @transform_14(%arg0: i32) -> (i32, i32) {
    %c0_i32 = arith.constant 0 : i32
    %c0_i32_0 = arith.constant 0 : i32
    %c0_i32_1 = arith.constant 0 : i32
    return %c0_i32, %c0_i32_0 : i32, i32
  }
  func.func @transform_15(%arg0: i32) -> (i32, i32) {
    %c0_i32 = arith.constant 0 : i32
    %c0_i32_0 = arith.constant 0 : i32
    %c0_i32_1 = arith.constant 0 : i32
    return %c0_i32, %c0_i32_0 : i32, i32
  }
  func.func @transform_16(%arg0: i32) -> (i32, i32) {
    %c0_i32 = arith.constant 0 : i32
    %c0_i32_0 = arith.constant 0 : i32
    %c0_i32_1 = arith.constant 0 : i32
    return %c0_i32, %c0_i32_0 : i32, i32
  }
  func.func @transform_17(%arg0: i32) -> (i32, i32) {
    %c0_i32 = arith.constant 0 : i32
    %c0_i32_0 = arith.constant 0 : i32
    %c0_i32_1 = arith.constant 0 : i32
    return %c0_i32, %c0_i32_0 : i32, i32
  }
  func.func @transform_18(%arg0: i32) -> (i32, i32) {
    %c0_i32 = arith.constant 0 : i32
    %c0_i32_0 = arith.constant 0 : i32
    %c0_i32_1 = arith.constant 0 : i32
    return %c0_i32, %c0_i32_0 : i32, i32
  }
  func.func @transform_19(%arg0: i32) -> (i32, i32) {
    %c0_i32 = arith.constant 0 : i32
    %c0_i32_0 = arith.constant 0 : i32
    %c0_i32_1 = arith.constant 0 : i32
    return %c0_i32, %c0_i32_0 : i32, i32
  }
  func.func @transform_20(%arg0: i32) -> (i32, i32) {
    %c0_i32 = arith.constant 0 : i32
    %c0_i32_0 = arith.constant 0 : i32
    %c0_i32_1 = arith.constant 0 : i32
    return %c0_i32, %c0_i32_0 : i32, i32
  }
  func.func @transform_21(%arg0: i32) -> (i32, i32) {
    %c0_i32 = arith.constant 0 : i32
    %c0_i32_0 = arith.constant 0 : i32
    %c0_i32_1 = arith.constant 0 : i32
    return %c0_i32, %c0_i32_0 : i32, i32
  }
  func.func @transform_22(%arg0: i32) -> (i32, i32) {
    %c0_i32 = arith.constant 0 : i32
    %c0_i32_0 = arith.constant 0 : i32
    %c0_i32_1 = arith.constant 0 : i32
    return %c0_i32, %c0_i32_0 : i32, i32
  }
  func.func @transform_23(%arg0: i32) -> (i32, i32) {
    %c0_i32 = arith.constant 0 : i32
    %c0_i32_0 = arith.constant 0 : i32
    %c0_i32_1 = arith.constant 0 : i32
    return %c0_i32, %c0_i32_0 : i32, i32
  }
  func.func @transform_24(%arg0: i32) -> (i32, i32, i32) {
    %c0_i32 = arith.constant 0 : i32
    %c0_i32_0 = arith.constant 0 : i32
    %c0_i32_1 = arith.constant 0 : i32
    return %arg0, %c0_i32, %c0_i32_0 : i32, i32, i32
  }
  func.func @transform_25(%arg0: i32) -> (i32, i32, i32) {
    %c0_i32 = arith.constant 0 : i32
    %c0_i32_0 = arith.constant 0 : i32
    %c0_i32_1 = arith.constant 0 : i32
    return %arg0, %c0_i32, %c0_i32_0 : i32, i32, i32
  }
  func.func @transform_26(%arg0: i32) -> (i32, i32, i32) {
    %c0_i32 = arith.constant 0 : i32
    %c0_i32_0 = arith.constant 0 : i32
    %c0_i32_1 = arith.constant 0 : i32
    return %arg0, %c0_i32, %c0_i32_0 : i32, i32, i32
  }
  func.func @transform_27(%arg0: i32) -> (i32, i32, i32) {
    %c0_i32 = arith.constant 0 : i32
    %c0_i32_0 = arith.constant 0 : i32
    %c0_i32_1 = arith.constant 0 : i32
    return %arg0, %c0_i32, %c0_i32_0 : i32, i32, i32
  }
  func.func @transform_28(%arg0: i32) -> (i32, i32, i32) {
    %c0_i32 = arith.constant 0 : i32
    %c0_i32_0 = arith.constant 0 : i32
    %c0_i32_1 = arith.constant 0 : i32
    return %arg0, %c0_i32, %c0_i32_0 : i32, i32, i32
  }
  func.func @transform_29(%arg0: i32) -> (i32, i32, i32) {
    %c0_i32 = arith.constant 0 : i32
    %c0_i32_0 = arith.constant 0 : i32
    %c0_i32_1 = arith.constant 0 : i32
    return %arg0, %c0_i32, %c0_i32_0 : i32, i32, i32
  }
  func.func @transform_30(%arg0: i32) -> (i32, i32, i32) {
    %c0_i32 = arith.constant 0 : i32
    %c0_i32_0 = arith.constant 0 : i32
    %c0_i32_1 = arith.constant 0 : i32
    return %arg0, %c0_i32, %c0_i32_0 : i32, i32, i32
  }
  func.func @transform_31(%arg0: i32) -> (i32, i32, i32) {
    %c0_i32 = arith.constant 0 : i32
    %c0_i32_0 = arith.constant 0 : i32
    %c0_i32_1 = arith.constant 0 : i32
    return %arg0, %c0_i32, %c0_i32_0 : i32, i32, i32
  }
}

module attributes {stable_mosaic.version = 14 : i64} {
  func.func @_final_body(%arg0: i32, %arg1: memref<1x200x128xf32, #tpu.memory_space<vmem>>, %arg2: memref<1x200x128xf32, #tpu.memory_space<vmem>>, %arg3: memref<1x200x128xf32, #tpu.memory_space<vmem>>, %arg4: memref<1x200x128xf32, #tpu.memory_space<vmem>>, %arg5: memref<1x199x384xf32, #tpu.memory_space<vmem>>, %arg6: memref<256x128xf32, #tpu.memory_space<vmem>>, %arg7: memref<1x128xf32, #tpu.memory_space<vmem>>, %arg8: memref<256x128xf32, #tpu.memory_space<vmem>>, %arg9: memref<1x128xf32, #tpu.memory_space<vmem>>, %arg10: memref<128x128xf32, #tpu.memory_space<vmem>>, %arg11: memref<128x128xf32, #tpu.memory_space<vmem>>, %arg12: memref<1x128xf32, #tpu.memory_space<vmem>>, %arg13: memref<1x199x1xf32, #tpu.memory_space<vmem>>, %arg14: memref<1x199x1xf32, #tpu.memory_space<vmem>>, %arg15: memref<1x199x1xf32, #tpu.memory_space<vmem>>) attributes {dimension_semantics = [#tpu.dimension_semantics<arbitrary>], iteration_bounds = array<i64: 16>, scalar_prefetch = 0 : i64, scratch_operands = 0 : i64, tpu.core_type = #tpu.core_type<tc>, window_params = [{transform_indices = @transform_0, window_bounds = array<i64: 1, 200, 128>}, {transform_indices = @transform_1, window_bounds = array<i64: 1, 200, 128>}, {transform_indices = @transform_2, window_bounds = array<i64: 1, 200, 128>}, {transform_indices = @transform_3, window_bounds = array<i64: 1, 200, 128>}, {transform_indices = @transform_4, window_bounds = array<i64: 1, 199, 384>}, {pipeline_mode = #tpu.pipeline_mode<synchronous>, transform_indices = @transform_5, window_bounds = array<i64: 256, 128>}, {pipeline_mode = #tpu.pipeline_mode<synchronous>, transform_indices = @transform_6, window_bounds = array<i64: 1, 128>}, {pipeline_mode = #tpu.pipeline_mode<synchronous>, transform_indices = @transform_7, window_bounds = array<i64: 256, 128>}, {pipeline_mode = #tpu.pipeline_mode<synchronous>, transform_indices = @transform_8, window_bounds = array<i64: 1, 128>}, {pipeline_mode = #tpu.pipeline_mode<synchronous>, transform_indices = @transform_9, window_bounds = array<i64: 128, 128>}, {pipeline_mode = #tpu.pipeline_mode<synchronous>, transform_indices = @transform_10, window_bounds = array<i64: 128, 128>}, {pipeline_mode = #tpu.pipeline_mode<synchronous>, transform_indices = @transform_11, window_bounds = array<i64: 1, 128>}, {transform_indices = @transform_12, window_bounds = array<i64: 1, 199, 1>}, {transform_indices = @transform_13, window_bounds = array<i64: 1, 199, 1>}, {transform_indices = @transform_14, window_bounds = array<i64: 1, 199, 1>}]} {
    %get3A = arith.constant 0 : index
    %get3A_0 = arith.constant 0 : index
    %get3A_1 = arith.constant 0 : index
    %get3A_2 = vector.load %arg1[%get3A, %get3A_0, %get3A_1] : memref<1x200x128xf32, #tpu.memory_space<vmem>>, vector<1x200x128xf32>
    %get3A_3 = vector.shape_cast %get3A_2 : vector<1x200x128xf32> to vector<200x128xf32>
    %get3A_4 = arith.constant 0 : index
    %get3A_5 = arith.constant 0 : index
    %get3A_6 = arith.constant 0 : index
    %get3A_7 = vector.load %arg2[%get3A_4, %get3A_5, %get3A_6] : memref<1x200x128xf32, #tpu.memory_space<vmem>>, vector<1x200x128xf32>
    %get3A_8 = vector.shape_cast %get3A_7 : vector<1x200x128xf32> to vector<200x128xf32>
    %get3A_9 = arith.constant 0 : index
    %get3A_10 = arith.constant 0 : index
    %get3A_11 = arith.constant 0 : index
    %get3A_12 = vector.load %arg3[%get3A_9, %get3A_10, %get3A_11] : memref<1x200x128xf32, #tpu.memory_space<vmem>>, vector<1x200x128xf32>
    %get3A_13 = vector.shape_cast %get3A_12 : vector<1x200x128xf32> to vector<200x128xf32>
    %get3A_14 = arith.constant 0 : index
    %get3A_15 = arith.constant 0 : index
    %get3A_16 = arith.constant 0 : index
    %get3A_17 = vector.load %arg4[%get3A_14, %get3A_15, %get3A_16] : memref<1x200x128xf32, #tpu.memory_space<vmem>>, vector<1x200x128xf32>
    %get3A_18 = vector.shape_cast %get3A_17 : vector<1x200x128xf32> to vector<200x128xf32>
    %get3A_19 = arith.constant 0 : index
    %get3A_20 = arith.constant 0 : index
    %get3A_21 = vector.load %arg6[%get3A_19, %get3A_20] : memref<256x128xf32, #tpu.memory_space<vmem>>, vector<256x128xf32>
    %get3A_22 = arith.constant 0 : index
    %get3A_23 = arith.constant 0 : index
    %get3A_24 = vector.load %arg8[%get3A_22, %get3A_23] : memref<256x128xf32, #tpu.memory_space<vmem>>, vector<256x128xf32>
    %slice3A = vector.extract_strided_slice %get3A_21 {offsets = [0, 0], sizes = [128, 128], strides = [1, 1]} : vector<256x128xf32> to vector<128x128xf32>
    %dot_general3A = arith.constant dense<0.000000e+00> : vector<200x128xf32>
    %dot_general3A_25 = tpu.matmul %get3A_3, %slice3A, %dot_general3A {dimension_numbers = #tpu.dot_dimension_numbers<[1], [0], [0], [1], [0, 0, 1, 1], [], []>, transpose_lhs_hint = false} : vector<200x128xf32>, vector<128x128xf32>, vector<200x128xf32> -> vector<200x128xf32>
    %slice3A_26 = vector.extract_strided_slice %get3A_21 {offsets = [128, 0], sizes = [128, 128], strides = [1, 1]} : vector<256x128xf32> to vector<128x128xf32>
    %dot_general3A_27 = arith.constant dense<0.000000e+00> : vector<200x128xf32>
    %dot_general3A_28 = tpu.matmul %get3A_13, %slice3A_26, %dot_general3A_27 {dimension_numbers = #tpu.dot_dimension_numbers<[1], [0], [0], [1], [0, 0, 1, 1], [], []>, transpose_lhs_hint = false} : vector<200x128xf32>, vector<128x128xf32>, vector<200x128xf32> -> vector<200x128xf32>
    %add3A = arith.addf %dot_general3A_25, %dot_general3A_28 : vector<200x128xf32>
    %get3A_29 = arith.constant 0 : index
    %get3A_30 = arith.constant 0 : index
    %get3A_31 = vector.load %arg7[%get3A_29, %get3A_30] : memref<1x128xf32, #tpu.memory_space<vmem>>, vector<1x128xf32>
    %add3A_32 = vector.broadcast %get3A_31 : vector<1x128xf32> to vector<200x128xf32>
    %add3A_33 = arith.addf %add3A, %add3A_32 : vector<200x128xf32>
    %tanh3A = math.tanh %add3A_33 : vector<200x128xf32>
    %slice3A_34 = vector.extract_strided_slice %get3A_24 {offsets = [0, 0], sizes = [128, 128], strides = [1, 1]} : vector<256x128xf32> to vector<128x128xf32>
    %dot_general3A_35 = arith.constant dense<0.000000e+00> : vector<200x128xf32>
    %dot_general3A_36 = tpu.matmul %get3A_8, %slice3A_34, %dot_general3A_35 {dimension_numbers = #tpu.dot_dimension_numbers<[1], [0], [0], [1], [0, 0, 1, 1], [], []>, transpose_lhs_hint = false} : vector<200x128xf32>, vector<128x128xf32>, vector<200x128xf32> -> vector<200x128xf32>
    %slice3A_37 = vector.extract_strided_slice %get3A_24 {offsets = [128, 0], sizes = [128, 128], strides = [1, 1]} : vector<256x128xf32> to vector<128x128xf32>
    %dot_general3A_38 = arith.constant dense<0.000000e+00> : vector<200x128xf32>
    %dot_general3A_39 = tpu.matmul %get3A_18, %slice3A_37, %dot_general3A_38 {dimension_numbers = #tpu.dot_dimension_numbers<[1], [0], [0], [1], [0, 0, 1, 1], [], []>, transpose_lhs_hint = false} : vector<200x128xf32>, vector<128x128xf32>, vector<200x128xf32> -> vector<200x128xf32>
    %add3A_40 = arith.addf %dot_general3A_36, %dot_general3A_39 : vector<200x128xf32>
    %get3A_41 = arith.constant 0 : index
    %get3A_42 = arith.constant 0 : index
    %get3A_43 = vector.load %arg9[%get3A_41, %get3A_42] : memref<1x128xf32, #tpu.memory_space<vmem>>, vector<1x128xf32>
    %add3A_44 = vector.broadcast %get3A_43 : vector<1x128xf32> to vector<200x128xf32>
    %add3A_45 = arith.addf %add3A_40, %add3A_44 : vector<200x128xf32>
    %tanh3A_46 = math.tanh %add3A_45 : vector<200x128xf32>
    %get3A_47 = arith.constant 0 : index
    %get3A_48 = arith.constant 0 : index
    %get3A_49 = vector.load %arg10[%get3A_47, %get3A_48] : memref<128x128xf32, #tpu.memory_space<vmem>>, vector<128x128xf32>
    %dot_general3A_50 = arith.constant dense<0.000000e+00> : vector<200x128xf32>
    %dot_general3A_51 = tpu.matmul %tanh3A, %get3A_49, %dot_general3A_50 {dimension_numbers = #tpu.dot_dimension_numbers<[1], [0], [0], [1], [0, 0, 1, 1], [], []>, transpose_lhs_hint = false} : vector<200x128xf32>, vector<128x128xf32>, vector<200x128xf32> -> vector<200x128xf32>
    %get3A_52 = arith.constant 0 : index
    %get3A_53 = arith.constant 0 : index
    %get3A_54 = vector.load %arg11[%get3A_52, %get3A_53] : memref<128x128xf32, #tpu.memory_space<vmem>>, vector<128x128xf32>
    %dot_general3A_55 = arith.constant dense<0.000000e+00> : vector<200x128xf32>
    %dot_general3A_56 = tpu.matmul %tanh3A_46, %get3A_54, %dot_general3A_55 {dimension_numbers = #tpu.dot_dimension_numbers<[1], [0], [0], [1], [0, 0, 1, 1], [], []>, transpose_lhs_hint = false} : vector<200x128xf32>, vector<128x128xf32>, vector<200x128xf32> -> vector<200x128xf32>
    %add3A_57 = arith.addf %dot_general3A_51, %dot_general3A_56 : vector<200x128xf32>
    %get3A_58 = arith.constant 0 : index
    %get3A_59 = arith.constant 0 : index
    %get3A_60 = vector.load %arg12[%get3A_58, %get3A_59] : memref<1x128xf32, #tpu.memory_space<vmem>>, vector<1x128xf32>
    %add3A_61 = vector.broadcast %get3A_60 : vector<1x128xf32> to vector<200x128xf32>
    %add3A_62 = arith.addf %add3A_57, %add3A_61 : vector<200x128xf32>
    %neg3A = arith.constant 0.000000e+00 : f32
    %neg3A_63 = vector.broadcast %neg3A : f32 to vector<200x128xf32>
    %neg3A_64 = arith.subf %neg3A_63, %add3A_62 : vector<200x128xf32>
    %exp3A = math.exp %neg3A_64 : vector<200x128xf32>
    %add3A_65 = arith.constant 1.000000e+00 : f32
    %add3A_66 = vector.broadcast %add3A_65 : f32 to vector<200x128xf32>
    %add3A_67 = arith.addf %add3A_66, %exp3A : vector<200x128xf32>
    %div3A = arith.constant 1.000000e+00 : f32
    %div3A_68 = vector.broadcast %div3A : f32 to vector<200x128xf32>
    %div3A_69 = arith.divf %div3A_68, %add3A_67 : vector<200x128xf32>
    %mul3A = arith.mulf %div3A_69, %tanh3A : vector<200x128xf32>
    %sub3A = arith.constant 1.000000e+00 : f32
    %sub3A_70 = vector.broadcast %sub3A : f32 to vector<200x128xf32>
    %sub3A_71 = arith.subf %sub3A_70, %div3A_69 : vector<200x128xf32>
    %mul3A_72 = arith.mulf %sub3A_71, %tanh3A_46 : vector<200x128xf32>
    %get3A_73 = arith.constant 0 : index
    %get3A_74 = arith.constant 0 : index
    %get3A_75 = arith.constant 0 : index
    %get3A_76 = vector.load %arg5[%get3A_73, %get3A_74, %get3A_75] : memref<1x199x384xf32, #tpu.memory_space<vmem>>, vector<1x199x384xf32>
    %get3A_77 = vector.shape_cast %get3A_76 : vector<1x199x384xf32> to vector<199x384xf32>
    %slice3A_78 = vector.extract_strided_slice %tanh3A {offsets = [0, 0], sizes = [199, 128], strides = [1, 1]} : vector<200x128xf32> to vector<199x128xf32>
    %slice3A_79 = vector.extract_strided_slice %tanh3A_46 {offsets = [0, 0], sizes = [199, 128], strides = [1, 1]} : vector<200x128xf32> to vector<199x128xf32>
    %slice3A_80 = vector.extract_strided_slice %mul3A {offsets = [0, 0], sizes = [199, 128], strides = [1, 1]} : vector<200x128xf32> to vector<199x128xf32>
    %slice3A_81 = vector.extract_strided_slice %mul3A_72 {offsets = [0, 0], sizes = [199, 128], strides = [1, 1]} : vector<200x128xf32> to vector<199x128xf32>
    %slice3A_82 = vector.extract_strided_slice %get3A_77 {offsets = [0, 0], sizes = [199, 128], strides = [1, 1]} : vector<199x384xf32> to vector<199x128xf32>
    %slice3A_83 = vector.extract_strided_slice %get3A_77 {offsets = [0, 128], sizes = [199, 128], strides = [1, 1]} : vector<199x384xf32> to vector<199x128xf32>
    %slice3A_84 = vector.extract_strided_slice %get3A_77 {offsets = [0, 256], sizes = [199, 1], strides = [1, 1]} : vector<199x384xf32> to vector<199x1xf32>
    %slice3A_85 = vector.extract_strided_slice %get3A_77 {offsets = [0, 257], sizes = [199, 1], strides = [1, 1]} : vector<199x384xf32> to vector<199x1xf32>
    %bitcast_convert_type3A = tpu.bitcast %slice3A_82 : vector<199x128xf32> -> vector<199x128xi32>
    %and3A = arith.constant -65536 : i32
    %and3A_86 = vector.broadcast %and3A : i32 to vector<199x128xi32>
    %and3A_87 = arith.andi %bitcast_convert_type3A, %and3A_86 : vector<199x128xi32>
    %bitcast_convert_type3A_88 = tpu.bitcast %and3A_87 : vector<199x128xi32> -> vector<199x128xf32>
    %mul3A_89 = arith.mulf %slice3A_78, %bitcast_convert_type3A_88 : vector<199x128xf32>
    %reduce_sum3A = arith.constant dense<0.000000e+00> : vector<199xf32>
    %reduce_sum3A_90 = vector.multi_reduction <add>, %mul3A_89, %reduce_sum3A [1] : vector<199x128xf32> to vector<199xf32>
    %broadcast_in_dim3A = vector.shape_cast %reduce_sum3A_90 : vector<199xf32> to vector<199x1xf32>
    %bitcast_convert_type3A_91 = tpu.bitcast %slice3A_84 : vector<199x1xf32> -> vector<199x1xi32>
    %and3A_92 = arith.constant -65536 : i32
    %and3A_93 = vector.broadcast %and3A_92 : i32 to vector<199x1xi32>
    %and3A_94 = arith.andi %bitcast_convert_type3A_91, %and3A_93 : vector<199x1xi32>
    %bitcast_convert_type3A_95 = tpu.bitcast %and3A_94 : vector<199x1xi32> -> vector<199x1xf32>
    %add3A_96 = arith.addf %broadcast_in_dim3A, %bitcast_convert_type3A_95 : vector<199x1xf32>
    %swap3A = arith.constant 0 : index
    %swap3A_97 = arith.constant 0 : index
    %swap3A_98 = arith.constant 0 : index
    %swap3A_99 = vector.load %arg13[%swap3A, %swap3A_97, %swap3A_98] : memref<1x199x1xf32, #tpu.memory_space<vmem>>, vector<1x199x1xf32>
    %swap3A_100 = vector.shape_cast %swap3A_99 : vector<1x199x1xf32> to vector<199x1xf32>
    %swap3A_101 = vector.shape_cast %add3A_96 : vector<199x1xf32> to vector<1x199x1xf32>
    tpu.vector_store %arg13[%swap3A, %swap3A_97, %swap3A_98], %swap3A_101 {strides = array<i32>} : memref<1x199x1xf32, #tpu.memory_space<vmem>>, vector<1x199x1xf32>,
    %bitcast_convert_type3A_102 = tpu.bitcast %slice3A_82 : vector<199x128xf32> -> vector<199x128xi32>
    %shift_left3A = arith.constant 16 : i32
    %shift_left3A_103 = vector.broadcast %shift_left3A : i32 to vector<199x128xi32>
    %shift_left3A_104 = arith.shli %bitcast_convert_type3A_102, %shift_left3A_103 : vector<199x128xi32>
    %bitcast_convert_type3A_105 = tpu.bitcast %shift_left3A_104 : vector<199x128xi32> -> vector<199x128xf32>
    %mul3A_106 = arith.mulf %slice3A_79, %bitcast_convert_type3A_105 : vector<199x128xf32>
    %reduce_sum3A_107 = arith.constant dense<0.000000e+00> : vector<199xf32>
    %reduce_sum3A_108 = vector.multi_reduction <add>, %mul3A_106, %reduce_sum3A_107 [1] : vector<199x128xf32> to vector<199xf32>
    %broadcast_in_dim3A_109 = vector.shape_cast %reduce_sum3A_108 : vector<199xf32> to vector<199x1xf32>
    %bitcast_convert_type3A_110 = tpu.bitcast %slice3A_84 : vector<199x1xf32> -> vector<199x1xi32>
    %shift_left3A_111 = arith.constant 16 : i32
    %shift_left3A_112 = vector.broadcast %shift_left3A_111 : i32 to vector<199x1xi32>
    %shift_left3A_113 = arith.shli %bitcast_convert_type3A_110, %shift_left3A_112 : vector<199x1xi32>
    %bitcast_convert_type3A_114 = tpu.bitcast %shift_left3A_113 : vector<199x1xi32> -> vector<199x1xf32>
    %add3A_115 = arith.addf %broadcast_in_dim3A_109, %bitcast_convert_type3A_114 : vector<199x1xf32>
    %swap3A_116 = arith.constant 0 : index
    %swap3A_117 = arith.constant 0 : index
    %swap3A_118 = arith.constant 0 : index
    %swap3A_119 = vector.load %arg14[%swap3A_116, %swap3A_117, %swap3A_118] : memref<1x199x1xf32, #tpu.memory_space<vmem>>, vector<1x199x1xf32>
    %swap3A_120 = vector.shape_cast %swap3A_119 : vector<1x199x1xf32> to vector<199x1xf32>
    %swap3A_121 = vector.shape_cast %add3A_115 : vector<199x1xf32> to vector<1x199x1xf32>
    tpu.vector_store %arg14[%swap3A_116, %swap3A_117, %swap3A_118], %swap3A_121 {strides = array<i32>} : memref<1x199x1xf32, #tpu.memory_space<vmem>>, vector<1x199x1xf32>,
    %bitcast_convert_type3A_122 = tpu.bitcast %slice3A_83 : vector<199x128xf32> -> vector<199x128xi32>
    %and3A_123 = arith.constant -65536 : i32
    %and3A_124 = vector.broadcast %and3A_123 : i32 to vector<199x128xi32>
    %and3A_125 = arith.andi %bitcast_convert_type3A_122, %and3A_124 : vector<199x128xi32>
    %bitcast_convert_type3A_126 = tpu.bitcast %and3A_125 : vector<199x128xi32> -> vector<199x128xf32>
    %mul3A_127 = arith.mulf %slice3A_80, %bitcast_convert_type3A_126 : vector<199x128xf32>
    %reduce_sum3A_128 = arith.constant dense<0.000000e+00> : vector<199xf32>
    %reduce_sum3A_129 = vector.multi_reduction <add>, %mul3A_127, %reduce_sum3A_128 [1] : vector<199x128xf32> to vector<199xf32>
    %broadcast_in_dim3A_130 = vector.shape_cast %reduce_sum3A_129 : vector<199xf32> to vector<199x1xf32>
    %bitcast_convert_type3A_131 = tpu.bitcast %slice3A_83 : vector<199x128xf32> -> vector<199x128xi32>
    %shift_left3A_132 = arith.constant 16 : i32
    %shift_left3A_133 = vector.broadcast %shift_left3A_132 : i32 to vector<199x128xi32>
    %shift_left3A_134 = arith.shli %bitcast_convert_type3A_131, %shift_left3A_133 : vector<199x128xi32>
    %bitcast_convert_type3A_135 = tpu.bitcast %shift_left3A_134 : vector<199x128xi32> -> vector<199x128xf32>
    %mul3A_136 = arith.mulf %slice3A_81, %bitcast_convert_type3A_135 : vector<199x128xf32>
    %reduce_sum3A_137 = arith.constant dense<0.000000e+00> : vector<199xf32>
    %reduce_sum3A_138 = vector.multi_reduction <add>, %mul3A_136, %reduce_sum3A_137 [1] : vector<199x128xf32> to vector<199xf32>
    %broadcast_in_dim3A_139 = vector.shape_cast %reduce_sum3A_138 : vector<199xf32> to vector<199x1xf32>
    %add3A_140 = arith.addf %broadcast_in_dim3A_130, %broadcast_in_dim3A_139 : vector<199x1xf32>
    %bitcast_convert_type3A_141 = tpu.bitcast %slice3A_85 : vector<199x1xf32> -> vector<199x1xi32>
    %and3A_142 = arith.constant -65536 : i32
    %and3A_143 = vector.broadcast %and3A_142 : i32 to vector<199x1xi32>
    %and3A_144 = arith.andi %bitcast_convert_type3A_141, %and3A_143 : vector<199x1xi32>
    %bitcast_convert_type3A_145 = tpu.bitcast %and3A_144 : vector<199x1xi32> -> vector<199x1xf32>
    %add3A_146 = arith.addf %add3A_140, %bitcast_convert_type3A_145 : vector<199x1xf32>
    %swap3A_147 = arith.constant 0 : index
    %swap3A_148 = arith.constant 0 : index
    %swap3A_149 = arith.constant 0 : index
    %swap3A_150 = vector.load %arg15[%swap3A_147, %swap3A_148, %swap3A_149] : memref<1x199x1xf32, #tpu.memory_space<vmem>>, vector<1x199x1xf32>
    %swap3A_151 = vector.shape_cast %swap3A_150 : vector<1x199x1xf32> to vector<199x1xf32>
    %swap3A_152 = vector.shape_cast %add3A_146 : vector<199x1xf32> to vector<1x199x1xf32>
    tpu.vector_store %arg15[%swap3A_147, %swap3A_148, %swap3A_149], %swap3A_152 {strides = array<i32>} : memref<1x199x1xf32, #tpu.memory_space<vmem>>, vector<1x199x1xf32>,
    return
  }
  func.func @transform_0(%arg0: i32) -> (i32, i32, i32) {
    %c0_i32 = arith.constant 0 : i32
    %c0_i32_0 = arith.constant 0 : i32
    %c0_i32_1 = arith.constant 0 : i32
    return %arg0, %c0_i32, %c0_i32_0 : i32, i32, i32
  }
  func.func @transform_1(%arg0: i32) -> (i32, i32, i32) {
    %c0_i32 = arith.constant 0 : i32
    %c0_i32_0 = arith.constant 0 : i32
    %c0_i32_1 = arith.constant 0 : i32
    return %arg0, %c0_i32, %c0_i32_0 : i32, i32, i32
  }
  func.func @transform_2(%arg0: i32) -> (i32, i32, i32) {
    %c0_i32 = arith.constant 0 : i32
    %c0_i32_0 = arith.constant 0 : i32
    %c0_i32_1 = arith.constant 0 : i32
    return %arg0, %c0_i32, %c0_i32_0 : i32, i32, i32
  }
  func.func @transform_3(%arg0: i32) -> (i32, i32, i32) {
    %c0_i32 = arith.constant 0 : i32
    %c0_i32_0 = arith.constant 0 : i32
    %c0_i32_1 = arith.constant 0 : i32
    return %arg0, %c0_i32, %c0_i32_0 : i32, i32, i32
  }
  func.func @transform_4(%arg0: i32) -> (i32, i32, i32) {
    %c0_i32 = arith.constant 0 : i32
    %c0_i32_0 = arith.constant 0 : i32
    %c0_i32_1 = arith.constant 0 : i32
    return %arg0, %c0_i32, %c0_i32_0 : i32, i32, i32
  }
  func.func @transform_5(%arg0: i32) -> (i32, i32) {
    %c0_i32 = arith.constant 0 : i32
    %c0_i32_0 = arith.constant 0 : i32
    %c0_i32_1 = arith.constant 0 : i32
    return %c0_i32, %c0_i32_0 : i32, i32
  }
  func.func @transform_6(%arg0: i32) -> (i32, i32) {
    %c0_i32 = arith.constant 0 : i32
    %c0_i32_0 = arith.constant 0 : i32
    %c0_i32_1 = arith.constant 0 : i32
    return %c0_i32, %c0_i32_0 : i32, i32
  }
  func.func @transform_7(%arg0: i32) -> (i32, i32) {
    %c0_i32 = arith.constant 0 : i32
    %c0_i32_0 = arith.constant 0 : i32
    %c0_i32_1 = arith.constant 0 : i32
    return %c0_i32, %c0_i32_0 : i32, i32
  }
  func.func @transform_8(%arg0: i32) -> (i32, i32) {
    %c0_i32 = arith.constant 0 : i32
    %c0_i32_0 = arith.constant 0 : i32
    %c0_i32_1 = arith.constant 0 : i32
    return %c0_i32, %c0_i32_0 : i32, i32
  }
  func.func @transform_9(%arg0: i32) -> (i32, i32) {
    %c0_i32 = arith.constant 0 : i32
    %c0_i32_0 = arith.constant 0 : i32
    %c0_i32_1 = arith.constant 0 : i32
    return %c0_i32, %c0_i32_0 : i32, i32
  }
  func.func @transform_10(%arg0: i32) -> (i32, i32) {
    %c0_i32 = arith.constant 0 : i32
    %c0_i32_0 = arith.constant 0 : i32
    %c0_i32_1 = arith.constant 0 : i32
    return %c0_i32, %c0_i32_0 : i32, i32
  }
  func.func @transform_11(%arg0: i32) -> (i32, i32) {
    %c0_i32 = arith.constant 0 : i32
    %c0_i32_0 = arith.constant 0 : i32
    %c0_i32_1 = arith.constant 0 : i32
    return %c0_i32, %c0_i32_0 : i32, i32
  }
  func.func @transform_12(%arg0: i32) -> (i32, i32, i32) {
    %c0_i32 = arith.constant 0 : i32
    %c0_i32_0 = arith.constant 0 : i32
    %c0_i32_1 = arith.constant 0 : i32
    return %arg0, %c0_i32, %c0_i32_0 : i32, i32, i32
  }
  func.func @transform_13(%arg0: i32) -> (i32, i32, i32) {
    %c0_i32 = arith.constant 0 : i32
    %c0_i32_0 = arith.constant 0 : i32
    %c0_i32_1 = arith.constant 0 : i32
    return %arg0, %c0_i32, %c0_i32_0 : i32, i32, i32
  }
  func.func @transform_14(%arg0: i32) -> (i32, i32, i32) {
    %c0_i32 = arith.constant 0 : i32
    %c0_i32_0 = arith.constant 0 : i32
    %c0_i32_1 = arith.constant 0 : i32
    return %arg0, %c0_i32, %c0_i32_0 : i32, i32, i32
  }
}

module attributes {stable_mosaic.version = 14 : i64} {
  func.func @_scan_body(%arg0: i32, %arg1: memref<32x128xf32, #tpu.memory_space<vmem>>, %arg2: memref<16x40x32xf32, #tpu.memory_space<vmem>>, %arg3: memref<16x40x128xf32, #tpu.memory_space<vmem>>, %arg4: memref<16x40x128xf32, #tpu.memory_space<vmem>>, %arg5: memref<16x40x32xf32, #tpu.memory_space<vmem>>, %arg6: memref<16x40x128xf32, #tpu.memory_space<vmem>>, %arg7: memref<16x40x128xf32, #tpu.memory_space<vmem>>, %arg8: memref<16x40x128xf32, #tpu.memory_space<vmem>>, %arg9: memref<16x40x128xf32, #tpu.memory_space<vmem>>, %arg10: memref<2x16x32x128xf32, #tpu.memory_space<vmem>>) attributes {dimension_semantics = [#tpu.dimension_semantics<arbitrary>], iteration_bounds = array<i64: 5>, scalar_prefetch = 0 : i64, scratch_operands = 1 : i64, tpu.core_type = #tpu.core_type<tc>, window_params = [{pipeline_mode = #tpu.pipeline_mode<synchronous>, transform_indices = @transform_0, window_bounds = array<i64: 32, 128>}, {transform_indices = @transform_1, window_bounds = array<i64: 16, 40, 32>}, {transform_indices = @transform_2, window_bounds = array<i64: 16, 40, 128>}, {transform_indices = @transform_3, window_bounds = array<i64: 16, 40, 128>}, {transform_indices = @transform_4, window_bounds = array<i64: 16, 40, 32>}, {transform_indices = @transform_5, window_bounds = array<i64: 16, 40, 128>}, {transform_indices = @transform_6, window_bounds = array<i64: 16, 40, 128>}, {transform_indices = @transform_7, window_bounds = array<i64: 16, 40, 128>}, {transform_indices = @transform_8, window_bounds = array<i64: 16, 40, 128>}]} {
    %eq3A = arith.constant 0 : i32
    %eq3A_0 = arith.cmpi eq, %arg0, %eq3A : i32
    %convert_element_type3A = arith.extui %eq3A_0 : i1 to i32
    %cond3A = arith.constant 0 : i32
    %cond3A_1 = arith.cmpi ne, %convert_element_type3A, %cond3A : i32
    scf.if %cond3A_1 {
      %get3A_3915 = arith.constant 0 : index
      %get3A_3916 = arith.constant 0 : index
      %get3A_3917 = vector.load %arg1[%get3A_3915, %get3A_3916] : memref<32x128xf32, #tpu.memory_space<vmem>>, vector<32x128xf32>
      %broadcast_in_dim3A_3918 = vector.shape_cast %get3A_3917 : vector<32x128xf32> to vector<1x1x32x128xf32>
      %broadcast_in_dim3A_3919 = vector.shape_cast %broadcast_in_dim3A_3918 : vector<1x1x32x128xf32> to vector<1x1x32x128xf32>
      %broadcast_in_dim3A_3920 = vector.broadcast %broadcast_in_dim3A_3919 : vector<1x1x32x128xf32> to vector<2x16x32x128xf32>
      %swap3A_3921 = arith.constant 0 : index
      %swap3A_3922 = arith.constant 0 : index
      %swap3A_3923 = arith.constant 0 : index
      %swap3A_3924 = arith.constant 0 : index
      %swap3A_3925 = vector.load %arg10[%swap3A_3921, %swap3A_3922, %swap3A_3923, %swap3A_3924] : memref<2x16x32x128xf32, #tpu.memory_space<vmem>>, vector<2x16x32x128xf32>
      tpu.vector_store %arg10[%swap3A_3921, %swap3A_3922, %swap3A_3923, %swap3A_3924], %broadcast_in_dim3A_3920 {strides = array<i32>} : memref<2x16x32x128xf32, #tpu.memory_space<vmem>>, vector<2x16x32x128xf32>,
    } else {
    }
    %get3A = arith.constant 0 : index
    %get3A_2 = arith.constant 0 : index
    %get3A_3 = arith.constant 0 : index
    %get3A_4 = arith.constant 0 : index
    %get3A_5 = vector.load %arg10[%get3A, %get3A_2, %get3A_3, %get3A_4] : memref<2x16x32x128xf32, #tpu.memory_space<vmem>>, vector<1x16x32x128xf32>
    %get3A_6 = vector.shape_cast %get3A_5 : vector<1x16x32x128xf32> to vector<16x32x128xf32>
    %get3A_7 = arith.constant 0 : index
    %get3A_8 = arith.constant 0 : index
    %get3A_9 = arith.constant 0 : index
    %get3A_10 = vector.load %arg2[%get3A_7, %get3A_8, %get3A_9] : memref<16x40x32xf32, #tpu.memory_space<vmem>>, vector<16x1x32xf32>
    %get3A_11 = vector.shape_cast %get3A_10 : vector<16x1x32xf32> to vector<16x32xf32>
    %get3A_12 = arith.constant 0 : index
    %get3A_13 = arith.constant 0 : index
    %get3A_14 = arith.constant 0 : index
    %get3A_15 = vector.load %arg3[%get3A_12, %get3A_13, %get3A_14] : memref<16x40x128xf32, #tpu.memory_space<vmem>>, vector<16x1x128xf32>
    %get3A_16 = vector.shape_cast %get3A_15 : vector<16x1x128xf32> to vector<16x128xf32>
    %get3A_17 = arith.constant 0 : index
    %get3A_18 = arith.constant 0 : index
    %get3A_19 = arith.constant 0 : index
    %get3A_20 = vector.load %arg4[%get3A_17, %get3A_18, %get3A_19] : memref<16x40x128xf32, #tpu.memory_space<vmem>>, vector<16x1x128xf32>
    %get3A_21 = vector.shape_cast %get3A_20 : vector<16x1x128xf32> to vector<16x128xf32>
    %broadcast_in_dim3A = vector.shape_cast %get3A_11 : vector<16x32xf32> to vector<16x32x1xf32>
    %mul3A = vector.broadcast %broadcast_in_dim3A : vector<16x32x1xf32> to vector<16x32x128xf32>
    %mul3A_22 = arith.mulf %get3A_6, %mul3A : vector<16x32x128xf32>
    %reduce_sum3A = arith.constant dense<0.000000e+00> : vector<16x128xf32>
    %reduce_sum3A_23 = vector.multi_reduction <add>, %mul3A_22, %reduce_sum3A [1] : vector<16x32x128xf32> to vector<16x128xf32>
    %swap3A = arith.constant 0 : index
    %swap3A_24 = arith.constant 0 : index
    %swap3A_25 = arith.constant 0 : index
    %swap3A_26 = vector.load %arg8[%swap3A, %swap3A_24, %swap3A_25] : memref<16x40x128xf32, #tpu.memory_space<vmem>>, vector<16x1x128xf32>
    %swap3A_27 = vector.shape_cast %swap3A_26 : vector<16x1x128xf32> to vector<16x128xf32>
    %swap3A_28 = vector.shape_cast %reduce_sum3A_23 : vector<16x128xf32> to vector<16x1x128xf32>
    tpu.vector_store %arg8[%swap3A, %swap3A_24, %swap3A_25], %swap3A_28 {strides = array<i32>} : memref<16x40x128xf32, #tpu.memory_space<vmem>>, vector<16x1x128xf32>,
    %broadcast_in_dim3A_29 = vector.shape_cast %get3A_16 : vector<16x128xf32> to vector<16x1x128xf32>
    %mul3A_30 = vector.broadcast %broadcast_in_dim3A_29 : vector<16x1x128xf32> to vector<16x32x128xf32>
    %mul3A_31 = arith.mulf %mul3A_22, %mul3A_30 : vector<16x32x128xf32>
    %sub3A = arith.subf %get3A_6, %mul3A_31 : vector<16x32x128xf32>
    %broadcast_in_dim3A_32 = vector.shape_cast %get3A_11 : vector<16x32xf32> to vector<16x32x1xf32>
    %broadcast_in_dim3A_33 = vector.shape_cast %get3A_21 : vector<16x128xf32> to vector<16x1x128xf32>
    %mul3A_34 = vector.broadcast %broadcast_in_dim3A_32 : vector<16x32x1xf32> to vector<16x32x128xf32>
    %mul3A_35 = vector.broadcast %broadcast_in_dim3A_33 : vector<16x1x128xf32> to vector<16x32x128xf32>
    %mul3A_36 = arith.mulf %mul3A_34, %mul3A_35 : vector<16x32x128xf32>
    %add3A = arith.addf %sub3A, %mul3A_36 : vector<16x32x128xf32>
    %swap3A_37 = arith.constant 0 : index
    %swap3A_38 = arith.constant 0 : index
    %swap3A_39 = arith.constant 0 : index
    %swap3A_40 = arith.constant 0 : index
    %swap3A_41 = vector.load %arg10[%swap3A_37, %swap3A_38, %swap3A_39, %swap3A_40] : memref<2x16x32x128xf32, #tpu.memory_space<vmem>>, vector<1x16x32x128xf32>
    %swap3A_42 = vector.shape_cast %swap3A_41 : vector<1x16x32x128xf32> to vector<16x32x128xf32>
    %swap3A_43 = vector.shape_cast %add3A : vector<16x32x128xf32> to vector<1x16x32x128xf32>
    tpu.vector_store %arg10[%swap3A_37, %swap3A_38, %swap3A_39, %swap3A_40], %swap3A_43 {strides = array<i32>} : memref<2x16x32x128xf32, #tpu.memory_space<vmem>>, vector<1x16x32x128xf32>,
    %get3A_44 = arith.constant 1 : index
    %get3A_45 = arith.constant 0 : index
    %get3A_46 = arith.constant 0 : index
    %get3A_47 = arith.constant 0 : index
    %get3A_48 = vector.load %arg10[%get3A_44, %get3A_45, %get3A_46, %get3A_47] : memref<2x16x32x128xf32, #tpu.memory_space<vmem>>, vector<1x16x32x128xf32>
    %get3A_49 = vector.shape_cast %get3A_48 : vector<1x16x32x128xf32> to vector<16x32x128xf32>
    %get3A_50 = arith.constant 0 : index
    %get3A_51 = arith.constant 0 : index
    %get3A_52 = arith.constant 0 : index
    %get3A_53 = vector.load %arg5[%get3A_50, %get3A_51, %get3A_52] : memref<16x40x32xf32, #tpu.memory_space<vmem>>, vector<16x1x32xf32>
    %get3A_54 = vector.shape_cast %get3A_53 : vector<16x1x32xf32> to vector<16x32xf32>
    %get3A_55 = arith.constant 0 : index
    %get3A_56 = arith.constant 0 : index
    %get3A_57 = arith.constant 0 : index
    %get3A_58 = vector.load %arg6[%get3A_55, %get3A_56, %get3A_57] : memref<16x40x128xf32, #tpu.memory_space<vmem>>, vector<16x1x128xf32>
    %get3A_59 = vector.shape_cast %get3A_58 : vector<16x1x128xf32> to vector<16x128xf32>
    %get3A_60 = arith.constant 0 : index
    %get3A_61 = arith.constant 0 : index
    %get3A_62 = arith.constant 0 : index
    %get3A_63 = vector.load %arg7[%get3A_60, %get3A_61, %get3A_62] : memref<16x40x128xf32, #tpu.memory_space<vmem>>, vector<16x1x128xf32>
    %get3A_64 = vector.shape_cast %get3A_63 : vector<16x1x128xf32> to vector<16x128xf32>
    %broadcast_in_dim3A_65 = vector.shape_cast %get3A_54 : vector<16x32xf32> to vector<16x32x1xf32>
    %mul3A_66 = vector.broadcast %broadcast_in_dim3A_65 : vector<16x32x1xf32> to vector<16x32x128xf32>
    %mul3A_67 = arith.mulf %get3A_49, %mul3A_66 : vector<16x32x128xf32>
    %reduce_sum3A_68 = arith.constant dense<0.000000e+00> : vector<16x128xf32>
    %reduce_sum3A_69 = vector.multi_reduction <add>, %mul3A_67, %reduce_sum3A_68 [1] : vector<16x32x128xf32> to vector<16x128xf32>
    %swap3A_70 = arith.constant 0 : index
    %swap3A_71 = arith.constant 0 : index
    %swap3A_72 = arith.constant 0 : index
    %swap3A_73 = vector.load %arg9[%swap3A_70, %swap3A_71, %swap3A_72] : memref<16x40x128xf32, #tpu.memory_space<vmem>>, vector<16x1x128xf32>
    %swap3A_74 = vector.shape_cast %swap3A_73 : vector<16x1x128xf32> to vector<16x128xf32>
    %swap3A_75 = vector.shape_cast %reduce_sum3A_69 : vector<16x128xf32> to vector<16x1x128xf32>
    tpu.vector_store %arg9[%swap3A_70, %swap3A_71, %swap3A_72], %swap3A_75 {strides = array<i32>} : memref<16x40x128xf32, #tpu.memory_space<vmem>>, vector<16x1x128xf32>,
    %broadcast_in_dim3A_76 = vector.shape_cast %get3A_59 : vector<16x128xf32> to vector<16x1x128xf32>
    %mul3A_77 = vector.broadcast %broadcast_in_dim3A_76 : vector<16x1x128xf32> to vector<16x32x128xf32>
    %mul3A_78 = arith.mulf %mul3A_67, %mul3A_77 : vector<16x32x128xf32>
    %sub3A_79 = arith.subf %get3A_49, %mul3A_78 : vector<16x32x128xf32>
    %broadcast_in_dim3A_80 = vector.shape_cast %get3A_54 : vector<16x32xf32> to vector<16x32x1xf32>
    %broadcast_in_dim3A_81 = vector.shape_cast %get3A_64 : vector<16x128xf32> to vector<16x1x128xf32>
    %mul3A_82 = vector.broadcast %broadcast_in_dim3A_80 : vector<16x32x1xf32> to vector<16x32x128xf32>
    %mul3A_83 = vector.broadcast %broadcast_in_dim3A_81 : vector<16x1x128xf32> to vector<16x32x128xf32>
    %mul3A_84 = arith.mulf %mul3A_82, %mul3A_83 : vector<16x32x128xf32>
    %add3A_85 = arith.addf %sub3A_79, %mul3A_84 : vector<16x32x128xf32>
    %swap3A_86 = arith.constant 1 : index
    %swap3A_87 = arith.constant 0 : index
    %swap3A_88 = arith.constant 0 : index
    %swap3A_89 = arith.constant 0 : index
    %swap3A_90 = vector.load %arg10[%swap3A_86, %swap3A_87, %swap3A_88, %swap3A_89] : memref<2x16x32x128xf32, #tpu.memory_space<vmem>>, vector<1x16x32x128xf32>
    %swap3A_91 = vector.shape_cast %swap3A_90 : vector<1x16x32x128xf32> to vector<16x32x128xf32>
    %swap3A_92 = vector.shape_cast %add3A_85 : vector<16x32x128xf32> to vector<1x16x32x128xf32>
    tpu.vector_store %arg10[%swap3A_86, %swap3A_87, %swap3A_88, %swap3A_89], %swap3A_92 {strides = array<i32>} : memref<2x16x32x128xf32, #tpu.memory_space<vmem>>, vector<1x16x32x128xf32>,
    %get3A_93 = arith.constant 0 : index
    %get3A_94 = arith.constant 0 : index
    %get3A_95 = arith.constant 0 : index
    %get3A_96 = arith.constant 0 : index
    %get3A_97 = vector.load %arg10[%get3A_93, %get3A_94, %get3A_95, %get3A_96] : memref<2x16x32x128xf32, #tpu.memory_space<vmem>>, vector<1x16x32x128xf32>
    %get3A_98 = vector.shape_cast %get3A_97 : vector<1x16x32x128xf32> to vector<16x32x128xf32>
    %get3A_99 = arith.constant 0 : index
    %get3A_100 = arith.constant 1 : index
    %get3A_101 = arith.constant 0 : index
    %get3A_102 = vector.load %arg2[%get3A_99, %get3A_100, %get3A_101] : memref<16x40x32xf32, #tpu.memory_space<vmem>>, vector<16x1x32xf32>
    %get3A_103 = vector.shape_cast %get3A_102 : vector<16x1x32xf32> to vector<16x32xf32>
    %get3A_104 = arith.constant 0 : index
    %get3A_105 = arith.constant 1 : index
    %get3A_106 = arith.constant 0 : index
    %get3A_107 = vector.load %arg3[%get3A_104, %get3A_105, %get3A_106] : memref<16x40x128xf32, #tpu.memory_space<vmem>>, vector<16x1x128xf32>
    %get3A_108 = vector.shape_cast %get3A_107 : vector<16x1x128xf32> to vector<16x128xf32>
    %get3A_109 = arith.constant 0 : index
    %get3A_110 = arith.constant 1 : index
    %get3A_111 = arith.constant 0 : index
    %get3A_112 = vector.load %arg4[%get3A_109, %get3A_110, %get3A_111] : memref<16x40x128xf32, #tpu.memory_space<vmem>>, vector<16x1x128xf32>
    %get3A_113 = vector.shape_cast %get3A_112 : vector<16x1x128xf32> to vector<16x128xf32>
    %broadcast_in_dim3A_114 = vector.shape_cast %get3A_103 : vector<16x32xf32> to vector<16x32x1xf32>
    %mul3A_115 = vector.broadcast %broadcast_in_dim3A_114 : vector<16x32x1xf32> to vector<16x32x128xf32>
    %mul3A_116 = arith.mulf %get3A_98, %mul3A_115 : vector<16x32x128xf32>
    %reduce_sum3A_117 = arith.constant dense<0.000000e+00> : vector<16x128xf32>
    %reduce_sum3A_118 = vector.multi_reduction <add>, %mul3A_116, %reduce_sum3A_117 [1] : vector<16x32x128xf32> to vector<16x128xf32>
    %swap3A_119 = arith.constant 0 : index
    %swap3A_120 = arith.constant 1 : index
    %swap3A_121 = arith.constant 0 : index
    %swap3A_122 = vector.load %arg8[%swap3A_119, %swap3A_120, %swap3A_121] : memref<16x40x128xf32, #tpu.memory_space<vmem>>, vector<16x1x128xf32>
    %swap3A_123 = vector.shape_cast %swap3A_122 : vector<16x1x128xf32> to vector<16x128xf32>
    %swap3A_124 = vector.shape_cast %reduce_sum3A_118 : vector<16x128xf32> to vector<16x1x128xf32>
    tpu.vector_store %arg8[%swap3A_119, %swap3A_120, %swap3A_121], %swap3A_124 {strides = array<i32>} : memref<16x40x128xf32, #tpu.memory_space<vmem>>, vector<16x1x128xf32>,
    %broadcast_in_dim3A_125 = vector.shape_cast %get3A_108 : vector<16x128xf32> to vector<16x1x128xf32>
    %mul3A_126 = vector.broadcast %broadcast_in_dim3A_125 : vector<16x1x128xf32> to vector<16x32x128xf32>
    %mul3A_127 = arith.mulf %mul3A_116, %mul3A_126 : vector<16x32x128xf32>
    %sub3A_128 = arith.subf %get3A_98, %mul3A_127 : vector<16x32x128xf32>
    %broadcast_in_dim3A_129 = vector.shape_cast %get3A_103 : vector<16x32xf32> to vector<16x32x1xf32>
    %broadcast_in_dim3A_130 = vector.shape_cast %get3A_113 : vector<16x128xf32> to vector<16x1x128xf32>
    %mul3A_131 = vector.broadcast %broadcast_in_dim3A_129 : vector<16x32x1xf32> to vector<16x32x128xf32>
    %mul3A_132 = vector.broadcast %broadcast_in_dim3A_130 : vector<16x1x128xf32> to vector<16x32x128xf32>
    %mul3A_133 = arith.mulf %mul3A_131, %mul3A_132 : vector<16x32x128xf32>
    %add3A_134 = arith.addf %sub3A_128, %mul3A_133 : vector<16x32x128xf32>
    %swap3A_135 = arith.constant 0 : index
    %swap3A_136 = arith.constant 0 : index
    %swap3A_137 = arith.constant 0 : index
    %swap3A_138 = arith.constant 0 : index
    %swap3A_139 = vector.load %arg10[%swap3A_135, %swap3A_136, %swap3A_137, %swap3A_138] : memref<2x16x32x128xf32, #tpu.memory_space<vmem>>, vector<1x16x32x128xf32>
    %swap3A_140 = vector.shape_cast %swap3A_139 : vector<1x16x32x128xf32> to vector<16x32x128xf32>
    %swap3A_141 = vector.shape_cast %add3A_134 : vector<16x32x128xf32> to vector<1x16x32x128xf32>
    tpu.vector_store %arg10[%swap3A_135, %swap3A_136, %swap3A_137, %swap3A_138], %swap3A_141 {strides = array<i32>} : memref<2x16x32x128xf32, #tpu.memory_space<vmem>>, vector<1x16x32x128xf32>,
    %get3A_142 = arith.constant 1 : index
    %get3A_143 = arith.constant 0 : index
    %get3A_144 = arith.constant 0 : index
    %get3A_145 = arith.constant 0 : index
    %get3A_146 = vector.load %arg10[%get3A_142, %get3A_143, %get3A_144, %get3A_145] : memref<2x16x32x128xf32, #tpu.memory_space<vmem>>, vector<1x16x32x128xf32>
    %get3A_147 = vector.shape_cast %get3A_146 : vector<1x16x32x128xf32> to vector<16x32x128xf32>
    %get3A_148 = arith.constant 0 : index
    %get3A_149 = arith.constant 1 : index
    %get3A_150 = arith.constant 0 : index
    %get3A_151 = vector.load %arg5[%get3A_148, %get3A_149, %get3A_150] : memref<16x40x32xf32, #tpu.memory_space<vmem>>, vector<16x1x32xf32>
    %get3A_152 = vector.shape_cast %get3A_151 : vector<16x1x32xf32> to vector<16x32xf32>
    %get3A_153 = arith.constant 0 : index
    %get3A_154 = arith.constant 1 : index
    %get3A_155 = arith.constant 0 : index
    %get3A_156 = vector.load %arg6[%get3A_153, %get3A_154, %get3A_155] : memref<16x40x128xf32, #tpu.memory_space<vmem>>, vector<16x1x128xf32>
    %get3A_157 = vector.shape_cast %get3A_156 : vector<16x1x128xf32> to vector<16x128xf32>
    %get3A_158 = arith.constant 0 : index
    %get3A_159 = arith.constant 1 : index
    %get3A_160 = arith.constant 0 : index
    %get3A_161 = vector.load %arg7[%get3A_158, %get3A_159, %get3A_160] : memref<16x40x128xf32, #tpu.memory_space<vmem>>, vector<16x1x128xf32>
    %get3A_162 = vector.shape_cast %get3A_161 : vector<16x1x128xf32> to vector<16x128xf32>
    %broadcast_in_dim3A_163 = vector.shape_cast %get3A_152 : vector<16x32xf32> to vector<16x32x1xf32>
    %mul3A_164 = vector.broadcast %broadcast_in_dim3A_163 : vector<16x32x1xf32> to vector<16x32x128xf32>
    %mul3A_165 = arith.mulf %get3A_147, %mul3A_164 : vector<16x32x128xf32>
    %reduce_sum3A_166 = arith.constant dense<0.000000e+00> : vector<16x128xf32>
    %reduce_sum3A_167 = vector.multi_reduction <add>, %mul3A_165, %reduce_sum3A_166 [1] : vector<16x32x128xf32> to vector<16x128xf32>
    %swap3A_168 = arith.constant 0 : index
    %swap3A_169 = arith.constant 1 : index
    %swap3A_170 = arith.constant 0 : index
    %swap3A_171 = vector.load %arg9[%swap3A_168, %swap3A_169, %swap3A_170] : memref<16x40x128xf32, #tpu.memory_space<vmem>>, vector<16x1x128xf32>
    %swap3A_172 = vector.shape_cast %swap3A_171 : vector<16x1x128xf32> to vector<16x128xf32>
    %swap3A_173 = vector.shape_cast %reduce_sum3A_167 : vector<16x128xf32> to vector<16x1x128xf32>
    tpu.vector_store %arg9[%swap3A_168, %swap3A_169, %swap3A_170], %swap3A_173 {strides = array<i32>} : memref<16x40x128xf32, #tpu.memory_space<vmem>>, vector<16x1x128xf32>,
    %broadcast_in_dim3A_174 = vector.shape_cast %get3A_157 : vector<16x128xf32> to vector<16x1x128xf32>
    %mul3A_175 = vector.broadcast %broadcast_in_dim3A_174 : vector<16x1x128xf32> to vector<16x32x128xf32>
    %mul3A_176 = arith.mulf %mul3A_165, %mul3A_175 : vector<16x32x128xf32>
    %sub3A_177 = arith.subf %get3A_147, %mul3A_176 : vector<16x32x128xf32>
    %broadcast_in_dim3A_178 = vector.shape_cast %get3A_152 : vector<16x32xf32> to vector<16x32x1xf32>
    %broadcast_in_dim3A_179 = vector.shape_cast %get3A_162 : vector<16x128xf32> to vector<16x1x128xf32>
    %mul3A_180 = vector.broadcast %broadcast_in_dim3A_178 : vector<16x32x1xf32> to vector<16x32x128xf32>
    %mul3A_181 = vector.broadcast %broadcast_in_dim3A_179 : vector<16x1x128xf32> to vector<16x32x128xf32>
    %mul3A_182 = arith.mulf %mul3A_180, %mul3A_181 : vector<16x32x128xf32>
    %add3A_183 = arith.addf %sub3A_177, %mul3A_182 : vector<16x32x128xf32>
    %swap3A_184 = arith.constant 1 : index
    %swap3A_185 = arith.constant 0 : index
    %swap3A_186 = arith.constant 0 : index
    %swap3A_187 = arith.constant 0 : index
    %swap3A_188 = vector.load %arg10[%swap3A_184, %swap3A_185, %swap3A_186, %swap3A_187] : memref<2x16x32x128xf32, #tpu.memory_space<vmem>>, vector<1x16x32x128xf32>
    %swap3A_189 = vector.shape_cast %swap3A_188 : vector<1x16x32x128xf32> to vector<16x32x128xf32>
    %swap3A_190 = vector.shape_cast %add3A_183 : vector<16x32x128xf32> to vector<1x16x32x128xf32>
    tpu.vector_store %arg10[%swap3A_184, %swap3A_185, %swap3A_186, %swap3A_187], %swap3A_190 {strides = array<i32>} : memref<2x16x32x128xf32, #tpu.memory_space<vmem>>, vector<1x16x32x128xf32>,
    %get3A_191 = arith.constant 0 : index
    %get3A_192 = arith.constant 0 : index
    %get3A_193 = arith.constant 0 : index
    %get3A_194 = arith.constant 0 : index
    %get3A_195 = vector.load %arg10[%get3A_191, %get3A_192, %get3A_193, %get3A_194] : memref<2x16x32x128xf32, #tpu.memory_space<vmem>>, vector<1x16x32x128xf32>
    %get3A_196 = vector.shape_cast %get3A_195 : vector<1x16x32x128xf32> to vector<16x32x128xf32>
    %get3A_197 = arith.constant 0 : index
    %get3A_198 = arith.constant 2 : index
    %get3A_199 = arith.constant 0 : index
    %get3A_200 = vector.load %arg2[%get3A_197, %get3A_198, %get3A_199] : memref<16x40x32xf32, #tpu.memory_space<vmem>>, vector<16x1x32xf32>
    %get3A_201 = vector.shape_cast %get3A_200 : vector<16x1x32xf32> to vector<16x32xf32>
    %get3A_202 = arith.constant 0 : index
    %get3A_203 = arith.constant 2 : index
    %get3A_204 = arith.constant 0 : index
    %get3A_205 = vector.load %arg3[%get3A_202, %get3A_203, %get3A_204] : memref<16x40x128xf32, #tpu.memory_space<vmem>>, vector<16x1x128xf32>
    %get3A_206 = vector.shape_cast %get3A_205 : vector<16x1x128xf32> to vector<16x128xf32>
    %get3A_207 = arith.constant 0 : index
    %get3A_208 = arith.constant 2 : index
    %get3A_209 = arith.constant 0 : index
    %get3A_210 = vector.load %arg4[%get3A_207, %get3A_208, %get3A_209] : memref<16x40x128xf32, #tpu.memory_space<vmem>>, vector<16x1x128xf32>
    %get3A_211 = vector.shape_cast %get3A_210 : vector<16x1x128xf32> to vector<16x128xf32>
    %broadcast_in_dim3A_212 = vector.shape_cast %get3A_201 : vector<16x32xf32> to vector<16x32x1xf32>
    %mul3A_213 = vector.broadcast %broadcast_in_dim3A_212 : vector<16x32x1xf32> to vector<16x32x128xf32>
    %mul3A_214 = arith.mulf %get3A_196, %mul3A_213 : vector<16x32x128xf32>
    %reduce_sum3A_215 = arith.constant dense<0.000000e+00> : vector<16x128xf32>
    %reduce_sum3A_216 = vector.multi_reduction <add>, %mul3A_214, %reduce_sum3A_215 [1] : vector<16x32x128xf32> to vector<16x128xf32>
    %swap3A_217 = arith.constant 0 : index
    %swap3A_218 = arith.constant 2 : index
    %swap3A_219 = arith.constant 0 : index
    %swap3A_220 = vector.load %arg8[%swap3A_217, %swap3A_218, %swap3A_219] : memref<16x40x128xf32, #tpu.memory_space<vmem>>, vector<16x1x128xf32>
    %swap3A_221 = vector.shape_cast %swap3A_220 : vector<16x1x128xf32> to vector<16x128xf32>
    %swap3A_222 = vector.shape_cast %reduce_sum3A_216 : vector<16x128xf32> to vector<16x1x128xf32>
    tpu.vector_store %arg8[%swap3A_217, %swap3A_218, %swap3A_219], %swap3A_222 {strides = array<i32>} : memref<16x40x128xf32, #tpu.memory_space<vmem>>, vector<16x1x128xf32>,
    %broadcast_in_dim3A_223 = vector.shape_cast %get3A_206 : vector<16x128xf32> to vector<16x1x128xf32>
    %mul3A_224 = vector.broadcast %broadcast_in_dim3A_223 : vector<16x1x128xf32> to vector<16x32x128xf32>
    %mul3A_225 = arith.mulf %mul3A_214, %mul3A_224 : vector<16x32x128xf32>
    %sub3A_226 = arith.subf %get3A_196, %mul3A_225 : vector<16x32x128xf32>
    %broadcast_in_dim3A_227 = vector.shape_cast %get3A_201 : vector<16x32xf32> to vector<16x32x1xf32>
    %broadcast_in_dim3A_228 = vector.shape_cast %get3A_211 : vector<16x128xf32> to vector<16x1x128xf32>
    %mul3A_229 = vector.broadcast %broadcast_in_dim3A_227 : vector<16x32x1xf32> to vector<16x32x128xf32>
    %mul3A_230 = vector.broadcast %broadcast_in_dim3A_228 : vector<16x1x128xf32> to vector<16x32x128xf32>
    %mul3A_231 = arith.mulf %mul3A_229, %mul3A_230 : vector<16x32x128xf32>
    %add3A_232 = arith.addf %sub3A_226, %mul3A_231 : vector<16x32x128xf32>
    %swap3A_233 = arith.constant 0 : index
    %swap3A_234 = arith.constant 0 : index
    %swap3A_235 = arith.constant 0 : index
    %swap3A_236 = arith.constant 0 : index
    %swap3A_237 = vector.load %arg10[%swap3A_233, %swap3A_234, %swap3A_235, %swap3A_236] : memref<2x16x32x128xf32, #tpu.memory_space<vmem>>, vector<1x16x32x128xf32>
    %swap3A_238 = vector.shape_cast %swap3A_237 : vector<1x16x32x128xf32> to vector<16x32x128xf32>
    %swap3A_239 = vector.shape_cast %add3A_232 : vector<16x32x128xf32> to vector<1x16x32x128xf32>
    tpu.vector_store %arg10[%swap3A_233, %swap3A_234, %swap3A_235, %swap3A_236], %swap3A_239 {strides = array<i32>} : memref<2x16x32x128xf32, #tpu.memory_space<vmem>>, vector<1x16x32x128xf32>,
    %get3A_240 = arith.constant 1 : index
    %get3A_241 = arith.constant 0 : index
    %get3A_242 = arith.constant 0 : index
    %get3A_243 = arith.constant 0 : index
    %get3A_244 = vector.load %arg10[%get3A_240, %get3A_241, %get3A_242, %get3A_243] : memref<2x16x32x128xf32, #tpu.memory_space<vmem>>, vector<1x16x32x128xf32>
    %get3A_245 = vector.shape_cast %get3A_244 : vector<1x16x32x128xf32> to vector<16x32x128xf32>
    %get3A_246 = arith.constant 0 : index
    %get3A_247 = arith.constant 2 : index
    %get3A_248 = arith.constant 0 : index
    %get3A_249 = vector.load %arg5[%get3A_246, %get3A_247, %get3A_248] : memref<16x40x32xf32, #tpu.memory_space<vmem>>, vector<16x1x32xf32>
    %get3A_250 = vector.shape_cast %get3A_249 : vector<16x1x32xf32> to vector<16x32xf32>
    %get3A_251 = arith.constant 0 : index
    %get3A_252 = arith.constant 2 : index
    %get3A_253 = arith.constant 0 : index
    %get3A_254 = vector.load %arg6[%get3A_251, %get3A_252, %get3A_253] : memref<16x40x128xf32, #tpu.memory_space<vmem>>, vector<16x1x128xf32>
    %get3A_255 = vector.shape_cast %get3A_254 : vector<16x1x128xf32> to vector<16x128xf32>
    %get3A_256 = arith.constant 0 : index
    %get3A_257 = arith.constant 2 : index
    %get3A_258 = arith.constant 0 : index
    %get3A_259 = vector.load %arg7[%get3A_256, %get3A_257, %get3A_258] : memref<16x40x128xf32, #tpu.memory_space<vmem>>, vector<16x1x128xf32>
    %get3A_260 = vector.shape_cast %get3A_259 : vector<16x1x128xf32> to vector<16x128xf32>
    %broadcast_in_dim3A_261 = vector.shape_cast %get3A_250 : vector<16x32xf32> to vector<16x32x1xf32>
    %mul3A_262 = vector.broadcast %broadcast_in_dim3A_261 : vector<16x32x1xf32> to vector<16x32x128xf32>
    %mul3A_263 = arith.mulf %get3A_245, %mul3A_262 : vector<16x32x128xf32>
    %reduce_sum3A_264 = arith.constant dense<0.000000e+00> : vector<16x128xf32>
    %reduce_sum3A_265 = vector.multi_reduction <add>, %mul3A_263, %reduce_sum3A_264 [1] : vector<16x32x128xf32> to vector<16x128xf32>
    %swap3A_266 = arith.constant 0 : index
    %swap3A_267 = arith.constant 2 : index
    %swap3A_268 = arith.constant 0 : index
    %swap3A_269 = vector.load %arg9[%swap3A_266, %swap3A_267, %swap3A_268] : memref<16x40x128xf32, #tpu.memory_space<vmem>>, vector<16x1x128xf32>
    %swap3A_270 = vector.shape_cast %swap3A_269 : vector<16x1x128xf32> to vector<16x128xf32>
    %swap3A_271 = vector.shape_cast %reduce_sum3A_265 : vector<16x128xf32> to vector<16x1x128xf32>
    tpu.vector_store %arg9[%swap3A_266, %swap3A_267, %swap3A_268], %swap3A_271 {strides = array<i32>} : memref<16x40x128xf32, #tpu.memory_space<vmem>>, vector<16x1x128xf32>,
    %broadcast_in_dim3A_272 = vector.shape_cast %get3A_255 : vector<16x128xf32> to vector<16x1x128xf32>
    %mul3A_273 = vector.broadcast %broadcast_in_dim3A_272 : vector<16x1x128xf32> to vector<16x32x128xf32>
    %mul3A_274 = arith.mulf %mul3A_263, %mul3A_273 : vector<16x32x128xf32>
    %sub3A_275 = arith.subf %get3A_245, %mul3A_274 : vector<16x32x128xf32>
    %broadcast_in_dim3A_276 = vector.shape_cast %get3A_250 : vector<16x32xf32> to vector<16x32x1xf32>
    %broadcast_in_dim3A_277 = vector.shape_cast %get3A_260 : vector<16x128xf32> to vector<16x1x128xf32>
    %mul3A_278 = vector.broadcast %broadcast_in_dim3A_276 : vector<16x32x1xf32> to vector<16x32x128xf32>
    %mul3A_279 = vector.broadcast %broadcast_in_dim3A_277 : vector<16x1x128xf32> to vector<16x32x128xf32>
    %mul3A_280 = arith.mulf %mul3A_278, %mul3A_279 : vector<16x32x128xf32>
    %add3A_281 = arith.addf %sub3A_275, %mul3A_280 : vector<16x32x128xf32>
    %swap3A_282 = arith.constant 1 : index
    %swap3A_283 = arith.constant 0 : index
    %swap3A_284 = arith.constant 0 : index
    %swap3A_285 = arith.constant 0 : index
    %swap3A_286 = vector.load %arg10[%swap3A_282, %swap3A_283, %swap3A_284, %swap3A_285] : memref<2x16x32x128xf32, #tpu.memory_space<vmem>>, vector<1x16x32x128xf32>
    %swap3A_287 = vector.shape_cast %swap3A_286 : vector<1x16x32x128xf32> to vector<16x32x128xf32>
    %swap3A_288 = vector.shape_cast %add3A_281 : vector<16x32x128xf32> to vector<1x16x32x128xf32>
    tpu.vector_store %arg10[%swap3A_282, %swap3A_283, %swap3A_284, %swap3A_285], %swap3A_288 {strides = array<i32>} : memref<2x16x32x128xf32, #tpu.memory_space<vmem>>, vector<1x16x32x128xf32>,
    %get3A_289 = arith.constant 0 : index
    %get3A_290 = arith.constant 0 : index
    %get3A_291 = arith.constant 0 : index
    %get3A_292 = arith.constant 0 : index
    %get3A_293 = vector.load %arg10[%get3A_289, %get3A_290, %get3A_291, %get3A_292] : memref<2x16x32x128xf32, #tpu.memory_space<vmem>>, vector<1x16x32x128xf32>
    %get3A_294 = vector.shape_cast %get3A_293 : vector<1x16x32x128xf32> to vector<16x32x128xf32>
    %get3A_295 = arith.constant 0 : index
    %get3A_296 = arith.constant 3 : index
    %get3A_297 = arith.constant 0 : index
    %get3A_298 = vector.load %arg2[%get3A_295, %get3A_296, %get3A_297] : memref<16x40x32xf32, #tpu.memory_space<vmem>>, vector<16x1x32xf32>
    %get3A_299 = vector.shape_cast %get3A_298 : vector<16x1x32xf32> to vector<16x32xf32>
    %get3A_300 = arith.constant 0 : index
    %get3A_301 = arith.constant 3 : index
    %get3A_302 = arith.constant 0 : index
    %get3A_303 = vector.load %arg3[%get3A_300, %get3A_301, %get3A_302] : memref<16x40x128xf32, #tpu.memory_space<vmem>>, vector<16x1x128xf32>
    %get3A_304 = vector.shape_cast %get3A_303 : vector<16x1x128xf32> to vector<16x128xf32>
    %get3A_305 = arith.constant 0 : index
    %get3A_306 = arith.constant 3 : index
    %get3A_307 = arith.constant 0 : index
    %get3A_308 = vector.load %arg4[%get3A_305, %get3A_306, %get3A_307] : memref<16x40x128xf32, #tpu.memory_space<vmem>>, vector<16x1x128xf32>
    %get3A_309 = vector.shape_cast %get3A_308 : vector<16x1x128xf32> to vector<16x128xf32>
    %broadcast_in_dim3A_310 = vector.shape_cast %get3A_299 : vector<16x32xf32> to vector<16x32x1xf32>
    %mul3A_311 = vector.broadcast %broadcast_in_dim3A_310 : vector<16x32x1xf32> to vector<16x32x128xf32>
    %mul3A_312 = arith.mulf %get3A_294, %mul3A_311 : vector<16x32x128xf32>
    %reduce_sum3A_313 = arith.constant dense<0.000000e+00> : vector<16x128xf32>
    %reduce_sum3A_314 = vector.multi_reduction <add>, %mul3A_312, %reduce_sum3A_313 [1] : vector<16x32x128xf32> to vector<16x128xf32>
    %swap3A_315 = arith.constant 0 : index
    %swap3A_316 = arith.constant 3 : index
    %swap3A_317 = arith.constant 0 : index
    %swap3A_318 = vector.load %arg8[%swap3A_315, %swap3A_316, %swap3A_317] : memref<16x40x128xf32, #tpu.memory_space<vmem>>, vector<16x1x128xf32>
    %swap3A_319 = vector.shape_cast %swap3A_318 : vector<16x1x128xf32> to vector<16x128xf32>
    %swap3A_320 = vector.shape_cast %reduce_sum3A_314 : vector<16x128xf32> to vector<16x1x128xf32>
    tpu.vector_store %arg8[%swap3A_315, %swap3A_316, %swap3A_317], %swap3A_320 {strides = array<i32>} : memref<16x40x128xf32, #tpu.memory_space<vmem>>, vector<16x1x128xf32>,
    %broadcast_in_dim3A_321 = vector.shape_cast %get3A_304 : vector<16x128xf32> to vector<16x1x128xf32>
    %mul3A_322 = vector.broadcast %broadcast_in_dim3A_321 : vector<16x1x128xf32> to vector<16x32x128xf32>
    %mul3A_323 = arith.mulf %mul3A_312, %mul3A_322 : vector<16x32x128xf32>
    %sub3A_324 = arith.subf %get3A_294, %mul3A_323 : vector<16x32x128xf32>
    %broadcast_in_dim3A_325 = vector.shape_cast %get3A_299 : vector<16x32xf32> to vector<16x32x1xf32>
    %broadcast_in_dim3A_326 = vector.shape_cast %get3A_309 : vector<16x128xf32> to vector<16x1x128xf32>
    %mul3A_327 = vector.broadcast %broadcast_in_dim3A_325 : vector<16x32x1xf32> to vector<16x32x128xf32>
    %mul3A_328 = vector.broadcast %broadcast_in_dim3A_326 : vector<16x1x128xf32> to vector<16x32x128xf32>
    %mul3A_329 = arith.mulf %mul3A_327, %mul3A_328 : vector<16x32x128xf32>
    %add3A_330 = arith.addf %sub3A_324, %mul3A_329 : vector<16x32x128xf32>
    %swap3A_331 = arith.constant 0 : index
    %swap3A_332 = arith.constant 0 : index
    %swap3A_333 = arith.constant 0 : index
    %swap3A_334 = arith.constant 0 : index
    %swap3A_335 = vector.load %arg10[%swap3A_331, %swap3A_332, %swap3A_333, %swap3A_334] : memref<2x16x32x128xf32, #tpu.memory_space<vmem>>, vector<1x16x32x128xf32>
    %swap3A_336 = vector.shape_cast %swap3A_335 : vector<1x16x32x128xf32> to vector<16x32x128xf32>
    %swap3A_337 = vector.shape_cast %add3A_330 : vector<16x32x128xf32> to vector<1x16x32x128xf32>
    tpu.vector_store %arg10[%swap3A_331, %swap3A_332, %swap3A_333, %swap3A_334], %swap3A_337 {strides = array<i32>} : memref<2x16x32x128xf32, #tpu.memory_space<vmem>>, vector<1x16x32x128xf32>,
    %get3A_338 = arith.constant 1 : index
    %get3A_339 = arith.constant 0 : index
    %get3A_340 = arith.constant 0 : index
    %get3A_341 = arith.constant 0 : index
    %get3A_342 = vector.load %arg10[%get3A_338, %get3A_339, %get3A_340, %get3A_341] : memref<2x16x32x128xf32, #tpu.memory_space<vmem>>, vector<1x16x32x128xf32>
    %get3A_343 = vector.shape_cast %get3A_342 : vector<1x16x32x128xf32> to vector<16x32x128xf32>
    %get3A_344 = arith.constant 0 : index
    %get3A_345 = arith.constant 3 : index
    %get3A_346 = arith.constant 0 : index
    %get3A_347 = vector.load %arg5[%get3A_344, %get3A_345, %get3A_346] : memref<16x40x32xf32, #tpu.memory_space<vmem>>, vector<16x1x32xf32>
    %get3A_348 = vector.shape_cast %get3A_347 : vector<16x1x32xf32> to vector<16x32xf32>
    %get3A_349 = arith.constant 0 : index
    %get3A_350 = arith.constant 3 : index
    %get3A_351 = arith.constant 0 : index
    %get3A_352 = vector.load %arg6[%get3A_349, %get3A_350, %get3A_351] : memref<16x40x128xf32, #tpu.memory_space<vmem>>, vector<16x1x128xf32>
    %get3A_353 = vector.shape_cast %get3A_352 : vector<16x1x128xf32> to vector<16x128xf32>
    %get3A_354 = arith.constant 0 : index
    %get3A_355 = arith.constant 3 : index
    %get3A_356 = arith.constant 0 : index
    %get3A_357 = vector.load %arg7[%get3A_354, %get3A_355, %get3A_356] : memref<16x40x128xf32, #tpu.memory_space<vmem>>, vector<16x1x128xf32>
    %get3A_358 = vector.shape_cast %get3A_357 : vector<16x1x128xf32> to vector<16x128xf32>
    %broadcast_in_dim3A_359 = vector.shape_cast %get3A_348 : vector<16x32xf32> to vector<16x32x1xf32>
    %mul3A_360 = vector.broadcast %broadcast_in_dim3A_359 : vector<16x32x1xf32> to vector<16x32x128xf32>
    %mul3A_361 = arith.mulf %get3A_343, %mul3A_360 : vector<16x32x128xf32>
    %reduce_sum3A_362 = arith.constant dense<0.000000e+00> : vector<16x128xf32>
    %reduce_sum3A_363 = vector.multi_reduction <add>, %mul3A_361, %reduce_sum3A_362 [1] : vector<16x32x128xf32> to vector<16x128xf32>
    %swap3A_364 = arith.constant 0 : index
    %swap3A_365 = arith.constant 3 : index
    %swap3A_366 = arith.constant 0 : index
    %swap3A_367 = vector.load %arg9[%swap3A_364, %swap3A_365, %swap3A_366] : memref<16x40x128xf32, #tpu.memory_space<vmem>>, vector<16x1x128xf32>
    %swap3A_368 = vector.shape_cast %swap3A_367 : vector<16x1x128xf32> to vector<16x128xf32>
    %swap3A_369 = vector.shape_cast %reduce_sum3A_363 : vector<16x128xf32> to vector<16x1x128xf32>
    tpu.vector_store %arg9[%swap3A_364, %swap3A_365, %swap3A_366], %swap3A_369 {strides = array<i32>} : memref<16x40x128xf32, #tpu.memory_space<vmem>>, vector<16x1x128xf32>,
    %broadcast_in_dim3A_370 = vector.shape_cast %get3A_353 : vector<16x128xf32> to vector<16x1x128xf32>
    %mul3A_371 = vector.broadcast %broadcast_in_dim3A_370 : vector<16x1x128xf32> to vector<16x32x128xf32>
    %mul3A_372 = arith.mulf %mul3A_361, %mul3A_371 : vector<16x32x128xf32>
    %sub3A_373 = arith.subf %get3A_343, %mul3A_372 : vector<16x32x128xf32>
    %broadcast_in_dim3A_374 = vector.shape_cast %get3A_348 : vector<16x32xf32> to vector<16x32x1xf32>
    %broadcast_in_dim3A_375 = vector.shape_cast %get3A_358 : vector<16x128xf32> to vector<16x1x128xf32>
    %mul3A_376 = vector.broadcast %broadcast_in_dim3A_374 : vector<16x32x1xf32> to vector<16x32x128xf32>
    %mul3A_377 = vector.broadcast %broadcast_in_dim3A_375 : vector<16x1x128xf32> to vector<16x32x128xf32>
    %mul3A_378 = arith.mulf %mul3A_376, %mul3A_377 : vector<16x32x128xf32>
    %add3A_379 = arith.addf %sub3A_373, %mul3A_378 : vector<16x32x128xf32>
    %swap3A_380 = arith.constant 1 : index
    %swap3A_381 = arith.constant 0 : index
    %swap3A_382 = arith.constant 0 : index
    %swap3A_383 = arith.constant 0 : index
    %swap3A_384 = vector.load %arg10[%swap3A_380, %swap3A_381, %swap3A_382, %swap3A_383] : memref<2x16x32x128xf32, #tpu.memory_space<vmem>>, vector<1x16x32x128xf32>
    %swap3A_385 = vector.shape_cast %swap3A_384 : vector<1x16x32x128xf32> to vector<16x32x128xf32>
    %swap3A_386 = vector.shape_cast %add3A_379 : vector<16x32x128xf32> to vector<1x16x32x128xf32>
    tpu.vector_store %arg10[%swap3A_380, %swap3A_381, %swap3A_382, %swap3A_383], %swap3A_386 {strides = array<i32>} : memref<2x16x32x128xf32, #tpu.memory_space<vmem>>, vector<1x16x32x128xf32>,
    %get3A_387 = arith.constant 0 : index
    %get3A_388 = arith.constant 0 : index
    %get3A_389 = arith.constant 0 : index
    %get3A_390 = arith.constant 0 : index
    %get3A_391 = vector.load %arg10[%get3A_387, %get3A_388, %get3A_389, %get3A_390] : memref<2x16x32x128xf32, #tpu.memory_space<vmem>>, vector<1x16x32x128xf32>
    %get3A_392 = vector.shape_cast %get3A_391 : vector<1x16x32x128xf32> to vector<16x32x128xf32>
    %get3A_393 = arith.constant 0 : index
    %get3A_394 = arith.constant 4 : index
    %get3A_395 = arith.constant 0 : index
    %get3A_396 = vector.load %arg2[%get3A_393, %get3A_394, %get3A_395] : memref<16x40x32xf32, #tpu.memory_space<vmem>>, vector<16x1x32xf32>
    %get3A_397 = vector.shape_cast %get3A_396 : vector<16x1x32xf32> to vector<16x32xf32>
    %get3A_398 = arith.constant 0 : index
    %get3A_399 = arith.constant 4 : index
    %get3A_400 = arith.constant 0 : index
    %get3A_401 = vector.load %arg3[%get3A_398, %get3A_399, %get3A_400] : memref<16x40x128xf32, #tpu.memory_space<vmem>>, vector<16x1x128xf32>
    %get3A_402 = vector.shape_cast %get3A_401 : vector<16x1x128xf32> to vector<16x128xf32>
    %get3A_403 = arith.constant 0 : index
    %get3A_404 = arith.constant 4 : index
    %get3A_405 = arith.constant 0 : index
    %get3A_406 = vector.load %arg4[%get3A_403, %get3A_404, %get3A_405] : memref<16x40x128xf32, #tpu.memory_space<vmem>>, vector<16x1x128xf32>
    %get3A_407 = vector.shape_cast %get3A_406 : vector<16x1x128xf32> to vector<16x128xf32>
    %broadcast_in_dim3A_408 = vector.shape_cast %get3A_397 : vector<16x32xf32> to vector<16x32x1xf32>
    %mul3A_409 = vector.broadcast %broadcast_in_dim3A_408 : vector<16x32x1xf32> to vector<16x32x128xf32>
    %mul3A_410 = arith.mulf %get3A_392, %mul3A_409 : vector<16x32x128xf32>
    %reduce_sum3A_411 = arith.constant dense<0.000000e+00> : vector<16x128xf32>
    %reduce_sum3A_412 = vector.multi_reduction <add>, %mul3A_410, %reduce_sum3A_411 [1] : vector<16x32x128xf32> to vector<16x128xf32>
    %swap3A_413 = arith.constant 0 : index
    %swap3A_414 = arith.constant 4 : index
    %swap3A_415 = arith.constant 0 : index
    %swap3A_416 = vector.load %arg8[%swap3A_413, %swap3A_414, %swap3A_415] : memref<16x40x128xf32, #tpu.memory_space<vmem>>, vector<16x1x128xf32>
    %swap3A_417 = vector.shape_cast %swap3A_416 : vector<16x1x128xf32> to vector<16x128xf32>
    %swap3A_418 = vector.shape_cast %reduce_sum3A_412 : vector<16x128xf32> to vector<16x1x128xf32>
    tpu.vector_store %arg8[%swap3A_413, %swap3A_414, %swap3A_415], %swap3A_418 {strides = array<i32>} : memref<16x40x128xf32, #tpu.memory_space<vmem>>, vector<16x1x128xf32>,
    %broadcast_in_dim3A_419 = vector.shape_cast %get3A_402 : vector<16x128xf32> to vector<16x1x128xf32>
    %mul3A_420 = vector.broadcast %broadcast_in_dim3A_419 : vector<16x1x128xf32> to vector<16x32x128xf32>
    %mul3A_421 = arith.mulf %mul3A_410, %mul3A_420 : vector<16x32x128xf32>
    %sub3A_422 = arith.subf %get3A_392, %mul3A_421 : vector<16x32x128xf32>
    %broadcast_in_dim3A_423 = vector.shape_cast %get3A_397 : vector<16x32xf32> to vector<16x32x1xf32>
    %broadcast_in_dim3A_424 = vector.shape_cast %get3A_407 : vector<16x128xf32> to vector<16x1x128xf32>
    %mul3A_425 = vector.broadcast %broadcast_in_dim3A_423 : vector<16x32x1xf32> to vector<16x32x128xf32>
    %mul3A_426 = vector.broadcast %broadcast_in_dim3A_424 : vector<16x1x128xf32> to vector<16x32x128xf32>
    %mul3A_427 = arith.mulf %mul3A_425, %mul3A_426 : vector<16x32x128xf32>
    %add3A_428 = arith.addf %sub3A_422, %mul3A_427 : vector<16x32x128xf32>
    %swap3A_429 = arith.constant 0 : index
    %swap3A_430 = arith.constant 0 : index
    %swap3A_431 = arith.constant 0 : index
    %swap3A_432 = arith.constant 0 : index
    %swap3A_433 = vector.load %arg10[%swap3A_429, %swap3A_430, %swap3A_431, %swap3A_432] : memref<2x16x32x128xf32, #tpu.memory_space<vmem>>, vector<1x16x32x128xf32>
    %swap3A_434 = vector.shape_cast %swap3A_433 : vector<1x16x32x128xf32> to vector<16x32x128xf32>
    %swap3A_435 = vector.shape_cast %add3A_428 : vector<16x32x128xf32> to vector<1x16x32x128xf32>
    tpu.vector_store %arg10[%swap3A_429, %swap3A_430, %swap3A_431, %swap3A_432], %swap3A_435 {strides = array<i32>} : memref<2x16x32x128xf32, #tpu.memory_space<vmem>>, vector<1x16x32x128xf32>,
    %get3A_436 = arith.constant 1 : index
    %get3A_437 = arith.constant 0 : index
    %get3A_438 = arith.constant 0 : index
    %get3A_439 = arith.constant 0 : index
    %get3A_440 = vector.load %arg10[%get3A_436, %get3A_437, %get3A_438, %get3A_439] : memref<2x16x32x128xf32, #tpu.memory_space<vmem>>, vector<1x16x32x128xf32>
    %get3A_441 = vector.shape_cast %get3A_440 : vector<1x16x32x128xf32> to vector<16x32x128xf32>
    %get3A_442 = arith.constant 0 : index
    %get3A_443 = arith.constant 4 : index
    %get3A_444 = arith.constant 0 : index
    %get3A_445 = vector.load %arg5[%get3A_442, %get3A_443, %get3A_444] : memref<16x40x32xf32, #tpu.memory_space<vmem>>, vector<16x1x32xf32>
    %get3A_446 = vector.shape_cast %get3A_445 : vector<16x1x32xf32> to vector<16x32xf32>
    %get3A_447 = arith.constant 0 : index
    %get3A_448 = arith.constant 4 : index
    %get3A_449 = arith.constant 0 : index
    %get3A_450 = vector.load %arg6[%get3A_447, %get3A_448, %get3A_449] : memref<16x40x128xf32, #tpu.memory_space<vmem>>, vector<16x1x128xf32>
    %get3A_451 = vector.shape_cast %get3A_450 : vector<16x1x128xf32> to vector<16x128xf32>
    %get3A_452 = arith.constant 0 : index
    %get3A_453 = arith.constant 4 : index
    %get3A_454 = arith.constant 0 : index
    %get3A_455 = vector.load %arg7[%get3A_452, %get3A_453, %get3A_454] : memref<16x40x128xf32, #tpu.memory_space<vmem>>, vector<16x1x128xf32>
    %get3A_456 = vector.shape_cast %get3A_455 : vector<16x1x128xf32> to vector<16x128xf32>
    %broadcast_in_dim3A_457 = vector.shape_cast %get3A_446 : vector<16x32xf32> to vector<16x32x1xf32>
    %mul3A_458 = vector.broadcast %broadcast_in_dim3A_457 : vector<16x32x1xf32> to vector<16x32x128xf32>
    %mul3A_459 = arith.mulf %get3A_441, %mul3A_458 : vector<16x32x128xf32>
    %reduce_sum3A_460 = arith.constant dense<0.000000e+00> : vector<16x128xf32>
    %reduce_sum3A_461 = vector.multi_reduction <add>, %mul3A_459, %reduce_sum3A_460 [1] : vector<16x32x128xf32> to vector<16x128xf32>
    %swap3A_462 = arith.constant 0 : index
    %swap3A_463 = arith.constant 4 : index
    %swap3A_464 = arith.constant 0 : index
    %swap3A_465 = vector.load %arg9[%swap3A_462, %swap3A_463, %swap3A_464] : memref<16x40x128xf32, #tpu.memory_space<vmem>>, vector<16x1x128xf32>
    %swap3A_466 = vector.shape_cast %swap3A_465 : vector<16x1x128xf32> to vector<16x128xf32>
    %swap3A_467 = vector.shape_cast %reduce_sum3A_461 : vector<16x128xf32> to vector<16x1x128xf32>
    tpu.vector_store %arg9[%swap3A_462, %swap3A_463, %swap3A_464], %swap3A_467 {strides = array<i32>} : memref<16x40x128xf32, #tpu.memory_space<vmem>>, vector<16x1x128xf32>,
    %broadcast_in_dim3A_468 = vector.shape_cast %get3A_451 : vector<16x128xf32> to vector<16x1x128xf32>
    %mul3A_469 = vector.broadcast %broadcast_in_dim3A_468 : vector<16x1x128xf32> to vector<16x32x128xf32>
    %mul3A_470 = arith.mulf %mul3A_459, %mul3A_469 : vector<16x32x128xf32>
    %sub3A_471 = arith.subf %get3A_441, %mul3A_470 : vector<16x32x128xf32>
    %broadcast_in_dim3A_472 = vector.shape_cast %get3A_446 : vector<16x32xf32> to vector<16x32x1xf32>
    %broadcast_in_dim3A_473 = vector.shape_cast %get3A_456 : vector<16x128xf32> to vector<16x1x128xf32>
    %mul3A_474 = vector.broadcast %broadcast_in_dim3A_472 : vector<16x32x1xf32> to vector<16x32x128xf32>
    %mul3A_475 = vector.broadcast %broadcast_in_dim3A_473 : vector<16x1x128xf32> to vector<16x32x128xf32>
    %mul3A_476 = arith.mulf %mul3A_474, %mul3A_475 : vector<16x32x128xf32>
    %add3A_477 = arith.addf %sub3A_471, %mul3A_476 : vector<16x32x128xf32>
    %swap3A_478 = arith.constant 1 : index
    %swap3A_479 = arith.constant 0 : index
    %swap3A_480 = arith.constant 0 : index
    %swap3A_481 = arith.constant 0 : index
    %swap3A_482 = vector.load %arg10[%swap3A_478, %swap3A_479, %swap3A_480, %swap3A_481] : memref<2x16x32x128xf32, #tpu.memory_space<vmem>>, vector<1x16x32x128xf32>
    %swap3A_483 = vector.shape_cast %swap3A_482 : vector<1x16x32x128xf32> to vector<16x32x128xf32>
    %swap3A_484 = vector.shape_cast %add3A_477 : vector<16x32x128xf32> to vector<1x16x32x128xf32>
    tpu.vector_store %arg10[%swap3A_478, %swap3A_479, %swap3A_480, %swap3A_481], %swap3A_484 {strides = array<i32>} : memref<2x16x32x128xf32, #tpu.memory_space<vmem>>, vector<1x16x32x128xf32>,
    %get3A_485 = arith.constant 0 : index
    %get3A_486 = arith.constant 0 : index
    %get3A_487 = arith.constant 0 : index
    %get3A_488 = arith.constant 0 : index
    %get3A_489 = vector.load %arg10[%get3A_485, %get3A_486, %get3A_487, %get3A_488] : memref<2x16x32x128xf32, #tpu.memory_space<vmem>>, vector<1x16x32x128xf32>
    %get3A_490 = vector.shape_cast %get3A_489 : vector<1x16x32x128xf32> to vector<16x32x128xf32>
    %get3A_491 = arith.constant 0 : index
    %get3A_492 = arith.constant 5 : index
    %get3A_493 = arith.constant 0 : index
    %get3A_494 = vector.load %arg2[%get3A_491, %get3A_492, %get3A_493] : memref<16x40x32xf32, #tpu.memory_space<vmem>>, vector<16x1x32xf32>
    %get3A_495 = vector.shape_cast %get3A_494 : vector<16x1x32xf32> to vector<16x32xf32>
    %get3A_496 = arith.constant 0 : index
    %get3A_497 = arith.constant 5 : index
    %get3A_498 = arith.constant 0 : index
    %get3A_499 = vector.load %arg3[%get3A_496, %get3A_497, %get3A_498] : memref<16x40x128xf32, #tpu.memory_space<vmem>>, vector<16x1x128xf32>
    %get3A_500 = vector.shape_cast %get3A_499 : vector<16x1x128xf32> to vector<16x128xf32>
    %get3A_501 = arith.constant 0 : index
    %get3A_502 = arith.constant 5 : index
    %get3A_503 = arith.constant 0 : index
    %get3A_504 = vector.load %arg4[%get3A_501, %get3A_502, %get3A_503] : memref<16x40x128xf32, #tpu.memory_space<vmem>>, vector<16x1x128xf32>
    %get3A_505 = vector.shape_cast %get3A_504 : vector<16x1x128xf32> to vector<16x128xf32>
    %broadcast_in_dim3A_506 = vector.shape_cast %get3A_495 : vector<16x32xf32> to vector<16x32x1xf32>
    %mul3A_507 = vector.broadcast %broadcast_in_dim3A_506 : vector<16x32x1xf32> to vector<16x32x128xf32>
    %mul3A_508 = arith.mulf %get3A_490, %mul3A_507 : vector<16x32x128xf32>
    %reduce_sum3A_509 = arith.constant dense<0.000000e+00> : vector<16x128xf32>
    %reduce_sum3A_510 = vector.multi_reduction <add>, %mul3A_508, %reduce_sum3A_509 [1] : vector<16x32x128xf32> to vector<16x128xf32>
    %swap3A_511 = arith.constant 0 : index
    %swap3A_512 = arith.constant 5 : index
    %swap3A_513 = arith.constant 0 : index
    %swap3A_514 = vector.load %arg8[%swap3A_511, %swap3A_512, %swap3A_513] : memref<16x40x128xf32, #tpu.memory_space<vmem>>, vector<16x1x128xf32>
    %swap3A_515 = vector.shape_cast %swap3A_514 : vector<16x1x128xf32> to vector<16x128xf32>
    %swap3A_516 = vector.shape_cast %reduce_sum3A_510 : vector<16x128xf32> to vector<16x1x128xf32>
    tpu.vector_store %arg8[%swap3A_511, %swap3A_512, %swap3A_513], %swap3A_516 {strides = array<i32>} : memref<16x40x128xf32, #tpu.memory_space<vmem>>, vector<16x1x128xf32>,
    %broadcast_in_dim3A_517 = vector.shape_cast %get3A_500 : vector<16x128xf32> to vector<16x1x128xf32>
    %mul3A_518 = vector.broadcast %broadcast_in_dim3A_517 : vector<16x1x128xf32> to vector<16x32x128xf32>
    %mul3A_519 = arith.mulf %mul3A_508, %mul3A_518 : vector<16x32x128xf32>
    %sub3A_520 = arith.subf %get3A_490, %mul3A_519 : vector<16x32x128xf32>
    %broadcast_in_dim3A_521 = vector.shape_cast %get3A_495 : vector<16x32xf32> to vector<16x32x1xf32>
    %broadcast_in_dim3A_522 = vector.shape_cast %get3A_505 : vector<16x128xf32> to vector<16x1x128xf32>
    %mul3A_523 = vector.broadcast %broadcast_in_dim3A_521 : vector<16x32x1xf32> to vector<16x32x128xf32>
    %mul3A_524 = vector.broadcast %broadcast_in_dim3A_522 : vector<16x1x128xf32> to vector<16x32x128xf32>
    %mul3A_525 = arith.mulf %mul3A_523, %mul3A_524 : vector<16x32x128xf32>
    %add3A_526 = arith.addf %sub3A_520, %mul3A_525 : vector<16x32x128xf32>
    %swap3A_527 = arith.constant 0 : index
    %swap3A_528 = arith.constant 0 : index
    %swap3A_529 = arith.constant 0 : index
    %swap3A_530 = arith.constant 0 : index
    %swap3A_531 = vector.load %arg10[%swap3A_527, %swap3A_528, %swap3A_529, %swap3A_530] : memref<2x16x32x128xf32, #tpu.memory_space<vmem>>, vector<1x16x32x128xf32>
    %swap3A_532 = vector.shape_cast %swap3A_531 : vector<1x16x32x128xf32> to vector<16x32x128xf32>
    %swap3A_533 = vector.shape_cast %add3A_526 : vector<16x32x128xf32> to vector<1x16x32x128xf32>
    tpu.vector_store %arg10[%swap3A_527, %swap3A_528, %swap3A_529, %swap3A_530], %swap3A_533 {strides = array<i32>} : memref<2x16x32x128xf32, #tpu.memory_space<vmem>>, vector<1x16x32x128xf32>,
    %get3A_534 = arith.constant 1 : index
    %get3A_535 = arith.constant 0 : index
    %get3A_536 = arith.constant 0 : index
    %get3A_537 = arith.constant 0 : index
    %get3A_538 = vector.load %arg10[%get3A_534, %get3A_535, %get3A_536, %get3A_537] : memref<2x16x32x128xf32, #tpu.memory_space<vmem>>, vector<1x16x32x128xf32>
    %get3A_539 = vector.shape_cast %get3A_538 : vector<1x16x32x128xf32> to vector<16x32x128xf32>
    %get3A_540 = arith.constant 0 : index
    %get3A_541 = arith.constant 5 : index
    %get3A_542 = arith.constant 0 : index
    %get3A_543 = vector.load %arg5[%get3A_540, %get3A_541, %get3A_542] : memref<16x40x32xf32, #tpu.memory_space<vmem>>, vector<16x1x32xf32>
    %get3A_544 = vector.shape_cast %get3A_543 : vector<16x1x32xf32> to vector<16x32xf32>
    %get3A_545 = arith.constant 0 : index
    %get3A_546 = arith.constant 5 : index
    %get3A_547 = arith.constant 0 : index
    %get3A_548 = vector.load %arg6[%get3A_545, %get3A_546, %get3A_547] : memref<16x40x128xf32, #tpu.memory_space<vmem>>, vector<16x1x128xf32>
    %get3A_549 = vector.shape_cast %get3A_548 : vector<16x1x128xf32> to vector<16x128xf32>
    %get3A_550 = arith.constant 0 : index
    %get3A_551 = arith.constant 5 : index
    %get3A_552 = arith.constant 0 : index
    %get3A_553 = vector.load %arg7[%get3A_550, %get3A_551, %get3A_552] : memref<16x40x128xf32, #tpu.memory_space<vmem>>, vector<16x1x128xf32>
    %get3A_554 = vector.shape_cast %get3A_553 : vector<16x1x128xf32> to vector<16x128xf32>
    %broadcast_in_dim3A_555 = vector.shape_cast %get3A_544 : vector<16x32xf32> to vector<16x32x1xf32>
    %mul3A_556 = vector.broadcast %broadcast_in_dim3A_555 : vector<16x32x1xf32> to vector<16x32x128xf32>
    %mul3A_557 = arith.mulf %get3A_539, %mul3A_556 : vector<16x32x128xf32>
    %reduce_sum3A_558 = arith.constant dense<0.000000e+00> : vector<16x128xf32>
    %reduce_sum3A_559 = vector.multi_reduction <add>, %mul3A_557, %reduce_sum3A_558 [1] : vector<16x32x128xf32> to vector<16x128xf32>
    %swap3A_560 = arith.constant 0 : index
    %swap3A_561 = arith.constant 5 : index
    %swap3A_562 = arith.constant 0 : index
    %swap3A_563 = vector.load %arg9[%swap3A_560, %swap3A_561, %swap3A_562] : memref<16x40x128xf32, #tpu.memory_space<vmem>>, vector<16x1x128xf32>
    %swap3A_564 = vector.shape_cast %swap3A_563 : vector<16x1x128xf32> to vector<16x128xf32>
    %swap3A_565 = vector.shape_cast %reduce_sum3A_559 : vector<16x128xf32> to vector<16x1x128xf32>
    tpu.vector_store %arg9[%swap3A_560, %swap3A_561, %swap3A_562], %swap3A_565 {strides = array<i32>} : memref<16x40x128xf32, #tpu.memory_space<vmem>>, vector<16x1x128xf32>,
    %broadcast_in_dim3A_566 = vector.shape_cast %get3A_549 : vector<16x128xf32> to vector<16x1x128xf32>
    %mul3A_567 = vector.broadcast %broadcast_in_dim3A_566 : vector<16x1x128xf32> to vector<16x32x128xf32>
    %mul3A_568 = arith.mulf %mul3A_557, %mul3A_567 : vector<16x32x128xf32>
    %sub3A_569 = arith.subf %get3A_539, %mul3A_568 : vector<16x32x128xf32>
    %broadcast_in_dim3A_570 = vector.shape_cast %get3A_544 : vector<16x32xf32> to vector<16x32x1xf32>
    %broadcast_in_dim3A_571 = vector.shape_cast %get3A_554 : vector<16x128xf32> to vector<16x1x128xf32>
    %mul3A_572 = vector.broadcast %broadcast_in_dim3A_570 : vector<16x32x1xf32> to vector<16x32x128xf32>
    %mul3A_573 = vector.broadcast %broadcast_in_dim3A_571 : vector<16x1x128xf32> to vector<16x32x128xf32>
    %mul3A_574 = arith.mulf %mul3A_572, %mul3A_573 : vector<16x32x128xf32>
    %add3A_575 = arith.addf %sub3A_569, %mul3A_574 : vector<16x32x128xf32>
    %swap3A_576 = arith.constant 1 : index
    %swap3A_577 = arith.constant 0 : index
    %swap3A_578 = arith.constant 0 : index
    %swap3A_579 = arith.constant 0 : index
    %swap3A_580 = vector.load %arg10[%swap3A_576, %swap3A_577, %swap3A_578, %swap3A_579] : memref<2x16x32x128xf32, #tpu.memory_space<vmem>>, vector<1x16x32x128xf32>
    %swap3A_581 = vector.shape_cast %swap3A_580 : vector<1x16x32x128xf32> to vector<16x32x128xf32>
    %swap3A_582 = vector.shape_cast %add3A_575 : vector<16x32x128xf32> to vector<1x16x32x128xf32>
    tpu.vector_store %arg10[%swap3A_576, %swap3A_577, %swap3A_578, %swap3A_579], %swap3A_582 {strides = array<i32>} : memref<2x16x32x128xf32, #tpu.memory_space<vmem>>, vector<1x16x32x128xf32>,
    %get3A_583 = arith.constant 0 : index
    %get3A_584 = arith.constant 0 : index
    %get3A_585 = arith.constant 0 : index
    %get3A_586 = arith.constant 0 : index
    %get3A_587 = vector.load %arg10[%get3A_583, %get3A_584, %get3A_585, %get3A_586] : memref<2x16x32x128xf32, #tpu.memory_space<vmem>>, vector<1x16x32x128xf32>
    %get3A_588 = vector.shape_cast %get3A_587 : vector<1x16x32x128xf32> to vector<16x32x128xf32>
    %get3A_589 = arith.constant 0 : index
    %get3A_590 = arith.constant 6 : index
    %get3A_591 = arith.constant 0 : index
    %get3A_592 = vector.load %arg2[%get3A_589, %get3A_590, %get3A_591] : memref<16x40x32xf32, #tpu.memory_space<vmem>>, vector<16x1x32xf32>
    %get3A_593 = vector.shape_cast %get3A_592 : vector<16x1x32xf32> to vector<16x32xf32>
    %get3A_594 = arith.constant 0 : index
    %get3A_595 = arith.constant 6 : index
    %get3A_596 = arith.constant 0 : index
    %get3A_597 = vector.load %arg3[%get3A_594, %get3A_595, %get3A_596] : memref<16x40x128xf32, #tpu.memory_space<vmem>>, vector<16x1x128xf32>
    %get3A_598 = vector.shape_cast %get3A_597 : vector<16x1x128xf32> to vector<16x128xf32>
    %get3A_599 = arith.constant 0 : index
    %get3A_600 = arith.constant 6 : index
    %get3A_601 = arith.constant 0 : index
    %get3A_602 = vector.load %arg4[%get3A_599, %get3A_600, %get3A_601] : memref<16x40x128xf32, #tpu.memory_space<vmem>>, vector<16x1x128xf32>
    %get3A_603 = vector.shape_cast %get3A_602 : vector<16x1x128xf32> to vector<16x128xf32>
    %broadcast_in_dim3A_604 = vector.shape_cast %get3A_593 : vector<16x32xf32> to vector<16x32x1xf32>
    %mul3A_605 = vector.broadcast %broadcast_in_dim3A_604 : vector<16x32x1xf32> to vector<16x32x128xf32>
    %mul3A_606 = arith.mulf %get3A_588, %mul3A_605 : vector<16x32x128xf32>
    %reduce_sum3A_607 = arith.constant dense<0.000000e+00> : vector<16x128xf32>
    %reduce_sum3A_608 = vector.multi_reduction <add>, %mul3A_606, %reduce_sum3A_607 [1] : vector<16x32x128xf32> to vector<16x128xf32>
    %swap3A_609 = arith.constant 0 : index
    %swap3A_610 = arith.constant 6 : index
    %swap3A_611 = arith.constant 0 : index
    %swap3A_612 = vector.load %arg8[%swap3A_609, %swap3A_610, %swap3A_611] : memref<16x40x128xf32, #tpu.memory_space<vmem>>, vector<16x1x128xf32>
    %swap3A_613 = vector.shape_cast %swap3A_612 : vector<16x1x128xf32> to vector<16x128xf32>
    %swap3A_614 = vector.shape_cast %reduce_sum3A_608 : vector<16x128xf32> to vector<16x1x128xf32>
    tpu.vector_store %arg8[%swap3A_609, %swap3A_610, %swap3A_611], %swap3A_614 {strides = array<i32>} : memref<16x40x128xf32, #tpu.memory_space<vmem>>, vector<16x1x128xf32>,
    %broadcast_in_dim3A_615 = vector.shape_cast %get3A_598 : vector<16x128xf32> to vector<16x1x128xf32>
    %mul3A_616 = vector.broadcast %broadcast_in_dim3A_615 : vector<16x1x128xf32> to vector<16x32x128xf32>
    %mul3A_617 = arith.mulf %mul3A_606, %mul3A_616 : vector<16x32x128xf32>
    %sub3A_618 = arith.subf %get3A_588, %mul3A_617 : vector<16x32x128xf32>
    %broadcast_in_dim3A_619 = vector.shape_cast %get3A_593 : vector<16x32xf32> to vector<16x32x1xf32>
    %broadcast_in_dim3A_620 = vector.shape_cast %get3A_603 : vector<16x128xf32> to vector<16x1x128xf32>
    %mul3A_621 = vector.broadcast %broadcast_in_dim3A_619 : vector<16x32x1xf32> to vector<16x32x128xf32>
    %mul3A_622 = vector.broadcast %broadcast_in_dim3A_620 : vector<16x1x128xf32> to vector<16x32x128xf32>
    %mul3A_623 = arith.mulf %mul3A_621, %mul3A_622 : vector<16x32x128xf32>
    %add3A_624 = arith.addf %sub3A_618, %mul3A_623 : vector<16x32x128xf32>
    %swap3A_625 = arith.constant 0 : index
    %swap3A_626 = arith.constant 0 : index
    %swap3A_627 = arith.constant 0 : index
    %swap3A_628 = arith.constant 0 : index
    %swap3A_629 = vector.load %arg10[%swap3A_625, %swap3A_626, %swap3A_627, %swap3A_628] : memref<2x16x32x128xf32, #tpu.memory_space<vmem>>, vector<1x16x32x128xf32>
    %swap3A_630 = vector.shape_cast %swap3A_629 : vector<1x16x32x128xf32> to vector<16x32x128xf32>
    %swap3A_631 = vector.shape_cast %add3A_624 : vector<16x32x128xf32> to vector<1x16x32x128xf32>
    tpu.vector_store %arg10[%swap3A_625, %swap3A_626, %swap3A_627, %swap3A_628], %swap3A_631 {strides = array<i32>} : memref<2x16x32x128xf32, #tpu.memory_space<vmem>>, vector<1x16x32x128xf32>,
    %get3A_632 = arith.constant 1 : index
    %get3A_633 = arith.constant 0 : index
    %get3A_634 = arith.constant 0 : index
    %get3A_635 = arith.constant 0 : index
    %get3A_636 = vector.load %arg10[%get3A_632, %get3A_633, %get3A_634, %get3A_635] : memref<2x16x32x128xf32, #tpu.memory_space<vmem>>, vector<1x16x32x128xf32>
    %get3A_637 = vector.shape_cast %get3A_636 : vector<1x16x32x128xf32> to vector<16x32x128xf32>
    %get3A_638 = arith.constant 0 : index
    %get3A_639 = arith.constant 6 : index
    %get3A_640 = arith.constant 0 : index
    %get3A_641 = vector.load %arg5[%get3A_638, %get3A_639, %get3A_640] : memref<16x40x32xf32, #tpu.memory_space<vmem>>, vector<16x1x32xf32>
    %get3A_642 = vector.shape_cast %get3A_641 : vector<16x1x32xf32> to vector<16x32xf32>
    %get3A_643 = arith.constant 0 : index
    %get3A_644 = arith.constant 6 : index
    %get3A_645 = arith.constant 0 : index
    %get3A_646 = vector.load %arg6[%get3A_643, %get3A_644, %get3A_645] : memref<16x40x128xf32, #tpu.memory_space<vmem>>, vector<16x1x128xf32>
    %get3A_647 = vector.shape_cast %get3A_646 : vector<16x1x128xf32> to vector<16x128xf32>
    %get3A_648 = arith.constant 0 : index
    %get3A_649 = arith.constant 6 : index
    %get3A_650 = arith.constant 0 : index
    %get3A_651 = vector.load %arg7[%get3A_648, %get3A_649, %get3A_650] : memref<16x40x128xf32, #tpu.memory_space<vmem>>, vector<16x1x128xf32>
    %get3A_652 = vector.shape_cast %get3A_651 : vector<16x1x128xf32> to vector<16x128xf32>
    %broadcast_in_dim3A_653 = vector.shape_cast %get3A_642 : vector<16x32xf32> to vector<16x32x1xf32>
    %mul3A_654 = vector.broadcast %broadcast_in_dim3A_653 : vector<16x32x1xf32> to vector<16x32x128xf32>
    %mul3A_655 = arith.mulf %get3A_637, %mul3A_654 : vector<16x32x128xf32>
    %reduce_sum3A_656 = arith.constant dense<0.000000e+00> : vector<16x128xf32>
    %reduce_sum3A_657 = vector.multi_reduction <add>, %mul3A_655, %reduce_sum3A_656 [1] : vector<16x32x128xf32> to vector<16x128xf32>
    %swap3A_658 = arith.constant 0 : index
    %swap3A_659 = arith.constant 6 : index
    %swap3A_660 = arith.constant 0 : index
    %swap3A_661 = vector.load %arg9[%swap3A_658, %swap3A_659, %swap3A_660] : memref<16x40x128xf32, #tpu.memory_space<vmem>>, vector<16x1x128xf32>
    %swap3A_662 = vector.shape_cast %swap3A_661 : vector<16x1x128xf32> to vector<16x128xf32>
    %swap3A_663 = vector.shape_cast %reduce_sum3A_657 : vector<16x128xf32> to vector<16x1x128xf32>
    tpu.vector_store %arg9[%swap3A_658, %swap3A_659, %swap3A_660], %swap3A_663 {strides = array<i32>} : memref<16x40x128xf32, #tpu.memory_space<vmem>>, vector<16x1x128xf32>,
    %broadcast_in_dim3A_664 = vector.shape_cast %get3A_647 : vector<16x128xf32> to vector<16x1x128xf32>
    %mul3A_665 = vector.broadcast %broadcast_in_dim3A_664 : vector<16x1x128xf32> to vector<16x32x128xf32>
    %mul3A_666 = arith.mulf %mul3A_655, %mul3A_665 : vector<16x32x128xf32>
    %sub3A_667 = arith.subf %get3A_637, %mul3A_666 : vector<16x32x128xf32>
    %broadcast_in_dim3A_668 = vector.shape_cast %get3A_642 : vector<16x32xf32> to vector<16x32x1xf32>
    %broadcast_in_dim3A_669 = vector.shape_cast %get3A_652 : vector<16x128xf32> to vector<16x1x128xf32>
    %mul3A_670 = vector.broadcast %broadcast_in_dim3A_668 : vector<16x32x1xf32> to vector<16x32x128xf32>
    %mul3A_671 = vector.broadcast %broadcast_in_dim3A_669 : vector<16x1x128xf32> to vector<16x32x128xf32>
    %mul3A_672 = arith.mulf %mul3A_670, %mul3A_671 : vector<16x32x128xf32>
    %add3A_673 = arith.addf %sub3A_667, %mul3A_672 : vector<16x32x128xf32>
    %swap3A_674 = arith.constant 1 : index
    %swap3A_675 = arith.constant 0 : index
    %swap3A_676 = arith.constant 0 : index
    %swap3A_677 = arith.constant 0 : index
    %swap3A_678 = vector.load %arg10[%swap3A_674, %swap3A_675, %swap3A_676, %swap3A_677] : memref<2x16x32x128xf32, #tpu.memory_space<vmem>>, vector<1x16x32x128xf32>
    %swap3A_679 = vector.shape_cast %swap3A_678 : vector<1x16x32x128xf32> to vector<16x32x128xf32>
    %swap3A_680 = vector.shape_cast %add3A_673 : vector<16x32x128xf32> to vector<1x16x32x128xf32>
    tpu.vector_store %arg10[%swap3A_674, %swap3A_675, %swap3A_676, %swap3A_677], %swap3A_680 {strides = array<i32>} : memref<2x16x32x128xf32, #tpu.memory_space<vmem>>, vector<1x16x32x128xf32>,
    %get3A_681 = arith.constant 0 : index
    %get3A_682 = arith.constant 0 : index
    %get3A_683 = arith.constant 0 : index
    %get3A_684 = arith.constant 0 : index
    %get3A_685 = vector.load %arg10[%get3A_681, %get3A_682, %get3A_683, %get3A_684] : memref<2x16x32x128xf32, #tpu.memory_space<vmem>>, vector<1x16x32x128xf32>
    %get3A_686 = vector.shape_cast %get3A_685 : vector<1x16x32x128xf32> to vector<16x32x128xf32>
    %get3A_687 = arith.constant 0 : index
    %get3A_688 = arith.constant 7 : index
    %get3A_689 = arith.constant 0 : index
    %get3A_690 = vector.load %arg2[%get3A_687, %get3A_688, %get3A_689] : memref<16x40x32xf32, #tpu.memory_space<vmem>>, vector<16x1x32xf32>
    %get3A_691 = vector.shape_cast %get3A_690 : vector<16x1x32xf32> to vector<16x32xf32>
    %get3A_692 = arith.constant 0 : index
    %get3A_693 = arith.constant 7 : index
    %get3A_694 = arith.constant 0 : index
    %get3A_695 = vector.load %arg3[%get3A_692, %get3A_693, %get3A_694] : memref<16x40x128xf32, #tpu.memory_space<vmem>>, vector<16x1x128xf32>
    %get3A_696 = vector.shape_cast %get3A_695 : vector<16x1x128xf32> to vector<16x128xf32>
    %get3A_697 = arith.constant 0 : index
    %get3A_698 = arith.constant 7 : index
    %get3A_699 = arith.constant 0 : index
    %get3A_700 = vector.load %arg4[%get3A_697, %get3A_698, %get3A_699] : memref<16x40x128xf32, #tpu.memory_space<vmem>>, vector<16x1x128xf32>
    %get3A_701 = vector.shape_cast %get3A_700 : vector<16x1x128xf32> to vector<16x128xf32>
    %broadcast_in_dim3A_702 = vector.shape_cast %get3A_691 : vector<16x32xf32> to vector<16x32x1xf32>
    %mul3A_703 = vector.broadcast %broadcast_in_dim3A_702 : vector<16x32x1xf32> to vector<16x32x128xf32>
    %mul3A_704 = arith.mulf %get3A_686, %mul3A_703 : vector<16x32x128xf32>
    %reduce_sum3A_705 = arith.constant dense<0.000000e+00> : vector<16x128xf32>
    %reduce_sum3A_706 = vector.multi_reduction <add>, %mul3A_704, %reduce_sum3A_705 [1] : vector<16x32x128xf32> to vector<16x128xf32>
    %swap3A_707 = arith.constant 0 : index
    %swap3A_708 = arith.constant 7 : index
    %swap3A_709 = arith.constant 0 : index
    %swap3A_710 = vector.load %arg8[%swap3A_707, %swap3A_708, %swap3A_709] : memref<16x40x128xf32, #tpu.memory_space<vmem>>, vector<16x1x128xf32>
    %swap3A_711 = vector.shape_cast %swap3A_710 : vector<16x1x128xf32> to vector<16x128xf32>
    %swap3A_712 = vector.shape_cast %reduce_sum3A_706 : vector<16x128xf32> to vector<16x1x128xf32>
    tpu.vector_store %arg8[%swap3A_707, %swap3A_708, %swap3A_709], %swap3A_712 {strides = array<i32>} : memref<16x40x128xf32, #tpu.memory_space<vmem>>, vector<16x1x128xf32>,
    %broadcast_in_dim3A_713 = vector.shape_cast %get3A_696 : vector<16x128xf32> to vector<16x1x128xf32>
    %mul3A_714 = vector.broadcast %broadcast_in_dim3A_713 : vector<16x1x128xf32> to vector<16x32x128xf32>
    %mul3A_715 = arith.mulf %mul3A_704, %mul3A_714 : vector<16x32x128xf32>
    %sub3A_716 = arith.subf %get3A_686, %mul3A_715 : vector<16x32x128xf32>
    %broadcast_in_dim3A_717 = vector.shape_cast %get3A_691 : vector<16x32xf32> to vector<16x32x1xf32>
    %broadcast_in_dim3A_718 = vector.shape_cast %get3A_701 : vector<16x128xf32> to vector<16x1x128xf32>
    %mul3A_719 = vector.broadcast %broadcast_in_dim3A_717 : vector<16x32x1xf32> to vector<16x32x128xf32>
    %mul3A_720 = vector.broadcast %broadcast_in_dim3A_718 : vector<16x1x128xf32> to vector<16x32x128xf32>
    %mul3A_721 = arith.mulf %mul3A_719, %mul3A_720 : vector<16x32x128xf32>
    %add3A_722 = arith.addf %sub3A_716, %mul3A_721 : vector<16x32x128xf32>
    %swap3A_723 = arith.constant 0 : index
    %swap3A_724 = arith.constant 0 : index
    %swap3A_725 = arith.constant 0 : index
    %swap3A_726 = arith.constant 0 : index
    %swap3A_727 = vector.load %arg10[%swap3A_723, %swap3A_724, %swap3A_725, %swap3A_726] : memref<2x16x32x128xf32, #tpu.memory_space<vmem>>, vector<1x16x32x128xf32>
    %swap3A_728 = vector.shape_cast %swap3A_727 : vector<1x16x32x128xf32> to vector<16x32x128xf32>
    %swap3A_729 = vector.shape_cast %add3A_722 : vector<16x32x128xf32> to vector<1x16x32x128xf32>
    tpu.vector_store %arg10[%swap3A_723, %swap3A_724, %swap3A_725, %swap3A_726], %swap3A_729 {strides = array<i32>} : memref<2x16x32x128xf32, #tpu.memory_space<vmem>>, vector<1x16x32x128xf32>,
    %get3A_730 = arith.constant 1 : index
    %get3A_731 = arith.constant 0 : index
    %get3A_732 = arith.constant 0 : index
    %get3A_733 = arith.constant 0 : index
    %get3A_734 = vector.load %arg10[%get3A_730, %get3A_731, %get3A_732, %get3A_733] : memref<2x16x32x128xf32, #tpu.memory_space<vmem>>, vector<1x16x32x128xf32>
    %get3A_735 = vector.shape_cast %get3A_734 : vector<1x16x32x128xf32> to vector<16x32x128xf32>
    %get3A_736 = arith.constant 0 : index
    %get3A_737 = arith.constant 7 : index
    %get3A_738 = arith.constant 0 : index
    %get3A_739 = vector.load %arg5[%get3A_736, %get3A_737, %get3A_738] : memref<16x40x32xf32, #tpu.memory_space<vmem>>, vector<16x1x32xf32>
    %get3A_740 = vector.shape_cast %get3A_739 : vector<16x1x32xf32> to vector<16x32xf32>
    %get3A_741 = arith.constant 0 : index
    %get3A_742 = arith.constant 7 : index
    %get3A_743 = arith.constant 0 : index
    %get3A_744 = vector.load %arg6[%get3A_741, %get3A_742, %get3A_743] : memref<16x40x128xf32, #tpu.memory_space<vmem>>, vector<16x1x128xf32>
    %get3A_745 = vector.shape_cast %get3A_744 : vector<16x1x128xf32> to vector<16x128xf32>
    %get3A_746 = arith.constant 0 : index
    %get3A_747 = arith.constant 7 : index
    %get3A_748 = arith.constant 0 : index
    %get3A_749 = vector.load %arg7[%get3A_746, %get3A_747, %get3A_748] : memref<16x40x128xf32, #tpu.memory_space<vmem>>, vector<16x1x128xf32>
    %get3A_750 = vector.shape_cast %get3A_749 : vector<16x1x128xf32> to vector<16x128xf32>
    %broadcast_in_dim3A_751 = vector.shape_cast %get3A_740 : vector<16x32xf32> to vector<16x32x1xf32>
    %mul3A_752 = vector.broadcast %broadcast_in_dim3A_751 : vector<16x32x1xf32> to vector<16x32x128xf32>
    %mul3A_753 = arith.mulf %get3A_735, %mul3A_752 : vector<16x32x128xf32>
    %reduce_sum3A_754 = arith.constant dense<0.000000e+00> : vector<16x128xf32>
    %reduce_sum3A_755 = vector.multi_reduction <add>, %mul3A_753, %reduce_sum3A_754 [1] : vector<16x32x128xf32> to vector<16x128xf32>
    %swap3A_756 = arith.constant 0 : index
    %swap3A_757 = arith.constant 7 : index
    %swap3A_758 = arith.constant 0 : index
    %swap3A_759 = vector.load %arg9[%swap3A_756, %swap3A_757, %swap3A_758] : memref<16x40x128xf32, #tpu.memory_space<vmem>>, vector<16x1x128xf32>
    %swap3A_760 = vector.shape_cast %swap3A_759 : vector<16x1x128xf32> to vector<16x128xf32>
    %swap3A_761 = vector.shape_cast %reduce_sum3A_755 : vector<16x128xf32> to vector<16x1x128xf32>
    tpu.vector_store %arg9[%swap3A_756, %swap3A_757, %swap3A_758], %swap3A_761 {strides = array<i32>} : memref<16x40x128xf32, #tpu.memory_space<vmem>>, vector<16x1x128xf32>,
    %broadcast_in_dim3A_762 = vector.shape_cast %get3A_745 : vector<16x128xf32> to vector<16x1x128xf32>
    %mul3A_763 = vector.broadcast %broadcast_in_dim3A_762 : vector<16x1x128xf32> to vector<16x32x128xf32>
    %mul3A_764 = arith.mulf %mul3A_753, %mul3A_763 : vector<16x32x128xf32>
    %sub3A_765 = arith.subf %get3A_735, %mul3A_764 : vector<16x32x128xf32>
    %broadcast_in_dim3A_766 = vector.shape_cast %get3A_740 : vector<16x32xf32> to vector<16x32x1xf32>
    %broadcast_in_dim3A_767 = vector.shape_cast %get3A_750 : vector<16x128xf32> to vector<16x1x128xf32>
    %mul3A_768 = vector.broadcast %broadcast_in_dim3A_766 : vector<16x32x1xf32> to vector<16x32x128xf32>
    %mul3A_769 = vector.broadcast %broadcast_in_dim3A_767 : vector<16x1x128xf32> to vector<16x32x128xf32>
    %mul3A_770 = arith.mulf %mul3A_768, %mul3A_769 : vector<16x32x128xf32>
    %add3A_771 = arith.addf %sub3A_765, %mul3A_770 : vector<16x32x128xf32>
    %swap3A_772 = arith.constant 1 : index
    %swap3A_773 = arith.constant 0 : index
    %swap3A_774 = arith.constant 0 : index
    %swap3A_775 = arith.constant 0 : index
    %swap3A_776 = vector.load %arg10[%swap3A_772, %swap3A_773, %swap3A_774, %swap3A_775] : memref<2x16x32x128xf32, #tpu.memory_space<vmem>>, vector<1x16x32x128xf32>
    %swap3A_777 = vector.shape_cast %swap3A_776 : vector<1x16x32x128xf32> to vector<16x32x128xf32>
    %swap3A_778 = vector.shape_cast %add3A_771 : vector<16x32x128xf32> to vector<1x16x32x128xf32>
    tpu.vector_store %arg10[%swap3A_772, %swap3A_773, %swap3A_774, %swap3A_775], %swap3A_778 {strides = array<i32>} : memref<2x16x32x128xf32, #tpu.memory_space<vmem>>, vector<1x16x32x128xf32>,
    %get3A_779 = arith.constant 0 : index
    %get3A_780 = arith.constant 0 : index
    %get3A_781 = arith.constant 0 : index
    %get3A_782 = arith.constant 0 : index
    %get3A_783 = vector.load %arg10[%get3A_779, %get3A_780, %get3A_781, %get3A_782] : memref<2x16x32x128xf32, #tpu.memory_space<vmem>>, vector<1x16x32x128xf32>
    %get3A_784 = vector.shape_cast %get3A_783 : vector<1x16x32x128xf32> to vector<16x32x128xf32>
    %get3A_785 = arith.constant 0 : index
    %get3A_786 = arith.constant 8 : index
    %get3A_787 = arith.constant 0 : index
    %get3A_788 = vector.load %arg2[%get3A_785, %get3A_786, %get3A_787] : memref<16x40x32xf32, #tpu.memory_space<vmem>>, vector<16x1x32xf32>
    %get3A_789 = vector.shape_cast %get3A_788 : vector<16x1x32xf32> to vector<16x32xf32>
    %get3A_790 = arith.constant 0 : index
    %get3A_791 = arith.constant 8 : index
    %get3A_792 = arith.constant 0 : index
    %get3A_793 = vector.load %arg3[%get3A_790, %get3A_791, %get3A_792] : memref<16x40x128xf32, #tpu.memory_space<vmem>>, vector<16x1x128xf32>
    %get3A_794 = vector.shape_cast %get3A_793 : vector<16x1x128xf32> to vector<16x128xf32>
    %get3A_795 = arith.constant 0 : index
    %get3A_796 = arith.constant 8 : index
    %get3A_797 = arith.constant 0 : index
    %get3A_798 = vector.load %arg4[%get3A_795, %get3A_796, %get3A_797] : memref<16x40x128xf32, #tpu.memory_space<vmem>>, vector<16x1x128xf32>
    %get3A_799 = vector.shape_cast %get3A_798 : vector<16x1x128xf32> to vector<16x128xf32>
    %broadcast_in_dim3A_800 = vector.shape_cast %get3A_789 : vector<16x32xf32> to vector<16x32x1xf32>
    %mul3A_801 = vector.broadcast %broadcast_in_dim3A_800 : vector<16x32x1xf32> to vector<16x32x128xf32>
    %mul3A_802 = arith.mulf %get3A_784, %mul3A_801 : vector<16x32x128xf32>
    %reduce_sum3A_803 = arith.constant dense<0.000000e+00> : vector<16x128xf32>
    %reduce_sum3A_804 = vector.multi_reduction <add>, %mul3A_802, %reduce_sum3A_803 [1] : vector<16x32x128xf32> to vector<16x128xf32>
    %swap3A_805 = arith.constant 0 : index
    %swap3A_806 = arith.constant 8 : index
    %swap3A_807 = arith.constant 0 : index
    %swap3A_808 = vector.load %arg8[%swap3A_805, %swap3A_806, %swap3A_807] : memref<16x40x128xf32, #tpu.memory_space<vmem>>, vector<16x1x128xf32>
    %swap3A_809 = vector.shape_cast %swap3A_808 : vector<16x1x128xf32> to vector<16x128xf32>
    %swap3A_810 = vector.shape_cast %reduce_sum3A_804 : vector<16x128xf32> to vector<16x1x128xf32>
    tpu.vector_store %arg8[%swap3A_805, %swap3A_806, %swap3A_807], %swap3A_810 {strides = array<i32>} : memref<16x40x128xf32, #tpu.memory_space<vmem>>, vector<16x1x128xf32>,
    %broadcast_in_dim3A_811 = vector.shape_cast %get3A_794 : vector<16x128xf32> to vector<16x1x128xf32>
    %mul3A_812 = vector.broadcast %broadcast_in_dim3A_811 : vector<16x1x128xf32> to vector<16x32x128xf32>
    %mul3A_813 = arith.mulf %mul3A_802, %mul3A_812 : vector<16x32x128xf32>
    %sub3A_814 = arith.subf %get3A_784, %mul3A_813 : vector<16x32x128xf32>
    %broadcast_in_dim3A_815 = vector.shape_cast %get3A_789 : vector<16x32xf32> to vector<16x32x1xf32>
    %broadcast_in_dim3A_816 = vector.shape_cast %get3A_799 : vector<16x128xf32> to vector<16x1x128xf32>
    %mul3A_817 = vector.broadcast %broadcast_in_dim3A_815 : vector<16x32x1xf32> to vector<16x32x128xf32>
    %mul3A_818 = vector.broadcast %broadcast_in_dim3A_816 : vector<16x1x128xf32> to vector<16x32x128xf32>
    %mul3A_819 = arith.mulf %mul3A_817, %mul3A_818 : vector<16x32x128xf32>
    %add3A_820 = arith.addf %sub3A_814, %mul3A_819 : vector<16x32x128xf32>
    %swap3A_821 = arith.constant 0 : index
    %swap3A_822 = arith.constant 0 : index
    %swap3A_823 = arith.constant 0 : index
    %swap3A_824 = arith.constant 0 : index
    %swap3A_825 = vector.load %arg10[%swap3A_821, %swap3A_822, %swap3A_823, %swap3A_824] : memref<2x16x32x128xf32, #tpu.memory_space<vmem>>, vector<1x16x32x128xf32>
    %swap3A_826 = vector.shape_cast %swap3A_825 : vector<1x16x32x128xf32> to vector<16x32x128xf32>
    %swap3A_827 = vector.shape_cast %add3A_820 : vector<16x32x128xf32> to vector<1x16x32x128xf32>
    tpu.vector_store %arg10[%swap3A_821, %swap3A_822, %swap3A_823, %swap3A_824], %swap3A_827 {strides = array<i32>} : memref<2x16x32x128xf32, #tpu.memory_space<vmem>>, vector<1x16x32x128xf32>,
    %get3A_828 = arith.constant 1 : index
    %get3A_829 = arith.constant 0 : index
    %get3A_830 = arith.constant 0 : index
    %get3A_831 = arith.constant 0 : index
    %get3A_832 = vector.load %arg10[%get3A_828, %get3A_829, %get3A_830, %get3A_831] : memref<2x16x32x128xf32, #tpu.memory_space<vmem>>, vector<1x16x32x128xf32>
    %get3A_833 = vector.shape_cast %get3A_832 : vector<1x16x32x128xf32> to vector<16x32x128xf32>
    %get3A_834 = arith.constant 0 : index
    %get3A_835 = arith.constant 8 : index
    %get3A_836 = arith.constant 0 : index
    %get3A_837 = vector.load %arg5[%get3A_834, %get3A_835, %get3A_836] : memref<16x40x32xf32, #tpu.memory_space<vmem>>, vector<16x1x32xf32>
    %get3A_838 = vector.shape_cast %get3A_837 : vector<16x1x32xf32> to vector<16x32xf32>
    %get3A_839 = arith.constant 0 : index
    %get3A_840 = arith.constant 8 : index
    %get3A_841 = arith.constant 0 : index
    %get3A_842 = vector.load %arg6[%get3A_839, %get3A_840, %get3A_841] : memref<16x40x128xf32, #tpu.memory_space<vmem>>, vector<16x1x128xf32>
    %get3A_843 = vector.shape_cast %get3A_842 : vector<16x1x128xf32> to vector<16x128xf32>
    %get3A_844 = arith.constant 0 : index
    %get3A_845 = arith.constant 8 : index
    %get3A_846 = arith.constant 0 : index
    %get3A_847 = vector.load %arg7[%get3A_844, %get3A_845, %get3A_846] : memref<16x40x128xf32, #tpu.memory_space<vmem>>, vector<16x1x128xf32>
    %get3A_848 = vector.shape_cast %get3A_847 : vector<16x1x128xf32> to vector<16x128xf32>
    %broadcast_in_dim3A_849 = vector.shape_cast %get3A_838 : vector<16x32xf32> to vector<16x32x1xf32>
    %mul3A_850 = vector.broadcast %broadcast_in_dim3A_849 : vector<16x32x1xf32> to vector<16x32x128xf32>
    %mul3A_851 = arith.mulf %get3A_833, %mul3A_850 : vector<16x32x128xf32>
    %reduce_sum3A_852 = arith.constant dense<0.000000e+00> : vector<16x128xf32>
    %reduce_sum3A_853 = vector.multi_reduction <add>, %mul3A_851, %reduce_sum3A_852 [1] : vector<16x32x128xf32> to vector<16x128xf32>
    %swap3A_854 = arith.constant 0 : index
    %swap3A_855 = arith.constant 8 : index
    %swap3A_856 = arith.constant 0 : index
    %swap3A_857 = vector.load %arg9[%swap3A_854, %swap3A_855, %swap3A_856] : memref<16x40x128xf32, #tpu.memory_space<vmem>>, vector<16x1x128xf32>
    %swap3A_858 = vector.shape_cast %swap3A_857 : vector<16x1x128xf32> to vector<16x128xf32>
    %swap3A_859 = vector.shape_cast %reduce_sum3A_853 : vector<16x128xf32> to vector<16x1x128xf32>
    tpu.vector_store %arg9[%swap3A_854, %swap3A_855, %swap3A_856], %swap3A_859 {strides = array<i32>} : memref<16x40x128xf32, #tpu.memory_space<vmem>>, vector<16x1x128xf32>,
    %broadcast_in_dim3A_860 = vector.shape_cast %get3A_843 : vector<16x128xf32> to vector<16x1x128xf32>
    %mul3A_861 = vector.broadcast %broadcast_in_dim3A_860 : vector<16x1x128xf32> to vector<16x32x128xf32>
    %mul3A_862 = arith.mulf %mul3A_851, %mul3A_861 : vector<16x32x128xf32>
    %sub3A_863 = arith.subf %get3A_833, %mul3A_862 : vector<16x32x128xf32>
    %broadcast_in_dim3A_864 = vector.shape_cast %get3A_838 : vector<16x32xf32> to vector<16x32x1xf32>
    %broadcast_in_dim3A_865 = vector.shape_cast %get3A_848 : vector<16x128xf32> to vector<16x1x128xf32>
    %mul3A_866 = vector.broadcast %broadcast_in_dim3A_864 : vector<16x32x1xf32> to vector<16x32x128xf32>
    %mul3A_867 = vector.broadcast %broadcast_in_dim3A_865 : vector<16x1x128xf32> to vector<16x32x128xf32>
    %mul3A_868 = arith.mulf %mul3A_866, %mul3A_867 : vector<16x32x128xf32>
    %add3A_869 = arith.addf %sub3A_863, %mul3A_868 : vector<16x32x128xf32>
    %swap3A_870 = arith.constant 1 : index
    %swap3A_871 = arith.constant 0 : index
    %swap3A_872 = arith.constant 0 : index
    %swap3A_873 = arith.constant 0 : index
    %swap3A_874 = vector.load %arg10[%swap3A_870, %swap3A_871, %swap3A_872, %swap3A_873] : memref<2x16x32x128xf32, #tpu.memory_space<vmem>>, vector<1x16x32x128xf32>
    %swap3A_875 = vector.shape_cast %swap3A_874 : vector<1x16x32x128xf32> to vector<16x32x128xf32>
    %swap3A_876 = vector.shape_cast %add3A_869 : vector<16x32x128xf32> to vector<1x16x32x128xf32>
    tpu.vector_store %arg10[%swap3A_870, %swap3A_871, %swap3A_872, %swap3A_873], %swap3A_876 {strides = array<i32>} : memref<2x16x32x128xf32, #tpu.memory_space<vmem>>, vector<1x16x32x128xf32>,
    %get3A_877 = arith.constant 0 : index
    %get3A_878 = arith.constant 0 : index
    %get3A_879 = arith.constant 0 : index
    %get3A_880 = arith.constant 0 : index
    %get3A_881 = vector.load %arg10[%get3A_877, %get3A_878, %get3A_879, %get3A_880] : memref<2x16x32x128xf32, #tpu.memory_space<vmem>>, vector<1x16x32x128xf32>
    %get3A_882 = vector.shape_cast %get3A_881 : vector<1x16x32x128xf32> to vector<16x32x128xf32>
    %get3A_883 = arith.constant 0 : index
    %get3A_884 = arith.constant 9 : index
    %get3A_885 = arith.constant 0 : index
    %get3A_886 = vector.load %arg2[%get3A_883, %get3A_884, %get3A_885] : memref<16x40x32xf32, #tpu.memory_space<vmem>>, vector<16x1x32xf32>
    %get3A_887 = vector.shape_cast %get3A_886 : vector<16x1x32xf32> to vector<16x32xf32>
    %get3A_888 = arith.constant 0 : index
    %get3A_889 = arith.constant 9 : index
    %get3A_890 = arith.constant 0 : index
    %get3A_891 = vector.load %arg3[%get3A_888, %get3A_889, %get3A_890] : memref<16x40x128xf32, #tpu.memory_space<vmem>>, vector<16x1x128xf32>
    %get3A_892 = vector.shape_cast %get3A_891 : vector<16x1x128xf32> to vector<16x128xf32>
    %get3A_893 = arith.constant 0 : index
    %get3A_894 = arith.constant 9 : index
    %get3A_895 = arith.constant 0 : index
    %get3A_896 = vector.load %arg4[%get3A_893, %get3A_894, %get3A_895] : memref<16x40x128xf32, #tpu.memory_space<vmem>>, vector<16x1x128xf32>
    %get3A_897 = vector.shape_cast %get3A_896 : vector<16x1x128xf32> to vector<16x128xf32>
    %broadcast_in_dim3A_898 = vector.shape_cast %get3A_887 : vector<16x32xf32> to vector<16x32x1xf32>
    %mul3A_899 = vector.broadcast %broadcast_in_dim3A_898 : vector<16x32x1xf32> to vector<16x32x128xf32>
    %mul3A_900 = arith.mulf %get3A_882, %mul3A_899 : vector<16x32x128xf32>
    %reduce_sum3A_901 = arith.constant dense<0.000000e+00> : vector<16x128xf32>
    %reduce_sum3A_902 = vector.multi_reduction <add>, %mul3A_900, %reduce_sum3A_901 [1] : vector<16x32x128xf32> to vector<16x128xf32>
    %swap3A_903 = arith.constant 0 : index
    %swap3A_904 = arith.constant 9 : index
    %swap3A_905 = arith.constant 0 : index
    %swap3A_906 = vector.load %arg8[%swap3A_903, %swap3A_904, %swap3A_905] : memref<16x40x128xf32, #tpu.memory_space<vmem>>, vector<16x1x128xf32>
    %swap3A_907 = vector.shape_cast %swap3A_906 : vector<16x1x128xf32> to vector<16x128xf32>
    %swap3A_908 = vector.shape_cast %reduce_sum3A_902 : vector<16x128xf32> to vector<16x1x128xf32>
    tpu.vector_store %arg8[%swap3A_903, %swap3A_904, %swap3A_905], %swap3A_908 {strides = array<i32>} : memref<16x40x128xf32, #tpu.memory_space<vmem>>, vector<16x1x128xf32>,
    %broadcast_in_dim3A_909 = vector.shape_cast %get3A_892 : vector<16x128xf32> to vector<16x1x128xf32>
    %mul3A_910 = vector.broadcast %broadcast_in_dim3A_909 : vector<16x1x128xf32> to vector<16x32x128xf32>
    %mul3A_911 = arith.mulf %mul3A_900, %mul3A_910 : vector<16x32x128xf32>
    %sub3A_912 = arith.subf %get3A_882, %mul3A_911 : vector<16x32x128xf32>
    %broadcast_in_dim3A_913 = vector.shape_cast %get3A_887 : vector<16x32xf32> to vector<16x32x1xf32>
    %broadcast_in_dim3A_914 = vector.shape_cast %get3A_897 : vector<16x128xf32> to vector<16x1x128xf32>
    %mul3A_915 = vector.broadcast %broadcast_in_dim3A_913 : vector<16x32x1xf32> to vector<16x32x128xf32>
    %mul3A_916 = vector.broadcast %broadcast_in_dim3A_914 : vector<16x1x128xf32> to vector<16x32x128xf32>
    %mul3A_917 = arith.mulf %mul3A_915, %mul3A_916 : vector<16x32x128xf32>
    %add3A_918 = arith.addf %sub3A_912, %mul3A_917 : vector<16x32x128xf32>
    %swap3A_919 = arith.constant 0 : index
    %swap3A_920 = arith.constant 0 : index
    %swap3A_921 = arith.constant 0 : index
    %swap3A_922 = arith.constant 0 : index
    %swap3A_923 = vector.load %arg10[%swap3A_919, %swap3A_920, %swap3A_921, %swap3A_922] : memref<2x16x32x128xf32, #tpu.memory_space<vmem>>, vector<1x16x32x128xf32>
    %swap3A_924 = vector.shape_cast %swap3A_923 : vector<1x16x32x128xf32> to vector<16x32x128xf32>
    %swap3A_925 = vector.shape_cast %add3A_918 : vector<16x32x128xf32> to vector<1x16x32x128xf32>
    tpu.vector_store %arg10[%swap3A_919, %swap3A_920, %swap3A_921, %swap3A_922], %swap3A_925 {strides = array<i32>} : memref<2x16x32x128xf32, #tpu.memory_space<vmem>>, vector<1x16x32x128xf32>,
    %get3A_926 = arith.constant 1 : index
    %get3A_927 = arith.constant 0 : index
    %get3A_928 = arith.constant 0 : index
    %get3A_929 = arith.constant 0 : index
    %get3A_930 = vector.load %arg10[%get3A_926, %get3A_927, %get3A_928, %get3A_929] : memref<2x16x32x128xf32, #tpu.memory_space<vmem>>, vector<1x16x32x128xf32>
    %get3A_931 = vector.shape_cast %get3A_930 : vector<1x16x32x128xf32> to vector<16x32x128xf32>
    %get3A_932 = arith.constant 0 : index
    %get3A_933 = arith.constant 9 : index
    %get3A_934 = arith.constant 0 : index
    %get3A_935 = vector.load %arg5[%get3A_932, %get3A_933, %get3A_934] : memref<16x40x32xf32, #tpu.memory_space<vmem>>, vector<16x1x32xf32>
    %get3A_936 = vector.shape_cast %get3A_935 : vector<16x1x32xf32> to vector<16x32xf32>
    %get3A_937 = arith.constant 0 : index
    %get3A_938 = arith.constant 9 : index
    %get3A_939 = arith.constant 0 : index
    %get3A_940 = vector.load %arg6[%get3A_937, %get3A_938, %get3A_939] : memref<16x40x128xf32, #tpu.memory_space<vmem>>, vector<16x1x128xf32>
    %get3A_941 = vector.shape_cast %get3A_940 : vector<16x1x128xf32> to vector<16x128xf32>
    %get3A_942 = arith.constant 0 : index
    %get3A_943 = arith.constant 9 : index
    %get3A_944 = arith.constant 0 : index
    %get3A_945 = vector.load %arg7[%get3A_942, %get3A_943, %get3A_944] : memref<16x40x128xf32, #tpu.memory_space<vmem>>, vector<16x1x128xf32>
    %get3A_946 = vector.shape_cast %get3A_945 : vector<16x1x128xf32> to vector<16x128xf32>
    %broadcast_in_dim3A_947 = vector.shape_cast %get3A_936 : vector<16x32xf32> to vector<16x32x1xf32>
    %mul3A_948 = vector.broadcast %broadcast_in_dim3A_947 : vector<16x32x1xf32> to vector<16x32x128xf32>
    %mul3A_949 = arith.mulf %get3A_931, %mul3A_948 : vector<16x32x128xf32>
    %reduce_sum3A_950 = arith.constant dense<0.000000e+00> : vector<16x128xf32>
    %reduce_sum3A_951 = vector.multi_reduction <add>, %mul3A_949, %reduce_sum3A_950 [1] : vector<16x32x128xf32> to vector<16x128xf32>
    %swap3A_952 = arith.constant 0 : index
    %swap3A_953 = arith.constant 9 : index
    %swap3A_954 = arith.constant 0 : index
    %swap3A_955 = vector.load %arg9[%swap3A_952, %swap3A_953, %swap3A_954] : memref<16x40x128xf32, #tpu.memory_space<vmem>>, vector<16x1x128xf32>
    %swap3A_956 = vector.shape_cast %swap3A_955 : vector<16x1x128xf32> to vector<16x128xf32>
    %swap3A_957 = vector.shape_cast %reduce_sum3A_951 : vector<16x128xf32> to vector<16x1x128xf32>
    tpu.vector_store %arg9[%swap3A_952, %swap3A_953, %swap3A_954], %swap3A_957 {strides = array<i32>} : memref<16x40x128xf32, #tpu.memory_space<vmem>>, vector<16x1x128xf32>,
    %broadcast_in_dim3A_958 = vector.shape_cast %get3A_941 : vector<16x128xf32> to vector<16x1x128xf32>
    %mul3A_959 = vector.broadcast %broadcast_in_dim3A_958 : vector<16x1x128xf32> to vector<16x32x128xf32>
    %mul3A_960 = arith.mulf %mul3A_949, %mul3A_959 : vector<16x32x128xf32>
    %sub3A_961 = arith.subf %get3A_931, %mul3A_960 : vector<16x32x128xf32>
    %broadcast_in_dim3A_962 = vector.shape_cast %get3A_936 : vector<16x32xf32> to vector<16x32x1xf32>
    %broadcast_in_dim3A_963 = vector.shape_cast %get3A_946 : vector<16x128xf32> to vector<16x1x128xf32>
    %mul3A_964 = vector.broadcast %broadcast_in_dim3A_962 : vector<16x32x1xf32> to vector<16x32x128xf32>
    %mul3A_965 = vector.broadcast %broadcast_in_dim3A_963 : vector<16x1x128xf32> to vector<16x32x128xf32>
    %mul3A_966 = arith.mulf %mul3A_964, %mul3A_965 : vector<16x32x128xf32>
    %add3A_967 = arith.addf %sub3A_961, %mul3A_966 : vector<16x32x128xf32>
    %swap3A_968 = arith.constant 1 : index
    %swap3A_969 = arith.constant 0 : index
    %swap3A_970 = arith.constant 0 : index
    %swap3A_971 = arith.constant 0 : index
    %swap3A_972 = vector.load %arg10[%swap3A_968, %swap3A_969, %swap3A_970, %swap3A_971] : memref<2x16x32x128xf32, #tpu.memory_space<vmem>>, vector<1x16x32x128xf32>
    %swap3A_973 = vector.shape_cast %swap3A_972 : vector<1x16x32x128xf32> to vector<16x32x128xf32>
    %swap3A_974 = vector.shape_cast %add3A_967 : vector<16x32x128xf32> to vector<1x16x32x128xf32>
    tpu.vector_store %arg10[%swap3A_968, %swap3A_969, %swap3A_970, %swap3A_971], %swap3A_974 {strides = array<i32>} : memref<2x16x32x128xf32, #tpu.memory_space<vmem>>, vector<1x16x32x128xf32>,
    %get3A_975 = arith.constant 0 : index
    %get3A_976 = arith.constant 0 : index
    %get3A_977 = arith.constant 0 : index
    %get3A_978 = arith.constant 0 : index
    %get3A_979 = vector.load %arg10[%get3A_975, %get3A_976, %get3A_977, %get3A_978] : memref<2x16x32x128xf32, #tpu.memory_space<vmem>>, vector<1x16x32x128xf32>
    %get3A_980 = vector.shape_cast %get3A_979 : vector<1x16x32x128xf32> to vector<16x32x128xf32>
    %get3A_981 = arith.constant 0 : index
    %get3A_982 = arith.constant 10 : index
    %get3A_983 = arith.constant 0 : index
    %get3A_984 = vector.load %arg2[%get3A_981, %get3A_982, %get3A_983] : memref<16x40x32xf32, #tpu.memory_space<vmem>>, vector<16x1x32xf32>
    %get3A_985 = vector.shape_cast %get3A_984 : vector<16x1x32xf32> to vector<16x32xf32>
    %get3A_986 = arith.constant 0 : index
    %get3A_987 = arith.constant 10 : index
    %get3A_988 = arith.constant 0 : index
    %get3A_989 = vector.load %arg3[%get3A_986, %get3A_987, %get3A_988] : memref<16x40x128xf32, #tpu.memory_space<vmem>>, vector<16x1x128xf32>
    %get3A_990 = vector.shape_cast %get3A_989 : vector<16x1x128xf32> to vector<16x128xf32>
    %get3A_991 = arith.constant 0 : index
    %get3A_992 = arith.constant 10 : index
    %get3A_993 = arith.constant 0 : index
    %get3A_994 = vector.load %arg4[%get3A_991, %get3A_992, %get3A_993] : memref<16x40x128xf32, #tpu.memory_space<vmem>>, vector<16x1x128xf32>
    %get3A_995 = vector.shape_cast %get3A_994 : vector<16x1x128xf32> to vector<16x128xf32>
    %broadcast_in_dim3A_996 = vector.shape_cast %get3A_985 : vector<16x32xf32> to vector<16x32x1xf32>
    %mul3A_997 = vector.broadcast %broadcast_in_dim3A_996 : vector<16x32x1xf32> to vector<16x32x128xf32>
    %mul3A_998 = arith.mulf %get3A_980, %mul3A_997 : vector<16x32x128xf32>
    %reduce_sum3A_999 = arith.constant dense<0.000000e+00> : vector<16x128xf32>
    %reduce_sum3A_1000 = vector.multi_reduction <add>, %mul3A_998, %reduce_sum3A_999 [1] : vector<16x32x128xf32> to vector<16x128xf32>
    %swap3A_1001 = arith.constant 0 : index
    %swap3A_1002 = arith.constant 10 : index
    %swap3A_1003 = arith.constant 0 : index
    %swap3A_1004 = vector.load %arg8[%swap3A_1001, %swap3A_1002, %swap3A_1003] : memref<16x40x128xf32, #tpu.memory_space<vmem>>, vector<16x1x128xf32>
    %swap3A_1005 = vector.shape_cast %swap3A_1004 : vector<16x1x128xf32> to vector<16x128xf32>
    %swap3A_1006 = vector.shape_cast %reduce_sum3A_1000 : vector<16x128xf32> to vector<16x1x128xf32>
    tpu.vector_store %arg8[%swap3A_1001, %swap3A_1002, %swap3A_1003], %swap3A_1006 {strides = array<i32>} : memref<16x40x128xf32, #tpu.memory_space<vmem>>, vector<16x1x128xf32>,
    %broadcast_in_dim3A_1007 = vector.shape_cast %get3A_990 : vector<16x128xf32> to vector<16x1x128xf32>
    %mul3A_1008 = vector.broadcast %broadcast_in_dim3A_1007 : vector<16x1x128xf32> to vector<16x32x128xf32>
    %mul3A_1009 = arith.mulf %mul3A_998, %mul3A_1008 : vector<16x32x128xf32>
    %sub3A_1010 = arith.subf %get3A_980, %mul3A_1009 : vector<16x32x128xf32>
    %broadcast_in_dim3A_1011 = vector.shape_cast %get3A_985 : vector<16x32xf32> to vector<16x32x1xf32>
    %broadcast_in_dim3A_1012 = vector.shape_cast %get3A_995 : vector<16x128xf32> to vector<16x1x128xf32>
    %mul3A_1013 = vector.broadcast %broadcast_in_dim3A_1011 : vector<16x32x1xf32> to vector<16x32x128xf32>
    %mul3A_1014 = vector.broadcast %broadcast_in_dim3A_1012 : vector<16x1x128xf32> to vector<16x32x128xf32>
    %mul3A_1015 = arith.mulf %mul3A_1013, %mul3A_1014 : vector<16x32x128xf32>
    %add3A_1016 = arith.addf %sub3A_1010, %mul3A_1015 : vector<16x32x128xf32>
    %swap3A_1017 = arith.constant 0 : index
    %swap3A_1018 = arith.constant 0 : index
    %swap3A_1019 = arith.constant 0 : index
    %swap3A_1020 = arith.constant 0 : index
    %swap3A_1021 = vector.load %arg10[%swap3A_1017, %swap3A_1018, %swap3A_1019, %swap3A_1020] : memref<2x16x32x128xf32, #tpu.memory_space<vmem>>, vector<1x16x32x128xf32>
    %swap3A_1022 = vector.shape_cast %swap3A_1021 : vector<1x16x32x128xf32> to vector<16x32x128xf32>
    %swap3A_1023 = vector.shape_cast %add3A_1016 : vector<16x32x128xf32> to vector<1x16x32x128xf32>
    tpu.vector_store %arg10[%swap3A_1017, %swap3A_1018, %swap3A_1019, %swap3A_1020], %swap3A_1023 {strides = array<i32>} : memref<2x16x32x128xf32, #tpu.memory_space<vmem>>, vector<1x16x32x128xf32>,
    %get3A_1024 = arith.constant 1 : index
    %get3A_1025 = arith.constant 0 : index
    %get3A_1026 = arith.constant 0 : index
    %get3A_1027 = arith.constant 0 : index
    %get3A_1028 = vector.load %arg10[%get3A_1024, %get3A_1025, %get3A_1026, %get3A_1027] : memref<2x16x32x128xf32, #tpu.memory_space<vmem>>, vector<1x16x32x128xf32>
    %get3A_1029 = vector.shape_cast %get3A_1028 : vector<1x16x32x128xf32> to vector<16x32x128xf32>
    %get3A_1030 = arith.constant 0 : index
    %get3A_1031 = arith.constant 10 : index
    %get3A_1032 = arith.constant 0 : index
    %get3A_1033 = vector.load %arg5[%get3A_1030, %get3A_1031, %get3A_1032] : memref<16x40x32xf32, #tpu.memory_space<vmem>>, vector<16x1x32xf32>
    %get3A_1034 = vector.shape_cast %get3A_1033 : vector<16x1x32xf32> to vector<16x32xf32>
    %get3A_1035 = arith.constant 0 : index
    %get3A_1036 = arith.constant 10 : index
    %get3A_1037 = arith.constant 0 : index
    %get3A_1038 = vector.load %arg6[%get3A_1035, %get3A_1036, %get3A_1037] : memref<16x40x128xf32, #tpu.memory_space<vmem>>, vector<16x1x128xf32>
    %get3A_1039 = vector.shape_cast %get3A_1038 : vector<16x1x128xf32> to vector<16x128xf32>
    %get3A_1040 = arith.constant 0 : index
    %get3A_1041 = arith.constant 10 : index
    %get3A_1042 = arith.constant 0 : index
    %get3A_1043 = vector.load %arg7[%get3A_1040, %get3A_1041, %get3A_1042] : memref<16x40x128xf32, #tpu.memory_space<vmem>>, vector<16x1x128xf32>
    %get3A_1044 = vector.shape_cast %get3A_1043 : vector<16x1x128xf32> to vector<16x128xf32>
    %broadcast_in_dim3A_1045 = vector.shape_cast %get3A_1034 : vector<16x32xf32> to vector<16x32x1xf32>
    %mul3A_1046 = vector.broadcast %broadcast_in_dim3A_1045 : vector<16x32x1xf32> to vector<16x32x128xf32>
    %mul3A_1047 = arith.mulf %get3A_1029, %mul3A_1046 : vector<16x32x128xf32>
    %reduce_sum3A_1048 = arith.constant dense<0.000000e+00> : vector<16x128xf32>
    %reduce_sum3A_1049 = vector.multi_reduction <add>, %mul3A_1047, %reduce_sum3A_1048 [1] : vector<16x32x128xf32> to vector<16x128xf32>
    %swap3A_1050 = arith.constant 0 : index
    %swap3A_1051 = arith.constant 10 : index
    %swap3A_1052 = arith.constant 0 : index
    %swap3A_1053 = vector.load %arg9[%swap3A_1050, %swap3A_1051, %swap3A_1052] : memref<16x40x128xf32, #tpu.memory_space<vmem>>, vector<16x1x128xf32>
    %swap3A_1054 = vector.shape_cast %swap3A_1053 : vector<16x1x128xf32> to vector<16x128xf32>
    %swap3A_1055 = vector.shape_cast %reduce_sum3A_1049 : vector<16x128xf32> to vector<16x1x128xf32>
    tpu.vector_store %arg9[%swap3A_1050, %swap3A_1051, %swap3A_1052], %swap3A_1055 {strides = array<i32>} : memref<16x40x128xf32, #tpu.memory_space<vmem>>, vector<16x1x128xf32>,
    %broadcast_in_dim3A_1056 = vector.shape_cast %get3A_1039 : vector<16x128xf32> to vector<16x1x128xf32>
    %mul3A_1057 = vector.broadcast %broadcast_in_dim3A_1056 : vector<16x1x128xf32> to vector<16x32x128xf32>
    %mul3A_1058 = arith.mulf %mul3A_1047, %mul3A_1057 : vector<16x32x128xf32>
    %sub3A_1059 = arith.subf %get3A_1029, %mul3A_1058 : vector<16x32x128xf32>
    %broadcast_in_dim3A_1060 = vector.shape_cast %get3A_1034 : vector<16x32xf32> to vector<16x32x1xf32>
    %broadcast_in_dim3A_1061 = vector.shape_cast %get3A_1044 : vector<16x128xf32> to vector<16x1x128xf32>
    %mul3A_1062 = vector.broadcast %broadcast_in_dim3A_1060 : vector<16x32x1xf32> to vector<16x32x128xf32>
    %mul3A_1063 = vector.broadcast %broadcast_in_dim3A_1061 : vector<16x1x128xf32> to vector<16x32x128xf32>
    %mul3A_1064 = arith.mulf %mul3A_1062, %mul3A_1063 : vector<16x32x128xf32>
    %add3A_1065 = arith.addf %sub3A_1059, %mul3A_1064 : vector<16x32x128xf32>
    %swap3A_1066 = arith.constant 1 : index
    %swap3A_1067 = arith.constant 0 : index
    %swap3A_1068 = arith.constant 0 : index
    %swap3A_1069 = arith.constant 0 : index
    %swap3A_1070 = vector.load %arg10[%swap3A_1066, %swap3A_1067, %swap3A_1068, %swap3A_1069] : memref<2x16x32x128xf32, #tpu.memory_space<vmem>>, vector<1x16x32x128xf32>
    %swap3A_1071 = vector.shape_cast %swap3A_1070 : vector<1x16x32x128xf32> to vector<16x32x128xf32>
    %swap3A_1072 = vector.shape_cast %add3A_1065 : vector<16x32x128xf32> to vector<1x16x32x128xf32>
    tpu.vector_store %arg10[%swap3A_1066, %swap3A_1067, %swap3A_1068, %swap3A_1069], %swap3A_1072 {strides = array<i32>} : memref<2x16x32x128xf32, #tpu.memory_space<vmem>>, vector<1x16x32x128xf32>,
    %get3A_1073 = arith.constant 0 : index
    %get3A_1074 = arith.constant 0 : index
    %get3A_1075 = arith.constant 0 : index
    %get3A_1076 = arith.constant 0 : index
    %get3A_1077 = vector.load %arg10[%get3A_1073, %get3A_1074, %get3A_1075, %get3A_1076] : memref<2x16x32x128xf32, #tpu.memory_space<vmem>>, vector<1x16x32x128xf32>
    %get3A_1078 = vector.shape_cast %get3A_1077 : vector<1x16x32x128xf32> to vector<16x32x128xf32>
    %get3A_1079 = arith.constant 0 : index
    %get3A_1080 = arith.constant 11 : index
    %get3A_1081 = arith.constant 0 : index
    %get3A_1082 = vector.load %arg2[%get3A_1079, %get3A_1080, %get3A_1081] : memref<16x40x32xf32, #tpu.memory_space<vmem>>, vector<16x1x32xf32>
    %get3A_1083 = vector.shape_cast %get3A_1082 : vector<16x1x32xf32> to vector<16x32xf32>
    %get3A_1084 = arith.constant 0 : index
    %get3A_1085 = arith.constant 11 : index
    %get3A_1086 = arith.constant 0 : index
    %get3A_1087 = vector.load %arg3[%get3A_1084, %get3A_1085, %get3A_1086] : memref<16x40x128xf32, #tpu.memory_space<vmem>>, vector<16x1x128xf32>
    %get3A_1088 = vector.shape_cast %get3A_1087 : vector<16x1x128xf32> to vector<16x128xf32>
    %get3A_1089 = arith.constant 0 : index
    %get3A_1090 = arith.constant 11 : index
    %get3A_1091 = arith.constant 0 : index
    %get3A_1092 = vector.load %arg4[%get3A_1089, %get3A_1090, %get3A_1091] : memref<16x40x128xf32, #tpu.memory_space<vmem>>, vector<16x1x128xf32>
    %get3A_1093 = vector.shape_cast %get3A_1092 : vector<16x1x128xf32> to vector<16x128xf32>
    %broadcast_in_dim3A_1094 = vector.shape_cast %get3A_1083 : vector<16x32xf32> to vector<16x32x1xf32>
    %mul3A_1095 = vector.broadcast %broadcast_in_dim3A_1094 : vector<16x32x1xf32> to vector<16x32x128xf32>
    %mul3A_1096 = arith.mulf %get3A_1078, %mul3A_1095 : vector<16x32x128xf32>
    %reduce_sum3A_1097 = arith.constant dense<0.000000e+00> : vector<16x128xf32>
    %reduce_sum3A_1098 = vector.multi_reduction <add>, %mul3A_1096, %reduce_sum3A_1097 [1] : vector<16x32x128xf32> to vector<16x128xf32>
    %swap3A_1099 = arith.constant 0 : index
    %swap3A_1100 = arith.constant 11 : index
    %swap3A_1101 = arith.constant 0 : index
    %swap3A_1102 = vector.load %arg8[%swap3A_1099, %swap3A_1100, %swap3A_1101] : memref<16x40x128xf32, #tpu.memory_space<vmem>>, vector<16x1x128xf32>
    %swap3A_1103 = vector.shape_cast %swap3A_1102 : vector<16x1x128xf32> to vector<16x128xf32>
    %swap3A_1104 = vector.shape_cast %reduce_sum3A_1098 : vector<16x128xf32> to vector<16x1x128xf32>
    tpu.vector_store %arg8[%swap3A_1099, %swap3A_1100, %swap3A_1101], %swap3A_1104 {strides = array<i32>} : memref<16x40x128xf32, #tpu.memory_space<vmem>>, vector<16x1x128xf32>,
    %broadcast_in_dim3A_1105 = vector.shape_cast %get3A_1088 : vector<16x128xf32> to vector<16x1x128xf32>
    %mul3A_1106 = vector.broadcast %broadcast_in_dim3A_1105 : vector<16x1x128xf32> to vector<16x32x128xf32>
    %mul3A_1107 = arith.mulf %mul3A_1096, %mul3A_1106 : vector<16x32x128xf32>
    %sub3A_1108 = arith.subf %get3A_1078, %mul3A_1107 : vector<16x32x128xf32>
    %broadcast_in_dim3A_1109 = vector.shape_cast %get3A_1083 : vector<16x32xf32> to vector<16x32x1xf32>
    %broadcast_in_dim3A_1110 = vector.shape_cast %get3A_1093 : vector<16x128xf32> to vector<16x1x128xf32>
    %mul3A_1111 = vector.broadcast %broadcast_in_dim3A_1109 : vector<16x32x1xf32> to vector<16x32x128xf32>
    %mul3A_1112 = vector.broadcast %broadcast_in_dim3A_1110 : vector<16x1x128xf32> to vector<16x32x128xf32>
    %mul3A_1113 = arith.mulf %mul3A_1111, %mul3A_1112 : vector<16x32x128xf32>
    %add3A_1114 = arith.addf %sub3A_1108, %mul3A_1113 : vector<16x32x128xf32>
    %swap3A_1115 = arith.constant 0 : index
    %swap3A_1116 = arith.constant 0 : index
    %swap3A_1117 = arith.constant 0 : index
    %swap3A_1118 = arith.constant 0 : index
    %swap3A_1119 = vector.load %arg10[%swap3A_1115, %swap3A_1116, %swap3A_1117, %swap3A_1118] : memref<2x16x32x128xf32, #tpu.memory_space<vmem>>, vector<1x16x32x128xf32>
    %swap3A_1120 = vector.shape_cast %swap3A_1119 : vector<1x16x32x128xf32> to vector<16x32x128xf32>
    %swap3A_1121 = vector.shape_cast %add3A_1114 : vector<16x32x128xf32> to vector<1x16x32x128xf32>
    tpu.vector_store %arg10[%swap3A_1115, %swap3A_1116, %swap3A_1117, %swap3A_1118], %swap3A_1121 {strides = array<i32>} : memref<2x16x32x128xf32, #tpu.memory_space<vmem>>, vector<1x16x32x128xf32>,
    %get3A_1122 = arith.constant 1 : index
    %get3A_1123 = arith.constant 0 : index
    %get3A_1124 = arith.constant 0 : index
    %get3A_1125 = arith.constant 0 : index
    %get3A_1126 = vector.load %arg10[%get3A_1122, %get3A_1123, %get3A_1124, %get3A_1125] : memref<2x16x32x128xf32, #tpu.memory_space<vmem>>, vector<1x16x32x128xf32>
    %get3A_1127 = vector.shape_cast %get3A_1126 : vector<1x16x32x128xf32> to vector<16x32x128xf32>
    %get3A_1128 = arith.constant 0 : index
    %get3A_1129 = arith.constant 11 : index
    %get3A_1130 = arith.constant 0 : index
    %get3A_1131 = vector.load %arg5[%get3A_1128, %get3A_1129, %get3A_1130] : memref<16x40x32xf32, #tpu.memory_space<vmem>>, vector<16x1x32xf32>
    %get3A_1132 = vector.shape_cast %get3A_1131 : vector<16x1x32xf32> to vector<16x32xf32>
    %get3A_1133 = arith.constant 0 : index
    %get3A_1134 = arith.constant 11 : index
    %get3A_1135 = arith.constant 0 : index
    %get3A_1136 = vector.load %arg6[%get3A_1133, %get3A_1134, %get3A_1135] : memref<16x40x128xf32, #tpu.memory_space<vmem>>, vector<16x1x128xf32>
    %get3A_1137 = vector.shape_cast %get3A_1136 : vector<16x1x128xf32> to vector<16x128xf32>
    %get3A_1138 = arith.constant 0 : index
    %get3A_1139 = arith.constant 11 : index
    %get3A_1140 = arith.constant 0 : index
    %get3A_1141 = vector.load %arg7[%get3A_1138, %get3A_1139, %get3A_1140] : memref<16x40x128xf32, #tpu.memory_space<vmem>>, vector<16x1x128xf32>
    %get3A_1142 = vector.shape_cast %get3A_1141 : vector<16x1x128xf32> to vector<16x128xf32>
    %broadcast_in_dim3A_1143 = vector.shape_cast %get3A_1132 : vector<16x32xf32> to vector<16x32x1xf32>
    %mul3A_1144 = vector.broadcast %broadcast_in_dim3A_1143 : vector<16x32x1xf32> to vector<16x32x128xf32>
    %mul3A_1145 = arith.mulf %get3A_1127, %mul3A_1144 : vector<16x32x128xf32>
    %reduce_sum3A_1146 = arith.constant dense<0.000000e+00> : vector<16x128xf32>
    %reduce_sum3A_1147 = vector.multi_reduction <add>, %mul3A_1145, %reduce_sum3A_1146 [1] : vector<16x32x128xf32> to vector<16x128xf32>
    %swap3A_1148 = arith.constant 0 : index
    %swap3A_1149 = arith.constant 11 : index
    %swap3A_1150 = arith.constant 0 : index
    %swap3A_1151 = vector.load %arg9[%swap3A_1148, %swap3A_1149, %swap3A_1150] : memref<16x40x128xf32, #tpu.memory_space<vmem>>, vector<16x1x128xf32>
    %swap3A_1152 = vector.shape_cast %swap3A_1151 : vector<16x1x128xf32> to vector<16x128xf32>
    %swap3A_1153 = vector.shape_cast %reduce_sum3A_1147 : vector<16x128xf32> to vector<16x1x128xf32>
    tpu.vector_store %arg9[%swap3A_1148, %swap3A_1149, %swap3A_1150], %swap3A_1153 {strides = array<i32>} : memref<16x40x128xf32, #tpu.memory_space<vmem>>, vector<16x1x128xf32>,
    %broadcast_in_dim3A_1154 = vector.shape_cast %get3A_1137 : vector<16x128xf32> to vector<16x1x128xf32>
    %mul3A_1155 = vector.broadcast %broadcast_in_dim3A_1154 : vector<16x1x128xf32> to vector<16x32x128xf32>
    %mul3A_1156 = arith.mulf %mul3A_1145, %mul3A_1155 : vector<16x32x128xf32>
    %sub3A_1157 = arith.subf %get3A_1127, %mul3A_1156 : vector<16x32x128xf32>
    %broadcast_in_dim3A_1158 = vector.shape_cast %get3A_1132 : vector<16x32xf32> to vector<16x32x1xf32>
    %broadcast_in_dim3A_1159 = vector.shape_cast %get3A_1142 : vector<16x128xf32> to vector<16x1x128xf32>
    %mul3A_1160 = vector.broadcast %broadcast_in_dim3A_1158 : vector<16x32x1xf32> to vector<16x32x128xf32>
    %mul3A_1161 = vector.broadcast %broadcast_in_dim3A_1159 : vector<16x1x128xf32> to vector<16x32x128xf32>
    %mul3A_1162 = arith.mulf %mul3A_1160, %mul3A_1161 : vector<16x32x128xf32>
    %add3A_1163 = arith.addf %sub3A_1157, %mul3A_1162 : vector<16x32x128xf32>
    %swap3A_1164 = arith.constant 1 : index
    %swap3A_1165 = arith.constant 0 : index
    %swap3A_1166 = arith.constant 0 : index
    %swap3A_1167 = arith.constant 0 : index
    %swap3A_1168 = vector.load %arg10[%swap3A_1164, %swap3A_1165, %swap3A_1166, %swap3A_1167] : memref<2x16x32x128xf32, #tpu.memory_space<vmem>>, vector<1x16x32x128xf32>
    %swap3A_1169 = vector.shape_cast %swap3A_1168 : vector<1x16x32x128xf32> to vector<16x32x128xf32>
    %swap3A_1170 = vector.shape_cast %add3A_1163 : vector<16x32x128xf32> to vector<1x16x32x128xf32>
    tpu.vector_store %arg10[%swap3A_1164, %swap3A_1165, %swap3A_1166, %swap3A_1167], %swap3A_1170 {strides = array<i32>} : memref<2x16x32x128xf32, #tpu.memory_space<vmem>>, vector<1x16x32x128xf32>,
    %get3A_1171 = arith.constant 0 : index
    %get3A_1172 = arith.constant 0 : index
    %get3A_1173 = arith.constant 0 : index
    %get3A_1174 = arith.constant 0 : index
    %get3A_1175 = vector.load %arg10[%get3A_1171, %get3A_1172, %get3A_1173, %get3A_1174] : memref<2x16x32x128xf32, #tpu.memory_space<vmem>>, vector<1x16x32x128xf32>
    %get3A_1176 = vector.shape_cast %get3A_1175 : vector<1x16x32x128xf32> to vector<16x32x128xf32>
    %get3A_1177 = arith.constant 0 : index
    %get3A_1178 = arith.constant 12 : index
    %get3A_1179 = arith.constant 0 : index
    %get3A_1180 = vector.load %arg2[%get3A_1177, %get3A_1178, %get3A_1179] : memref<16x40x32xf32, #tpu.memory_space<vmem>>, vector<16x1x32xf32>
    %get3A_1181 = vector.shape_cast %get3A_1180 : vector<16x1x32xf32> to vector<16x32xf32>
    %get3A_1182 = arith.constant 0 : index
    %get3A_1183 = arith.constant 12 : index
    %get3A_1184 = arith.constant 0 : index
    %get3A_1185 = vector.load %arg3[%get3A_1182, %get3A_1183, %get3A_1184] : memref<16x40x128xf32, #tpu.memory_space<vmem>>, vector<16x1x128xf32>
    %get3A_1186 = vector.shape_cast %get3A_1185 : vector<16x1x128xf32> to vector<16x128xf32>
    %get3A_1187 = arith.constant 0 : index
    %get3A_1188 = arith.constant 12 : index
    %get3A_1189 = arith.constant 0 : index
    %get3A_1190 = vector.load %arg4[%get3A_1187, %get3A_1188, %get3A_1189] : memref<16x40x128xf32, #tpu.memory_space<vmem>>, vector<16x1x128xf32>
    %get3A_1191 = vector.shape_cast %get3A_1190 : vector<16x1x128xf32> to vector<16x128xf32>
    %broadcast_in_dim3A_1192 = vector.shape_cast %get3A_1181 : vector<16x32xf32> to vector<16x32x1xf32>
    %mul3A_1193 = vector.broadcast %broadcast_in_dim3A_1192 : vector<16x32x1xf32> to vector<16x32x128xf32>
    %mul3A_1194 = arith.mulf %get3A_1176, %mul3A_1193 : vector<16x32x128xf32>
    %reduce_sum3A_1195 = arith.constant dense<0.000000e+00> : vector<16x128xf32>
    %reduce_sum3A_1196 = vector.multi_reduction <add>, %mul3A_1194, %reduce_sum3A_1195 [1] : vector<16x32x128xf32> to vector<16x128xf32>
    %swap3A_1197 = arith.constant 0 : index
    %swap3A_1198 = arith.constant 12 : index
    %swap3A_1199 = arith.constant 0 : index
    %swap3A_1200 = vector.load %arg8[%swap3A_1197, %swap3A_1198, %swap3A_1199] : memref<16x40x128xf32, #tpu.memory_space<vmem>>, vector<16x1x128xf32>
    %swap3A_1201 = vector.shape_cast %swap3A_1200 : vector<16x1x128xf32> to vector<16x128xf32>
    %swap3A_1202 = vector.shape_cast %reduce_sum3A_1196 : vector<16x128xf32> to vector<16x1x128xf32>
    tpu.vector_store %arg8[%swap3A_1197, %swap3A_1198, %swap3A_1199], %swap3A_1202 {strides = array<i32>} : memref<16x40x128xf32, #tpu.memory_space<vmem>>, vector<16x1x128xf32>,
    %broadcast_in_dim3A_1203 = vector.shape_cast %get3A_1186 : vector<16x128xf32> to vector<16x1x128xf32>
    %mul3A_1204 = vector.broadcast %broadcast_in_dim3A_1203 : vector<16x1x128xf32> to vector<16x32x128xf32>
    %mul3A_1205 = arith.mulf %mul3A_1194, %mul3A_1204 : vector<16x32x128xf32>
    %sub3A_1206 = arith.subf %get3A_1176, %mul3A_1205 : vector<16x32x128xf32>
    %broadcast_in_dim3A_1207 = vector.shape_cast %get3A_1181 : vector<16x32xf32> to vector<16x32x1xf32>
    %broadcast_in_dim3A_1208 = vector.shape_cast %get3A_1191 : vector<16x128xf32> to vector<16x1x128xf32>
    %mul3A_1209 = vector.broadcast %broadcast_in_dim3A_1207 : vector<16x32x1xf32> to vector<16x32x128xf32>
    %mul3A_1210 = vector.broadcast %broadcast_in_dim3A_1208 : vector<16x1x128xf32> to vector<16x32x128xf32>
    %mul3A_1211 = arith.mulf %mul3A_1209, %mul3A_1210 : vector<16x32x128xf32>
    %add3A_1212 = arith.addf %sub3A_1206, %mul3A_1211 : vector<16x32x128xf32>
    %swap3A_1213 = arith.constant 0 : index
    %swap3A_1214 = arith.constant 0 : index
    %swap3A_1215 = arith.constant 0 : index
    %swap3A_1216 = arith.constant 0 : index
    %swap3A_1217 = vector.load %arg10[%swap3A_1213, %swap3A_1214, %swap3A_1215, %swap3A_1216] : memref<2x16x32x128xf32, #tpu.memory_space<vmem>>, vector<1x16x32x128xf32>
    %swap3A_1218 = vector.shape_cast %swap3A_1217 : vector<1x16x32x128xf32> to vector<16x32x128xf32>
    %swap3A_1219 = vector.shape_cast %add3A_1212 : vector<16x32x128xf32> to vector<1x16x32x128xf32>
    tpu.vector_store %arg10[%swap3A_1213, %swap3A_1214, %swap3A_1215, %swap3A_1216], %swap3A_1219 {strides = array<i32>} : memref<2x16x32x128xf32, #tpu.memory_space<vmem>>, vector<1x16x32x128xf32>,
    %get3A_1220 = arith.constant 1 : index
    %get3A_1221 = arith.constant 0 : index
    %get3A_1222 = arith.constant 0 : index
    %get3A_1223 = arith.constant 0 : index
    %get3A_1224 = vector.load %arg10[%get3A_1220, %get3A_1221, %get3A_1222, %get3A_1223] : memref<2x16x32x128xf32, #tpu.memory_space<vmem>>, vector<1x16x32x128xf32>
    %get3A_1225 = vector.shape_cast %get3A_1224 : vector<1x16x32x128xf32> to vector<16x32x128xf32>
    %get3A_1226 = arith.constant 0 : index
    %get3A_1227 = arith.constant 12 : index
    %get3A_1228 = arith.constant 0 : index
    %get3A_1229 = vector.load %arg5[%get3A_1226, %get3A_1227, %get3A_1228] : memref<16x40x32xf32, #tpu.memory_space<vmem>>, vector<16x1x32xf32>
    %get3A_1230 = vector.shape_cast %get3A_1229 : vector<16x1x32xf32> to vector<16x32xf32>
    %get3A_1231 = arith.constant 0 : index
    %get3A_1232 = arith.constant 12 : index
    %get3A_1233 = arith.constant 0 : index
    %get3A_1234 = vector.load %arg6[%get3A_1231, %get3A_1232, %get3A_1233] : memref<16x40x128xf32, #tpu.memory_space<vmem>>, vector<16x1x128xf32>
    %get3A_1235 = vector.shape_cast %get3A_1234 : vector<16x1x128xf32> to vector<16x128xf32>
    %get3A_1236 = arith.constant 0 : index
    %get3A_1237 = arith.constant 12 : index
    %get3A_1238 = arith.constant 0 : index
    %get3A_1239 = vector.load %arg7[%get3A_1236, %get3A_1237, %get3A_1238] : memref<16x40x128xf32, #tpu.memory_space<vmem>>, vector<16x1x128xf32>
    %get3A_1240 = vector.shape_cast %get3A_1239 : vector<16x1x128xf32> to vector<16x128xf32>
    %broadcast_in_dim3A_1241 = vector.shape_cast %get3A_1230 : vector<16x32xf32> to vector<16x32x1xf32>
    %mul3A_1242 = vector.broadcast %broadcast_in_dim3A_1241 : vector<16x32x1xf32> to vector<16x32x128xf32>
    %mul3A_1243 = arith.mulf %get3A_1225, %mul3A_1242 : vector<16x32x128xf32>
    %reduce_sum3A_1244 = arith.constant dense<0.000000e+00> : vector<16x128xf32>
    %reduce_sum3A_1245 = vector.multi_reduction <add>, %mul3A_1243, %reduce_sum3A_1244 [1] : vector<16x32x128xf32> to vector<16x128xf32>
    %swap3A_1246 = arith.constant 0 : index
    %swap3A_1247 = arith.constant 12 : index
    %swap3A_1248 = arith.constant 0 : index
    %swap3A_1249 = vector.load %arg9[%swap3A_1246, %swap3A_1247, %swap3A_1248] : memref<16x40x128xf32, #tpu.memory_space<vmem>>, vector<16x1x128xf32>
    %swap3A_1250 = vector.shape_cast %swap3A_1249 : vector<16x1x128xf32> to vector<16x128xf32>
    %swap3A_1251 = vector.shape_cast %reduce_sum3A_1245 : vector<16x128xf32> to vector<16x1x128xf32>
    tpu.vector_store %arg9[%swap3A_1246, %swap3A_1247, %swap3A_1248], %swap3A_1251 {strides = array<i32>} : memref<16x40x128xf32, #tpu.memory_space<vmem>>, vector<16x1x128xf32>,
    %broadcast_in_dim3A_1252 = vector.shape_cast %get3A_1235 : vector<16x128xf32> to vector<16x1x128xf32>
    %mul3A_1253 = vector.broadcast %broadcast_in_dim3A_1252 : vector<16x1x128xf32> to vector<16x32x128xf32>
    %mul3A_1254 = arith.mulf %mul3A_1243, %mul3A_1253 : vector<16x32x128xf32>
    %sub3A_1255 = arith.subf %get3A_1225, %mul3A_1254 : vector<16x32x128xf32>
    %broadcast_in_dim3A_1256 = vector.shape_cast %get3A_1230 : vector<16x32xf32> to vector<16x32x1xf32>
    %broadcast_in_dim3A_1257 = vector.shape_cast %get3A_1240 : vector<16x128xf32> to vector<16x1x128xf32>
    %mul3A_1258 = vector.broadcast %broadcast_in_dim3A_1256 : vector<16x32x1xf32> to vector<16x32x128xf32>
    %mul3A_1259 = vector.broadcast %broadcast_in_dim3A_1257 : vector<16x1x128xf32> to vector<16x32x128xf32>
    %mul3A_1260 = arith.mulf %mul3A_1258, %mul3A_1259 : vector<16x32x128xf32>
    %add3A_1261 = arith.addf %sub3A_1255, %mul3A_1260 : vector<16x32x128xf32>
    %swap3A_1262 = arith.constant 1 : index
    %swap3A_1263 = arith.constant 0 : index
    %swap3A_1264 = arith.constant 0 : index
    %swap3A_1265 = arith.constant 0 : index
    %swap3A_1266 = vector.load %arg10[%swap3A_1262, %swap3A_1263, %swap3A_1264, %swap3A_1265] : memref<2x16x32x128xf32, #tpu.memory_space<vmem>>, vector<1x16x32x128xf32>
    %swap3A_1267 = vector.shape_cast %swap3A_1266 : vector<1x16x32x128xf32> to vector<16x32x128xf32>
    %swap3A_1268 = vector.shape_cast %add3A_1261 : vector<16x32x128xf32> to vector<1x16x32x128xf32>
    tpu.vector_store %arg10[%swap3A_1262, %swap3A_1263, %swap3A_1264, %swap3A_1265], %swap3A_1268 {strides = array<i32>} : memref<2x16x32x128xf32, #tpu.memory_space<vmem>>, vector<1x16x32x128xf32>,
    %get3A_1269 = arith.constant 0 : index
    %get3A_1270 = arith.constant 0 : index
    %get3A_1271 = arith.constant 0 : index
    %get3A_1272 = arith.constant 0 : index
    %get3A_1273 = vector.load %arg10[%get3A_1269, %get3A_1270, %get3A_1271, %get3A_1272] : memref<2x16x32x128xf32, #tpu.memory_space<vmem>>, vector<1x16x32x128xf32>
    %get3A_1274 = vector.shape_cast %get3A_1273 : vector<1x16x32x128xf32> to vector<16x32x128xf32>
    %get3A_1275 = arith.constant 0 : index
    %get3A_1276 = arith.constant 13 : index
    %get3A_1277 = arith.constant 0 : index
    %get3A_1278 = vector.load %arg2[%get3A_1275, %get3A_1276, %get3A_1277] : memref<16x40x32xf32, #tpu.memory_space<vmem>>, vector<16x1x32xf32>
    %get3A_1279 = vector.shape_cast %get3A_1278 : vector<16x1x32xf32> to vector<16x32xf32>
    %get3A_1280 = arith.constant 0 : index
    %get3A_1281 = arith.constant 13 : index
    %get3A_1282 = arith.constant 0 : index
    %get3A_1283 = vector.load %arg3[%get3A_1280, %get3A_1281, %get3A_1282] : memref<16x40x128xf32, #tpu.memory_space<vmem>>, vector<16x1x128xf32>
    %get3A_1284 = vector.shape_cast %get3A_1283 : vector<16x1x128xf32> to vector<16x128xf32>
    %get3A_1285 = arith.constant 0 : index
    %get3A_1286 = arith.constant 13 : index
    %get3A_1287 = arith.constant 0 : index
    %get3A_1288 = vector.load %arg4[%get3A_1285, %get3A_1286, %get3A_1287] : memref<16x40x128xf32, #tpu.memory_space<vmem>>, vector<16x1x128xf32>
    %get3A_1289 = vector.shape_cast %get3A_1288 : vector<16x1x128xf32> to vector<16x128xf32>
    %broadcast_in_dim3A_1290 = vector.shape_cast %get3A_1279 : vector<16x32xf32> to vector<16x32x1xf32>
    %mul3A_1291 = vector.broadcast %broadcast_in_dim3A_1290 : vector<16x32x1xf32> to vector<16x32x128xf32>
    %mul3A_1292 = arith.mulf %get3A_1274, %mul3A_1291 : vector<16x32x128xf32>
    %reduce_sum3A_1293 = arith.constant dense<0.000000e+00> : vector<16x128xf32>
    %reduce_sum3A_1294 = vector.multi_reduction <add>, %mul3A_1292, %reduce_sum3A_1293 [1] : vector<16x32x128xf32> to vector<16x128xf32>
    %swap3A_1295 = arith.constant 0 : index
    %swap3A_1296 = arith.constant 13 : index
    %swap3A_1297 = arith.constant 0 : index
    %swap3A_1298 = vector.load %arg8[%swap3A_1295, %swap3A_1296, %swap3A_1297] : memref<16x40x128xf32, #tpu.memory_space<vmem>>, vector<16x1x128xf32>
    %swap3A_1299 = vector.shape_cast %swap3A_1298 : vector<16x1x128xf32> to vector<16x128xf32>
    %swap3A_1300 = vector.shape_cast %reduce_sum3A_1294 : vector<16x128xf32> to vector<16x1x128xf32>
    tpu.vector_store %arg8[%swap3A_1295, %swap3A_1296, %swap3A_1297], %swap3A_1300 {strides = array<i32>} : memref<16x40x128xf32, #tpu.memory_space<vmem>>, vector<16x1x128xf32>,
    %broadcast_in_dim3A_1301 = vector.shape_cast %get3A_1284 : vector<16x128xf32> to vector<16x1x128xf32>
    %mul3A_1302 = vector.broadcast %broadcast_in_dim3A_1301 : vector<16x1x128xf32> to vector<16x32x128xf32>
    %mul3A_1303 = arith.mulf %mul3A_1292, %mul3A_1302 : vector<16x32x128xf32>
    %sub3A_1304 = arith.subf %get3A_1274, %mul3A_1303 : vector<16x32x128xf32>
    %broadcast_in_dim3A_1305 = vector.shape_cast %get3A_1279 : vector<16x32xf32> to vector<16x32x1xf32>
    %broadcast_in_dim3A_1306 = vector.shape_cast %get3A_1289 : vector<16x128xf32> to vector<16x1x128xf32>
    %mul3A_1307 = vector.broadcast %broadcast_in_dim3A_1305 : vector<16x32x1xf32> to vector<16x32x128xf32>
    %mul3A_1308 = vector.broadcast %broadcast_in_dim3A_1306 : vector<16x1x128xf32> to vector<16x32x128xf32>
    %mul3A_1309 = arith.mulf %mul3A_1307, %mul3A_1308 : vector<16x32x128xf32>
    %add3A_1310 = arith.addf %sub3A_1304, %mul3A_1309 : vector<16x32x128xf32>
    %swap3A_1311 = arith.constant 0 : index
    %swap3A_1312 = arith.constant 0 : index
    %swap3A_1313 = arith.constant 0 : index
    %swap3A_1314 = arith.constant 0 : index
    %swap3A_1315 = vector.load %arg10[%swap3A_1311, %swap3A_1312, %swap3A_1313, %swap3A_1314] : memref<2x16x32x128xf32, #tpu.memory_space<vmem>>, vector<1x16x32x128xf32>
    %swap3A_1316 = vector.shape_cast %swap3A_1315 : vector<1x16x32x128xf32> to vector<16x32x128xf32>
    %swap3A_1317 = vector.shape_cast %add3A_1310 : vector<16x32x128xf32> to vector<1x16x32x128xf32>
    tpu.vector_store %arg10[%swap3A_1311, %swap3A_1312, %swap3A_1313, %swap3A_1314], %swap3A_1317 {strides = array<i32>} : memref<2x16x32x128xf32, #tpu.memory_space<vmem>>, vector<1x16x32x128xf32>,
    %get3A_1318 = arith.constant 1 : index
    %get3A_1319 = arith.constant 0 : index
    %get3A_1320 = arith.constant 0 : index
    %get3A_1321 = arith.constant 0 : index
    %get3A_1322 = vector.load %arg10[%get3A_1318, %get3A_1319, %get3A_1320, %get3A_1321] : memref<2x16x32x128xf32, #tpu.memory_space<vmem>>, vector<1x16x32x128xf32>
    %get3A_1323 = vector.shape_cast %get3A_1322 : vector<1x16x32x128xf32> to vector<16x32x128xf32>
    %get3A_1324 = arith.constant 0 : index
    %get3A_1325 = arith.constant 13 : index
    %get3A_1326 = arith.constant 0 : index
    %get3A_1327 = vector.load %arg5[%get3A_1324, %get3A_1325, %get3A_1326] : memref<16x40x32xf32, #tpu.memory_space<vmem>>, vector<16x1x32xf32>
    %get3A_1328 = vector.shape_cast %get3A_1327 : vector<16x1x32xf32> to vector<16x32xf32>
    %get3A_1329 = arith.constant 0 : index
    %get3A_1330 = arith.constant 13 : index
    %get3A_1331 = arith.constant 0 : index
    %get3A_1332 = vector.load %arg6[%get3A_1329, %get3A_1330, %get3A_1331] : memref<16x40x128xf32, #tpu.memory_space<vmem>>, vector<16x1x128xf32>
    %get3A_1333 = vector.shape_cast %get3A_1332 : vector<16x1x128xf32> to vector<16x128xf32>
    %get3A_1334 = arith.constant 0 : index
    %get3A_1335 = arith.constant 13 : index
    %get3A_1336 = arith.constant 0 : index
    %get3A_1337 = vector.load %arg7[%get3A_1334, %get3A_1335, %get3A_1336] : memref<16x40x128xf32, #tpu.memory_space<vmem>>, vector<16x1x128xf32>
    %get3A_1338 = vector.shape_cast %get3A_1337 : vector<16x1x128xf32> to vector<16x128xf32>
    %broadcast_in_dim3A_1339 = vector.shape_cast %get3A_1328 : vector<16x32xf32> to vector<16x32x1xf32>
    %mul3A_1340 = vector.broadcast %broadcast_in_dim3A_1339 : vector<16x32x1xf32> to vector<16x32x128xf32>
    %mul3A_1341 = arith.mulf %get3A_1323, %mul3A_1340 : vector<16x32x128xf32>
    %reduce_sum3A_1342 = arith.constant dense<0.000000e+00> : vector<16x128xf32>
    %reduce_sum3A_1343 = vector.multi_reduction <add>, %mul3A_1341, %reduce_sum3A_1342 [1] : vector<16x32x128xf32> to vector<16x128xf32>
    %swap3A_1344 = arith.constant 0 : index
    %swap3A_1345 = arith.constant 13 : index
    %swap3A_1346 = arith.constant 0 : index
    %swap3A_1347 = vector.load %arg9[%swap3A_1344, %swap3A_1345, %swap3A_1346] : memref<16x40x128xf32, #tpu.memory_space<vmem>>, vector<16x1x128xf32>
    %swap3A_1348 = vector.shape_cast %swap3A_1347 : vector<16x1x128xf32> to vector<16x128xf32>
    %swap3A_1349 = vector.shape_cast %reduce_sum3A_1343 : vector<16x128xf32> to vector<16x1x128xf32>
    tpu.vector_store %arg9[%swap3A_1344, %swap3A_1345, %swap3A_1346], %swap3A_1349 {strides = array<i32>} : memref<16x40x128xf32, #tpu.memory_space<vmem>>, vector<16x1x128xf32>,
    %broadcast_in_dim3A_1350 = vector.shape_cast %get3A_1333 : vector<16x128xf32> to vector<16x1x128xf32>
    %mul3A_1351 = vector.broadcast %broadcast_in_dim3A_1350 : vector<16x1x128xf32> to vector<16x32x128xf32>
    %mul3A_1352 = arith.mulf %mul3A_1341, %mul3A_1351 : vector<16x32x128xf32>
    %sub3A_1353 = arith.subf %get3A_1323, %mul3A_1352 : vector<16x32x128xf32>
    %broadcast_in_dim3A_1354 = vector.shape_cast %get3A_1328 : vector<16x32xf32> to vector<16x32x1xf32>
    %broadcast_in_dim3A_1355 = vector.shape_cast %get3A_1338 : vector<16x128xf32> to vector<16x1x128xf32>
    %mul3A_1356 = vector.broadcast %broadcast_in_dim3A_1354 : vector<16x32x1xf32> to vector<16x32x128xf32>
    %mul3A_1357 = vector.broadcast %broadcast_in_dim3A_1355 : vector<16x1x128xf32> to vector<16x32x128xf32>
    %mul3A_1358 = arith.mulf %mul3A_1356, %mul3A_1357 : vector<16x32x128xf32>
    %add3A_1359 = arith.addf %sub3A_1353, %mul3A_1358 : vector<16x32x128xf32>
    %swap3A_1360 = arith.constant 1 : index
    %swap3A_1361 = arith.constant 0 : index
    %swap3A_1362 = arith.constant 0 : index
    %swap3A_1363 = arith.constant 0 : index
    %swap3A_1364 = vector.load %arg10[%swap3A_1360, %swap3A_1361, %swap3A_1362, %swap3A_1363] : memref<2x16x32x128xf32, #tpu.memory_space<vmem>>, vector<1x16x32x128xf32>
    %swap3A_1365 = vector.shape_cast %swap3A_1364 : vector<1x16x32x128xf32> to vector<16x32x128xf32>
    %swap3A_1366 = vector.shape_cast %add3A_1359 : vector<16x32x128xf32> to vector<1x16x32x128xf32>
    tpu.vector_store %arg10[%swap3A_1360, %swap3A_1361, %swap3A_1362, %swap3A_1363], %swap3A_1366 {strides = array<i32>} : memref<2x16x32x128xf32, #tpu.memory_space<vmem>>, vector<1x16x32x128xf32>,
    %get3A_1367 = arith.constant 0 : index
    %get3A_1368 = arith.constant 0 : index
    %get3A_1369 = arith.constant 0 : index
    %get3A_1370 = arith.constant 0 : index
    %get3A_1371 = vector.load %arg10[%get3A_1367, %get3A_1368, %get3A_1369, %get3A_1370] : memref<2x16x32x128xf32, #tpu.memory_space<vmem>>, vector<1x16x32x128xf32>
    %get3A_1372 = vector.shape_cast %get3A_1371 : vector<1x16x32x128xf32> to vector<16x32x128xf32>
    %get3A_1373 = arith.constant 0 : index
    %get3A_1374 = arith.constant 14 : index
    %get3A_1375 = arith.constant 0 : index
    %get3A_1376 = vector.load %arg2[%get3A_1373, %get3A_1374, %get3A_1375] : memref<16x40x32xf32, #tpu.memory_space<vmem>>, vector<16x1x32xf32>
    %get3A_1377 = vector.shape_cast %get3A_1376 : vector<16x1x32xf32> to vector<16x32xf32>
    %get3A_1378 = arith.constant 0 : index
    %get3A_1379 = arith.constant 14 : index
    %get3A_1380 = arith.constant 0 : index
    %get3A_1381 = vector.load %arg3[%get3A_1378, %get3A_1379, %get3A_1380] : memref<16x40x128xf32, #tpu.memory_space<vmem>>, vector<16x1x128xf32>
    %get3A_1382 = vector.shape_cast %get3A_1381 : vector<16x1x128xf32> to vector<16x128xf32>
    %get3A_1383 = arith.constant 0 : index
    %get3A_1384 = arith.constant 14 : index
    %get3A_1385 = arith.constant 0 : index
    %get3A_1386 = vector.load %arg4[%get3A_1383, %get3A_1384, %get3A_1385] : memref<16x40x128xf32, #tpu.memory_space<vmem>>, vector<16x1x128xf32>
    %get3A_1387 = vector.shape_cast %get3A_1386 : vector<16x1x128xf32> to vector<16x128xf32>
    %broadcast_in_dim3A_1388 = vector.shape_cast %get3A_1377 : vector<16x32xf32> to vector<16x32x1xf32>
    %mul3A_1389 = vector.broadcast %broadcast_in_dim3A_1388 : vector<16x32x1xf32> to vector<16x32x128xf32>
    %mul3A_1390 = arith.mulf %get3A_1372, %mul3A_1389 : vector<16x32x128xf32>
    %reduce_sum3A_1391 = arith.constant dense<0.000000e+00> : vector<16x128xf32>
    %reduce_sum3A_1392 = vector.multi_reduction <add>, %mul3A_1390, %reduce_sum3A_1391 [1] : vector<16x32x128xf32> to vector<16x128xf32>
    %swap3A_1393 = arith.constant 0 : index
    %swap3A_1394 = arith.constant 14 : index
    %swap3A_1395 = arith.constant 0 : index
    %swap3A_1396 = vector.load %arg8[%swap3A_1393, %swap3A_1394, %swap3A_1395] : memref<16x40x128xf32, #tpu.memory_space<vmem>>, vector<16x1x128xf32>
    %swap3A_1397 = vector.shape_cast %swap3A_1396 : vector<16x1x128xf32> to vector<16x128xf32>
    %swap3A_1398 = vector.shape_cast %reduce_sum3A_1392 : vector<16x128xf32> to vector<16x1x128xf32>
    tpu.vector_store %arg8[%swap3A_1393, %swap3A_1394, %swap3A_1395], %swap3A_1398 {strides = array<i32>} : memref<16x40x128xf32, #tpu.memory_space<vmem>>, vector<16x1x128xf32>,
    %broadcast_in_dim3A_1399 = vector.shape_cast %get3A_1382 : vector<16x128xf32> to vector<16x1x128xf32>
    %mul3A_1400 = vector.broadcast %broadcast_in_dim3A_1399 : vector<16x1x128xf32> to vector<16x32x128xf32>
    %mul3A_1401 = arith.mulf %mul3A_1390, %mul3A_1400 : vector<16x32x128xf32>
    %sub3A_1402 = arith.subf %get3A_1372, %mul3A_1401 : vector<16x32x128xf32>
    %broadcast_in_dim3A_1403 = vector.shape_cast %get3A_1377 : vector<16x32xf32> to vector<16x32x1xf32>
    %broadcast_in_dim3A_1404 = vector.shape_cast %get3A_1387 : vector<16x128xf32> to vector<16x1x128xf32>
    %mul3A_1405 = vector.broadcast %broadcast_in_dim3A_1403 : vector<16x32x1xf32> to vector<16x32x128xf32>
    %mul3A_1406 = vector.broadcast %broadcast_in_dim3A_1404 : vector<16x1x128xf32> to vector<16x32x128xf32>
    %mul3A_1407 = arith.mulf %mul3A_1405, %mul3A_1406 : vector<16x32x128xf32>
    %add3A_1408 = arith.addf %sub3A_1402, %mul3A_1407 : vector<16x32x128xf32>
    %swap3A_1409 = arith.constant 0 : index
    %swap3A_1410 = arith.constant 0 : index
    %swap3A_1411 = arith.constant 0 : index
    %swap3A_1412 = arith.constant 0 : index
    %swap3A_1413 = vector.load %arg10[%swap3A_1409, %swap3A_1410, %swap3A_1411, %swap3A_1412] : memref<2x16x32x128xf32, #tpu.memory_space<vmem>>, vector<1x16x32x128xf32>
    %swap3A_1414 = vector.shape_cast %swap3A_1413 : vector<1x16x32x128xf32> to vector<16x32x128xf32>
    %swap3A_1415 = vector.shape_cast %add3A_1408 : vector<16x32x128xf32> to vector<1x16x32x128xf32>
    tpu.vector_store %arg10[%swap3A_1409, %swap3A_1410, %swap3A_1411, %swap3A_1412], %swap3A_1415 {strides = array<i32>} : memref<2x16x32x128xf32, #tpu.memory_space<vmem>>, vector<1x16x32x128xf32>,
    %get3A_1416 = arith.constant 1 : index
    %get3A_1417 = arith.constant 0 : index
    %get3A_1418 = arith.constant 0 : index
    %get3A_1419 = arith.constant 0 : index
    %get3A_1420 = vector.load %arg10[%get3A_1416, %get3A_1417, %get3A_1418, %get3A_1419] : memref<2x16x32x128xf32, #tpu.memory_space<vmem>>, vector<1x16x32x128xf32>
    %get3A_1421 = vector.shape_cast %get3A_1420 : vector<1x16x32x128xf32> to vector<16x32x128xf32>
    %get3A_1422 = arith.constant 0 : index
    %get3A_1423 = arith.constant 14 : index
    %get3A_1424 = arith.constant 0 : index
    %get3A_1425 = vector.load %arg5[%get3A_1422, %get3A_1423, %get3A_1424] : memref<16x40x32xf32, #tpu.memory_space<vmem>>, vector<16x1x32xf32>
    %get3A_1426 = vector.shape_cast %get3A_1425 : vector<16x1x32xf32> to vector<16x32xf32>
    %get3A_1427 = arith.constant 0 : index
    %get3A_1428 = arith.constant 14 : index
    %get3A_1429 = arith.constant 0 : index
    %get3A_1430 = vector.load %arg6[%get3A_1427, %get3A_1428, %get3A_1429] : memref<16x40x128xf32, #tpu.memory_space<vmem>>, vector<16x1x128xf32>
    %get3A_1431 = vector.shape_cast %get3A_1430 : vector<16x1x128xf32> to vector<16x128xf32>
    %get3A_1432 = arith.constant 0 : index
    %get3A_1433 = arith.constant 14 : index
    %get3A_1434 = arith.constant 0 : index
    %get3A_1435 = vector.load %arg7[%get3A_1432, %get3A_1433, %get3A_1434] : memref<16x40x128xf32, #tpu.memory_space<vmem>>, vector<16x1x128xf32>
    %get3A_1436 = vector.shape_cast %get3A_1435 : vector<16x1x128xf32> to vector<16x128xf32>
    %broadcast_in_dim3A_1437 = vector.shape_cast %get3A_1426 : vector<16x32xf32> to vector<16x32x1xf32>
    %mul3A_1438 = vector.broadcast %broadcast_in_dim3A_1437 : vector<16x32x1xf32> to vector<16x32x128xf32>
    %mul3A_1439 = arith.mulf %get3A_1421, %mul3A_1438 : vector<16x32x128xf32>
    %reduce_sum3A_1440 = arith.constant dense<0.000000e+00> : vector<16x128xf32>
    %reduce_sum3A_1441 = vector.multi_reduction <add>, %mul3A_1439, %reduce_sum3A_1440 [1] : vector<16x32x128xf32> to vector<16x128xf32>
    %swap3A_1442 = arith.constant 0 : index
    %swap3A_1443 = arith.constant 14 : index
    %swap3A_1444 = arith.constant 0 : index
    %swap3A_1445 = vector.load %arg9[%swap3A_1442, %swap3A_1443, %swap3A_1444] : memref<16x40x128xf32, #tpu.memory_space<vmem>>, vector<16x1x128xf32>
    %swap3A_1446 = vector.shape_cast %swap3A_1445 : vector<16x1x128xf32> to vector<16x128xf32>
    %swap3A_1447 = vector.shape_cast %reduce_sum3A_1441 : vector<16x128xf32> to vector<16x1x128xf32>
    tpu.vector_store %arg9[%swap3A_1442, %swap3A_1443, %swap3A_1444], %swap3A_1447 {strides = array<i32>} : memref<16x40x128xf32, #tpu.memory_space<vmem>>, vector<16x1x128xf32>,
    %broadcast_in_dim3A_1448 = vector.shape_cast %get3A_1431 : vector<16x128xf32> to vector<16x1x128xf32>
    %mul3A_1449 = vector.broadcast %broadcast_in_dim3A_1448 : vector<16x1x128xf32> to vector<16x32x128xf32>
    %mul3A_1450 = arith.mulf %mul3A_1439, %mul3A_1449 : vector<16x32x128xf32>
    %sub3A_1451 = arith.subf %get3A_1421, %mul3A_1450 : vector<16x32x128xf32>
    %broadcast_in_dim3A_1452 = vector.shape_cast %get3A_1426 : vector<16x32xf32> to vector<16x32x1xf32>
    %broadcast_in_dim3A_1453 = vector.shape_cast %get3A_1436 : vector<16x128xf32> to vector<16x1x128xf32>
    %mul3A_1454 = vector.broadcast %broadcast_in_dim3A_1452 : vector<16x32x1xf32> to vector<16x32x128xf32>
    %mul3A_1455 = vector.broadcast %broadcast_in_dim3A_1453 : vector<16x1x128xf32> to vector<16x32x128xf32>
    %mul3A_1456 = arith.mulf %mul3A_1454, %mul3A_1455 : vector<16x32x128xf32>
    %add3A_1457 = arith.addf %sub3A_1451, %mul3A_1456 : vector<16x32x128xf32>
    %swap3A_1458 = arith.constant 1 : index
    %swap3A_1459 = arith.constant 0 : index
    %swap3A_1460 = arith.constant 0 : index
    %swap3A_1461 = arith.constant 0 : index
    %swap3A_1462 = vector.load %arg10[%swap3A_1458, %swap3A_1459, %swap3A_1460, %swap3A_1461] : memref<2x16x32x128xf32, #tpu.memory_space<vmem>>, vector<1x16x32x128xf32>
    %swap3A_1463 = vector.shape_cast %swap3A_1462 : vector<1x16x32x128xf32> to vector<16x32x128xf32>
    %swap3A_1464 = vector.shape_cast %add3A_1457 : vector<16x32x128xf32> to vector<1x16x32x128xf32>
    tpu.vector_store %arg10[%swap3A_1458, %swap3A_1459, %swap3A_1460, %swap3A_1461], %swap3A_1464 {strides = array<i32>} : memref<2x16x32x128xf32, #tpu.memory_space<vmem>>, vector<1x16x32x128xf32>,
    %get3A_1465 = arith.constant 0 : index
    %get3A_1466 = arith.constant 0 : index
    %get3A_1467 = arith.constant 0 : index
    %get3A_1468 = arith.constant 0 : index
    %get3A_1469 = vector.load %arg10[%get3A_1465, %get3A_1466, %get3A_1467, %get3A_1468] : memref<2x16x32x128xf32, #tpu.memory_space<vmem>>, vector<1x16x32x128xf32>
    %get3A_1470 = vector.shape_cast %get3A_1469 : vector<1x16x32x128xf32> to vector<16x32x128xf32>
    %get3A_1471 = arith.constant 0 : index
    %get3A_1472 = arith.constant 15 : index
    %get3A_1473 = arith.constant 0 : index
    %get3A_1474 = vector.load %arg2[%get3A_1471, %get3A_1472, %get3A_1473] : memref<16x40x32xf32, #tpu.memory_space<vmem>>, vector<16x1x32xf32>
    %get3A_1475 = vector.shape_cast %get3A_1474 : vector<16x1x32xf32> to vector<16x32xf32>
    %get3A_1476 = arith.constant 0 : index
    %get3A_1477 = arith.constant 15 : index
    %get3A_1478 = arith.constant 0 : index
    %get3A_1479 = vector.load %arg3[%get3A_1476, %get3A_1477, %get3A_1478] : memref<16x40x128xf32, #tpu.memory_space<vmem>>, vector<16x1x128xf32>
    %get3A_1480 = vector.shape_cast %get3A_1479 : vector<16x1x128xf32> to vector<16x128xf32>
    %get3A_1481 = arith.constant 0 : index
    %get3A_1482 = arith.constant 15 : index
    %get3A_1483 = arith.constant 0 : index
    %get3A_1484 = vector.load %arg4[%get3A_1481, %get3A_1482, %get3A_1483] : memref<16x40x128xf32, #tpu.memory_space<vmem>>, vector<16x1x128xf32>
    %get3A_1485 = vector.shape_cast %get3A_1484 : vector<16x1x128xf32> to vector<16x128xf32>
    %broadcast_in_dim3A_1486 = vector.shape_cast %get3A_1475 : vector<16x32xf32> to vector<16x32x1xf32>
    %mul3A_1487 = vector.broadcast %broadcast_in_dim3A_1486 : vector<16x32x1xf32> to vector<16x32x128xf32>
    %mul3A_1488 = arith.mulf %get3A_1470, %mul3A_1487 : vector<16x32x128xf32>
    %reduce_sum3A_1489 = arith.constant dense<0.000000e+00> : vector<16x128xf32>
    %reduce_sum3A_1490 = vector.multi_reduction <add>, %mul3A_1488, %reduce_sum3A_1489 [1] : vector<16x32x128xf32> to vector<16x128xf32>
    %swap3A_1491 = arith.constant 0 : index
    %swap3A_1492 = arith.constant 15 : index
    %swap3A_1493 = arith.constant 0 : index
    %swap3A_1494 = vector.load %arg8[%swap3A_1491, %swap3A_1492, %swap3A_1493] : memref<16x40x128xf32, #tpu.memory_space<vmem>>, vector<16x1x128xf32>
    %swap3A_1495 = vector.shape_cast %swap3A_1494 : vector<16x1x128xf32> to vector<16x128xf32>
    %swap3A_1496 = vector.shape_cast %reduce_sum3A_1490 : vector<16x128xf32> to vector<16x1x128xf32>
    tpu.vector_store %arg8[%swap3A_1491, %swap3A_1492, %swap3A_1493], %swap3A_1496 {strides = array<i32>} : memref<16x40x128xf32, #tpu.memory_space<vmem>>, vector<16x1x128xf32>,
    %broadcast_in_dim3A_1497 = vector.shape_cast %get3A_1480 : vector<16x128xf32> to vector<16x1x128xf32>
    %mul3A_1498 = vector.broadcast %broadcast_in_dim3A_1497 : vector<16x1x128xf32> to vector<16x32x128xf32>
    %mul3A_1499 = arith.mulf %mul3A_1488, %mul3A_1498 : vector<16x32x128xf32>
    %sub3A_1500 = arith.subf %get3A_1470, %mul3A_1499 : vector<16x32x128xf32>
    %broadcast_in_dim3A_1501 = vector.shape_cast %get3A_1475 : vector<16x32xf32> to vector<16x32x1xf32>
    %broadcast_in_dim3A_1502 = vector.shape_cast %get3A_1485 : vector<16x128xf32> to vector<16x1x128xf32>
    %mul3A_1503 = vector.broadcast %broadcast_in_dim3A_1501 : vector<16x32x1xf32> to vector<16x32x128xf32>
    %mul3A_1504 = vector.broadcast %broadcast_in_dim3A_1502 : vector<16x1x128xf32> to vector<16x32x128xf32>
    %mul3A_1505 = arith.mulf %mul3A_1503, %mul3A_1504 : vector<16x32x128xf32>
    %add3A_1506 = arith.addf %sub3A_1500, %mul3A_1505 : vector<16x32x128xf32>
    %swap3A_1507 = arith.constant 0 : index
    %swap3A_1508 = arith.constant 0 : index
    %swap3A_1509 = arith.constant 0 : index
    %swap3A_1510 = arith.constant 0 : index
    %swap3A_1511 = vector.load %arg10[%swap3A_1507, %swap3A_1508, %swap3A_1509, %swap3A_1510] : memref<2x16x32x128xf32, #tpu.memory_space<vmem>>, vector<1x16x32x128xf32>
    %swap3A_1512 = vector.shape_cast %swap3A_1511 : vector<1x16x32x128xf32> to vector<16x32x128xf32>
    %swap3A_1513 = vector.shape_cast %add3A_1506 : vector<16x32x128xf32> to vector<1x16x32x128xf32>
    tpu.vector_store %arg10[%swap3A_1507, %swap3A_1508, %swap3A_1509, %swap3A_1510], %swap3A_1513 {strides = array<i32>} : memref<2x16x32x128xf32, #tpu.memory_space<vmem>>, vector<1x16x32x128xf32>,
    %get3A_1514 = arith.constant 1 : index
    %get3A_1515 = arith.constant 0 : index
    %get3A_1516 = arith.constant 0 : index
    %get3A_1517 = arith.constant 0 : index
    %get3A_1518 = vector.load %arg10[%get3A_1514, %get3A_1515, %get3A_1516, %get3A_1517] : memref<2x16x32x128xf32, #tpu.memory_space<vmem>>, vector<1x16x32x128xf32>
    %get3A_1519 = vector.shape_cast %get3A_1518 : vector<1x16x32x128xf32> to vector<16x32x128xf32>
    %get3A_1520 = arith.constant 0 : index
    %get3A_1521 = arith.constant 15 : index
    %get3A_1522 = arith.constant 0 : index
    %get3A_1523 = vector.load %arg5[%get3A_1520, %get3A_1521, %get3A_1522] : memref<16x40x32xf32, #tpu.memory_space<vmem>>, vector<16x1x32xf32>
    %get3A_1524 = vector.shape_cast %get3A_1523 : vector<16x1x32xf32> to vector<16x32xf32>
    %get3A_1525 = arith.constant 0 : index
    %get3A_1526 = arith.constant 15 : index
    %get3A_1527 = arith.constant 0 : index
    %get3A_1528 = vector.load %arg6[%get3A_1525, %get3A_1526, %get3A_1527] : memref<16x40x128xf32, #tpu.memory_space<vmem>>, vector<16x1x128xf32>
    %get3A_1529 = vector.shape_cast %get3A_1528 : vector<16x1x128xf32> to vector<16x128xf32>
    %get3A_1530 = arith.constant 0 : index
    %get3A_1531 = arith.constant 15 : index
    %get3A_1532 = arith.constant 0 : index
    %get3A_1533 = vector.load %arg7[%get3A_1530, %get3A_1531, %get3A_1532] : memref<16x40x128xf32, #tpu.memory_space<vmem>>, vector<16x1x128xf32>
    %get3A_1534 = vector.shape_cast %get3A_1533 : vector<16x1x128xf32> to vector<16x128xf32>
    %broadcast_in_dim3A_1535 = vector.shape_cast %get3A_1524 : vector<16x32xf32> to vector<16x32x1xf32>
    %mul3A_1536 = vector.broadcast %broadcast_in_dim3A_1535 : vector<16x32x1xf32> to vector<16x32x128xf32>
    %mul3A_1537 = arith.mulf %get3A_1519, %mul3A_1536 : vector<16x32x128xf32>
    %reduce_sum3A_1538 = arith.constant dense<0.000000e+00> : vector<16x128xf32>
    %reduce_sum3A_1539 = vector.multi_reduction <add>, %mul3A_1537, %reduce_sum3A_1538 [1] : vector<16x32x128xf32> to vector<16x128xf32>
    %swap3A_1540 = arith.constant 0 : index
    %swap3A_1541 = arith.constant 15 : index
    %swap3A_1542 = arith.constant 0 : index
    %swap3A_1543 = vector.load %arg9[%swap3A_1540, %swap3A_1541, %swap3A_1542] : memref<16x40x128xf32, #tpu.memory_space<vmem>>, vector<16x1x128xf32>
    %swap3A_1544 = vector.shape_cast %swap3A_1543 : vector<16x1x128xf32> to vector<16x128xf32>
    %swap3A_1545 = vector.shape_cast %reduce_sum3A_1539 : vector<16x128xf32> to vector<16x1x128xf32>
    tpu.vector_store %arg9[%swap3A_1540, %swap3A_1541, %swap3A_1542], %swap3A_1545 {strides = array<i32>} : memref<16x40x128xf32, #tpu.memory_space<vmem>>, vector<16x1x128xf32>,
    %broadcast_in_dim3A_1546 = vector.shape_cast %get3A_1529 : vector<16x128xf32> to vector<16x1x128xf32>
    %mul3A_1547 = vector.broadcast %broadcast_in_dim3A_1546 : vector<16x1x128xf32> to vector<16x32x128xf32>
    %mul3A_1548 = arith.mulf %mul3A_1537, %mul3A_1547 : vector<16x32x128xf32>
    %sub3A_1549 = arith.subf %get3A_1519, %mul3A_1548 : vector<16x32x128xf32>
    %broadcast_in_dim3A_1550 = vector.shape_cast %get3A_1524 : vector<16x32xf32> to vector<16x32x1xf32>
    %broadcast_in_dim3A_1551 = vector.shape_cast %get3A_1534 : vector<16x128xf32> to vector<16x1x128xf32>
    %mul3A_1552 = vector.broadcast %broadcast_in_dim3A_1550 : vector<16x32x1xf32> to vector<16x32x128xf32>
    %mul3A_1553 = vector.broadcast %broadcast_in_dim3A_1551 : vector<16x1x128xf32> to vector<16x32x128xf32>
    %mul3A_1554 = arith.mulf %mul3A_1552, %mul3A_1553 : vector<16x32x128xf32>
    %add3A_1555 = arith.addf %sub3A_1549, %mul3A_1554 : vector<16x32x128xf32>
    %swap3A_1556 = arith.constant 1 : index
    %swap3A_1557 = arith.constant 0 : index
    %swap3A_1558 = arith.constant 0 : index
    %swap3A_1559 = arith.constant 0 : index
    %swap3A_1560 = vector.load %arg10[%swap3A_1556, %swap3A_1557, %swap3A_1558, %swap3A_1559] : memref<2x16x32x128xf32, #tpu.memory_space<vmem>>, vector<1x16x32x128xf32>
    %swap3A_1561 = vector.shape_cast %swap3A_1560 : vector<1x16x32x128xf32> to vector<16x32x128xf32>
    %swap3A_1562 = vector.shape_cast %add3A_1555 : vector<16x32x128xf32> to vector<1x16x32x128xf32>
    tpu.vector_store %arg10[%swap3A_1556, %swap3A_1557, %swap3A_1558, %swap3A_1559], %swap3A_1562 {strides = array<i32>} : memref<2x16x32x128xf32, #tpu.memory_space<vmem>>, vector<1x16x32x128xf32>,
    %get3A_1563 = arith.constant 0 : index
    %get3A_1564 = arith.constant 0 : index
    %get3A_1565 = arith.constant 0 : index
    %get3A_1566 = arith.constant 0 : index
    %get3A_1567 = vector.load %arg10[%get3A_1563, %get3A_1564, %get3A_1565, %get3A_1566] : memref<2x16x32x128xf32, #tpu.memory_space<vmem>>, vector<1x16x32x128xf32>
    %get3A_1568 = vector.shape_cast %get3A_1567 : vector<1x16x32x128xf32> to vector<16x32x128xf32>
    %get3A_1569 = arith.constant 0 : index
    %get3A_1570 = arith.constant 16 : index
    %get3A_1571 = arith.constant 0 : index
    %get3A_1572 = vector.load %arg2[%get3A_1569, %get3A_1570, %get3A_1571] : memref<16x40x32xf32, #tpu.memory_space<vmem>>, vector<16x1x32xf32>
    %get3A_1573 = vector.shape_cast %get3A_1572 : vector<16x1x32xf32> to vector<16x32xf32>
    %get3A_1574 = arith.constant 0 : index
    %get3A_1575 = arith.constant 16 : index
    %get3A_1576 = arith.constant 0 : index
    %get3A_1577 = vector.load %arg3[%get3A_1574, %get3A_1575, %get3A_1576] : memref<16x40x128xf32, #tpu.memory_space<vmem>>, vector<16x1x128xf32>
    %get3A_1578 = vector.shape_cast %get3A_1577 : vector<16x1x128xf32> to vector<16x128xf32>
    %get3A_1579 = arith.constant 0 : index
    %get3A_1580 = arith.constant 16 : index
    %get3A_1581 = arith.constant 0 : index
    %get3A_1582 = vector.load %arg4[%get3A_1579, %get3A_1580, %get3A_1581] : memref<16x40x128xf32, #tpu.memory_space<vmem>>, vector<16x1x128xf32>
    %get3A_1583 = vector.shape_cast %get3A_1582 : vector<16x1x128xf32> to vector<16x128xf32>
    %broadcast_in_dim3A_1584 = vector.shape_cast %get3A_1573 : vector<16x32xf32> to vector<16x32x1xf32>
    %mul3A_1585 = vector.broadcast %broadcast_in_dim3A_1584 : vector<16x32x1xf32> to vector<16x32x128xf32>
    %mul3A_1586 = arith.mulf %get3A_1568, %mul3A_1585 : vector<16x32x128xf32>
    %reduce_sum3A_1587 = arith.constant dense<0.000000e+00> : vector<16x128xf32>
    %reduce_sum3A_1588 = vector.multi_reduction <add>, %mul3A_1586, %reduce_sum3A_1587 [1] : vector<16x32x128xf32> to vector<16x128xf32>
    %swap3A_1589 = arith.constant 0 : index
    %swap3A_1590 = arith.constant 16 : index
    %swap3A_1591 = arith.constant 0 : index
    %swap3A_1592 = vector.load %arg8[%swap3A_1589, %swap3A_1590, %swap3A_1591] : memref<16x40x128xf32, #tpu.memory_space<vmem>>, vector<16x1x128xf32>
    %swap3A_1593 = vector.shape_cast %swap3A_1592 : vector<16x1x128xf32> to vector<16x128xf32>
    %swap3A_1594 = vector.shape_cast %reduce_sum3A_1588 : vector<16x128xf32> to vector<16x1x128xf32>
    tpu.vector_store %arg8[%swap3A_1589, %swap3A_1590, %swap3A_1591], %swap3A_1594 {strides = array<i32>} : memref<16x40x128xf32, #tpu.memory_space<vmem>>, vector<16x1x128xf32>,
    %broadcast_in_dim3A_1595 = vector.shape_cast %get3A_1578 : vector<16x128xf32> to vector<16x1x128xf32>
    %mul3A_1596 = vector.broadcast %broadcast_in_dim3A_1595 : vector<16x1x128xf32> to vector<16x32x128xf32>
    %mul3A_1597 = arith.mulf %mul3A_1586, %mul3A_1596 : vector<16x32x128xf32>
    %sub3A_1598 = arith.subf %get3A_1568, %mul3A_1597 : vector<16x32x128xf32>
    %broadcast_in_dim3A_1599 = vector.shape_cast %get3A_1573 : vector<16x32xf32> to vector<16x32x1xf32>
    %broadcast_in_dim3A_1600 = vector.shape_cast %get3A_1583 : vector<16x128xf32> to vector<16x1x128xf32>
    %mul3A_1601 = vector.broadcast %broadcast_in_dim3A_1599 : vector<16x32x1xf32> to vector<16x32x128xf32>
    %mul3A_1602 = vector.broadcast %broadcast_in_dim3A_1600 : vector<16x1x128xf32> to vector<16x32x128xf32>
    %mul3A_1603 = arith.mulf %mul3A_1601, %mul3A_1602 : vector<16x32x128xf32>
    %add3A_1604 = arith.addf %sub3A_1598, %mul3A_1603 : vector<16x32x128xf32>
    %swap3A_1605 = arith.constant 0 : index
    %swap3A_1606 = arith.constant 0 : index
    %swap3A_1607 = arith.constant 0 : index
    %swap3A_1608 = arith.constant 0 : index
    %swap3A_1609 = vector.load %arg10[%swap3A_1605, %swap3A_1606, %swap3A_1607, %swap3A_1608] : memref<2x16x32x128xf32, #tpu.memory_space<vmem>>, vector<1x16x32x128xf32>
    %swap3A_1610 = vector.shape_cast %swap3A_1609 : vector<1x16x32x128xf32> to vector<16x32x128xf32>
    %swap3A_1611 = vector.shape_cast %add3A_1604 : vector<16x32x128xf32> to vector<1x16x32x128xf32>
    tpu.vector_store %arg10[%swap3A_1605, %swap3A_1606, %swap3A_1607, %swap3A_1608], %swap3A_1611 {strides = array<i32>} : memref<2x16x32x128xf32, #tpu.memory_space<vmem>>, vector<1x16x32x128xf32>,
    %get3A_1612 = arith.constant 1 : index
    %get3A_1613 = arith.constant 0 : index
    %get3A_1614 = arith.constant 0 : index
    %get3A_1615 = arith.constant 0 : index
    %get3A_1616 = vector.load %arg10[%get3A_1612, %get3A_1613, %get3A_1614, %get3A_1615] : memref<2x16x32x128xf32, #tpu.memory_space<vmem>>, vector<1x16x32x128xf32>
    %get3A_1617 = vector.shape_cast %get3A_1616 : vector<1x16x32x128xf32> to vector<16x32x128xf32>
    %get3A_1618 = arith.constant 0 : index
    %get3A_1619 = arith.constant 16 : index
    %get3A_1620 = arith.constant 0 : index
    %get3A_1621 = vector.load %arg5[%get3A_1618, %get3A_1619, %get3A_1620] : memref<16x40x32xf32, #tpu.memory_space<vmem>>, vector<16x1x32xf32>
    %get3A_1622 = vector.shape_cast %get3A_1621 : vector<16x1x32xf32> to vector<16x32xf32>
    %get3A_1623 = arith.constant 0 : index
    %get3A_1624 = arith.constant 16 : index
    %get3A_1625 = arith.constant 0 : index
    %get3A_1626 = vector.load %arg6[%get3A_1623, %get3A_1624, %get3A_1625] : memref<16x40x128xf32, #tpu.memory_space<vmem>>, vector<16x1x128xf32>
    %get3A_1627 = vector.shape_cast %get3A_1626 : vector<16x1x128xf32> to vector<16x128xf32>
    %get3A_1628 = arith.constant 0 : index
    %get3A_1629 = arith.constant 16 : index
    %get3A_1630 = arith.constant 0 : index
    %get3A_1631 = vector.load %arg7[%get3A_1628, %get3A_1629, %get3A_1630] : memref<16x40x128xf32, #tpu.memory_space<vmem>>, vector<16x1x128xf32>
    %get3A_1632 = vector.shape_cast %get3A_1631 : vector<16x1x128xf32> to vector<16x128xf32>
    %broadcast_in_dim3A_1633 = vector.shape_cast %get3A_1622 : vector<16x32xf32> to vector<16x32x1xf32>
    %mul3A_1634 = vector.broadcast %broadcast_in_dim3A_1633 : vector<16x32x1xf32> to vector<16x32x128xf32>
    %mul3A_1635 = arith.mulf %get3A_1617, %mul3A_1634 : vector<16x32x128xf32>
    %reduce_sum3A_1636 = arith.constant dense<0.000000e+00> : vector<16x128xf32>
    %reduce_sum3A_1637 = vector.multi_reduction <add>, %mul3A_1635, %reduce_sum3A_1636 [1] : vector<16x32x128xf32> to vector<16x128xf32>
    %swap3A_1638 = arith.constant 0 : index
    %swap3A_1639 = arith.constant 16 : index
    %swap3A_1640 = arith.constant 0 : index
    %swap3A_1641 = vector.load %arg9[%swap3A_1638, %swap3A_1639, %swap3A_1640] : memref<16x40x128xf32, #tpu.memory_space<vmem>>, vector<16x1x128xf32>
    %swap3A_1642 = vector.shape_cast %swap3A_1641 : vector<16x1x128xf32> to vector<16x128xf32>
    %swap3A_1643 = vector.shape_cast %reduce_sum3A_1637 : vector<16x128xf32> to vector<16x1x128xf32>
    tpu.vector_store %arg9[%swap3A_1638, %swap3A_1639, %swap3A_1640], %swap3A_1643 {strides = array<i32>} : memref<16x40x128xf32, #tpu.memory_space<vmem>>, vector<16x1x128xf32>,
    %broadcast_in_dim3A_1644 = vector.shape_cast %get3A_1627 : vector<16x128xf32> to vector<16x1x128xf32>
    %mul3A_1645 = vector.broadcast %broadcast_in_dim3A_1644 : vector<16x1x128xf32> to vector<16x32x128xf32>
    %mul3A_1646 = arith.mulf %mul3A_1635, %mul3A_1645 : vector<16x32x128xf32>
    %sub3A_1647 = arith.subf %get3A_1617, %mul3A_1646 : vector<16x32x128xf32>
    %broadcast_in_dim3A_1648 = vector.shape_cast %get3A_1622 : vector<16x32xf32> to vector<16x32x1xf32>
    %broadcast_in_dim3A_1649 = vector.shape_cast %get3A_1632 : vector<16x128xf32> to vector<16x1x128xf32>
    %mul3A_1650 = vector.broadcast %broadcast_in_dim3A_1648 : vector<16x32x1xf32> to vector<16x32x128xf32>
    %mul3A_1651 = vector.broadcast %broadcast_in_dim3A_1649 : vector<16x1x128xf32> to vector<16x32x128xf32>
    %mul3A_1652 = arith.mulf %mul3A_1650, %mul3A_1651 : vector<16x32x128xf32>
    %add3A_1653 = arith.addf %sub3A_1647, %mul3A_1652 : vector<16x32x128xf32>
    %swap3A_1654 = arith.constant 1 : index
    %swap3A_1655 = arith.constant 0 : index
    %swap3A_1656 = arith.constant 0 : index
    %swap3A_1657 = arith.constant 0 : index
    %swap3A_1658 = vector.load %arg10[%swap3A_1654, %swap3A_1655, %swap3A_1656, %swap3A_1657] : memref<2x16x32x128xf32, #tpu.memory_space<vmem>>, vector<1x16x32x128xf32>
    %swap3A_1659 = vector.shape_cast %swap3A_1658 : vector<1x16x32x128xf32> to vector<16x32x128xf32>
    %swap3A_1660 = vector.shape_cast %add3A_1653 : vector<16x32x128xf32> to vector<1x16x32x128xf32>
    tpu.vector_store %arg10[%swap3A_1654, %swap3A_1655, %swap3A_1656, %swap3A_1657], %swap3A_1660 {strides = array<i32>} : memref<2x16x32x128xf32, #tpu.memory_space<vmem>>, vector<1x16x32x128xf32>,
    %get3A_1661 = arith.constant 0 : index
    %get3A_1662 = arith.constant 0 : index
    %get3A_1663 = arith.constant 0 : index
    %get3A_1664 = arith.constant 0 : index
    %get3A_1665 = vector.load %arg10[%get3A_1661, %get3A_1662, %get3A_1663, %get3A_1664] : memref<2x16x32x128xf32, #tpu.memory_space<vmem>>, vector<1x16x32x128xf32>
    %get3A_1666 = vector.shape_cast %get3A_1665 : vector<1x16x32x128xf32> to vector<16x32x128xf32>
    %get3A_1667 = arith.constant 0 : index
    %get3A_1668 = arith.constant 17 : index
    %get3A_1669 = arith.constant 0 : index
    %get3A_1670 = vector.load %arg2[%get3A_1667, %get3A_1668, %get3A_1669] : memref<16x40x32xf32, #tpu.memory_space<vmem>>, vector<16x1x32xf32>
    %get3A_1671 = vector.shape_cast %get3A_1670 : vector<16x1x32xf32> to vector<16x32xf32>
    %get3A_1672 = arith.constant 0 : index
    %get3A_1673 = arith.constant 17 : index
    %get3A_1674 = arith.constant 0 : index
    %get3A_1675 = vector.load %arg3[%get3A_1672, %get3A_1673, %get3A_1674] : memref<16x40x128xf32, #tpu.memory_space<vmem>>, vector<16x1x128xf32>
    %get3A_1676 = vector.shape_cast %get3A_1675 : vector<16x1x128xf32> to vector<16x128xf32>
    %get3A_1677 = arith.constant 0 : index
    %get3A_1678 = arith.constant 17 : index
    %get3A_1679 = arith.constant 0 : index
    %get3A_1680 = vector.load %arg4[%get3A_1677, %get3A_1678, %get3A_1679] : memref<16x40x128xf32, #tpu.memory_space<vmem>>, vector<16x1x128xf32>
    %get3A_1681 = vector.shape_cast %get3A_1680 : vector<16x1x128xf32> to vector<16x128xf32>
    %broadcast_in_dim3A_1682 = vector.shape_cast %get3A_1671 : vector<16x32xf32> to vector<16x32x1xf32>
    %mul3A_1683 = vector.broadcast %broadcast_in_dim3A_1682 : vector<16x32x1xf32> to vector<16x32x128xf32>
    %mul3A_1684 = arith.mulf %get3A_1666, %mul3A_1683 : vector<16x32x128xf32>
    %reduce_sum3A_1685 = arith.constant dense<0.000000e+00> : vector<16x128xf32>
    %reduce_sum3A_1686 = vector.multi_reduction <add>, %mul3A_1684, %reduce_sum3A_1685 [1] : vector<16x32x128xf32> to vector<16x128xf32>
    %swap3A_1687 = arith.constant 0 : index
    %swap3A_1688 = arith.constant 17 : index
    %swap3A_1689 = arith.constant 0 : index
    %swap3A_1690 = vector.load %arg8[%swap3A_1687, %swap3A_1688, %swap3A_1689] : memref<16x40x128xf32, #tpu.memory_space<vmem>>, vector<16x1x128xf32>
    %swap3A_1691 = vector.shape_cast %swap3A_1690 : vector<16x1x128xf32> to vector<16x128xf32>
    %swap3A_1692 = vector.shape_cast %reduce_sum3A_1686 : vector<16x128xf32> to vector<16x1x128xf32>
    tpu.vector_store %arg8[%swap3A_1687, %swap3A_1688, %swap3A_1689], %swap3A_1692 {strides = array<i32>} : memref<16x40x128xf32, #tpu.memory_space<vmem>>, vector<16x1x128xf32>,
    %broadcast_in_dim3A_1693 = vector.shape_cast %get3A_1676 : vector<16x128xf32> to vector<16x1x128xf32>
    %mul3A_1694 = vector.broadcast %broadcast_in_dim3A_1693 : vector<16x1x128xf32> to vector<16x32x128xf32>
    %mul3A_1695 = arith.mulf %mul3A_1684, %mul3A_1694 : vector<16x32x128xf32>
    %sub3A_1696 = arith.subf %get3A_1666, %mul3A_1695 : vector<16x32x128xf32>
    %broadcast_in_dim3A_1697 = vector.shape_cast %get3A_1671 : vector<16x32xf32> to vector<16x32x1xf32>
    %broadcast_in_dim3A_1698 = vector.shape_cast %get3A_1681 : vector<16x128xf32> to vector<16x1x128xf32>
    %mul3A_1699 = vector.broadcast %broadcast_in_dim3A_1697 : vector<16x32x1xf32> to vector<16x32x128xf32>
    %mul3A_1700 = vector.broadcast %broadcast_in_dim3A_1698 : vector<16x1x128xf32> to vector<16x32x128xf32>
    %mul3A_1701 = arith.mulf %mul3A_1699, %mul3A_1700 : vector<16x32x128xf32>
    %add3A_1702 = arith.addf %sub3A_1696, %mul3A_1701 : vector<16x32x128xf32>
    %swap3A_1703 = arith.constant 0 : index
    %swap3A_1704 = arith.constant 0 : index
    %swap3A_1705 = arith.constant 0 : index
    %swap3A_1706 = arith.constant 0 : index
    %swap3A_1707 = vector.load %arg10[%swap3A_1703, %swap3A_1704, %swap3A_1705, %swap3A_1706] : memref<2x16x32x128xf32, #tpu.memory_space<vmem>>, vector<1x16x32x128xf32>
    %swap3A_1708 = vector.shape_cast %swap3A_1707 : vector<1x16x32x128xf32> to vector<16x32x128xf32>
    %swap3A_1709 = vector.shape_cast %add3A_1702 : vector<16x32x128xf32> to vector<1x16x32x128xf32>
    tpu.vector_store %arg10[%swap3A_1703, %swap3A_1704, %swap3A_1705, %swap3A_1706], %swap3A_1709 {strides = array<i32>} : memref<2x16x32x128xf32, #tpu.memory_space<vmem>>, vector<1x16x32x128xf32>,
    %get3A_1710 = arith.constant 1 : index
    %get3A_1711 = arith.constant 0 : index
    %get3A_1712 = arith.constant 0 : index
    %get3A_1713 = arith.constant 0 : index
    %get3A_1714 = vector.load %arg10[%get3A_1710, %get3A_1711, %get3A_1712, %get3A_1713] : memref<2x16x32x128xf32, #tpu.memory_space<vmem>>, vector<1x16x32x128xf32>
    %get3A_1715 = vector.shape_cast %get3A_1714 : vector<1x16x32x128xf32> to vector<16x32x128xf32>
    %get3A_1716 = arith.constant 0 : index
    %get3A_1717 = arith.constant 17 : index
    %get3A_1718 = arith.constant 0 : index
    %get3A_1719 = vector.load %arg5[%get3A_1716, %get3A_1717, %get3A_1718] : memref<16x40x32xf32, #tpu.memory_space<vmem>>, vector<16x1x32xf32>
    %get3A_1720 = vector.shape_cast %get3A_1719 : vector<16x1x32xf32> to vector<16x32xf32>
    %get3A_1721 = arith.constant 0 : index
    %get3A_1722 = arith.constant 17 : index
    %get3A_1723 = arith.constant 0 : index
    %get3A_1724 = vector.load %arg6[%get3A_1721, %get3A_1722, %get3A_1723] : memref<16x40x128xf32, #tpu.memory_space<vmem>>, vector<16x1x128xf32>
    %get3A_1725 = vector.shape_cast %get3A_1724 : vector<16x1x128xf32> to vector<16x128xf32>
    %get3A_1726 = arith.constant 0 : index
    %get3A_1727 = arith.constant 17 : index
    %get3A_1728 = arith.constant 0 : index
    %get3A_1729 = vector.load %arg7[%get3A_1726, %get3A_1727, %get3A_1728] : memref<16x40x128xf32, #tpu.memory_space<vmem>>, vector<16x1x128xf32>
    %get3A_1730 = vector.shape_cast %get3A_1729 : vector<16x1x128xf32> to vector<16x128xf32>
    %broadcast_in_dim3A_1731 = vector.shape_cast %get3A_1720 : vector<16x32xf32> to vector<16x32x1xf32>
    %mul3A_1732 = vector.broadcast %broadcast_in_dim3A_1731 : vector<16x32x1xf32> to vector<16x32x128xf32>
    %mul3A_1733 = arith.mulf %get3A_1715, %mul3A_1732 : vector<16x32x128xf32>
    %reduce_sum3A_1734 = arith.constant dense<0.000000e+00> : vector<16x128xf32>
    %reduce_sum3A_1735 = vector.multi_reduction <add>, %mul3A_1733, %reduce_sum3A_1734 [1] : vector<16x32x128xf32> to vector<16x128xf32>
    %swap3A_1736 = arith.constant 0 : index
    %swap3A_1737 = arith.constant 17 : index
    %swap3A_1738 = arith.constant 0 : index
    %swap3A_1739 = vector.load %arg9[%swap3A_1736, %swap3A_1737, %swap3A_1738] : memref<16x40x128xf32, #tpu.memory_space<vmem>>, vector<16x1x128xf32>
    %swap3A_1740 = vector.shape_cast %swap3A_1739 : vector<16x1x128xf32> to vector<16x128xf32>
    %swap3A_1741 = vector.shape_cast %reduce_sum3A_1735 : vector<16x128xf32> to vector<16x1x128xf32>
    tpu.vector_store %arg9[%swap3A_1736, %swap3A_1737, %swap3A_1738], %swap3A_1741 {strides = array<i32>} : memref<16x40x128xf32, #tpu.memory_space<vmem>>, vector<16x1x128xf32>,
    %broadcast_in_dim3A_1742 = vector.shape_cast %get3A_1725 : vector<16x128xf32> to vector<16x1x128xf32>
    %mul3A_1743 = vector.broadcast %broadcast_in_dim3A_1742 : vector<16x1x128xf32> to vector<16x32x128xf32>
    %mul3A_1744 = arith.mulf %mul3A_1733, %mul3A_1743 : vector<16x32x128xf32>
    %sub3A_1745 = arith.subf %get3A_1715, %mul3A_1744 : vector<16x32x128xf32>
    %broadcast_in_dim3A_1746 = vector.shape_cast %get3A_1720 : vector<16x32xf32> to vector<16x32x1xf32>
    %broadcast_in_dim3A_1747 = vector.shape_cast %get3A_1730 : vector<16x128xf32> to vector<16x1x128xf32>
    %mul3A_1748 = vector.broadcast %broadcast_in_dim3A_1746 : vector<16x32x1xf32> to vector<16x32x128xf32>
    %mul3A_1749 = vector.broadcast %broadcast_in_dim3A_1747 : vector<16x1x128xf32> to vector<16x32x128xf32>
    %mul3A_1750 = arith.mulf %mul3A_1748, %mul3A_1749 : vector<16x32x128xf32>
    %add3A_1751 = arith.addf %sub3A_1745, %mul3A_1750 : vector<16x32x128xf32>
    %swap3A_1752 = arith.constant 1 : index
    %swap3A_1753 = arith.constant 0 : index
    %swap3A_1754 = arith.constant 0 : index
    %swap3A_1755 = arith.constant 0 : index
    %swap3A_1756 = vector.load %arg10[%swap3A_1752, %swap3A_1753, %swap3A_1754, %swap3A_1755] : memref<2x16x32x128xf32, #tpu.memory_space<vmem>>, vector<1x16x32x128xf32>
    %swap3A_1757 = vector.shape_cast %swap3A_1756 : vector<1x16x32x128xf32> to vector<16x32x128xf32>
    %swap3A_1758 = vector.shape_cast %add3A_1751 : vector<16x32x128xf32> to vector<1x16x32x128xf32>
    tpu.vector_store %arg10[%swap3A_1752, %swap3A_1753, %swap3A_1754, %swap3A_1755], %swap3A_1758 {strides = array<i32>} : memref<2x16x32x128xf32, #tpu.memory_space<vmem>>, vector<1x16x32x128xf32>,
    %get3A_1759 = arith.constant 0 : index
    %get3A_1760 = arith.constant 0 : index
    %get3A_1761 = arith.constant 0 : index
    %get3A_1762 = arith.constant 0 : index
    %get3A_1763 = vector.load %arg10[%get3A_1759, %get3A_1760, %get3A_1761, %get3A_1762] : memref<2x16x32x128xf32, #tpu.memory_space<vmem>>, vector<1x16x32x128xf32>
    %get3A_1764 = vector.shape_cast %get3A_1763 : vector<1x16x32x128xf32> to vector<16x32x128xf32>
    %get3A_1765 = arith.constant 0 : index
    %get3A_1766 = arith.constant 18 : index
    %get3A_1767 = arith.constant 0 : index
    %get3A_1768 = vector.load %arg2[%get3A_1765, %get3A_1766, %get3A_1767] : memref<16x40x32xf32, #tpu.memory_space<vmem>>, vector<16x1x32xf32>
    %get3A_1769 = vector.shape_cast %get3A_1768 : vector<16x1x32xf32> to vector<16x32xf32>
    %get3A_1770 = arith.constant 0 : index
    %get3A_1771 = arith.constant 18 : index
    %get3A_1772 = arith.constant 0 : index
    %get3A_1773 = vector.load %arg3[%get3A_1770, %get3A_1771, %get3A_1772] : memref<16x40x128xf32, #tpu.memory_space<vmem>>, vector<16x1x128xf32>
    %get3A_1774 = vector.shape_cast %get3A_1773 : vector<16x1x128xf32> to vector<16x128xf32>
    %get3A_1775 = arith.constant 0 : index
    %get3A_1776 = arith.constant 18 : index
    %get3A_1777 = arith.constant 0 : index
    %get3A_1778 = vector.load %arg4[%get3A_1775, %get3A_1776, %get3A_1777] : memref<16x40x128xf32, #tpu.memory_space<vmem>>, vector<16x1x128xf32>
    %get3A_1779 = vector.shape_cast %get3A_1778 : vector<16x1x128xf32> to vector<16x128xf32>
    %broadcast_in_dim3A_1780 = vector.shape_cast %get3A_1769 : vector<16x32xf32> to vector<16x32x1xf32>
    %mul3A_1781 = vector.broadcast %broadcast_in_dim3A_1780 : vector<16x32x1xf32> to vector<16x32x128xf32>
    %mul3A_1782 = arith.mulf %get3A_1764, %mul3A_1781 : vector<16x32x128xf32>
    %reduce_sum3A_1783 = arith.constant dense<0.000000e+00> : vector<16x128xf32>
    %reduce_sum3A_1784 = vector.multi_reduction <add>, %mul3A_1782, %reduce_sum3A_1783 [1] : vector<16x32x128xf32> to vector<16x128xf32>
    %swap3A_1785 = arith.constant 0 : index
    %swap3A_1786 = arith.constant 18 : index
    %swap3A_1787 = arith.constant 0 : index
    %swap3A_1788 = vector.load %arg8[%swap3A_1785, %swap3A_1786, %swap3A_1787] : memref<16x40x128xf32, #tpu.memory_space<vmem>>, vector<16x1x128xf32>
    %swap3A_1789 = vector.shape_cast %swap3A_1788 : vector<16x1x128xf32> to vector<16x128xf32>
    %swap3A_1790 = vector.shape_cast %reduce_sum3A_1784 : vector<16x128xf32> to vector<16x1x128xf32>
    tpu.vector_store %arg8[%swap3A_1785, %swap3A_1786, %swap3A_1787], %swap3A_1790 {strides = array<i32>} : memref<16x40x128xf32, #tpu.memory_space<vmem>>, vector<16x1x128xf32>,
    %broadcast_in_dim3A_1791 = vector.shape_cast %get3A_1774 : vector<16x128xf32> to vector<16x1x128xf32>
    %mul3A_1792 = vector.broadcast %broadcast_in_dim3A_1791 : vector<16x1x128xf32> to vector<16x32x128xf32>
    %mul3A_1793 = arith.mulf %mul3A_1782, %mul3A_1792 : vector<16x32x128xf32>
    %sub3A_1794 = arith.subf %get3A_1764, %mul3A_1793 : vector<16x32x128xf32>
    %broadcast_in_dim3A_1795 = vector.shape_cast %get3A_1769 : vector<16x32xf32> to vector<16x32x1xf32>
    %broadcast_in_dim3A_1796 = vector.shape_cast %get3A_1779 : vector<16x128xf32> to vector<16x1x128xf32>
    %mul3A_1797 = vector.broadcast %broadcast_in_dim3A_1795 : vector<16x32x1xf32> to vector<16x32x128xf32>
    %mul3A_1798 = vector.broadcast %broadcast_in_dim3A_1796 : vector<16x1x128xf32> to vector<16x32x128xf32>
    %mul3A_1799 = arith.mulf %mul3A_1797, %mul3A_1798 : vector<16x32x128xf32>
    %add3A_1800 = arith.addf %sub3A_1794, %mul3A_1799 : vector<16x32x128xf32>
    %swap3A_1801 = arith.constant 0 : index
    %swap3A_1802 = arith.constant 0 : index
    %swap3A_1803 = arith.constant 0 : index
    %swap3A_1804 = arith.constant 0 : index
    %swap3A_1805 = vector.load %arg10[%swap3A_1801, %swap3A_1802, %swap3A_1803, %swap3A_1804] : memref<2x16x32x128xf32, #tpu.memory_space<vmem>>, vector<1x16x32x128xf32>
    %swap3A_1806 = vector.shape_cast %swap3A_1805 : vector<1x16x32x128xf32> to vector<16x32x128xf32>
    %swap3A_1807 = vector.shape_cast %add3A_1800 : vector<16x32x128xf32> to vector<1x16x32x128xf32>
    tpu.vector_store %arg10[%swap3A_1801, %swap3A_1802, %swap3A_1803, %swap3A_1804], %swap3A_1807 {strides = array<i32>} : memref<2x16x32x128xf32, #tpu.memory_space<vmem>>, vector<1x16x32x128xf32>,
    %get3A_1808 = arith.constant 1 : index
    %get3A_1809 = arith.constant 0 : index
    %get3A_1810 = arith.constant 0 : index
    %get3A_1811 = arith.constant 0 : index
    %get3A_1812 = vector.load %arg10[%get3A_1808, %get3A_1809, %get3A_1810, %get3A_1811] : memref<2x16x32x128xf32, #tpu.memory_space<vmem>>, vector<1x16x32x128xf32>
    %get3A_1813 = vector.shape_cast %get3A_1812 : vector<1x16x32x128xf32> to vector<16x32x128xf32>
    %get3A_1814 = arith.constant 0 : index
    %get3A_1815 = arith.constant 18 : index
    %get3A_1816 = arith.constant 0 : index
    %get3A_1817 = vector.load %arg5[%get3A_1814, %get3A_1815, %get3A_1816] : memref<16x40x32xf32, #tpu.memory_space<vmem>>, vector<16x1x32xf32>
    %get3A_1818 = vector.shape_cast %get3A_1817 : vector<16x1x32xf32> to vector<16x32xf32>
    %get3A_1819 = arith.constant 0 : index
    %get3A_1820 = arith.constant 18 : index
    %get3A_1821 = arith.constant 0 : index
    %get3A_1822 = vector.load %arg6[%get3A_1819, %get3A_1820, %get3A_1821] : memref<16x40x128xf32, #tpu.memory_space<vmem>>, vector<16x1x128xf32>
    %get3A_1823 = vector.shape_cast %get3A_1822 : vector<16x1x128xf32> to vector<16x128xf32>
    %get3A_1824 = arith.constant 0 : index
    %get3A_1825 = arith.constant 18 : index
    %get3A_1826 = arith.constant 0 : index
    %get3A_1827 = vector.load %arg7[%get3A_1824, %get3A_1825, %get3A_1826] : memref<16x40x128xf32, #tpu.memory_space<vmem>>, vector<16x1x128xf32>
    %get3A_1828 = vector.shape_cast %get3A_1827 : vector<16x1x128xf32> to vector<16x128xf32>
    %broadcast_in_dim3A_1829 = vector.shape_cast %get3A_1818 : vector<16x32xf32> to vector<16x32x1xf32>
    %mul3A_1830 = vector.broadcast %broadcast_in_dim3A_1829 : vector<16x32x1xf32> to vector<16x32x128xf32>
    %mul3A_1831 = arith.mulf %get3A_1813, %mul3A_1830 : vector<16x32x128xf32>
    %reduce_sum3A_1832 = arith.constant dense<0.000000e+00> : vector<16x128xf32>
    %reduce_sum3A_1833 = vector.multi_reduction <add>, %mul3A_1831, %reduce_sum3A_1832 [1] : vector<16x32x128xf32> to vector<16x128xf32>
    %swap3A_1834 = arith.constant 0 : index
    %swap3A_1835 = arith.constant 18 : index
    %swap3A_1836 = arith.constant 0 : index
    %swap3A_1837 = vector.load %arg9[%swap3A_1834, %swap3A_1835, %swap3A_1836] : memref<16x40x128xf32, #tpu.memory_space<vmem>>, vector<16x1x128xf32>
    %swap3A_1838 = vector.shape_cast %swap3A_1837 : vector<16x1x128xf32> to vector<16x128xf32>
    %swap3A_1839 = vector.shape_cast %reduce_sum3A_1833 : vector<16x128xf32> to vector<16x1x128xf32>
    tpu.vector_store %arg9[%swap3A_1834, %swap3A_1835, %swap3A_1836], %swap3A_1839 {strides = array<i32>} : memref<16x40x128xf32, #tpu.memory_space<vmem>>, vector<16x1x128xf32>,
    %broadcast_in_dim3A_1840 = vector.shape_cast %get3A_1823 : vector<16x128xf32> to vector<16x1x128xf32>
    %mul3A_1841 = vector.broadcast %broadcast_in_dim3A_1840 : vector<16x1x128xf32> to vector<16x32x128xf32>
    %mul3A_1842 = arith.mulf %mul3A_1831, %mul3A_1841 : vector<16x32x128xf32>
    %sub3A_1843 = arith.subf %get3A_1813, %mul3A_1842 : vector<16x32x128xf32>
    %broadcast_in_dim3A_1844 = vector.shape_cast %get3A_1818 : vector<16x32xf32> to vector<16x32x1xf32>
    %broadcast_in_dim3A_1845 = vector.shape_cast %get3A_1828 : vector<16x128xf32> to vector<16x1x128xf32>
    %mul3A_1846 = vector.broadcast %broadcast_in_dim3A_1844 : vector<16x32x1xf32> to vector<16x32x128xf32>
    %mul3A_1847 = vector.broadcast %broadcast_in_dim3A_1845 : vector<16x1x128xf32> to vector<16x32x128xf32>
    %mul3A_1848 = arith.mulf %mul3A_1846, %mul3A_1847 : vector<16x32x128xf32>
    %add3A_1849 = arith.addf %sub3A_1843, %mul3A_1848 : vector<16x32x128xf32>
    %swap3A_1850 = arith.constant 1 : index
    %swap3A_1851 = arith.constant 0 : index
    %swap3A_1852 = arith.constant 0 : index
    %swap3A_1853 = arith.constant 0 : index
    %swap3A_1854 = vector.load %arg10[%swap3A_1850, %swap3A_1851, %swap3A_1852, %swap3A_1853] : memref<2x16x32x128xf32, #tpu.memory_space<vmem>>, vector<1x16x32x128xf32>
    %swap3A_1855 = vector.shape_cast %swap3A_1854 : vector<1x16x32x128xf32> to vector<16x32x128xf32>
    %swap3A_1856 = vector.shape_cast %add3A_1849 : vector<16x32x128xf32> to vector<1x16x32x128xf32>
    tpu.vector_store %arg10[%swap3A_1850, %swap3A_1851, %swap3A_1852, %swap3A_1853], %swap3A_1856 {strides = array<i32>} : memref<2x16x32x128xf32, #tpu.memory_space<vmem>>, vector<1x16x32x128xf32>,
    %get3A_1857 = arith.constant 0 : index
    %get3A_1858 = arith.constant 0 : index
    %get3A_1859 = arith.constant 0 : index
    %get3A_1860 = arith.constant 0 : index
    %get3A_1861 = vector.load %arg10[%get3A_1857, %get3A_1858, %get3A_1859, %get3A_1860] : memref<2x16x32x128xf32, #tpu.memory_space<vmem>>, vector<1x16x32x128xf32>
    %get3A_1862 = vector.shape_cast %get3A_1861 : vector<1x16x32x128xf32> to vector<16x32x128xf32>
    %get3A_1863 = arith.constant 0 : index
    %get3A_1864 = arith.constant 19 : index
    %get3A_1865 = arith.constant 0 : index
    %get3A_1866 = vector.load %arg2[%get3A_1863, %get3A_1864, %get3A_1865] : memref<16x40x32xf32, #tpu.memory_space<vmem>>, vector<16x1x32xf32>
    %get3A_1867 = vector.shape_cast %get3A_1866 : vector<16x1x32xf32> to vector<16x32xf32>
    %get3A_1868 = arith.constant 0 : index
    %get3A_1869 = arith.constant 19 : index
    %get3A_1870 = arith.constant 0 : index
    %get3A_1871 = vector.load %arg3[%get3A_1868, %get3A_1869, %get3A_1870] : memref<16x40x128xf32, #tpu.memory_space<vmem>>, vector<16x1x128xf32>
    %get3A_1872 = vector.shape_cast %get3A_1871 : vector<16x1x128xf32> to vector<16x128xf32>
    %get3A_1873 = arith.constant 0 : index
    %get3A_1874 = arith.constant 19 : index
    %get3A_1875 = arith.constant 0 : index
    %get3A_1876 = vector.load %arg4[%get3A_1873, %get3A_1874, %get3A_1875] : memref<16x40x128xf32, #tpu.memory_space<vmem>>, vector<16x1x128xf32>
    %get3A_1877 = vector.shape_cast %get3A_1876 : vector<16x1x128xf32> to vector<16x128xf32>
    %broadcast_in_dim3A_1878 = vector.shape_cast %get3A_1867 : vector<16x32xf32> to vector<16x32x1xf32>
    %mul3A_1879 = vector.broadcast %broadcast_in_dim3A_1878 : vector<16x32x1xf32> to vector<16x32x128xf32>
    %mul3A_1880 = arith.mulf %get3A_1862, %mul3A_1879 : vector<16x32x128xf32>
    %reduce_sum3A_1881 = arith.constant dense<0.000000e+00> : vector<16x128xf32>
    %reduce_sum3A_1882 = vector.multi_reduction <add>, %mul3A_1880, %reduce_sum3A_1881 [1] : vector<16x32x128xf32> to vector<16x128xf32>
    %swap3A_1883 = arith.constant 0 : index
    %swap3A_1884 = arith.constant 19 : index
    %swap3A_1885 = arith.constant 0 : index
    %swap3A_1886 = vector.load %arg8[%swap3A_1883, %swap3A_1884, %swap3A_1885] : memref<16x40x128xf32, #tpu.memory_space<vmem>>, vector<16x1x128xf32>
    %swap3A_1887 = vector.shape_cast %swap3A_1886 : vector<16x1x128xf32> to vector<16x128xf32>
    %swap3A_1888 = vector.shape_cast %reduce_sum3A_1882 : vector<16x128xf32> to vector<16x1x128xf32>
    tpu.vector_store %arg8[%swap3A_1883, %swap3A_1884, %swap3A_1885], %swap3A_1888 {strides = array<i32>} : memref<16x40x128xf32, #tpu.memory_space<vmem>>, vector<16x1x128xf32>,
    %broadcast_in_dim3A_1889 = vector.shape_cast %get3A_1872 : vector<16x128xf32> to vector<16x1x128xf32>
    %mul3A_1890 = vector.broadcast %broadcast_in_dim3A_1889 : vector<16x1x128xf32> to vector<16x32x128xf32>
    %mul3A_1891 = arith.mulf %mul3A_1880, %mul3A_1890 : vector<16x32x128xf32>
    %sub3A_1892 = arith.subf %get3A_1862, %mul3A_1891 : vector<16x32x128xf32>
    %broadcast_in_dim3A_1893 = vector.shape_cast %get3A_1867 : vector<16x32xf32> to vector<16x32x1xf32>
    %broadcast_in_dim3A_1894 = vector.shape_cast %get3A_1877 : vector<16x128xf32> to vector<16x1x128xf32>
    %mul3A_1895 = vector.broadcast %broadcast_in_dim3A_1893 : vector<16x32x1xf32> to vector<16x32x128xf32>
    %mul3A_1896 = vector.broadcast %broadcast_in_dim3A_1894 : vector<16x1x128xf32> to vector<16x32x128xf32>
    %mul3A_1897 = arith.mulf %mul3A_1895, %mul3A_1896 : vector<16x32x128xf32>
    %add3A_1898 = arith.addf %sub3A_1892, %mul3A_1897 : vector<16x32x128xf32>
    %swap3A_1899 = arith.constant 0 : index
    %swap3A_1900 = arith.constant 0 : index
    %swap3A_1901 = arith.constant 0 : index
    %swap3A_1902 = arith.constant 0 : index
    %swap3A_1903 = vector.load %arg10[%swap3A_1899, %swap3A_1900, %swap3A_1901, %swap3A_1902] : memref<2x16x32x128xf32, #tpu.memory_space<vmem>>, vector<1x16x32x128xf32>
    %swap3A_1904 = vector.shape_cast %swap3A_1903 : vector<1x16x32x128xf32> to vector<16x32x128xf32>
    %swap3A_1905 = vector.shape_cast %add3A_1898 : vector<16x32x128xf32> to vector<1x16x32x128xf32>
    tpu.vector_store %arg10[%swap3A_1899, %swap3A_1900, %swap3A_1901, %swap3A_1902], %swap3A_1905 {strides = array<i32>} : memref<2x16x32x128xf32, #tpu.memory_space<vmem>>, vector<1x16x32x128xf32>,
    %get3A_1906 = arith.constant 1 : index
    %get3A_1907 = arith.constant 0 : index
    %get3A_1908 = arith.constant 0 : index
    %get3A_1909 = arith.constant 0 : index
    %get3A_1910 = vector.load %arg10[%get3A_1906, %get3A_1907, %get3A_1908, %get3A_1909] : memref<2x16x32x128xf32, #tpu.memory_space<vmem>>, vector<1x16x32x128xf32>
    %get3A_1911 = vector.shape_cast %get3A_1910 : vector<1x16x32x128xf32> to vector<16x32x128xf32>
    %get3A_1912 = arith.constant 0 : index
    %get3A_1913 = arith.constant 19 : index
    %get3A_1914 = arith.constant 0 : index
    %get3A_1915 = vector.load %arg5[%get3A_1912, %get3A_1913, %get3A_1914] : memref<16x40x32xf32, #tpu.memory_space<vmem>>, vector<16x1x32xf32>
    %get3A_1916 = vector.shape_cast %get3A_1915 : vector<16x1x32xf32> to vector<16x32xf32>
    %get3A_1917 = arith.constant 0 : index
    %get3A_1918 = arith.constant 19 : index
    %get3A_1919 = arith.constant 0 : index
    %get3A_1920 = vector.load %arg6[%get3A_1917, %get3A_1918, %get3A_1919] : memref<16x40x128xf32, #tpu.memory_space<vmem>>, vector<16x1x128xf32>
    %get3A_1921 = vector.shape_cast %get3A_1920 : vector<16x1x128xf32> to vector<16x128xf32>
    %get3A_1922 = arith.constant 0 : index
    %get3A_1923 = arith.constant 19 : index
    %get3A_1924 = arith.constant 0 : index
    %get3A_1925 = vector.load %arg7[%get3A_1922, %get3A_1923, %get3A_1924] : memref<16x40x128xf32, #tpu.memory_space<vmem>>, vector<16x1x128xf32>
    %get3A_1926 = vector.shape_cast %get3A_1925 : vector<16x1x128xf32> to vector<16x128xf32>
    %broadcast_in_dim3A_1927 = vector.shape_cast %get3A_1916 : vector<16x32xf32> to vector<16x32x1xf32>
    %mul3A_1928 = vector.broadcast %broadcast_in_dim3A_1927 : vector<16x32x1xf32> to vector<16x32x128xf32>
    %mul3A_1929 = arith.mulf %get3A_1911, %mul3A_1928 : vector<16x32x128xf32>
    %reduce_sum3A_1930 = arith.constant dense<0.000000e+00> : vector<16x128xf32>
    %reduce_sum3A_1931 = vector.multi_reduction <add>, %mul3A_1929, %reduce_sum3A_1930 [1] : vector<16x32x128xf32> to vector<16x128xf32>
    %swap3A_1932 = arith.constant 0 : index
    %swap3A_1933 = arith.constant 19 : index
    %swap3A_1934 = arith.constant 0 : index
    %swap3A_1935 = vector.load %arg9[%swap3A_1932, %swap3A_1933, %swap3A_1934] : memref<16x40x128xf32, #tpu.memory_space<vmem>>, vector<16x1x128xf32>
    %swap3A_1936 = vector.shape_cast %swap3A_1935 : vector<16x1x128xf32> to vector<16x128xf32>
    %swap3A_1937 = vector.shape_cast %reduce_sum3A_1931 : vector<16x128xf32> to vector<16x1x128xf32>
    tpu.vector_store %arg9[%swap3A_1932, %swap3A_1933, %swap3A_1934], %swap3A_1937 {strides = array<i32>} : memref<16x40x128xf32, #tpu.memory_space<vmem>>, vector<16x1x128xf32>,
    %broadcast_in_dim3A_1938 = vector.shape_cast %get3A_1921 : vector<16x128xf32> to vector<16x1x128xf32>
    %mul3A_1939 = vector.broadcast %broadcast_in_dim3A_1938 : vector<16x1x128xf32> to vector<16x32x128xf32>
    %mul3A_1940 = arith.mulf %mul3A_1929, %mul3A_1939 : vector<16x32x128xf32>
    %sub3A_1941 = arith.subf %get3A_1911, %mul3A_1940 : vector<16x32x128xf32>
    %broadcast_in_dim3A_1942 = vector.shape_cast %get3A_1916 : vector<16x32xf32> to vector<16x32x1xf32>
    %broadcast_in_dim3A_1943 = vector.shape_cast %get3A_1926 : vector<16x128xf32> to vector<16x1x128xf32>
    %mul3A_1944 = vector.broadcast %broadcast_in_dim3A_1942 : vector<16x32x1xf32> to vector<16x32x128xf32>
    %mul3A_1945 = vector.broadcast %broadcast_in_dim3A_1943 : vector<16x1x128xf32> to vector<16x32x128xf32>
    %mul3A_1946 = arith.mulf %mul3A_1944, %mul3A_1945 : vector<16x32x128xf32>
    %add3A_1947 = arith.addf %sub3A_1941, %mul3A_1946 : vector<16x32x128xf32>
    %swap3A_1948 = arith.constant 1 : index
    %swap3A_1949 = arith.constant 0 : index
    %swap3A_1950 = arith.constant 0 : index
    %swap3A_1951 = arith.constant 0 : index
    %swap3A_1952 = vector.load %arg10[%swap3A_1948, %swap3A_1949, %swap3A_1950, %swap3A_1951] : memref<2x16x32x128xf32, #tpu.memory_space<vmem>>, vector<1x16x32x128xf32>
    %swap3A_1953 = vector.shape_cast %swap3A_1952 : vector<1x16x32x128xf32> to vector<16x32x128xf32>
    %swap3A_1954 = vector.shape_cast %add3A_1947 : vector<16x32x128xf32> to vector<1x16x32x128xf32>
    tpu.vector_store %arg10[%swap3A_1948, %swap3A_1949, %swap3A_1950, %swap3A_1951], %swap3A_1954 {strides = array<i32>} : memref<2x16x32x128xf32, #tpu.memory_space<vmem>>, vector<1x16x32x128xf32>,
    %get3A_1955 = arith.constant 0 : index
    %get3A_1956 = arith.constant 0 : index
    %get3A_1957 = arith.constant 0 : index
    %get3A_1958 = arith.constant 0 : index
    %get3A_1959 = vector.load %arg10[%get3A_1955, %get3A_1956, %get3A_1957, %get3A_1958] : memref<2x16x32x128xf32, #tpu.memory_space<vmem>>, vector<1x16x32x128xf32>
    %get3A_1960 = vector.shape_cast %get3A_1959 : vector<1x16x32x128xf32> to vector<16x32x128xf32>
    %get3A_1961 = arith.constant 0 : index
    %get3A_1962 = arith.constant 20 : index
    %get3A_1963 = arith.constant 0 : index
    %get3A_1964 = vector.load %arg2[%get3A_1961, %get3A_1962, %get3A_1963] : memref<16x40x32xf32, #tpu.memory_space<vmem>>, vector<16x1x32xf32>
    %get3A_1965 = vector.shape_cast %get3A_1964 : vector<16x1x32xf32> to vector<16x32xf32>
    %get3A_1966 = arith.constant 0 : index
    %get3A_1967 = arith.constant 20 : index
    %get3A_1968 = arith.constant 0 : index
    %get3A_1969 = vector.load %arg3[%get3A_1966, %get3A_1967, %get3A_1968] : memref<16x40x128xf32, #tpu.memory_space<vmem>>, vector<16x1x128xf32>
    %get3A_1970 = vector.shape_cast %get3A_1969 : vector<16x1x128xf32> to vector<16x128xf32>
    %get3A_1971 = arith.constant 0 : index
    %get3A_1972 = arith.constant 20 : index
    %get3A_1973 = arith.constant 0 : index
    %get3A_1974 = vector.load %arg4[%get3A_1971, %get3A_1972, %get3A_1973] : memref<16x40x128xf32, #tpu.memory_space<vmem>>, vector<16x1x128xf32>
    %get3A_1975 = vector.shape_cast %get3A_1974 : vector<16x1x128xf32> to vector<16x128xf32>
    %broadcast_in_dim3A_1976 = vector.shape_cast %get3A_1965 : vector<16x32xf32> to vector<16x32x1xf32>
    %mul3A_1977 = vector.broadcast %broadcast_in_dim3A_1976 : vector<16x32x1xf32> to vector<16x32x128xf32>
    %mul3A_1978 = arith.mulf %get3A_1960, %mul3A_1977 : vector<16x32x128xf32>
    %reduce_sum3A_1979 = arith.constant dense<0.000000e+00> : vector<16x128xf32>
    %reduce_sum3A_1980 = vector.multi_reduction <add>, %mul3A_1978, %reduce_sum3A_1979 [1] : vector<16x32x128xf32> to vector<16x128xf32>
    %swap3A_1981 = arith.constant 0 : index
    %swap3A_1982 = arith.constant 20 : index
    %swap3A_1983 = arith.constant 0 : index
    %swap3A_1984 = vector.load %arg8[%swap3A_1981, %swap3A_1982, %swap3A_1983] : memref<16x40x128xf32, #tpu.memory_space<vmem>>, vector<16x1x128xf32>
    %swap3A_1985 = vector.shape_cast %swap3A_1984 : vector<16x1x128xf32> to vector<16x128xf32>
    %swap3A_1986 = vector.shape_cast %reduce_sum3A_1980 : vector<16x128xf32> to vector<16x1x128xf32>
    tpu.vector_store %arg8[%swap3A_1981, %swap3A_1982, %swap3A_1983], %swap3A_1986 {strides = array<i32>} : memref<16x40x128xf32, #tpu.memory_space<vmem>>, vector<16x1x128xf32>,
    %broadcast_in_dim3A_1987 = vector.shape_cast %get3A_1970 : vector<16x128xf32> to vector<16x1x128xf32>
    %mul3A_1988 = vector.broadcast %broadcast_in_dim3A_1987 : vector<16x1x128xf32> to vector<16x32x128xf32>
    %mul3A_1989 = arith.mulf %mul3A_1978, %mul3A_1988 : vector<16x32x128xf32>
    %sub3A_1990 = arith.subf %get3A_1960, %mul3A_1989 : vector<16x32x128xf32>
    %broadcast_in_dim3A_1991 = vector.shape_cast %get3A_1965 : vector<16x32xf32> to vector<16x32x1xf32>
    %broadcast_in_dim3A_1992 = vector.shape_cast %get3A_1975 : vector<16x128xf32> to vector<16x1x128xf32>
    %mul3A_1993 = vector.broadcast %broadcast_in_dim3A_1991 : vector<16x32x1xf32> to vector<16x32x128xf32>
    %mul3A_1994 = vector.broadcast %broadcast_in_dim3A_1992 : vector<16x1x128xf32> to vector<16x32x128xf32>
    %mul3A_1995 = arith.mulf %mul3A_1993, %mul3A_1994 : vector<16x32x128xf32>
    %add3A_1996 = arith.addf %sub3A_1990, %mul3A_1995 : vector<16x32x128xf32>
    %swap3A_1997 = arith.constant 0 : index
    %swap3A_1998 = arith.constant 0 : index
    %swap3A_1999 = arith.constant 0 : index
    %swap3A_2000 = arith.constant 0 : index
    %swap3A_2001 = vector.load %arg10[%swap3A_1997, %swap3A_1998, %swap3A_1999, %swap3A_2000] : memref<2x16x32x128xf32, #tpu.memory_space<vmem>>, vector<1x16x32x128xf32>
    %swap3A_2002 = vector.shape_cast %swap3A_2001 : vector<1x16x32x128xf32> to vector<16x32x128xf32>
    %swap3A_2003 = vector.shape_cast %add3A_1996 : vector<16x32x128xf32> to vector<1x16x32x128xf32>
    tpu.vector_store %arg10[%swap3A_1997, %swap3A_1998, %swap3A_1999, %swap3A_2000], %swap3A_2003 {strides = array<i32>} : memref<2x16x32x128xf32, #tpu.memory_space<vmem>>, vector<1x16x32x128xf32>,
    %get3A_2004 = arith.constant 1 : index
    %get3A_2005 = arith.constant 0 : index
    %get3A_2006 = arith.constant 0 : index
    %get3A_2007 = arith.constant 0 : index
    %get3A_2008 = vector.load %arg10[%get3A_2004, %get3A_2005, %get3A_2006, %get3A_2007] : memref<2x16x32x128xf32, #tpu.memory_space<vmem>>, vector<1x16x32x128xf32>
    %get3A_2009 = vector.shape_cast %get3A_2008 : vector<1x16x32x128xf32> to vector<16x32x128xf32>
    %get3A_2010 = arith.constant 0 : index
    %get3A_2011 = arith.constant 20 : index
    %get3A_2012 = arith.constant 0 : index
    %get3A_2013 = vector.load %arg5[%get3A_2010, %get3A_2011, %get3A_2012] : memref<16x40x32xf32, #tpu.memory_space<vmem>>, vector<16x1x32xf32>
    %get3A_2014 = vector.shape_cast %get3A_2013 : vector<16x1x32xf32> to vector<16x32xf32>
    %get3A_2015 = arith.constant 0 : index
    %get3A_2016 = arith.constant 20 : index
    %get3A_2017 = arith.constant 0 : index
    %get3A_2018 = vector.load %arg6[%get3A_2015, %get3A_2016, %get3A_2017] : memref<16x40x128xf32, #tpu.memory_space<vmem>>, vector<16x1x128xf32>
    %get3A_2019 = vector.shape_cast %get3A_2018 : vector<16x1x128xf32> to vector<16x128xf32>
    %get3A_2020 = arith.constant 0 : index
    %get3A_2021 = arith.constant 20 : index
    %get3A_2022 = arith.constant 0 : index
    %get3A_2023 = vector.load %arg7[%get3A_2020, %get3A_2021, %get3A_2022] : memref<16x40x128xf32, #tpu.memory_space<vmem>>, vector<16x1x128xf32>
    %get3A_2024 = vector.shape_cast %get3A_2023 : vector<16x1x128xf32> to vector<16x128xf32>
    %broadcast_in_dim3A_2025 = vector.shape_cast %get3A_2014 : vector<16x32xf32> to vector<16x32x1xf32>
    %mul3A_2026 = vector.broadcast %broadcast_in_dim3A_2025 : vector<16x32x1xf32> to vector<16x32x128xf32>
    %mul3A_2027 = arith.mulf %get3A_2009, %mul3A_2026 : vector<16x32x128xf32>
    %reduce_sum3A_2028 = arith.constant dense<0.000000e+00> : vector<16x128xf32>
    %reduce_sum3A_2029 = vector.multi_reduction <add>, %mul3A_2027, %reduce_sum3A_2028 [1] : vector<16x32x128xf32> to vector<16x128xf32>
    %swap3A_2030 = arith.constant 0 : index
    %swap3A_2031 = arith.constant 20 : index
    %swap3A_2032 = arith.constant 0 : index
    %swap3A_2033 = vector.load %arg9[%swap3A_2030, %swap3A_2031, %swap3A_2032] : memref<16x40x128xf32, #tpu.memory_space<vmem>>, vector<16x1x128xf32>
    %swap3A_2034 = vector.shape_cast %swap3A_2033 : vector<16x1x128xf32> to vector<16x128xf32>
    %swap3A_2035 = vector.shape_cast %reduce_sum3A_2029 : vector<16x128xf32> to vector<16x1x128xf32>
    tpu.vector_store %arg9[%swap3A_2030, %swap3A_2031, %swap3A_2032], %swap3A_2035 {strides = array<i32>} : memref<16x40x128xf32, #tpu.memory_space<vmem>>, vector<16x1x128xf32>,
    %broadcast_in_dim3A_2036 = vector.shape_cast %get3A_2019 : vector<16x128xf32> to vector<16x1x128xf32>
    %mul3A_2037 = vector.broadcast %broadcast_in_dim3A_2036 : vector<16x1x128xf32> to vector<16x32x128xf32>
    %mul3A_2038 = arith.mulf %mul3A_2027, %mul3A_2037 : vector<16x32x128xf32>
    %sub3A_2039 = arith.subf %get3A_2009, %mul3A_2038 : vector<16x32x128xf32>
    %broadcast_in_dim3A_2040 = vector.shape_cast %get3A_2014 : vector<16x32xf32> to vector<16x32x1xf32>
    %broadcast_in_dim3A_2041 = vector.shape_cast %get3A_2024 : vector<16x128xf32> to vector<16x1x128xf32>
    %mul3A_2042 = vector.broadcast %broadcast_in_dim3A_2040 : vector<16x32x1xf32> to vector<16x32x128xf32>
    %mul3A_2043 = vector.broadcast %broadcast_in_dim3A_2041 : vector<16x1x128xf32> to vector<16x32x128xf32>
    %mul3A_2044 = arith.mulf %mul3A_2042, %mul3A_2043 : vector<16x32x128xf32>
    %add3A_2045 = arith.addf %sub3A_2039, %mul3A_2044 : vector<16x32x128xf32>
    %swap3A_2046 = arith.constant 1 : index
    %swap3A_2047 = arith.constant 0 : index
    %swap3A_2048 = arith.constant 0 : index
    %swap3A_2049 = arith.constant 0 : index
    %swap3A_2050 = vector.load %arg10[%swap3A_2046, %swap3A_2047, %swap3A_2048, %swap3A_2049] : memref<2x16x32x128xf32, #tpu.memory_space<vmem>>, vector<1x16x32x128xf32>
    %swap3A_2051 = vector.shape_cast %swap3A_2050 : vector<1x16x32x128xf32> to vector<16x32x128xf32>
    %swap3A_2052 = vector.shape_cast %add3A_2045 : vector<16x32x128xf32> to vector<1x16x32x128xf32>
    tpu.vector_store %arg10[%swap3A_2046, %swap3A_2047, %swap3A_2048, %swap3A_2049], %swap3A_2052 {strides = array<i32>} : memref<2x16x32x128xf32, #tpu.memory_space<vmem>>, vector<1x16x32x128xf32>,
    %get3A_2053 = arith.constant 0 : index
    %get3A_2054 = arith.constant 0 : index
    %get3A_2055 = arith.constant 0 : index
    %get3A_2056 = arith.constant 0 : index
    %get3A_2057 = vector.load %arg10[%get3A_2053, %get3A_2054, %get3A_2055, %get3A_2056] : memref<2x16x32x128xf32, #tpu.memory_space<vmem>>, vector<1x16x32x128xf32>
    %get3A_2058 = vector.shape_cast %get3A_2057 : vector<1x16x32x128xf32> to vector<16x32x128xf32>
    %get3A_2059 = arith.constant 0 : index
    %get3A_2060 = arith.constant 21 : index
    %get3A_2061 = arith.constant 0 : index
    %get3A_2062 = vector.load %arg2[%get3A_2059, %get3A_2060, %get3A_2061] : memref<16x40x32xf32, #tpu.memory_space<vmem>>, vector<16x1x32xf32>
    %get3A_2063 = vector.shape_cast %get3A_2062 : vector<16x1x32xf32> to vector<16x32xf32>
    %get3A_2064 = arith.constant 0 : index
    %get3A_2065 = arith.constant 21 : index
    %get3A_2066 = arith.constant 0 : index
    %get3A_2067 = vector.load %arg3[%get3A_2064, %get3A_2065, %get3A_2066] : memref<16x40x128xf32, #tpu.memory_space<vmem>>, vector<16x1x128xf32>
    %get3A_2068 = vector.shape_cast %get3A_2067 : vector<16x1x128xf32> to vector<16x128xf32>
    %get3A_2069 = arith.constant 0 : index
    %get3A_2070 = arith.constant 21 : index
    %get3A_2071 = arith.constant 0 : index
    %get3A_2072 = vector.load %arg4[%get3A_2069, %get3A_2070, %get3A_2071] : memref<16x40x128xf32, #tpu.memory_space<vmem>>, vector<16x1x128xf32>
    %get3A_2073 = vector.shape_cast %get3A_2072 : vector<16x1x128xf32> to vector<16x128xf32>
    %broadcast_in_dim3A_2074 = vector.shape_cast %get3A_2063 : vector<16x32xf32> to vector<16x32x1xf32>
    %mul3A_2075 = vector.broadcast %broadcast_in_dim3A_2074 : vector<16x32x1xf32> to vector<16x32x128xf32>
    %mul3A_2076 = arith.mulf %get3A_2058, %mul3A_2075 : vector<16x32x128xf32>
    %reduce_sum3A_2077 = arith.constant dense<0.000000e+00> : vector<16x128xf32>
    %reduce_sum3A_2078 = vector.multi_reduction <add>, %mul3A_2076, %reduce_sum3A_2077 [1] : vector<16x32x128xf32> to vector<16x128xf32>
    %swap3A_2079 = arith.constant 0 : index
    %swap3A_2080 = arith.constant 21 : index
    %swap3A_2081 = arith.constant 0 : index
    %swap3A_2082 = vector.load %arg8[%swap3A_2079, %swap3A_2080, %swap3A_2081] : memref<16x40x128xf32, #tpu.memory_space<vmem>>, vector<16x1x128xf32>
    %swap3A_2083 = vector.shape_cast %swap3A_2082 : vector<16x1x128xf32> to vector<16x128xf32>
    %swap3A_2084 = vector.shape_cast %reduce_sum3A_2078 : vector<16x128xf32> to vector<16x1x128xf32>
    tpu.vector_store %arg8[%swap3A_2079, %swap3A_2080, %swap3A_2081], %swap3A_2084 {strides = array<i32>} : memref<16x40x128xf32, #tpu.memory_space<vmem>>, vector<16x1x128xf32>,
    %broadcast_in_dim3A_2085 = vector.shape_cast %get3A_2068 : vector<16x128xf32> to vector<16x1x128xf32>
    %mul3A_2086 = vector.broadcast %broadcast_in_dim3A_2085 : vector<16x1x128xf32> to vector<16x32x128xf32>
    %mul3A_2087 = arith.mulf %mul3A_2076, %mul3A_2086 : vector<16x32x128xf32>
    %sub3A_2088 = arith.subf %get3A_2058, %mul3A_2087 : vector<16x32x128xf32>
    %broadcast_in_dim3A_2089 = vector.shape_cast %get3A_2063 : vector<16x32xf32> to vector<16x32x1xf32>
    %broadcast_in_dim3A_2090 = vector.shape_cast %get3A_2073 : vector<16x128xf32> to vector<16x1x128xf32>
    %mul3A_2091 = vector.broadcast %broadcast_in_dim3A_2089 : vector<16x32x1xf32> to vector<16x32x128xf32>
    %mul3A_2092 = vector.broadcast %broadcast_in_dim3A_2090 : vector<16x1x128xf32> to vector<16x32x128xf32>
    %mul3A_2093 = arith.mulf %mul3A_2091, %mul3A_2092 : vector<16x32x128xf32>
    %add3A_2094 = arith.addf %sub3A_2088, %mul3A_2093 : vector<16x32x128xf32>
    %swap3A_2095 = arith.constant 0 : index
    %swap3A_2096 = arith.constant 0 : index
    %swap3A_2097 = arith.constant 0 : index
    %swap3A_2098 = arith.constant 0 : index
    %swap3A_2099 = vector.load %arg10[%swap3A_2095, %swap3A_2096, %swap3A_2097, %swap3A_2098] : memref<2x16x32x128xf32, #tpu.memory_space<vmem>>, vector<1x16x32x128xf32>
    %swap3A_2100 = vector.shape_cast %swap3A_2099 : vector<1x16x32x128xf32> to vector<16x32x128xf32>
    %swap3A_2101 = vector.shape_cast %add3A_2094 : vector<16x32x128xf32> to vector<1x16x32x128xf32>
    tpu.vector_store %arg10[%swap3A_2095, %swap3A_2096, %swap3A_2097, %swap3A_2098], %swap3A_2101 {strides = array<i32>} : memref<2x16x32x128xf32, #tpu.memory_space<vmem>>, vector<1x16x32x128xf32>,
    %get3A_2102 = arith.constant 1 : index
    %get3A_2103 = arith.constant 0 : index
    %get3A_2104 = arith.constant 0 : index
    %get3A_2105 = arith.constant 0 : index
    %get3A_2106 = vector.load %arg10[%get3A_2102, %get3A_2103, %get3A_2104, %get3A_2105] : memref<2x16x32x128xf32, #tpu.memory_space<vmem>>, vector<1x16x32x128xf32>
    %get3A_2107 = vector.shape_cast %get3A_2106 : vector<1x16x32x128xf32> to vector<16x32x128xf32>
    %get3A_2108 = arith.constant 0 : index
    %get3A_2109 = arith.constant 21 : index
    %get3A_2110 = arith.constant 0 : index
    %get3A_2111 = vector.load %arg5[%get3A_2108, %get3A_2109, %get3A_2110] : memref<16x40x32xf32, #tpu.memory_space<vmem>>, vector<16x1x32xf32>
    %get3A_2112 = vector.shape_cast %get3A_2111 : vector<16x1x32xf32> to vector<16x32xf32>
    %get3A_2113 = arith.constant 0 : index
    %get3A_2114 = arith.constant 21 : index
    %get3A_2115 = arith.constant 0 : index
    %get3A_2116 = vector.load %arg6[%get3A_2113, %get3A_2114, %get3A_2115] : memref<16x40x128xf32, #tpu.memory_space<vmem>>, vector<16x1x128xf32>
    %get3A_2117 = vector.shape_cast %get3A_2116 : vector<16x1x128xf32> to vector<16x128xf32>
    %get3A_2118 = arith.constant 0 : index
    %get3A_2119 = arith.constant 21 : index
    %get3A_2120 = arith.constant 0 : index
    %get3A_2121 = vector.load %arg7[%get3A_2118, %get3A_2119, %get3A_2120] : memref<16x40x128xf32, #tpu.memory_space<vmem>>, vector<16x1x128xf32>
    %get3A_2122 = vector.shape_cast %get3A_2121 : vector<16x1x128xf32> to vector<16x128xf32>
    %broadcast_in_dim3A_2123 = vector.shape_cast %get3A_2112 : vector<16x32xf32> to vector<16x32x1xf32>
    %mul3A_2124 = vector.broadcast %broadcast_in_dim3A_2123 : vector<16x32x1xf32> to vector<16x32x128xf32>
    %mul3A_2125 = arith.mulf %get3A_2107, %mul3A_2124 : vector<16x32x128xf32>
    %reduce_sum3A_2126 = arith.constant dense<0.000000e+00> : vector<16x128xf32>
    %reduce_sum3A_2127 = vector.multi_reduction <add>, %mul3A_2125, %reduce_sum3A_2126 [1] : vector<16x32x128xf32> to vector<16x128xf32>
    %swap3A_2128 = arith.constant 0 : index
    %swap3A_2129 = arith.constant 21 : index
    %swap3A_2130 = arith.constant 0 : index
    %swap3A_2131 = vector.load %arg9[%swap3A_2128, %swap3A_2129, %swap3A_2130] : memref<16x40x128xf32, #tpu.memory_space<vmem>>, vector<16x1x128xf32>
    %swap3A_2132 = vector.shape_cast %swap3A_2131 : vector<16x1x128xf32> to vector<16x128xf32>
    %swap3A_2133 = vector.shape_cast %reduce_sum3A_2127 : vector<16x128xf32> to vector<16x1x128xf32>
    tpu.vector_store %arg9[%swap3A_2128, %swap3A_2129, %swap3A_2130], %swap3A_2133 {strides = array<i32>} : memref<16x40x128xf32, #tpu.memory_space<vmem>>, vector<16x1x128xf32>,
    %broadcast_in_dim3A_2134 = vector.shape_cast %get3A_2117 : vector<16x128xf32> to vector<16x1x128xf32>
    %mul3A_2135 = vector.broadcast %broadcast_in_dim3A_2134 : vector<16x1x128xf32> to vector<16x32x128xf32>
    %mul3A_2136 = arith.mulf %mul3A_2125, %mul3A_2135 : vector<16x32x128xf32>
    %sub3A_2137 = arith.subf %get3A_2107, %mul3A_2136 : vector<16x32x128xf32>
    %broadcast_in_dim3A_2138 = vector.shape_cast %get3A_2112 : vector<16x32xf32> to vector<16x32x1xf32>
    %broadcast_in_dim3A_2139 = vector.shape_cast %get3A_2122 : vector<16x128xf32> to vector<16x1x128xf32>
    %mul3A_2140 = vector.broadcast %broadcast_in_dim3A_2138 : vector<16x32x1xf32> to vector<16x32x128xf32>
    %mul3A_2141 = vector.broadcast %broadcast_in_dim3A_2139 : vector<16x1x128xf32> to vector<16x32x128xf32>
    %mul3A_2142 = arith.mulf %mul3A_2140, %mul3A_2141 : vector<16x32x128xf32>
    %add3A_2143 = arith.addf %sub3A_2137, %mul3A_2142 : vector<16x32x128xf32>
    %swap3A_2144 = arith.constant 1 : index
    %swap3A_2145 = arith.constant 0 : index
    %swap3A_2146 = arith.constant 0 : index
    %swap3A_2147 = arith.constant 0 : index
    %swap3A_2148 = vector.load %arg10[%swap3A_2144, %swap3A_2145, %swap3A_2146, %swap3A_2147] : memref<2x16x32x128xf32, #tpu.memory_space<vmem>>, vector<1x16x32x128xf32>
    %swap3A_2149 = vector.shape_cast %swap3A_2148 : vector<1x16x32x128xf32> to vector<16x32x128xf32>
    %swap3A_2150 = vector.shape_cast %add3A_2143 : vector<16x32x128xf32> to vector<1x16x32x128xf32>
    tpu.vector_store %arg10[%swap3A_2144, %swap3A_2145, %swap3A_2146, %swap3A_2147], %swap3A_2150 {strides = array<i32>} : memref<2x16x32x128xf32, #tpu.memory_space<vmem>>, vector<1x16x32x128xf32>,
    %get3A_2151 = arith.constant 0 : index
    %get3A_2152 = arith.constant 0 : index
    %get3A_2153 = arith.constant 0 : index
    %get3A_2154 = arith.constant 0 : index
    %get3A_2155 = vector.load %arg10[%get3A_2151, %get3A_2152, %get3A_2153, %get3A_2154] : memref<2x16x32x128xf32, #tpu.memory_space<vmem>>, vector<1x16x32x128xf32>
    %get3A_2156 = vector.shape_cast %get3A_2155 : vector<1x16x32x128xf32> to vector<16x32x128xf32>
    %get3A_2157 = arith.constant 0 : index
    %get3A_2158 = arith.constant 22 : index
    %get3A_2159 = arith.constant 0 : index
    %get3A_2160 = vector.load %arg2[%get3A_2157, %get3A_2158, %get3A_2159] : memref<16x40x32xf32, #tpu.memory_space<vmem>>, vector<16x1x32xf32>
    %get3A_2161 = vector.shape_cast %get3A_2160 : vector<16x1x32xf32> to vector<16x32xf32>
    %get3A_2162 = arith.constant 0 : index
    %get3A_2163 = arith.constant 22 : index
    %get3A_2164 = arith.constant 0 : index
    %get3A_2165 = vector.load %arg3[%get3A_2162, %get3A_2163, %get3A_2164] : memref<16x40x128xf32, #tpu.memory_space<vmem>>, vector<16x1x128xf32>
    %get3A_2166 = vector.shape_cast %get3A_2165 : vector<16x1x128xf32> to vector<16x128xf32>
    %get3A_2167 = arith.constant 0 : index
    %get3A_2168 = arith.constant 22 : index
    %get3A_2169 = arith.constant 0 : index
    %get3A_2170 = vector.load %arg4[%get3A_2167, %get3A_2168, %get3A_2169] : memref<16x40x128xf32, #tpu.memory_space<vmem>>, vector<16x1x128xf32>
    %get3A_2171 = vector.shape_cast %get3A_2170 : vector<16x1x128xf32> to vector<16x128xf32>
    %broadcast_in_dim3A_2172 = vector.shape_cast %get3A_2161 : vector<16x32xf32> to vector<16x32x1xf32>
    %mul3A_2173 = vector.broadcast %broadcast_in_dim3A_2172 : vector<16x32x1xf32> to vector<16x32x128xf32>
    %mul3A_2174 = arith.mulf %get3A_2156, %mul3A_2173 : vector<16x32x128xf32>
    %reduce_sum3A_2175 = arith.constant dense<0.000000e+00> : vector<16x128xf32>
    %reduce_sum3A_2176 = vector.multi_reduction <add>, %mul3A_2174, %reduce_sum3A_2175 [1] : vector<16x32x128xf32> to vector<16x128xf32>
    %swap3A_2177 = arith.constant 0 : index
    %swap3A_2178 = arith.constant 22 : index
    %swap3A_2179 = arith.constant 0 : index
    %swap3A_2180 = vector.load %arg8[%swap3A_2177, %swap3A_2178, %swap3A_2179] : memref<16x40x128xf32, #tpu.memory_space<vmem>>, vector<16x1x128xf32>
    %swap3A_2181 = vector.shape_cast %swap3A_2180 : vector<16x1x128xf32> to vector<16x128xf32>
    %swap3A_2182 = vector.shape_cast %reduce_sum3A_2176 : vector<16x128xf32> to vector<16x1x128xf32>
    tpu.vector_store %arg8[%swap3A_2177, %swap3A_2178, %swap3A_2179], %swap3A_2182 {strides = array<i32>} : memref<16x40x128xf32, #tpu.memory_space<vmem>>, vector<16x1x128xf32>,
    %broadcast_in_dim3A_2183 = vector.shape_cast %get3A_2166 : vector<16x128xf32> to vector<16x1x128xf32>
    %mul3A_2184 = vector.broadcast %broadcast_in_dim3A_2183 : vector<16x1x128xf32> to vector<16x32x128xf32>
    %mul3A_2185 = arith.mulf %mul3A_2174, %mul3A_2184 : vector<16x32x128xf32>
    %sub3A_2186 = arith.subf %get3A_2156, %mul3A_2185 : vector<16x32x128xf32>
    %broadcast_in_dim3A_2187 = vector.shape_cast %get3A_2161 : vector<16x32xf32> to vector<16x32x1xf32>
    %broadcast_in_dim3A_2188 = vector.shape_cast %get3A_2171 : vector<16x128xf32> to vector<16x1x128xf32>
    %mul3A_2189 = vector.broadcast %broadcast_in_dim3A_2187 : vector<16x32x1xf32> to vector<16x32x128xf32>
    %mul3A_2190 = vector.broadcast %broadcast_in_dim3A_2188 : vector<16x1x128xf32> to vector<16x32x128xf32>
    %mul3A_2191 = arith.mulf %mul3A_2189, %mul3A_2190 : vector<16x32x128xf32>
    %add3A_2192 = arith.addf %sub3A_2186, %mul3A_2191 : vector<16x32x128xf32>
    %swap3A_2193 = arith.constant 0 : index
    %swap3A_2194 = arith.constant 0 : index
    %swap3A_2195 = arith.constant 0 : index
    %swap3A_2196 = arith.constant 0 : index
    %swap3A_2197 = vector.load %arg10[%swap3A_2193, %swap3A_2194, %swap3A_2195, %swap3A_2196] : memref<2x16x32x128xf32, #tpu.memory_space<vmem>>, vector<1x16x32x128xf32>
    %swap3A_2198 = vector.shape_cast %swap3A_2197 : vector<1x16x32x128xf32> to vector<16x32x128xf32>
    %swap3A_2199 = vector.shape_cast %add3A_2192 : vector<16x32x128xf32> to vector<1x16x32x128xf32>
    tpu.vector_store %arg10[%swap3A_2193, %swap3A_2194, %swap3A_2195, %swap3A_2196], %swap3A_2199 {strides = array<i32>} : memref<2x16x32x128xf32, #tpu.memory_space<vmem>>, vector<1x16x32x128xf32>,
    %get3A_2200 = arith.constant 1 : index
    %get3A_2201 = arith.constant 0 : index
    %get3A_2202 = arith.constant 0 : index
    %get3A_2203 = arith.constant 0 : index
    %get3A_2204 = vector.load %arg10[%get3A_2200, %get3A_2201, %get3A_2202, %get3A_2203] : memref<2x16x32x128xf32, #tpu.memory_space<vmem>>, vector<1x16x32x128xf32>
    %get3A_2205 = vector.shape_cast %get3A_2204 : vector<1x16x32x128xf32> to vector<16x32x128xf32>
    %get3A_2206 = arith.constant 0 : index
    %get3A_2207 = arith.constant 22 : index
    %get3A_2208 = arith.constant 0 : index
    %get3A_2209 = vector.load %arg5[%get3A_2206, %get3A_2207, %get3A_2208] : memref<16x40x32xf32, #tpu.memory_space<vmem>>, vector<16x1x32xf32>
    %get3A_2210 = vector.shape_cast %get3A_2209 : vector<16x1x32xf32> to vector<16x32xf32>
    %get3A_2211 = arith.constant 0 : index
    %get3A_2212 = arith.constant 22 : index
    %get3A_2213 = arith.constant 0 : index
    %get3A_2214 = vector.load %arg6[%get3A_2211, %get3A_2212, %get3A_2213] : memref<16x40x128xf32, #tpu.memory_space<vmem>>, vector<16x1x128xf32>
    %get3A_2215 = vector.shape_cast %get3A_2214 : vector<16x1x128xf32> to vector<16x128xf32>
    %get3A_2216 = arith.constant 0 : index
    %get3A_2217 = arith.constant 22 : index
    %get3A_2218 = arith.constant 0 : index
    %get3A_2219 = vector.load %arg7[%get3A_2216, %get3A_2217, %get3A_2218] : memref<16x40x128xf32, #tpu.memory_space<vmem>>, vector<16x1x128xf32>
    %get3A_2220 = vector.shape_cast %get3A_2219 : vector<16x1x128xf32> to vector<16x128xf32>
    %broadcast_in_dim3A_2221 = vector.shape_cast %get3A_2210 : vector<16x32xf32> to vector<16x32x1xf32>
    %mul3A_2222 = vector.broadcast %broadcast_in_dim3A_2221 : vector<16x32x1xf32> to vector<16x32x128xf32>
    %mul3A_2223 = arith.mulf %get3A_2205, %mul3A_2222 : vector<16x32x128xf32>
    %reduce_sum3A_2224 = arith.constant dense<0.000000e+00> : vector<16x128xf32>
    %reduce_sum3A_2225 = vector.multi_reduction <add>, %mul3A_2223, %reduce_sum3A_2224 [1] : vector<16x32x128xf32> to vector<16x128xf32>
    %swap3A_2226 = arith.constant 0 : index
    %swap3A_2227 = arith.constant 22 : index
    %swap3A_2228 = arith.constant 0 : index
    %swap3A_2229 = vector.load %arg9[%swap3A_2226, %swap3A_2227, %swap3A_2228] : memref<16x40x128xf32, #tpu.memory_space<vmem>>, vector<16x1x128xf32>
    %swap3A_2230 = vector.shape_cast %swap3A_2229 : vector<16x1x128xf32> to vector<16x128xf32>
    %swap3A_2231 = vector.shape_cast %reduce_sum3A_2225 : vector<16x128xf32> to vector<16x1x128xf32>
    tpu.vector_store %arg9[%swap3A_2226, %swap3A_2227, %swap3A_2228], %swap3A_2231 {strides = array<i32>} : memref<16x40x128xf32, #tpu.memory_space<vmem>>, vector<16x1x128xf32>,
    %broadcast_in_dim3A_2232 = vector.shape_cast %get3A_2215 : vector<16x128xf32> to vector<16x1x128xf32>
    %mul3A_2233 = vector.broadcast %broadcast_in_dim3A_2232 : vector<16x1x128xf32> to vector<16x32x128xf32>
    %mul3A_2234 = arith.mulf %mul3A_2223, %mul3A_2233 : vector<16x32x128xf32>
    %sub3A_2235 = arith.subf %get3A_2205, %mul3A_2234 : vector<16x32x128xf32>
    %broadcast_in_dim3A_2236 = vector.shape_cast %get3A_2210 : vector<16x32xf32> to vector<16x32x1xf32>
    %broadcast_in_dim3A_2237 = vector.shape_cast %get3A_2220 : vector<16x128xf32> to vector<16x1x128xf32>
    %mul3A_2238 = vector.broadcast %broadcast_in_dim3A_2236 : vector<16x32x1xf32> to vector<16x32x128xf32>
    %mul3A_2239 = vector.broadcast %broadcast_in_dim3A_2237 : vector<16x1x128xf32> to vector<16x32x128xf32>
    %mul3A_2240 = arith.mulf %mul3A_2238, %mul3A_2239 : vector<16x32x128xf32>
    %add3A_2241 = arith.addf %sub3A_2235, %mul3A_2240 : vector<16x32x128xf32>
    %swap3A_2242 = arith.constant 1 : index
    %swap3A_2243 = arith.constant 0 : index
    %swap3A_2244 = arith.constant 0 : index
    %swap3A_2245 = arith.constant 0 : index
    %swap3A_2246 = vector.load %arg10[%swap3A_2242, %swap3A_2243, %swap3A_2244, %swap3A_2245] : memref<2x16x32x128xf32, #tpu.memory_space<vmem>>, vector<1x16x32x128xf32>
    %swap3A_2247 = vector.shape_cast %swap3A_2246 : vector<1x16x32x128xf32> to vector<16x32x128xf32>
    %swap3A_2248 = vector.shape_cast %add3A_2241 : vector<16x32x128xf32> to vector<1x16x32x128xf32>
    tpu.vector_store %arg10[%swap3A_2242, %swap3A_2243, %swap3A_2244, %swap3A_2245], %swap3A_2248 {strides = array<i32>} : memref<2x16x32x128xf32, #tpu.memory_space<vmem>>, vector<1x16x32x128xf32>,
    %get3A_2249 = arith.constant 0 : index
    %get3A_2250 = arith.constant 0 : index
    %get3A_2251 = arith.constant 0 : index
    %get3A_2252 = arith.constant 0 : index
    %get3A_2253 = vector.load %arg10[%get3A_2249, %get3A_2250, %get3A_2251, %get3A_2252] : memref<2x16x32x128xf32, #tpu.memory_space<vmem>>, vector<1x16x32x128xf32>
    %get3A_2254 = vector.shape_cast %get3A_2253 : vector<1x16x32x128xf32> to vector<16x32x128xf32>
    %get3A_2255 = arith.constant 0 : index
    %get3A_2256 = arith.constant 23 : index
    %get3A_2257 = arith.constant 0 : index
    %get3A_2258 = vector.load %arg2[%get3A_2255, %get3A_2256, %get3A_2257] : memref<16x40x32xf32, #tpu.memory_space<vmem>>, vector<16x1x32xf32>
    %get3A_2259 = vector.shape_cast %get3A_2258 : vector<16x1x32xf32> to vector<16x32xf32>
    %get3A_2260 = arith.constant 0 : index
    %get3A_2261 = arith.constant 23 : index
    %get3A_2262 = arith.constant 0 : index
    %get3A_2263 = vector.load %arg3[%get3A_2260, %get3A_2261, %get3A_2262] : memref<16x40x128xf32, #tpu.memory_space<vmem>>, vector<16x1x128xf32>
    %get3A_2264 = vector.shape_cast %get3A_2263 : vector<16x1x128xf32> to vector<16x128xf32>
    %get3A_2265 = arith.constant 0 : index
    %get3A_2266 = arith.constant 23 : index
    %get3A_2267 = arith.constant 0 : index
    %get3A_2268 = vector.load %arg4[%get3A_2265, %get3A_2266, %get3A_2267] : memref<16x40x128xf32, #tpu.memory_space<vmem>>, vector<16x1x128xf32>
    %get3A_2269 = vector.shape_cast %get3A_2268 : vector<16x1x128xf32> to vector<16x128xf32>
    %broadcast_in_dim3A_2270 = vector.shape_cast %get3A_2259 : vector<16x32xf32> to vector<16x32x1xf32>
    %mul3A_2271 = vector.broadcast %broadcast_in_dim3A_2270 : vector<16x32x1xf32> to vector<16x32x128xf32>
    %mul3A_2272 = arith.mulf %get3A_2254, %mul3A_2271 : vector<16x32x128xf32>
    %reduce_sum3A_2273 = arith.constant dense<0.000000e+00> : vector<16x128xf32>
    %reduce_sum3A_2274 = vector.multi_reduction <add>, %mul3A_2272, %reduce_sum3A_2273 [1] : vector<16x32x128xf32> to vector<16x128xf32>
    %swap3A_2275 = arith.constant 0 : index
    %swap3A_2276 = arith.constant 23 : index
    %swap3A_2277 = arith.constant 0 : index
    %swap3A_2278 = vector.load %arg8[%swap3A_2275, %swap3A_2276, %swap3A_2277] : memref<16x40x128xf32, #tpu.memory_space<vmem>>, vector<16x1x128xf32>
    %swap3A_2279 = vector.shape_cast %swap3A_2278 : vector<16x1x128xf32> to vector<16x128xf32>
    %swap3A_2280 = vector.shape_cast %reduce_sum3A_2274 : vector<16x128xf32> to vector<16x1x128xf32>
    tpu.vector_store %arg8[%swap3A_2275, %swap3A_2276, %swap3A_2277], %swap3A_2280 {strides = array<i32>} : memref<16x40x128xf32, #tpu.memory_space<vmem>>, vector<16x1x128xf32>,
    %broadcast_in_dim3A_2281 = vector.shape_cast %get3A_2264 : vector<16x128xf32> to vector<16x1x128xf32>
    %mul3A_2282 = vector.broadcast %broadcast_in_dim3A_2281 : vector<16x1x128xf32> to vector<16x32x128xf32>
    %mul3A_2283 = arith.mulf %mul3A_2272, %mul3A_2282 : vector<16x32x128xf32>
    %sub3A_2284 = arith.subf %get3A_2254, %mul3A_2283 : vector<16x32x128xf32>
    %broadcast_in_dim3A_2285 = vector.shape_cast %get3A_2259 : vector<16x32xf32> to vector<16x32x1xf32>
    %broadcast_in_dim3A_2286 = vector.shape_cast %get3A_2269 : vector<16x128xf32> to vector<16x1x128xf32>
    %mul3A_2287 = vector.broadcast %broadcast_in_dim3A_2285 : vector<16x32x1xf32> to vector<16x32x128xf32>
    %mul3A_2288 = vector.broadcast %broadcast_in_dim3A_2286 : vector<16x1x128xf32> to vector<16x32x128xf32>
    %mul3A_2289 = arith.mulf %mul3A_2287, %mul3A_2288 : vector<16x32x128xf32>
    %add3A_2290 = arith.addf %sub3A_2284, %mul3A_2289 : vector<16x32x128xf32>
    %swap3A_2291 = arith.constant 0 : index
    %swap3A_2292 = arith.constant 0 : index
    %swap3A_2293 = arith.constant 0 : index
    %swap3A_2294 = arith.constant 0 : index
    %swap3A_2295 = vector.load %arg10[%swap3A_2291, %swap3A_2292, %swap3A_2293, %swap3A_2294] : memref<2x16x32x128xf32, #tpu.memory_space<vmem>>, vector<1x16x32x128xf32>
    %swap3A_2296 = vector.shape_cast %swap3A_2295 : vector<1x16x32x128xf32> to vector<16x32x128xf32>
    %swap3A_2297 = vector.shape_cast %add3A_2290 : vector<16x32x128xf32> to vector<1x16x32x128xf32>
    tpu.vector_store %arg10[%swap3A_2291, %swap3A_2292, %swap3A_2293, %swap3A_2294], %swap3A_2297 {strides = array<i32>} : memref<2x16x32x128xf32, #tpu.memory_space<vmem>>, vector<1x16x32x128xf32>,
    %get3A_2298 = arith.constant 1 : index
    %get3A_2299 = arith.constant 0 : index
    %get3A_2300 = arith.constant 0 : index
    %get3A_2301 = arith.constant 0 : index
    %get3A_2302 = vector.load %arg10[%get3A_2298, %get3A_2299, %get3A_2300, %get3A_2301] : memref<2x16x32x128xf32, #tpu.memory_space<vmem>>, vector<1x16x32x128xf32>
    %get3A_2303 = vector.shape_cast %get3A_2302 : vector<1x16x32x128xf32> to vector<16x32x128xf32>
    %get3A_2304 = arith.constant 0 : index
    %get3A_2305 = arith.constant 23 : index
    %get3A_2306 = arith.constant 0 : index
    %get3A_2307 = vector.load %arg5[%get3A_2304, %get3A_2305, %get3A_2306] : memref<16x40x32xf32, #tpu.memory_space<vmem>>, vector<16x1x32xf32>
    %get3A_2308 = vector.shape_cast %get3A_2307 : vector<16x1x32xf32> to vector<16x32xf32>
    %get3A_2309 = arith.constant 0 : index
    %get3A_2310 = arith.constant 23 : index
    %get3A_2311 = arith.constant 0 : index
    %get3A_2312 = vector.load %arg6[%get3A_2309, %get3A_2310, %get3A_2311] : memref<16x40x128xf32, #tpu.memory_space<vmem>>, vector<16x1x128xf32>
    %get3A_2313 = vector.shape_cast %get3A_2312 : vector<16x1x128xf32> to vector<16x128xf32>
    %get3A_2314 = arith.constant 0 : index
    %get3A_2315 = arith.constant 23 : index
    %get3A_2316 = arith.constant 0 : index
    %get3A_2317 = vector.load %arg7[%get3A_2314, %get3A_2315, %get3A_2316] : memref<16x40x128xf32, #tpu.memory_space<vmem>>, vector<16x1x128xf32>
    %get3A_2318 = vector.shape_cast %get3A_2317 : vector<16x1x128xf32> to vector<16x128xf32>
    %broadcast_in_dim3A_2319 = vector.shape_cast %get3A_2308 : vector<16x32xf32> to vector<16x32x1xf32>
    %mul3A_2320 = vector.broadcast %broadcast_in_dim3A_2319 : vector<16x32x1xf32> to vector<16x32x128xf32>
    %mul3A_2321 = arith.mulf %get3A_2303, %mul3A_2320 : vector<16x32x128xf32>
    %reduce_sum3A_2322 = arith.constant dense<0.000000e+00> : vector<16x128xf32>
    %reduce_sum3A_2323 = vector.multi_reduction <add>, %mul3A_2321, %reduce_sum3A_2322 [1] : vector<16x32x128xf32> to vector<16x128xf32>
    %swap3A_2324 = arith.constant 0 : index
    %swap3A_2325 = arith.constant 23 : index
    %swap3A_2326 = arith.constant 0 : index
    %swap3A_2327 = vector.load %arg9[%swap3A_2324, %swap3A_2325, %swap3A_2326] : memref<16x40x128xf32, #tpu.memory_space<vmem>>, vector<16x1x128xf32>
    %swap3A_2328 = vector.shape_cast %swap3A_2327 : vector<16x1x128xf32> to vector<16x128xf32>
    %swap3A_2329 = vector.shape_cast %reduce_sum3A_2323 : vector<16x128xf32> to vector<16x1x128xf32>
    tpu.vector_store %arg9[%swap3A_2324, %swap3A_2325, %swap3A_2326], %swap3A_2329 {strides = array<i32>} : memref<16x40x128xf32, #tpu.memory_space<vmem>>, vector<16x1x128xf32>,
    %broadcast_in_dim3A_2330 = vector.shape_cast %get3A_2313 : vector<16x128xf32> to vector<16x1x128xf32>
    %mul3A_2331 = vector.broadcast %broadcast_in_dim3A_2330 : vector<16x1x128xf32> to vector<16x32x128xf32>
    %mul3A_2332 = arith.mulf %mul3A_2321, %mul3A_2331 : vector<16x32x128xf32>
    %sub3A_2333 = arith.subf %get3A_2303, %mul3A_2332 : vector<16x32x128xf32>
    %broadcast_in_dim3A_2334 = vector.shape_cast %get3A_2308 : vector<16x32xf32> to vector<16x32x1xf32>
    %broadcast_in_dim3A_2335 = vector.shape_cast %get3A_2318 : vector<16x128xf32> to vector<16x1x128xf32>
    %mul3A_2336 = vector.broadcast %broadcast_in_dim3A_2334 : vector<16x32x1xf32> to vector<16x32x128xf32>
    %mul3A_2337 = vector.broadcast %broadcast_in_dim3A_2335 : vector<16x1x128xf32> to vector<16x32x128xf32>
    %mul3A_2338 = arith.mulf %mul3A_2336, %mul3A_2337 : vector<16x32x128xf32>
    %add3A_2339 = arith.addf %sub3A_2333, %mul3A_2338 : vector<16x32x128xf32>
    %swap3A_2340 = arith.constant 1 : index
    %swap3A_2341 = arith.constant 0 : index
    %swap3A_2342 = arith.constant 0 : index
    %swap3A_2343 = arith.constant 0 : index
    %swap3A_2344 = vector.load %arg10[%swap3A_2340, %swap3A_2341, %swap3A_2342, %swap3A_2343] : memref<2x16x32x128xf32, #tpu.memory_space<vmem>>, vector<1x16x32x128xf32>
    %swap3A_2345 = vector.shape_cast %swap3A_2344 : vector<1x16x32x128xf32> to vector<16x32x128xf32>
    %swap3A_2346 = vector.shape_cast %add3A_2339 : vector<16x32x128xf32> to vector<1x16x32x128xf32>
    tpu.vector_store %arg10[%swap3A_2340, %swap3A_2341, %swap3A_2342, %swap3A_2343], %swap3A_2346 {strides = array<i32>} : memref<2x16x32x128xf32, #tpu.memory_space<vmem>>, vector<1x16x32x128xf32>,
    %get3A_2347 = arith.constant 0 : index
    %get3A_2348 = arith.constant 0 : index
    %get3A_2349 = arith.constant 0 : index
    %get3A_2350 = arith.constant 0 : index
    %get3A_2351 = vector.load %arg10[%get3A_2347, %get3A_2348, %get3A_2349, %get3A_2350] : memref<2x16x32x128xf32, #tpu.memory_space<vmem>>, vector<1x16x32x128xf32>
    %get3A_2352 = vector.shape_cast %get3A_2351 : vector<1x16x32x128xf32> to vector<16x32x128xf32>
    %get3A_2353 = arith.constant 0 : index
    %get3A_2354 = arith.constant 24 : index
    %get3A_2355 = arith.constant 0 : index
    %get3A_2356 = vector.load %arg2[%get3A_2353, %get3A_2354, %get3A_2355] : memref<16x40x32xf32, #tpu.memory_space<vmem>>, vector<16x1x32xf32>
    %get3A_2357 = vector.shape_cast %get3A_2356 : vector<16x1x32xf32> to vector<16x32xf32>
    %get3A_2358 = arith.constant 0 : index
    %get3A_2359 = arith.constant 24 : index
    %get3A_2360 = arith.constant 0 : index
    %get3A_2361 = vector.load %arg3[%get3A_2358, %get3A_2359, %get3A_2360] : memref<16x40x128xf32, #tpu.memory_space<vmem>>, vector<16x1x128xf32>
    %get3A_2362 = vector.shape_cast %get3A_2361 : vector<16x1x128xf32> to vector<16x128xf32>
    %get3A_2363 = arith.constant 0 : index
    %get3A_2364 = arith.constant 24 : index
    %get3A_2365 = arith.constant 0 : index
    %get3A_2366 = vector.load %arg4[%get3A_2363, %get3A_2364, %get3A_2365] : memref<16x40x128xf32, #tpu.memory_space<vmem>>, vector<16x1x128xf32>
    %get3A_2367 = vector.shape_cast %get3A_2366 : vector<16x1x128xf32> to vector<16x128xf32>
    %broadcast_in_dim3A_2368 = vector.shape_cast %get3A_2357 : vector<16x32xf32> to vector<16x32x1xf32>
    %mul3A_2369 = vector.broadcast %broadcast_in_dim3A_2368 : vector<16x32x1xf32> to vector<16x32x128xf32>
    %mul3A_2370 = arith.mulf %get3A_2352, %mul3A_2369 : vector<16x32x128xf32>
    %reduce_sum3A_2371 = arith.constant dense<0.000000e+00> : vector<16x128xf32>
    %reduce_sum3A_2372 = vector.multi_reduction <add>, %mul3A_2370, %reduce_sum3A_2371 [1] : vector<16x32x128xf32> to vector<16x128xf32>
    %swap3A_2373 = arith.constant 0 : index
    %swap3A_2374 = arith.constant 24 : index
    %swap3A_2375 = arith.constant 0 : index
    %swap3A_2376 = vector.load %arg8[%swap3A_2373, %swap3A_2374, %swap3A_2375] : memref<16x40x128xf32, #tpu.memory_space<vmem>>, vector<16x1x128xf32>
    %swap3A_2377 = vector.shape_cast %swap3A_2376 : vector<16x1x128xf32> to vector<16x128xf32>
    %swap3A_2378 = vector.shape_cast %reduce_sum3A_2372 : vector<16x128xf32> to vector<16x1x128xf32>
    tpu.vector_store %arg8[%swap3A_2373, %swap3A_2374, %swap3A_2375], %swap3A_2378 {strides = array<i32>} : memref<16x40x128xf32, #tpu.memory_space<vmem>>, vector<16x1x128xf32>,
    %broadcast_in_dim3A_2379 = vector.shape_cast %get3A_2362 : vector<16x128xf32> to vector<16x1x128xf32>
    %mul3A_2380 = vector.broadcast %broadcast_in_dim3A_2379 : vector<16x1x128xf32> to vector<16x32x128xf32>
    %mul3A_2381 = arith.mulf %mul3A_2370, %mul3A_2380 : vector<16x32x128xf32>
    %sub3A_2382 = arith.subf %get3A_2352, %mul3A_2381 : vector<16x32x128xf32>
    %broadcast_in_dim3A_2383 = vector.shape_cast %get3A_2357 : vector<16x32xf32> to vector<16x32x1xf32>
    %broadcast_in_dim3A_2384 = vector.shape_cast %get3A_2367 : vector<16x128xf32> to vector<16x1x128xf32>
    %mul3A_2385 = vector.broadcast %broadcast_in_dim3A_2383 : vector<16x32x1xf32> to vector<16x32x128xf32>
    %mul3A_2386 = vector.broadcast %broadcast_in_dim3A_2384 : vector<16x1x128xf32> to vector<16x32x128xf32>
    %mul3A_2387 = arith.mulf %mul3A_2385, %mul3A_2386 : vector<16x32x128xf32>
    %add3A_2388 = arith.addf %sub3A_2382, %mul3A_2387 : vector<16x32x128xf32>
    %swap3A_2389 = arith.constant 0 : index
    %swap3A_2390 = arith.constant 0 : index
    %swap3A_2391 = arith.constant 0 : index
    %swap3A_2392 = arith.constant 0 : index
    %swap3A_2393 = vector.load %arg10[%swap3A_2389, %swap3A_2390, %swap3A_2391, %swap3A_2392] : memref<2x16x32x128xf32, #tpu.memory_space<vmem>>, vector<1x16x32x128xf32>
    %swap3A_2394 = vector.shape_cast %swap3A_2393 : vector<1x16x32x128xf32> to vector<16x32x128xf32>
    %swap3A_2395 = vector.shape_cast %add3A_2388 : vector<16x32x128xf32> to vector<1x16x32x128xf32>
    tpu.vector_store %arg10[%swap3A_2389, %swap3A_2390, %swap3A_2391, %swap3A_2392], %swap3A_2395 {strides = array<i32>} : memref<2x16x32x128xf32, #tpu.memory_space<vmem>>, vector<1x16x32x128xf32>,
    %get3A_2396 = arith.constant 1 : index
    %get3A_2397 = arith.constant 0 : index
    %get3A_2398 = arith.constant 0 : index
    %get3A_2399 = arith.constant 0 : index
    %get3A_2400 = vector.load %arg10[%get3A_2396, %get3A_2397, %get3A_2398, %get3A_2399] : memref<2x16x32x128xf32, #tpu.memory_space<vmem>>, vector<1x16x32x128xf32>
    %get3A_2401 = vector.shape_cast %get3A_2400 : vector<1x16x32x128xf32> to vector<16x32x128xf32>
    %get3A_2402 = arith.constant 0 : index
    %get3A_2403 = arith.constant 24 : index
    %get3A_2404 = arith.constant 0 : index
    %get3A_2405 = vector.load %arg5[%get3A_2402, %get3A_2403, %get3A_2404] : memref<16x40x32xf32, #tpu.memory_space<vmem>>, vector<16x1x32xf32>
    %get3A_2406 = vector.shape_cast %get3A_2405 : vector<16x1x32xf32> to vector<16x32xf32>
    %get3A_2407 = arith.constant 0 : index
    %get3A_2408 = arith.constant 24 : index
    %get3A_2409 = arith.constant 0 : index
    %get3A_2410 = vector.load %arg6[%get3A_2407, %get3A_2408, %get3A_2409] : memref<16x40x128xf32, #tpu.memory_space<vmem>>, vector<16x1x128xf32>
    %get3A_2411 = vector.shape_cast %get3A_2410 : vector<16x1x128xf32> to vector<16x128xf32>
    %get3A_2412 = arith.constant 0 : index
    %get3A_2413 = arith.constant 24 : index
    %get3A_2414 = arith.constant 0 : index
    %get3A_2415 = vector.load %arg7[%get3A_2412, %get3A_2413, %get3A_2414] : memref<16x40x128xf32, #tpu.memory_space<vmem>>, vector<16x1x128xf32>
    %get3A_2416 = vector.shape_cast %get3A_2415 : vector<16x1x128xf32> to vector<16x128xf32>
    %broadcast_in_dim3A_2417 = vector.shape_cast %get3A_2406 : vector<16x32xf32> to vector<16x32x1xf32>
    %mul3A_2418 = vector.broadcast %broadcast_in_dim3A_2417 : vector<16x32x1xf32> to vector<16x32x128xf32>
    %mul3A_2419 = arith.mulf %get3A_2401, %mul3A_2418 : vector<16x32x128xf32>
    %reduce_sum3A_2420 = arith.constant dense<0.000000e+00> : vector<16x128xf32>
    %reduce_sum3A_2421 = vector.multi_reduction <add>, %mul3A_2419, %reduce_sum3A_2420 [1] : vector<16x32x128xf32> to vector<16x128xf32>
    %swap3A_2422 = arith.constant 0 : index
    %swap3A_2423 = arith.constant 24 : index
    %swap3A_2424 = arith.constant 0 : index
    %swap3A_2425 = vector.load %arg9[%swap3A_2422, %swap3A_2423, %swap3A_2424] : memref<16x40x128xf32, #tpu.memory_space<vmem>>, vector<16x1x128xf32>
    %swap3A_2426 = vector.shape_cast %swap3A_2425 : vector<16x1x128xf32> to vector<16x128xf32>
    %swap3A_2427 = vector.shape_cast %reduce_sum3A_2421 : vector<16x128xf32> to vector<16x1x128xf32>
    tpu.vector_store %arg9[%swap3A_2422, %swap3A_2423, %swap3A_2424], %swap3A_2427 {strides = array<i32>} : memref<16x40x128xf32, #tpu.memory_space<vmem>>, vector<16x1x128xf32>,
    %broadcast_in_dim3A_2428 = vector.shape_cast %get3A_2411 : vector<16x128xf32> to vector<16x1x128xf32>
    %mul3A_2429 = vector.broadcast %broadcast_in_dim3A_2428 : vector<16x1x128xf32> to vector<16x32x128xf32>
    %mul3A_2430 = arith.mulf %mul3A_2419, %mul3A_2429 : vector<16x32x128xf32>
    %sub3A_2431 = arith.subf %get3A_2401, %mul3A_2430 : vector<16x32x128xf32>
    %broadcast_in_dim3A_2432 = vector.shape_cast %get3A_2406 : vector<16x32xf32> to vector<16x32x1xf32>
    %broadcast_in_dim3A_2433 = vector.shape_cast %get3A_2416 : vector<16x128xf32> to vector<16x1x128xf32>
    %mul3A_2434 = vector.broadcast %broadcast_in_dim3A_2432 : vector<16x32x1xf32> to vector<16x32x128xf32>
    %mul3A_2435 = vector.broadcast %broadcast_in_dim3A_2433 : vector<16x1x128xf32> to vector<16x32x128xf32>
    %mul3A_2436 = arith.mulf %mul3A_2434, %mul3A_2435 : vector<16x32x128xf32>
    %add3A_2437 = arith.addf %sub3A_2431, %mul3A_2436 : vector<16x32x128xf32>
    %swap3A_2438 = arith.constant 1 : index
    %swap3A_2439 = arith.constant 0 : index
    %swap3A_2440 = arith.constant 0 : index
    %swap3A_2441 = arith.constant 0 : index
    %swap3A_2442 = vector.load %arg10[%swap3A_2438, %swap3A_2439, %swap3A_2440, %swap3A_2441] : memref<2x16x32x128xf32, #tpu.memory_space<vmem>>, vector<1x16x32x128xf32>
    %swap3A_2443 = vector.shape_cast %swap3A_2442 : vector<1x16x32x128xf32> to vector<16x32x128xf32>
    %swap3A_2444 = vector.shape_cast %add3A_2437 : vector<16x32x128xf32> to vector<1x16x32x128xf32>
    tpu.vector_store %arg10[%swap3A_2438, %swap3A_2439, %swap3A_2440, %swap3A_2441], %swap3A_2444 {strides = array<i32>} : memref<2x16x32x128xf32, #tpu.memory_space<vmem>>, vector<1x16x32x128xf32>,
    %get3A_2445 = arith.constant 0 : index
    %get3A_2446 = arith.constant 0 : index
    %get3A_2447 = arith.constant 0 : index
    %get3A_2448 = arith.constant 0 : index
    %get3A_2449 = vector.load %arg10[%get3A_2445, %get3A_2446, %get3A_2447, %get3A_2448] : memref<2x16x32x128xf32, #tpu.memory_space<vmem>>, vector<1x16x32x128xf32>
    %get3A_2450 = vector.shape_cast %get3A_2449 : vector<1x16x32x128xf32> to vector<16x32x128xf32>
    %get3A_2451 = arith.constant 0 : index
    %get3A_2452 = arith.constant 25 : index
    %get3A_2453 = arith.constant 0 : index
    %get3A_2454 = vector.load %arg2[%get3A_2451, %get3A_2452, %get3A_2453] : memref<16x40x32xf32, #tpu.memory_space<vmem>>, vector<16x1x32xf32>
    %get3A_2455 = vector.shape_cast %get3A_2454 : vector<16x1x32xf32> to vector<16x32xf32>
    %get3A_2456 = arith.constant 0 : index
    %get3A_2457 = arith.constant 25 : index
    %get3A_2458 = arith.constant 0 : index
    %get3A_2459 = vector.load %arg3[%get3A_2456, %get3A_2457, %get3A_2458] : memref<16x40x128xf32, #tpu.memory_space<vmem>>, vector<16x1x128xf32>
    %get3A_2460 = vector.shape_cast %get3A_2459 : vector<16x1x128xf32> to vector<16x128xf32>
    %get3A_2461 = arith.constant 0 : index
    %get3A_2462 = arith.constant 25 : index
    %get3A_2463 = arith.constant 0 : index
    %get3A_2464 = vector.load %arg4[%get3A_2461, %get3A_2462, %get3A_2463] : memref<16x40x128xf32, #tpu.memory_space<vmem>>, vector<16x1x128xf32>
    %get3A_2465 = vector.shape_cast %get3A_2464 : vector<16x1x128xf32> to vector<16x128xf32>
    %broadcast_in_dim3A_2466 = vector.shape_cast %get3A_2455 : vector<16x32xf32> to vector<16x32x1xf32>
    %mul3A_2467 = vector.broadcast %broadcast_in_dim3A_2466 : vector<16x32x1xf32> to vector<16x32x128xf32>
    %mul3A_2468 = arith.mulf %get3A_2450, %mul3A_2467 : vector<16x32x128xf32>
    %reduce_sum3A_2469 = arith.constant dense<0.000000e+00> : vector<16x128xf32>
    %reduce_sum3A_2470 = vector.multi_reduction <add>, %mul3A_2468, %reduce_sum3A_2469 [1] : vector<16x32x128xf32> to vector<16x128xf32>
    %swap3A_2471 = arith.constant 0 : index
    %swap3A_2472 = arith.constant 25 : index
    %swap3A_2473 = arith.constant 0 : index
    %swap3A_2474 = vector.load %arg8[%swap3A_2471, %swap3A_2472, %swap3A_2473] : memref<16x40x128xf32, #tpu.memory_space<vmem>>, vector<16x1x128xf32>
    %swap3A_2475 = vector.shape_cast %swap3A_2474 : vector<16x1x128xf32> to vector<16x128xf32>
    %swap3A_2476 = vector.shape_cast %reduce_sum3A_2470 : vector<16x128xf32> to vector<16x1x128xf32>
    tpu.vector_store %arg8[%swap3A_2471, %swap3A_2472, %swap3A_2473], %swap3A_2476 {strides = array<i32>} : memref<16x40x128xf32, #tpu.memory_space<vmem>>, vector<16x1x128xf32>,
    %broadcast_in_dim3A_2477 = vector.shape_cast %get3A_2460 : vector<16x128xf32> to vector<16x1x128xf32>
    %mul3A_2478 = vector.broadcast %broadcast_in_dim3A_2477 : vector<16x1x128xf32> to vector<16x32x128xf32>
    %mul3A_2479 = arith.mulf %mul3A_2468, %mul3A_2478 : vector<16x32x128xf32>
    %sub3A_2480 = arith.subf %get3A_2450, %mul3A_2479 : vector<16x32x128xf32>
    %broadcast_in_dim3A_2481 = vector.shape_cast %get3A_2455 : vector<16x32xf32> to vector<16x32x1xf32>
    %broadcast_in_dim3A_2482 = vector.shape_cast %get3A_2465 : vector<16x128xf32> to vector<16x1x128xf32>
    %mul3A_2483 = vector.broadcast %broadcast_in_dim3A_2481 : vector<16x32x1xf32> to vector<16x32x128xf32>
    %mul3A_2484 = vector.broadcast %broadcast_in_dim3A_2482 : vector<16x1x128xf32> to vector<16x32x128xf32>
    %mul3A_2485 = arith.mulf %mul3A_2483, %mul3A_2484 : vector<16x32x128xf32>
    %add3A_2486 = arith.addf %sub3A_2480, %mul3A_2485 : vector<16x32x128xf32>
    %swap3A_2487 = arith.constant 0 : index
    %swap3A_2488 = arith.constant 0 : index
    %swap3A_2489 = arith.constant 0 : index
    %swap3A_2490 = arith.constant 0 : index
    %swap3A_2491 = vector.load %arg10[%swap3A_2487, %swap3A_2488, %swap3A_2489, %swap3A_2490] : memref<2x16x32x128xf32, #tpu.memory_space<vmem>>, vector<1x16x32x128xf32>
    %swap3A_2492 = vector.shape_cast %swap3A_2491 : vector<1x16x32x128xf32> to vector<16x32x128xf32>
    %swap3A_2493 = vector.shape_cast %add3A_2486 : vector<16x32x128xf32> to vector<1x16x32x128xf32>
    tpu.vector_store %arg10[%swap3A_2487, %swap3A_2488, %swap3A_2489, %swap3A_2490], %swap3A_2493 {strides = array<i32>} : memref<2x16x32x128xf32, #tpu.memory_space<vmem>>, vector<1x16x32x128xf32>,
    %get3A_2494 = arith.constant 1 : index
    %get3A_2495 = arith.constant 0 : index
    %get3A_2496 = arith.constant 0 : index
    %get3A_2497 = arith.constant 0 : index
    %get3A_2498 = vector.load %arg10[%get3A_2494, %get3A_2495, %get3A_2496, %get3A_2497] : memref<2x16x32x128xf32, #tpu.memory_space<vmem>>, vector<1x16x32x128xf32>
    %get3A_2499 = vector.shape_cast %get3A_2498 : vector<1x16x32x128xf32> to vector<16x32x128xf32>
    %get3A_2500 = arith.constant 0 : index
    %get3A_2501 = arith.constant 25 : index
    %get3A_2502 = arith.constant 0 : index
    %get3A_2503 = vector.load %arg5[%get3A_2500, %get3A_2501, %get3A_2502] : memref<16x40x32xf32, #tpu.memory_space<vmem>>, vector<16x1x32xf32>
    %get3A_2504 = vector.shape_cast %get3A_2503 : vector<16x1x32xf32> to vector<16x32xf32>
    %get3A_2505 = arith.constant 0 : index
    %get3A_2506 = arith.constant 25 : index
    %get3A_2507 = arith.constant 0 : index
    %get3A_2508 = vector.load %arg6[%get3A_2505, %get3A_2506, %get3A_2507] : memref<16x40x128xf32, #tpu.memory_space<vmem>>, vector<16x1x128xf32>
    %get3A_2509 = vector.shape_cast %get3A_2508 : vector<16x1x128xf32> to vector<16x128xf32>
    %get3A_2510 = arith.constant 0 : index
    %get3A_2511 = arith.constant 25 : index
    %get3A_2512 = arith.constant 0 : index
    %get3A_2513 = vector.load %arg7[%get3A_2510, %get3A_2511, %get3A_2512] : memref<16x40x128xf32, #tpu.memory_space<vmem>>, vector<16x1x128xf32>
    %get3A_2514 = vector.shape_cast %get3A_2513 : vector<16x1x128xf32> to vector<16x128xf32>
    %broadcast_in_dim3A_2515 = vector.shape_cast %get3A_2504 : vector<16x32xf32> to vector<16x32x1xf32>
    %mul3A_2516 = vector.broadcast %broadcast_in_dim3A_2515 : vector<16x32x1xf32> to vector<16x32x128xf32>
    %mul3A_2517 = arith.mulf %get3A_2499, %mul3A_2516 : vector<16x32x128xf32>
    %reduce_sum3A_2518 = arith.constant dense<0.000000e+00> : vector<16x128xf32>
    %reduce_sum3A_2519 = vector.multi_reduction <add>, %mul3A_2517, %reduce_sum3A_2518 [1] : vector<16x32x128xf32> to vector<16x128xf32>
    %swap3A_2520 = arith.constant 0 : index
    %swap3A_2521 = arith.constant 25 : index
    %swap3A_2522 = arith.constant 0 : index
    %swap3A_2523 = vector.load %arg9[%swap3A_2520, %swap3A_2521, %swap3A_2522] : memref<16x40x128xf32, #tpu.memory_space<vmem>>, vector<16x1x128xf32>
    %swap3A_2524 = vector.shape_cast %swap3A_2523 : vector<16x1x128xf32> to vector<16x128xf32>
    %swap3A_2525 = vector.shape_cast %reduce_sum3A_2519 : vector<16x128xf32> to vector<16x1x128xf32>
    tpu.vector_store %arg9[%swap3A_2520, %swap3A_2521, %swap3A_2522], %swap3A_2525 {strides = array<i32>} : memref<16x40x128xf32, #tpu.memory_space<vmem>>, vector<16x1x128xf32>,
    %broadcast_in_dim3A_2526 = vector.shape_cast %get3A_2509 : vector<16x128xf32> to vector<16x1x128xf32>
    %mul3A_2527 = vector.broadcast %broadcast_in_dim3A_2526 : vector<16x1x128xf32> to vector<16x32x128xf32>
    %mul3A_2528 = arith.mulf %mul3A_2517, %mul3A_2527 : vector<16x32x128xf32>
    %sub3A_2529 = arith.subf %get3A_2499, %mul3A_2528 : vector<16x32x128xf32>
    %broadcast_in_dim3A_2530 = vector.shape_cast %get3A_2504 : vector<16x32xf32> to vector<16x32x1xf32>
    %broadcast_in_dim3A_2531 = vector.shape_cast %get3A_2514 : vector<16x128xf32> to vector<16x1x128xf32>
    %mul3A_2532 = vector.broadcast %broadcast_in_dim3A_2530 : vector<16x32x1xf32> to vector<16x32x128xf32>
    %mul3A_2533 = vector.broadcast %broadcast_in_dim3A_2531 : vector<16x1x128xf32> to vector<16x32x128xf32>
    %mul3A_2534 = arith.mulf %mul3A_2532, %mul3A_2533 : vector<16x32x128xf32>
    %add3A_2535 = arith.addf %sub3A_2529, %mul3A_2534 : vector<16x32x128xf32>
    %swap3A_2536 = arith.constant 1 : index
    %swap3A_2537 = arith.constant 0 : index
    %swap3A_2538 = arith.constant 0 : index
    %swap3A_2539 = arith.constant 0 : index
    %swap3A_2540 = vector.load %arg10[%swap3A_2536, %swap3A_2537, %swap3A_2538, %swap3A_2539] : memref<2x16x32x128xf32, #tpu.memory_space<vmem>>, vector<1x16x32x128xf32>
    %swap3A_2541 = vector.shape_cast %swap3A_2540 : vector<1x16x32x128xf32> to vector<16x32x128xf32>
    %swap3A_2542 = vector.shape_cast %add3A_2535 : vector<16x32x128xf32> to vector<1x16x32x128xf32>
    tpu.vector_store %arg10[%swap3A_2536, %swap3A_2537, %swap3A_2538, %swap3A_2539], %swap3A_2542 {strides = array<i32>} : memref<2x16x32x128xf32, #tpu.memory_space<vmem>>, vector<1x16x32x128xf32>,
    %get3A_2543 = arith.constant 0 : index
    %get3A_2544 = arith.constant 0 : index
    %get3A_2545 = arith.constant 0 : index
    %get3A_2546 = arith.constant 0 : index
    %get3A_2547 = vector.load %arg10[%get3A_2543, %get3A_2544, %get3A_2545, %get3A_2546] : memref<2x16x32x128xf32, #tpu.memory_space<vmem>>, vector<1x16x32x128xf32>
    %get3A_2548 = vector.shape_cast %get3A_2547 : vector<1x16x32x128xf32> to vector<16x32x128xf32>
    %get3A_2549 = arith.constant 0 : index
    %get3A_2550 = arith.constant 26 : index
    %get3A_2551 = arith.constant 0 : index
    %get3A_2552 = vector.load %arg2[%get3A_2549, %get3A_2550, %get3A_2551] : memref<16x40x32xf32, #tpu.memory_space<vmem>>, vector<16x1x32xf32>
    %get3A_2553 = vector.shape_cast %get3A_2552 : vector<16x1x32xf32> to vector<16x32xf32>
    %get3A_2554 = arith.constant 0 : index
    %get3A_2555 = arith.constant 26 : index
    %get3A_2556 = arith.constant 0 : index
    %get3A_2557 = vector.load %arg3[%get3A_2554, %get3A_2555, %get3A_2556] : memref<16x40x128xf32, #tpu.memory_space<vmem>>, vector<16x1x128xf32>
    %get3A_2558 = vector.shape_cast %get3A_2557 : vector<16x1x128xf32> to vector<16x128xf32>
    %get3A_2559 = arith.constant 0 : index
    %get3A_2560 = arith.constant 26 : index
    %get3A_2561 = arith.constant 0 : index
    %get3A_2562 = vector.load %arg4[%get3A_2559, %get3A_2560, %get3A_2561] : memref<16x40x128xf32, #tpu.memory_space<vmem>>, vector<16x1x128xf32>
    %get3A_2563 = vector.shape_cast %get3A_2562 : vector<16x1x128xf32> to vector<16x128xf32>
    %broadcast_in_dim3A_2564 = vector.shape_cast %get3A_2553 : vector<16x32xf32> to vector<16x32x1xf32>
    %mul3A_2565 = vector.broadcast %broadcast_in_dim3A_2564 : vector<16x32x1xf32> to vector<16x32x128xf32>
    %mul3A_2566 = arith.mulf %get3A_2548, %mul3A_2565 : vector<16x32x128xf32>
    %reduce_sum3A_2567 = arith.constant dense<0.000000e+00> : vector<16x128xf32>
    %reduce_sum3A_2568 = vector.multi_reduction <add>, %mul3A_2566, %reduce_sum3A_2567 [1] : vector<16x32x128xf32> to vector<16x128xf32>
    %swap3A_2569 = arith.constant 0 : index
    %swap3A_2570 = arith.constant 26 : index
    %swap3A_2571 = arith.constant 0 : index
    %swap3A_2572 = vector.load %arg8[%swap3A_2569, %swap3A_2570, %swap3A_2571] : memref<16x40x128xf32, #tpu.memory_space<vmem>>, vector<16x1x128xf32>
    %swap3A_2573 = vector.shape_cast %swap3A_2572 : vector<16x1x128xf32> to vector<16x128xf32>
    %swap3A_2574 = vector.shape_cast %reduce_sum3A_2568 : vector<16x128xf32> to vector<16x1x128xf32>
    tpu.vector_store %arg8[%swap3A_2569, %swap3A_2570, %swap3A_2571], %swap3A_2574 {strides = array<i32>} : memref<16x40x128xf32, #tpu.memory_space<vmem>>, vector<16x1x128xf32>,
    %broadcast_in_dim3A_2575 = vector.shape_cast %get3A_2558 : vector<16x128xf32> to vector<16x1x128xf32>
    %mul3A_2576 = vector.broadcast %broadcast_in_dim3A_2575 : vector<16x1x128xf32> to vector<16x32x128xf32>
    %mul3A_2577 = arith.mulf %mul3A_2566, %mul3A_2576 : vector<16x32x128xf32>
    %sub3A_2578 = arith.subf %get3A_2548, %mul3A_2577 : vector<16x32x128xf32>
    %broadcast_in_dim3A_2579 = vector.shape_cast %get3A_2553 : vector<16x32xf32> to vector<16x32x1xf32>
    %broadcast_in_dim3A_2580 = vector.shape_cast %get3A_2563 : vector<16x128xf32> to vector<16x1x128xf32>
    %mul3A_2581 = vector.broadcast %broadcast_in_dim3A_2579 : vector<16x32x1xf32> to vector<16x32x128xf32>
    %mul3A_2582 = vector.broadcast %broadcast_in_dim3A_2580 : vector<16x1x128xf32> to vector<16x32x128xf32>
    %mul3A_2583 = arith.mulf %mul3A_2581, %mul3A_2582 : vector<16x32x128xf32>
    %add3A_2584 = arith.addf %sub3A_2578, %mul3A_2583 : vector<16x32x128xf32>
    %swap3A_2585 = arith.constant 0 : index
    %swap3A_2586 = arith.constant 0 : index
    %swap3A_2587 = arith.constant 0 : index
    %swap3A_2588 = arith.constant 0 : index
    %swap3A_2589 = vector.load %arg10[%swap3A_2585, %swap3A_2586, %swap3A_2587, %swap3A_2588] : memref<2x16x32x128xf32, #tpu.memory_space<vmem>>, vector<1x16x32x128xf32>
    %swap3A_2590 = vector.shape_cast %swap3A_2589 : vector<1x16x32x128xf32> to vector<16x32x128xf32>
    %swap3A_2591 = vector.shape_cast %add3A_2584 : vector<16x32x128xf32> to vector<1x16x32x128xf32>
    tpu.vector_store %arg10[%swap3A_2585, %swap3A_2586, %swap3A_2587, %swap3A_2588], %swap3A_2591 {strides = array<i32>} : memref<2x16x32x128xf32, #tpu.memory_space<vmem>>, vector<1x16x32x128xf32>,
    %get3A_2592 = arith.constant 1 : index
    %get3A_2593 = arith.constant 0 : index
    %get3A_2594 = arith.constant 0 : index
    %get3A_2595 = arith.constant 0 : index
    %get3A_2596 = vector.load %arg10[%get3A_2592, %get3A_2593, %get3A_2594, %get3A_2595] : memref<2x16x32x128xf32, #tpu.memory_space<vmem>>, vector<1x16x32x128xf32>
    %get3A_2597 = vector.shape_cast %get3A_2596 : vector<1x16x32x128xf32> to vector<16x32x128xf32>
    %get3A_2598 = arith.constant 0 : index
    %get3A_2599 = arith.constant 26 : index
    %get3A_2600 = arith.constant 0 : index
    %get3A_2601 = vector.load %arg5[%get3A_2598, %get3A_2599, %get3A_2600] : memref<16x40x32xf32, #tpu.memory_space<vmem>>, vector<16x1x32xf32>
    %get3A_2602 = vector.shape_cast %get3A_2601 : vector<16x1x32xf32> to vector<16x32xf32>
    %get3A_2603 = arith.constant 0 : index
    %get3A_2604 = arith.constant 26 : index
    %get3A_2605 = arith.constant 0 : index
    %get3A_2606 = vector.load %arg6[%get3A_2603, %get3A_2604, %get3A_2605] : memref<16x40x128xf32, #tpu.memory_space<vmem>>, vector<16x1x128xf32>
    %get3A_2607 = vector.shape_cast %get3A_2606 : vector<16x1x128xf32> to vector<16x128xf32>
    %get3A_2608 = arith.constant 0 : index
    %get3A_2609 = arith.constant 26 : index
    %get3A_2610 = arith.constant 0 : index
    %get3A_2611 = vector.load %arg7[%get3A_2608, %get3A_2609, %get3A_2610] : memref<16x40x128xf32, #tpu.memory_space<vmem>>, vector<16x1x128xf32>
    %get3A_2612 = vector.shape_cast %get3A_2611 : vector<16x1x128xf32> to vector<16x128xf32>
    %broadcast_in_dim3A_2613 = vector.shape_cast %get3A_2602 : vector<16x32xf32> to vector<16x32x1xf32>
    %mul3A_2614 = vector.broadcast %broadcast_in_dim3A_2613 : vector<16x32x1xf32> to vector<16x32x128xf32>
    %mul3A_2615 = arith.mulf %get3A_2597, %mul3A_2614 : vector<16x32x128xf32>
    %reduce_sum3A_2616 = arith.constant dense<0.000000e+00> : vector<16x128xf32>
    %reduce_sum3A_2617 = vector.multi_reduction <add>, %mul3A_2615, %reduce_sum3A_2616 [1] : vector<16x32x128xf32> to vector<16x128xf32>
    %swap3A_2618 = arith.constant 0 : index
    %swap3A_2619 = arith.constant 26 : index
    %swap3A_2620 = arith.constant 0 : index
    %swap3A_2621 = vector.load %arg9[%swap3A_2618, %swap3A_2619, %swap3A_2620] : memref<16x40x128xf32, #tpu.memory_space<vmem>>, vector<16x1x128xf32>
    %swap3A_2622 = vector.shape_cast %swap3A_2621 : vector<16x1x128xf32> to vector<16x128xf32>
    %swap3A_2623 = vector.shape_cast %reduce_sum3A_2617 : vector<16x128xf32> to vector<16x1x128xf32>
    tpu.vector_store %arg9[%swap3A_2618, %swap3A_2619, %swap3A_2620], %swap3A_2623 {strides = array<i32>} : memref<16x40x128xf32, #tpu.memory_space<vmem>>, vector<16x1x128xf32>,
    %broadcast_in_dim3A_2624 = vector.shape_cast %get3A_2607 : vector<16x128xf32> to vector<16x1x128xf32>
    %mul3A_2625 = vector.broadcast %broadcast_in_dim3A_2624 : vector<16x1x128xf32> to vector<16x32x128xf32>
    %mul3A_2626 = arith.mulf %mul3A_2615, %mul3A_2625 : vector<16x32x128xf32>
    %sub3A_2627 = arith.subf %get3A_2597, %mul3A_2626 : vector<16x32x128xf32>
    %broadcast_in_dim3A_2628 = vector.shape_cast %get3A_2602 : vector<16x32xf32> to vector<16x32x1xf32>
    %broadcast_in_dim3A_2629 = vector.shape_cast %get3A_2612 : vector<16x128xf32> to vector<16x1x128xf32>
    %mul3A_2630 = vector.broadcast %broadcast_in_dim3A_2628 : vector<16x32x1xf32> to vector<16x32x128xf32>
    %mul3A_2631 = vector.broadcast %broadcast_in_dim3A_2629 : vector<16x1x128xf32> to vector<16x32x128xf32>
    %mul3A_2632 = arith.mulf %mul3A_2630, %mul3A_2631 : vector<16x32x128xf32>
    %add3A_2633 = arith.addf %sub3A_2627, %mul3A_2632 : vector<16x32x128xf32>
    %swap3A_2634 = arith.constant 1 : index
    %swap3A_2635 = arith.constant 0 : index
    %swap3A_2636 = arith.constant 0 : index
    %swap3A_2637 = arith.constant 0 : index
    %swap3A_2638 = vector.load %arg10[%swap3A_2634, %swap3A_2635, %swap3A_2636, %swap3A_2637] : memref<2x16x32x128xf32, #tpu.memory_space<vmem>>, vector<1x16x32x128xf32>
    %swap3A_2639 = vector.shape_cast %swap3A_2638 : vector<1x16x32x128xf32> to vector<16x32x128xf32>
    %swap3A_2640 = vector.shape_cast %add3A_2633 : vector<16x32x128xf32> to vector<1x16x32x128xf32>
    tpu.vector_store %arg10[%swap3A_2634, %swap3A_2635, %swap3A_2636, %swap3A_2637], %swap3A_2640 {strides = array<i32>} : memref<2x16x32x128xf32, #tpu.memory_space<vmem>>, vector<1x16x32x128xf32>,
    %get3A_2641 = arith.constant 0 : index
    %get3A_2642 = arith.constant 0 : index
    %get3A_2643 = arith.constant 0 : index
    %get3A_2644 = arith.constant 0 : index
    %get3A_2645 = vector.load %arg10[%get3A_2641, %get3A_2642, %get3A_2643, %get3A_2644] : memref<2x16x32x128xf32, #tpu.memory_space<vmem>>, vector<1x16x32x128xf32>
    %get3A_2646 = vector.shape_cast %get3A_2645 : vector<1x16x32x128xf32> to vector<16x32x128xf32>
    %get3A_2647 = arith.constant 0 : index
    %get3A_2648 = arith.constant 27 : index
    %get3A_2649 = arith.constant 0 : index
    %get3A_2650 = vector.load %arg2[%get3A_2647, %get3A_2648, %get3A_2649] : memref<16x40x32xf32, #tpu.memory_space<vmem>>, vector<16x1x32xf32>
    %get3A_2651 = vector.shape_cast %get3A_2650 : vector<16x1x32xf32> to vector<16x32xf32>
    %get3A_2652 = arith.constant 0 : index
    %get3A_2653 = arith.constant 27 : index
    %get3A_2654 = arith.constant 0 : index
    %get3A_2655 = vector.load %arg3[%get3A_2652, %get3A_2653, %get3A_2654] : memref<16x40x128xf32, #tpu.memory_space<vmem>>, vector<16x1x128xf32>
    %get3A_2656 = vector.shape_cast %get3A_2655 : vector<16x1x128xf32> to vector<16x128xf32>
    %get3A_2657 = arith.constant 0 : index
    %get3A_2658 = arith.constant 27 : index
    %get3A_2659 = arith.constant 0 : index
    %get3A_2660 = vector.load %arg4[%get3A_2657, %get3A_2658, %get3A_2659] : memref<16x40x128xf32, #tpu.memory_space<vmem>>, vector<16x1x128xf32>
    %get3A_2661 = vector.shape_cast %get3A_2660 : vector<16x1x128xf32> to vector<16x128xf32>
    %broadcast_in_dim3A_2662 = vector.shape_cast %get3A_2651 : vector<16x32xf32> to vector<16x32x1xf32>
    %mul3A_2663 = vector.broadcast %broadcast_in_dim3A_2662 : vector<16x32x1xf32> to vector<16x32x128xf32>
    %mul3A_2664 = arith.mulf %get3A_2646, %mul3A_2663 : vector<16x32x128xf32>
    %reduce_sum3A_2665 = arith.constant dense<0.000000e+00> : vector<16x128xf32>
    %reduce_sum3A_2666 = vector.multi_reduction <add>, %mul3A_2664, %reduce_sum3A_2665 [1] : vector<16x32x128xf32> to vector<16x128xf32>
    %swap3A_2667 = arith.constant 0 : index
    %swap3A_2668 = arith.constant 27 : index
    %swap3A_2669 = arith.constant 0 : index
    %swap3A_2670 = vector.load %arg8[%swap3A_2667, %swap3A_2668, %swap3A_2669] : memref<16x40x128xf32, #tpu.memory_space<vmem>>, vector<16x1x128xf32>
    %swap3A_2671 = vector.shape_cast %swap3A_2670 : vector<16x1x128xf32> to vector<16x128xf32>
    %swap3A_2672 = vector.shape_cast %reduce_sum3A_2666 : vector<16x128xf32> to vector<16x1x128xf32>
    tpu.vector_store %arg8[%swap3A_2667, %swap3A_2668, %swap3A_2669], %swap3A_2672 {strides = array<i32>} : memref<16x40x128xf32, #tpu.memory_space<vmem>>, vector<16x1x128xf32>,
    %broadcast_in_dim3A_2673 = vector.shape_cast %get3A_2656 : vector<16x128xf32> to vector<16x1x128xf32>
    %mul3A_2674 = vector.broadcast %broadcast_in_dim3A_2673 : vector<16x1x128xf32> to vector<16x32x128xf32>
    %mul3A_2675 = arith.mulf %mul3A_2664, %mul3A_2674 : vector<16x32x128xf32>
    %sub3A_2676 = arith.subf %get3A_2646, %mul3A_2675 : vector<16x32x128xf32>
    %broadcast_in_dim3A_2677 = vector.shape_cast %get3A_2651 : vector<16x32xf32> to vector<16x32x1xf32>
    %broadcast_in_dim3A_2678 = vector.shape_cast %get3A_2661 : vector<16x128xf32> to vector<16x1x128xf32>
    %mul3A_2679 = vector.broadcast %broadcast_in_dim3A_2677 : vector<16x32x1xf32> to vector<16x32x128xf32>
    %mul3A_2680 = vector.broadcast %broadcast_in_dim3A_2678 : vector<16x1x128xf32> to vector<16x32x128xf32>
    %mul3A_2681 = arith.mulf %mul3A_2679, %mul3A_2680 : vector<16x32x128xf32>
    %add3A_2682 = arith.addf %sub3A_2676, %mul3A_2681 : vector<16x32x128xf32>
    %swap3A_2683 = arith.constant 0 : index
    %swap3A_2684 = arith.constant 0 : index
    %swap3A_2685 = arith.constant 0 : index
    %swap3A_2686 = arith.constant 0 : index
    %swap3A_2687 = vector.load %arg10[%swap3A_2683, %swap3A_2684, %swap3A_2685, %swap3A_2686] : memref<2x16x32x128xf32, #tpu.memory_space<vmem>>, vector<1x16x32x128xf32>
    %swap3A_2688 = vector.shape_cast %swap3A_2687 : vector<1x16x32x128xf32> to vector<16x32x128xf32>
    %swap3A_2689 = vector.shape_cast %add3A_2682 : vector<16x32x128xf32> to vector<1x16x32x128xf32>
    tpu.vector_store %arg10[%swap3A_2683, %swap3A_2684, %swap3A_2685, %swap3A_2686], %swap3A_2689 {strides = array<i32>} : memref<2x16x32x128xf32, #tpu.memory_space<vmem>>, vector<1x16x32x128xf32>,
    %get3A_2690 = arith.constant 1 : index
    %get3A_2691 = arith.constant 0 : index
    %get3A_2692 = arith.constant 0 : index
    %get3A_2693 = arith.constant 0 : index
    %get3A_2694 = vector.load %arg10[%get3A_2690, %get3A_2691, %get3A_2692, %get3A_2693] : memref<2x16x32x128xf32, #tpu.memory_space<vmem>>, vector<1x16x32x128xf32>
    %get3A_2695 = vector.shape_cast %get3A_2694 : vector<1x16x32x128xf32> to vector<16x32x128xf32>
    %get3A_2696 = arith.constant 0 : index
    %get3A_2697 = arith.constant 27 : index
    %get3A_2698 = arith.constant 0 : index
    %get3A_2699 = vector.load %arg5[%get3A_2696, %get3A_2697, %get3A_2698] : memref<16x40x32xf32, #tpu.memory_space<vmem>>, vector<16x1x32xf32>
    %get3A_2700 = vector.shape_cast %get3A_2699 : vector<16x1x32xf32> to vector<16x32xf32>
    %get3A_2701 = arith.constant 0 : index
    %get3A_2702 = arith.constant 27 : index
    %get3A_2703 = arith.constant 0 : index
    %get3A_2704 = vector.load %arg6[%get3A_2701, %get3A_2702, %get3A_2703] : memref<16x40x128xf32, #tpu.memory_space<vmem>>, vector<16x1x128xf32>
    %get3A_2705 = vector.shape_cast %get3A_2704 : vector<16x1x128xf32> to vector<16x128xf32>
    %get3A_2706 = arith.constant 0 : index
    %get3A_2707 = arith.constant 27 : index
    %get3A_2708 = arith.constant 0 : index
    %get3A_2709 = vector.load %arg7[%get3A_2706, %get3A_2707, %get3A_2708] : memref<16x40x128xf32, #tpu.memory_space<vmem>>, vector<16x1x128xf32>
    %get3A_2710 = vector.shape_cast %get3A_2709 : vector<16x1x128xf32> to vector<16x128xf32>
    %broadcast_in_dim3A_2711 = vector.shape_cast %get3A_2700 : vector<16x32xf32> to vector<16x32x1xf32>
    %mul3A_2712 = vector.broadcast %broadcast_in_dim3A_2711 : vector<16x32x1xf32> to vector<16x32x128xf32>
    %mul3A_2713 = arith.mulf %get3A_2695, %mul3A_2712 : vector<16x32x128xf32>
    %reduce_sum3A_2714 = arith.constant dense<0.000000e+00> : vector<16x128xf32>
    %reduce_sum3A_2715 = vector.multi_reduction <add>, %mul3A_2713, %reduce_sum3A_2714 [1] : vector<16x32x128xf32> to vector<16x128xf32>
    %swap3A_2716 = arith.constant 0 : index
    %swap3A_2717 = arith.constant 27 : index
    %swap3A_2718 = arith.constant 0 : index
    %swap3A_2719 = vector.load %arg9[%swap3A_2716, %swap3A_2717, %swap3A_2718] : memref<16x40x128xf32, #tpu.memory_space<vmem>>, vector<16x1x128xf32>
    %swap3A_2720 = vector.shape_cast %swap3A_2719 : vector<16x1x128xf32> to vector<16x128xf32>
    %swap3A_2721 = vector.shape_cast %reduce_sum3A_2715 : vector<16x128xf32> to vector<16x1x128xf32>
    tpu.vector_store %arg9[%swap3A_2716, %swap3A_2717, %swap3A_2718], %swap3A_2721 {strides = array<i32>} : memref<16x40x128xf32, #tpu.memory_space<vmem>>, vector<16x1x128xf32>,
    %broadcast_in_dim3A_2722 = vector.shape_cast %get3A_2705 : vector<16x128xf32> to vector<16x1x128xf32>
    %mul3A_2723 = vector.broadcast %broadcast_in_dim3A_2722 : vector<16x1x128xf32> to vector<16x32x128xf32>
    %mul3A_2724 = arith.mulf %mul3A_2713, %mul3A_2723 : vector<16x32x128xf32>
    %sub3A_2725 = arith.subf %get3A_2695, %mul3A_2724 : vector<16x32x128xf32>
    %broadcast_in_dim3A_2726 = vector.shape_cast %get3A_2700 : vector<16x32xf32> to vector<16x32x1xf32>
    %broadcast_in_dim3A_2727 = vector.shape_cast %get3A_2710 : vector<16x128xf32> to vector<16x1x128xf32>
    %mul3A_2728 = vector.broadcast %broadcast_in_dim3A_2726 : vector<16x32x1xf32> to vector<16x32x128xf32>
    %mul3A_2729 = vector.broadcast %broadcast_in_dim3A_2727 : vector<16x1x128xf32> to vector<16x32x128xf32>
    %mul3A_2730 = arith.mulf %mul3A_2728, %mul3A_2729 : vector<16x32x128xf32>
    %add3A_2731 = arith.addf %sub3A_2725, %mul3A_2730 : vector<16x32x128xf32>
    %swap3A_2732 = arith.constant 1 : index
    %swap3A_2733 = arith.constant 0 : index
    %swap3A_2734 = arith.constant 0 : index
    %swap3A_2735 = arith.constant 0 : index
    %swap3A_2736 = vector.load %arg10[%swap3A_2732, %swap3A_2733, %swap3A_2734, %swap3A_2735] : memref<2x16x32x128xf32, #tpu.memory_space<vmem>>, vector<1x16x32x128xf32>
    %swap3A_2737 = vector.shape_cast %swap3A_2736 : vector<1x16x32x128xf32> to vector<16x32x128xf32>
    %swap3A_2738 = vector.shape_cast %add3A_2731 : vector<16x32x128xf32> to vector<1x16x32x128xf32>
    tpu.vector_store %arg10[%swap3A_2732, %swap3A_2733, %swap3A_2734, %swap3A_2735], %swap3A_2738 {strides = array<i32>} : memref<2x16x32x128xf32, #tpu.memory_space<vmem>>, vector<1x16x32x128xf32>,
    %get3A_2739 = arith.constant 0 : index
    %get3A_2740 = arith.constant 0 : index
    %get3A_2741 = arith.constant 0 : index
    %get3A_2742 = arith.constant 0 : index
    %get3A_2743 = vector.load %arg10[%get3A_2739, %get3A_2740, %get3A_2741, %get3A_2742] : memref<2x16x32x128xf32, #tpu.memory_space<vmem>>, vector<1x16x32x128xf32>
    %get3A_2744 = vector.shape_cast %get3A_2743 : vector<1x16x32x128xf32> to vector<16x32x128xf32>
    %get3A_2745 = arith.constant 0 : index
    %get3A_2746 = arith.constant 28 : index
    %get3A_2747 = arith.constant 0 : index
    %get3A_2748 = vector.load %arg2[%get3A_2745, %get3A_2746, %get3A_2747] : memref<16x40x32xf32, #tpu.memory_space<vmem>>, vector<16x1x32xf32>
    %get3A_2749 = vector.shape_cast %get3A_2748 : vector<16x1x32xf32> to vector<16x32xf32>
    %get3A_2750 = arith.constant 0 : index
    %get3A_2751 = arith.constant 28 : index
    %get3A_2752 = arith.constant 0 : index
    %get3A_2753 = vector.load %arg3[%get3A_2750, %get3A_2751, %get3A_2752] : memref<16x40x128xf32, #tpu.memory_space<vmem>>, vector<16x1x128xf32>
    %get3A_2754 = vector.shape_cast %get3A_2753 : vector<16x1x128xf32> to vector<16x128xf32>
    %get3A_2755 = arith.constant 0 : index
    %get3A_2756 = arith.constant 28 : index
    %get3A_2757 = arith.constant 0 : index
    %get3A_2758 = vector.load %arg4[%get3A_2755, %get3A_2756, %get3A_2757] : memref<16x40x128xf32, #tpu.memory_space<vmem>>, vector<16x1x128xf32>
    %get3A_2759 = vector.shape_cast %get3A_2758 : vector<16x1x128xf32> to vector<16x128xf32>
    %broadcast_in_dim3A_2760 = vector.shape_cast %get3A_2749 : vector<16x32xf32> to vector<16x32x1xf32>
    %mul3A_2761 = vector.broadcast %broadcast_in_dim3A_2760 : vector<16x32x1xf32> to vector<16x32x128xf32>
    %mul3A_2762 = arith.mulf %get3A_2744, %mul3A_2761 : vector<16x32x128xf32>
    %reduce_sum3A_2763 = arith.constant dense<0.000000e+00> : vector<16x128xf32>
    %reduce_sum3A_2764 = vector.multi_reduction <add>, %mul3A_2762, %reduce_sum3A_2763 [1] : vector<16x32x128xf32> to vector<16x128xf32>
    %swap3A_2765 = arith.constant 0 : index
    %swap3A_2766 = arith.constant 28 : index
    %swap3A_2767 = arith.constant 0 : index
    %swap3A_2768 = vector.load %arg8[%swap3A_2765, %swap3A_2766, %swap3A_2767] : memref<16x40x128xf32, #tpu.memory_space<vmem>>, vector<16x1x128xf32>
    %swap3A_2769 = vector.shape_cast %swap3A_2768 : vector<16x1x128xf32> to vector<16x128xf32>
    %swap3A_2770 = vector.shape_cast %reduce_sum3A_2764 : vector<16x128xf32> to vector<16x1x128xf32>
    tpu.vector_store %arg8[%swap3A_2765, %swap3A_2766, %swap3A_2767], %swap3A_2770 {strides = array<i32>} : memref<16x40x128xf32, #tpu.memory_space<vmem>>, vector<16x1x128xf32>,
    %broadcast_in_dim3A_2771 = vector.shape_cast %get3A_2754 : vector<16x128xf32> to vector<16x1x128xf32>
    %mul3A_2772 = vector.broadcast %broadcast_in_dim3A_2771 : vector<16x1x128xf32> to vector<16x32x128xf32>
    %mul3A_2773 = arith.mulf %mul3A_2762, %mul3A_2772 : vector<16x32x128xf32>
    %sub3A_2774 = arith.subf %get3A_2744, %mul3A_2773 : vector<16x32x128xf32>
    %broadcast_in_dim3A_2775 = vector.shape_cast %get3A_2749 : vector<16x32xf32> to vector<16x32x1xf32>
    %broadcast_in_dim3A_2776 = vector.shape_cast %get3A_2759 : vector<16x128xf32> to vector<16x1x128xf32>
    %mul3A_2777 = vector.broadcast %broadcast_in_dim3A_2775 : vector<16x32x1xf32> to vector<16x32x128xf32>
    %mul3A_2778 = vector.broadcast %broadcast_in_dim3A_2776 : vector<16x1x128xf32> to vector<16x32x128xf32>
    %mul3A_2779 = arith.mulf %mul3A_2777, %mul3A_2778 : vector<16x32x128xf32>
    %add3A_2780 = arith.addf %sub3A_2774, %mul3A_2779 : vector<16x32x128xf32>
    %swap3A_2781 = arith.constant 0 : index
    %swap3A_2782 = arith.constant 0 : index
    %swap3A_2783 = arith.constant 0 : index
    %swap3A_2784 = arith.constant 0 : index
    %swap3A_2785 = vector.load %arg10[%swap3A_2781, %swap3A_2782, %swap3A_2783, %swap3A_2784] : memref<2x16x32x128xf32, #tpu.memory_space<vmem>>, vector<1x16x32x128xf32>
    %swap3A_2786 = vector.shape_cast %swap3A_2785 : vector<1x16x32x128xf32> to vector<16x32x128xf32>
    %swap3A_2787 = vector.shape_cast %add3A_2780 : vector<16x32x128xf32> to vector<1x16x32x128xf32>
    tpu.vector_store %arg10[%swap3A_2781, %swap3A_2782, %swap3A_2783, %swap3A_2784], %swap3A_2787 {strides = array<i32>} : memref<2x16x32x128xf32, #tpu.memory_space<vmem>>, vector<1x16x32x128xf32>,
    %get3A_2788 = arith.constant 1 : index
    %get3A_2789 = arith.constant 0 : index
    %get3A_2790 = arith.constant 0 : index
    %get3A_2791 = arith.constant 0 : index
    %get3A_2792 = vector.load %arg10[%get3A_2788, %get3A_2789, %get3A_2790, %get3A_2791] : memref<2x16x32x128xf32, #tpu.memory_space<vmem>>, vector<1x16x32x128xf32>
    %get3A_2793 = vector.shape_cast %get3A_2792 : vector<1x16x32x128xf32> to vector<16x32x128xf32>
    %get3A_2794 = arith.constant 0 : index
    %get3A_2795 = arith.constant 28 : index
    %get3A_2796 = arith.constant 0 : index
    %get3A_2797 = vector.load %arg5[%get3A_2794, %get3A_2795, %get3A_2796] : memref<16x40x32xf32, #tpu.memory_space<vmem>>, vector<16x1x32xf32>
    %get3A_2798 = vector.shape_cast %get3A_2797 : vector<16x1x32xf32> to vector<16x32xf32>
    %get3A_2799 = arith.constant 0 : index
    %get3A_2800 = arith.constant 28 : index
    %get3A_2801 = arith.constant 0 : index
    %get3A_2802 = vector.load %arg6[%get3A_2799, %get3A_2800, %get3A_2801] : memref<16x40x128xf32, #tpu.memory_space<vmem>>, vector<16x1x128xf32>
    %get3A_2803 = vector.shape_cast %get3A_2802 : vector<16x1x128xf32> to vector<16x128xf32>
    %get3A_2804 = arith.constant 0 : index
    %get3A_2805 = arith.constant 28 : index
    %get3A_2806 = arith.constant 0 : index
    %get3A_2807 = vector.load %arg7[%get3A_2804, %get3A_2805, %get3A_2806] : memref<16x40x128xf32, #tpu.memory_space<vmem>>, vector<16x1x128xf32>
    %get3A_2808 = vector.shape_cast %get3A_2807 : vector<16x1x128xf32> to vector<16x128xf32>
    %broadcast_in_dim3A_2809 = vector.shape_cast %get3A_2798 : vector<16x32xf32> to vector<16x32x1xf32>
    %mul3A_2810 = vector.broadcast %broadcast_in_dim3A_2809 : vector<16x32x1xf32> to vector<16x32x128xf32>
    %mul3A_2811 = arith.mulf %get3A_2793, %mul3A_2810 : vector<16x32x128xf32>
    %reduce_sum3A_2812 = arith.constant dense<0.000000e+00> : vector<16x128xf32>
    %reduce_sum3A_2813 = vector.multi_reduction <add>, %mul3A_2811, %reduce_sum3A_2812 [1] : vector<16x32x128xf32> to vector<16x128xf32>
    %swap3A_2814 = arith.constant 0 : index
    %swap3A_2815 = arith.constant 28 : index
    %swap3A_2816 = arith.constant 0 : index
    %swap3A_2817 = vector.load %arg9[%swap3A_2814, %swap3A_2815, %swap3A_2816] : memref<16x40x128xf32, #tpu.memory_space<vmem>>, vector<16x1x128xf32>
    %swap3A_2818 = vector.shape_cast %swap3A_2817 : vector<16x1x128xf32> to vector<16x128xf32>
    %swap3A_2819 = vector.shape_cast %reduce_sum3A_2813 : vector<16x128xf32> to vector<16x1x128xf32>
    tpu.vector_store %arg9[%swap3A_2814, %swap3A_2815, %swap3A_2816], %swap3A_2819 {strides = array<i32>} : memref<16x40x128xf32, #tpu.memory_space<vmem>>, vector<16x1x128xf32>,
    %broadcast_in_dim3A_2820 = vector.shape_cast %get3A_2803 : vector<16x128xf32> to vector<16x1x128xf32>
    %mul3A_2821 = vector.broadcast %broadcast_in_dim3A_2820 : vector<16x1x128xf32> to vector<16x32x128xf32>
    %mul3A_2822 = arith.mulf %mul3A_2811, %mul3A_2821 : vector<16x32x128xf32>
    %sub3A_2823 = arith.subf %get3A_2793, %mul3A_2822 : vector<16x32x128xf32>
    %broadcast_in_dim3A_2824 = vector.shape_cast %get3A_2798 : vector<16x32xf32> to vector<16x32x1xf32>
    %broadcast_in_dim3A_2825 = vector.shape_cast %get3A_2808 : vector<16x128xf32> to vector<16x1x128xf32>
    %mul3A_2826 = vector.broadcast %broadcast_in_dim3A_2824 : vector<16x32x1xf32> to vector<16x32x128xf32>
    %mul3A_2827 = vector.broadcast %broadcast_in_dim3A_2825 : vector<16x1x128xf32> to vector<16x32x128xf32>
    %mul3A_2828 = arith.mulf %mul3A_2826, %mul3A_2827 : vector<16x32x128xf32>
    %add3A_2829 = arith.addf %sub3A_2823, %mul3A_2828 : vector<16x32x128xf32>
    %swap3A_2830 = arith.constant 1 : index
    %swap3A_2831 = arith.constant 0 : index
    %swap3A_2832 = arith.constant 0 : index
    %swap3A_2833 = arith.constant 0 : index
    %swap3A_2834 = vector.load %arg10[%swap3A_2830, %swap3A_2831, %swap3A_2832, %swap3A_2833] : memref<2x16x32x128xf32, #tpu.memory_space<vmem>>, vector<1x16x32x128xf32>
    %swap3A_2835 = vector.shape_cast %swap3A_2834 : vector<1x16x32x128xf32> to vector<16x32x128xf32>
    %swap3A_2836 = vector.shape_cast %add3A_2829 : vector<16x32x128xf32> to vector<1x16x32x128xf32>
    tpu.vector_store %arg10[%swap3A_2830, %swap3A_2831, %swap3A_2832, %swap3A_2833], %swap3A_2836 {strides = array<i32>} : memref<2x16x32x128xf32, #tpu.memory_space<vmem>>, vector<1x16x32x128xf32>,
    %get3A_2837 = arith.constant 0 : index
    %get3A_2838 = arith.constant 0 : index
    %get3A_2839 = arith.constant 0 : index
    %get3A_2840 = arith.constant 0 : index
    %get3A_2841 = vector.load %arg10[%get3A_2837, %get3A_2838, %get3A_2839, %get3A_2840] : memref<2x16x32x128xf32, #tpu.memory_space<vmem>>, vector<1x16x32x128xf32>
    %get3A_2842 = vector.shape_cast %get3A_2841 : vector<1x16x32x128xf32> to vector<16x32x128xf32>
    %get3A_2843 = arith.constant 0 : index
    %get3A_2844 = arith.constant 29 : index
    %get3A_2845 = arith.constant 0 : index
    %get3A_2846 = vector.load %arg2[%get3A_2843, %get3A_2844, %get3A_2845] : memref<16x40x32xf32, #tpu.memory_space<vmem>>, vector<16x1x32xf32>
    %get3A_2847 = vector.shape_cast %get3A_2846 : vector<16x1x32xf32> to vector<16x32xf32>
    %get3A_2848 = arith.constant 0 : index
    %get3A_2849 = arith.constant 29 : index
    %get3A_2850 = arith.constant 0 : index
    %get3A_2851 = vector.load %arg3[%get3A_2848, %get3A_2849, %get3A_2850] : memref<16x40x128xf32, #tpu.memory_space<vmem>>, vector<16x1x128xf32>
    %get3A_2852 = vector.shape_cast %get3A_2851 : vector<16x1x128xf32> to vector<16x128xf32>
    %get3A_2853 = arith.constant 0 : index
    %get3A_2854 = arith.constant 29 : index
    %get3A_2855 = arith.constant 0 : index
    %get3A_2856 = vector.load %arg4[%get3A_2853, %get3A_2854, %get3A_2855] : memref<16x40x128xf32, #tpu.memory_space<vmem>>, vector<16x1x128xf32>
    %get3A_2857 = vector.shape_cast %get3A_2856 : vector<16x1x128xf32> to vector<16x128xf32>
    %broadcast_in_dim3A_2858 = vector.shape_cast %get3A_2847 : vector<16x32xf32> to vector<16x32x1xf32>
    %mul3A_2859 = vector.broadcast %broadcast_in_dim3A_2858 : vector<16x32x1xf32> to vector<16x32x128xf32>
    %mul3A_2860 = arith.mulf %get3A_2842, %mul3A_2859 : vector<16x32x128xf32>
    %reduce_sum3A_2861 = arith.constant dense<0.000000e+00> : vector<16x128xf32>
    %reduce_sum3A_2862 = vector.multi_reduction <add>, %mul3A_2860, %reduce_sum3A_2861 [1] : vector<16x32x128xf32> to vector<16x128xf32>
    %swap3A_2863 = arith.constant 0 : index
    %swap3A_2864 = arith.constant 29 : index
    %swap3A_2865 = arith.constant 0 : index
    %swap3A_2866 = vector.load %arg8[%swap3A_2863, %swap3A_2864, %swap3A_2865] : memref<16x40x128xf32, #tpu.memory_space<vmem>>, vector<16x1x128xf32>
    %swap3A_2867 = vector.shape_cast %swap3A_2866 : vector<16x1x128xf32> to vector<16x128xf32>
    %swap3A_2868 = vector.shape_cast %reduce_sum3A_2862 : vector<16x128xf32> to vector<16x1x128xf32>
    tpu.vector_store %arg8[%swap3A_2863, %swap3A_2864, %swap3A_2865], %swap3A_2868 {strides = array<i32>} : memref<16x40x128xf32, #tpu.memory_space<vmem>>, vector<16x1x128xf32>,
    %broadcast_in_dim3A_2869 = vector.shape_cast %get3A_2852 : vector<16x128xf32> to vector<16x1x128xf32>
    %mul3A_2870 = vector.broadcast %broadcast_in_dim3A_2869 : vector<16x1x128xf32> to vector<16x32x128xf32>
    %mul3A_2871 = arith.mulf %mul3A_2860, %mul3A_2870 : vector<16x32x128xf32>
    %sub3A_2872 = arith.subf %get3A_2842, %mul3A_2871 : vector<16x32x128xf32>
    %broadcast_in_dim3A_2873 = vector.shape_cast %get3A_2847 : vector<16x32xf32> to vector<16x32x1xf32>
    %broadcast_in_dim3A_2874 = vector.shape_cast %get3A_2857 : vector<16x128xf32> to vector<16x1x128xf32>
    %mul3A_2875 = vector.broadcast %broadcast_in_dim3A_2873 : vector<16x32x1xf32> to vector<16x32x128xf32>
    %mul3A_2876 = vector.broadcast %broadcast_in_dim3A_2874 : vector<16x1x128xf32> to vector<16x32x128xf32>
    %mul3A_2877 = arith.mulf %mul3A_2875, %mul3A_2876 : vector<16x32x128xf32>
    %add3A_2878 = arith.addf %sub3A_2872, %mul3A_2877 : vector<16x32x128xf32>
    %swap3A_2879 = arith.constant 0 : index
    %swap3A_2880 = arith.constant 0 : index
    %swap3A_2881 = arith.constant 0 : index
    %swap3A_2882 = arith.constant 0 : index
    %swap3A_2883 = vector.load %arg10[%swap3A_2879, %swap3A_2880, %swap3A_2881, %swap3A_2882] : memref<2x16x32x128xf32, #tpu.memory_space<vmem>>, vector<1x16x32x128xf32>
    %swap3A_2884 = vector.shape_cast %swap3A_2883 : vector<1x16x32x128xf32> to vector<16x32x128xf32>
    %swap3A_2885 = vector.shape_cast %add3A_2878 : vector<16x32x128xf32> to vector<1x16x32x128xf32>
    tpu.vector_store %arg10[%swap3A_2879, %swap3A_2880, %swap3A_2881, %swap3A_2882], %swap3A_2885 {strides = array<i32>} : memref<2x16x32x128xf32, #tpu.memory_space<vmem>>, vector<1x16x32x128xf32>,
    %get3A_2886 = arith.constant 1 : index
    %get3A_2887 = arith.constant 0 : index
    %get3A_2888 = arith.constant 0 : index
    %get3A_2889 = arith.constant 0 : index
    %get3A_2890 = vector.load %arg10[%get3A_2886, %get3A_2887, %get3A_2888, %get3A_2889] : memref<2x16x32x128xf32, #tpu.memory_space<vmem>>, vector<1x16x32x128xf32>
    %get3A_2891 = vector.shape_cast %get3A_2890 : vector<1x16x32x128xf32> to vector<16x32x128xf32>
    %get3A_2892 = arith.constant 0 : index
    %get3A_2893 = arith.constant 29 : index
    %get3A_2894 = arith.constant 0 : index
    %get3A_2895 = vector.load %arg5[%get3A_2892, %get3A_2893, %get3A_2894] : memref<16x40x32xf32, #tpu.memory_space<vmem>>, vector<16x1x32xf32>
    %get3A_2896 = vector.shape_cast %get3A_2895 : vector<16x1x32xf32> to vector<16x32xf32>
    %get3A_2897 = arith.constant 0 : index
    %get3A_2898 = arith.constant 29 : index
    %get3A_2899 = arith.constant 0 : index
    %get3A_2900 = vector.load %arg6[%get3A_2897, %get3A_2898, %get3A_2899] : memref<16x40x128xf32, #tpu.memory_space<vmem>>, vector<16x1x128xf32>
    %get3A_2901 = vector.shape_cast %get3A_2900 : vector<16x1x128xf32> to vector<16x128xf32>
    %get3A_2902 = arith.constant 0 : index
    %get3A_2903 = arith.constant 29 : index
    %get3A_2904 = arith.constant 0 : index
    %get3A_2905 = vector.load %arg7[%get3A_2902, %get3A_2903, %get3A_2904] : memref<16x40x128xf32, #tpu.memory_space<vmem>>, vector<16x1x128xf32>
    %get3A_2906 = vector.shape_cast %get3A_2905 : vector<16x1x128xf32> to vector<16x128xf32>
    %broadcast_in_dim3A_2907 = vector.shape_cast %get3A_2896 : vector<16x32xf32> to vector<16x32x1xf32>
    %mul3A_2908 = vector.broadcast %broadcast_in_dim3A_2907 : vector<16x32x1xf32> to vector<16x32x128xf32>
    %mul3A_2909 = arith.mulf %get3A_2891, %mul3A_2908 : vector<16x32x128xf32>
    %reduce_sum3A_2910 = arith.constant dense<0.000000e+00> : vector<16x128xf32>
    %reduce_sum3A_2911 = vector.multi_reduction <add>, %mul3A_2909, %reduce_sum3A_2910 [1] : vector<16x32x128xf32> to vector<16x128xf32>
    %swap3A_2912 = arith.constant 0 : index
    %swap3A_2913 = arith.constant 29 : index
    %swap3A_2914 = arith.constant 0 : index
    %swap3A_2915 = vector.load %arg9[%swap3A_2912, %swap3A_2913, %swap3A_2914] : memref<16x40x128xf32, #tpu.memory_space<vmem>>, vector<16x1x128xf32>
    %swap3A_2916 = vector.shape_cast %swap3A_2915 : vector<16x1x128xf32> to vector<16x128xf32>
    %swap3A_2917 = vector.shape_cast %reduce_sum3A_2911 : vector<16x128xf32> to vector<16x1x128xf32>
    tpu.vector_store %arg9[%swap3A_2912, %swap3A_2913, %swap3A_2914], %swap3A_2917 {strides = array<i32>} : memref<16x40x128xf32, #tpu.memory_space<vmem>>, vector<16x1x128xf32>,
    %broadcast_in_dim3A_2918 = vector.shape_cast %get3A_2901 : vector<16x128xf32> to vector<16x1x128xf32>
    %mul3A_2919 = vector.broadcast %broadcast_in_dim3A_2918 : vector<16x1x128xf32> to vector<16x32x128xf32>
    %mul3A_2920 = arith.mulf %mul3A_2909, %mul3A_2919 : vector<16x32x128xf32>
    %sub3A_2921 = arith.subf %get3A_2891, %mul3A_2920 : vector<16x32x128xf32>
    %broadcast_in_dim3A_2922 = vector.shape_cast %get3A_2896 : vector<16x32xf32> to vector<16x32x1xf32>
    %broadcast_in_dim3A_2923 = vector.shape_cast %get3A_2906 : vector<16x128xf32> to vector<16x1x128xf32>
    %mul3A_2924 = vector.broadcast %broadcast_in_dim3A_2922 : vector<16x32x1xf32> to vector<16x32x128xf32>
    %mul3A_2925 = vector.broadcast %broadcast_in_dim3A_2923 : vector<16x1x128xf32> to vector<16x32x128xf32>
    %mul3A_2926 = arith.mulf %mul3A_2924, %mul3A_2925 : vector<16x32x128xf32>
    %add3A_2927 = arith.addf %sub3A_2921, %mul3A_2926 : vector<16x32x128xf32>
    %swap3A_2928 = arith.constant 1 : index
    %swap3A_2929 = arith.constant 0 : index
    %swap3A_2930 = arith.constant 0 : index
    %swap3A_2931 = arith.constant 0 : index
    %swap3A_2932 = vector.load %arg10[%swap3A_2928, %swap3A_2929, %swap3A_2930, %swap3A_2931] : memref<2x16x32x128xf32, #tpu.memory_space<vmem>>, vector<1x16x32x128xf32>
    %swap3A_2933 = vector.shape_cast %swap3A_2932 : vector<1x16x32x128xf32> to vector<16x32x128xf32>
    %swap3A_2934 = vector.shape_cast %add3A_2927 : vector<16x32x128xf32> to vector<1x16x32x128xf32>
    tpu.vector_store %arg10[%swap3A_2928, %swap3A_2929, %swap3A_2930, %swap3A_2931], %swap3A_2934 {strides = array<i32>} : memref<2x16x32x128xf32, #tpu.memory_space<vmem>>, vector<1x16x32x128xf32>,
    %get3A_2935 = arith.constant 0 : index
    %get3A_2936 = arith.constant 0 : index
    %get3A_2937 = arith.constant 0 : index
    %get3A_2938 = arith.constant 0 : index
    %get3A_2939 = vector.load %arg10[%get3A_2935, %get3A_2936, %get3A_2937, %get3A_2938] : memref<2x16x32x128xf32, #tpu.memory_space<vmem>>, vector<1x16x32x128xf32>
    %get3A_2940 = vector.shape_cast %get3A_2939 : vector<1x16x32x128xf32> to vector<16x32x128xf32>
    %get3A_2941 = arith.constant 0 : index
    %get3A_2942 = arith.constant 30 : index
    %get3A_2943 = arith.constant 0 : index
    %get3A_2944 = vector.load %arg2[%get3A_2941, %get3A_2942, %get3A_2943] : memref<16x40x32xf32, #tpu.memory_space<vmem>>, vector<16x1x32xf32>
    %get3A_2945 = vector.shape_cast %get3A_2944 : vector<16x1x32xf32> to vector<16x32xf32>
    %get3A_2946 = arith.constant 0 : index
    %get3A_2947 = arith.constant 30 : index
    %get3A_2948 = arith.constant 0 : index
    %get3A_2949 = vector.load %arg3[%get3A_2946, %get3A_2947, %get3A_2948] : memref<16x40x128xf32, #tpu.memory_space<vmem>>, vector<16x1x128xf32>
    %get3A_2950 = vector.shape_cast %get3A_2949 : vector<16x1x128xf32> to vector<16x128xf32>
    %get3A_2951 = arith.constant 0 : index
    %get3A_2952 = arith.constant 30 : index
    %get3A_2953 = arith.constant 0 : index
    %get3A_2954 = vector.load %arg4[%get3A_2951, %get3A_2952, %get3A_2953] : memref<16x40x128xf32, #tpu.memory_space<vmem>>, vector<16x1x128xf32>
    %get3A_2955 = vector.shape_cast %get3A_2954 : vector<16x1x128xf32> to vector<16x128xf32>
    %broadcast_in_dim3A_2956 = vector.shape_cast %get3A_2945 : vector<16x32xf32> to vector<16x32x1xf32>
    %mul3A_2957 = vector.broadcast %broadcast_in_dim3A_2956 : vector<16x32x1xf32> to vector<16x32x128xf32>
    %mul3A_2958 = arith.mulf %get3A_2940, %mul3A_2957 : vector<16x32x128xf32>
    %reduce_sum3A_2959 = arith.constant dense<0.000000e+00> : vector<16x128xf32>
    %reduce_sum3A_2960 = vector.multi_reduction <add>, %mul3A_2958, %reduce_sum3A_2959 [1] : vector<16x32x128xf32> to vector<16x128xf32>
    %swap3A_2961 = arith.constant 0 : index
    %swap3A_2962 = arith.constant 30 : index
    %swap3A_2963 = arith.constant 0 : index
    %swap3A_2964 = vector.load %arg8[%swap3A_2961, %swap3A_2962, %swap3A_2963] : memref<16x40x128xf32, #tpu.memory_space<vmem>>, vector<16x1x128xf32>
    %swap3A_2965 = vector.shape_cast %swap3A_2964 : vector<16x1x128xf32> to vector<16x128xf32>
    %swap3A_2966 = vector.shape_cast %reduce_sum3A_2960 : vector<16x128xf32> to vector<16x1x128xf32>
    tpu.vector_store %arg8[%swap3A_2961, %swap3A_2962, %swap3A_2963], %swap3A_2966 {strides = array<i32>} : memref<16x40x128xf32, #tpu.memory_space<vmem>>, vector<16x1x128xf32>,
    %broadcast_in_dim3A_2967 = vector.shape_cast %get3A_2950 : vector<16x128xf32> to vector<16x1x128xf32>
    %mul3A_2968 = vector.broadcast %broadcast_in_dim3A_2967 : vector<16x1x128xf32> to vector<16x32x128xf32>
    %mul3A_2969 = arith.mulf %mul3A_2958, %mul3A_2968 : vector<16x32x128xf32>
    %sub3A_2970 = arith.subf %get3A_2940, %mul3A_2969 : vector<16x32x128xf32>
    %broadcast_in_dim3A_2971 = vector.shape_cast %get3A_2945 : vector<16x32xf32> to vector<16x32x1xf32>
    %broadcast_in_dim3A_2972 = vector.shape_cast %get3A_2955 : vector<16x128xf32> to vector<16x1x128xf32>
    %mul3A_2973 = vector.broadcast %broadcast_in_dim3A_2971 : vector<16x32x1xf32> to vector<16x32x128xf32>
    %mul3A_2974 = vector.broadcast %broadcast_in_dim3A_2972 : vector<16x1x128xf32> to vector<16x32x128xf32>
    %mul3A_2975 = arith.mulf %mul3A_2973, %mul3A_2974 : vector<16x32x128xf32>
    %add3A_2976 = arith.addf %sub3A_2970, %mul3A_2975 : vector<16x32x128xf32>
    %swap3A_2977 = arith.constant 0 : index
    %swap3A_2978 = arith.constant 0 : index
    %swap3A_2979 = arith.constant 0 : index
    %swap3A_2980 = arith.constant 0 : index
    %swap3A_2981 = vector.load %arg10[%swap3A_2977, %swap3A_2978, %swap3A_2979, %swap3A_2980] : memref<2x16x32x128xf32, #tpu.memory_space<vmem>>, vector<1x16x32x128xf32>
    %swap3A_2982 = vector.shape_cast %swap3A_2981 : vector<1x16x32x128xf32> to vector<16x32x128xf32>
    %swap3A_2983 = vector.shape_cast %add3A_2976 : vector<16x32x128xf32> to vector<1x16x32x128xf32>
    tpu.vector_store %arg10[%swap3A_2977, %swap3A_2978, %swap3A_2979, %swap3A_2980], %swap3A_2983 {strides = array<i32>} : memref<2x16x32x128xf32, #tpu.memory_space<vmem>>, vector<1x16x32x128xf32>,
    %get3A_2984 = arith.constant 1 : index
    %get3A_2985 = arith.constant 0 : index
    %get3A_2986 = arith.constant 0 : index
    %get3A_2987 = arith.constant 0 : index
    %get3A_2988 = vector.load %arg10[%get3A_2984, %get3A_2985, %get3A_2986, %get3A_2987] : memref<2x16x32x128xf32, #tpu.memory_space<vmem>>, vector<1x16x32x128xf32>
    %get3A_2989 = vector.shape_cast %get3A_2988 : vector<1x16x32x128xf32> to vector<16x32x128xf32>
    %get3A_2990 = arith.constant 0 : index
    %get3A_2991 = arith.constant 30 : index
    %get3A_2992 = arith.constant 0 : index
    %get3A_2993 = vector.load %arg5[%get3A_2990, %get3A_2991, %get3A_2992] : memref<16x40x32xf32, #tpu.memory_space<vmem>>, vector<16x1x32xf32>
    %get3A_2994 = vector.shape_cast %get3A_2993 : vector<16x1x32xf32> to vector<16x32xf32>
    %get3A_2995 = arith.constant 0 : index
    %get3A_2996 = arith.constant 30 : index
    %get3A_2997 = arith.constant 0 : index
    %get3A_2998 = vector.load %arg6[%get3A_2995, %get3A_2996, %get3A_2997] : memref<16x40x128xf32, #tpu.memory_space<vmem>>, vector<16x1x128xf32>
    %get3A_2999 = vector.shape_cast %get3A_2998 : vector<16x1x128xf32> to vector<16x128xf32>
    %get3A_3000 = arith.constant 0 : index
    %get3A_3001 = arith.constant 30 : index
    %get3A_3002 = arith.constant 0 : index
    %get3A_3003 = vector.load %arg7[%get3A_3000, %get3A_3001, %get3A_3002] : memref<16x40x128xf32, #tpu.memory_space<vmem>>, vector<16x1x128xf32>
    %get3A_3004 = vector.shape_cast %get3A_3003 : vector<16x1x128xf32> to vector<16x128xf32>
    %broadcast_in_dim3A_3005 = vector.shape_cast %get3A_2994 : vector<16x32xf32> to vector<16x32x1xf32>
    %mul3A_3006 = vector.broadcast %broadcast_in_dim3A_3005 : vector<16x32x1xf32> to vector<16x32x128xf32>
    %mul3A_3007 = arith.mulf %get3A_2989, %mul3A_3006 : vector<16x32x128xf32>
    %reduce_sum3A_3008 = arith.constant dense<0.000000e+00> : vector<16x128xf32>
    %reduce_sum3A_3009 = vector.multi_reduction <add>, %mul3A_3007, %reduce_sum3A_3008 [1] : vector<16x32x128xf32> to vector<16x128xf32>
    %swap3A_3010 = arith.constant 0 : index
    %swap3A_3011 = arith.constant 30 : index
    %swap3A_3012 = arith.constant 0 : index
    %swap3A_3013 = vector.load %arg9[%swap3A_3010, %swap3A_3011, %swap3A_3012] : memref<16x40x128xf32, #tpu.memory_space<vmem>>, vector<16x1x128xf32>
    %swap3A_3014 = vector.shape_cast %swap3A_3013 : vector<16x1x128xf32> to vector<16x128xf32>
    %swap3A_3015 = vector.shape_cast %reduce_sum3A_3009 : vector<16x128xf32> to vector<16x1x128xf32>
    tpu.vector_store %arg9[%swap3A_3010, %swap3A_3011, %swap3A_3012], %swap3A_3015 {strides = array<i32>} : memref<16x40x128xf32, #tpu.memory_space<vmem>>, vector<16x1x128xf32>,
    %broadcast_in_dim3A_3016 = vector.shape_cast %get3A_2999 : vector<16x128xf32> to vector<16x1x128xf32>
    %mul3A_3017 = vector.broadcast %broadcast_in_dim3A_3016 : vector<16x1x128xf32> to vector<16x32x128xf32>
    %mul3A_3018 = arith.mulf %mul3A_3007, %mul3A_3017 : vector<16x32x128xf32>
    %sub3A_3019 = arith.subf %get3A_2989, %mul3A_3018 : vector<16x32x128xf32>
    %broadcast_in_dim3A_3020 = vector.shape_cast %get3A_2994 : vector<16x32xf32> to vector<16x32x1xf32>
    %broadcast_in_dim3A_3021 = vector.shape_cast %get3A_3004 : vector<16x128xf32> to vector<16x1x128xf32>
    %mul3A_3022 = vector.broadcast %broadcast_in_dim3A_3020 : vector<16x32x1xf32> to vector<16x32x128xf32>
    %mul3A_3023 = vector.broadcast %broadcast_in_dim3A_3021 : vector<16x1x128xf32> to vector<16x32x128xf32>
    %mul3A_3024 = arith.mulf %mul3A_3022, %mul3A_3023 : vector<16x32x128xf32>
    %add3A_3025 = arith.addf %sub3A_3019, %mul3A_3024 : vector<16x32x128xf32>
    %swap3A_3026 = arith.constant 1 : index
    %swap3A_3027 = arith.constant 0 : index
    %swap3A_3028 = arith.constant 0 : index
    %swap3A_3029 = arith.constant 0 : index
    %swap3A_3030 = vector.load %arg10[%swap3A_3026, %swap3A_3027, %swap3A_3028, %swap3A_3029] : memref<2x16x32x128xf32, #tpu.memory_space<vmem>>, vector<1x16x32x128xf32>
    %swap3A_3031 = vector.shape_cast %swap3A_3030 : vector<1x16x32x128xf32> to vector<16x32x128xf32>
    %swap3A_3032 = vector.shape_cast %add3A_3025 : vector<16x32x128xf32> to vector<1x16x32x128xf32>
    tpu.vector_store %arg10[%swap3A_3026, %swap3A_3027, %swap3A_3028, %swap3A_3029], %swap3A_3032 {strides = array<i32>} : memref<2x16x32x128xf32, #tpu.memory_space<vmem>>, vector<1x16x32x128xf32>,
    %get3A_3033 = arith.constant 0 : index
    %get3A_3034 = arith.constant 0 : index
    %get3A_3035 = arith.constant 0 : index
    %get3A_3036 = arith.constant 0 : index
    %get3A_3037 = vector.load %arg10[%get3A_3033, %get3A_3034, %get3A_3035, %get3A_3036] : memref<2x16x32x128xf32, #tpu.memory_space<vmem>>, vector<1x16x32x128xf32>
    %get3A_3038 = vector.shape_cast %get3A_3037 : vector<1x16x32x128xf32> to vector<16x32x128xf32>
    %get3A_3039 = arith.constant 0 : index
    %get3A_3040 = arith.constant 31 : index
    %get3A_3041 = arith.constant 0 : index
    %get3A_3042 = vector.load %arg2[%get3A_3039, %get3A_3040, %get3A_3041] : memref<16x40x32xf32, #tpu.memory_space<vmem>>, vector<16x1x32xf32>
    %get3A_3043 = vector.shape_cast %get3A_3042 : vector<16x1x32xf32> to vector<16x32xf32>
    %get3A_3044 = arith.constant 0 : index
    %get3A_3045 = arith.constant 31 : index
    %get3A_3046 = arith.constant 0 : index
    %get3A_3047 = vector.load %arg3[%get3A_3044, %get3A_3045, %get3A_3046] : memref<16x40x128xf32, #tpu.memory_space<vmem>>, vector<16x1x128xf32>
    %get3A_3048 = vector.shape_cast %get3A_3047 : vector<16x1x128xf32> to vector<16x128xf32>
    %get3A_3049 = arith.constant 0 : index
    %get3A_3050 = arith.constant 31 : index
    %get3A_3051 = arith.constant 0 : index
    %get3A_3052 = vector.load %arg4[%get3A_3049, %get3A_3050, %get3A_3051] : memref<16x40x128xf32, #tpu.memory_space<vmem>>, vector<16x1x128xf32>
    %get3A_3053 = vector.shape_cast %get3A_3052 : vector<16x1x128xf32> to vector<16x128xf32>
    %broadcast_in_dim3A_3054 = vector.shape_cast %get3A_3043 : vector<16x32xf32> to vector<16x32x1xf32>
    %mul3A_3055 = vector.broadcast %broadcast_in_dim3A_3054 : vector<16x32x1xf32> to vector<16x32x128xf32>
    %mul3A_3056 = arith.mulf %get3A_3038, %mul3A_3055 : vector<16x32x128xf32>
    %reduce_sum3A_3057 = arith.constant dense<0.000000e+00> : vector<16x128xf32>
    %reduce_sum3A_3058 = vector.multi_reduction <add>, %mul3A_3056, %reduce_sum3A_3057 [1] : vector<16x32x128xf32> to vector<16x128xf32>
    %swap3A_3059 = arith.constant 0 : index
    %swap3A_3060 = arith.constant 31 : index
    %swap3A_3061 = arith.constant 0 : index
    %swap3A_3062 = vector.load %arg8[%swap3A_3059, %swap3A_3060, %swap3A_3061] : memref<16x40x128xf32, #tpu.memory_space<vmem>>, vector<16x1x128xf32>
    %swap3A_3063 = vector.shape_cast %swap3A_3062 : vector<16x1x128xf32> to vector<16x128xf32>
    %swap3A_3064 = vector.shape_cast %reduce_sum3A_3058 : vector<16x128xf32> to vector<16x1x128xf32>
    tpu.vector_store %arg8[%swap3A_3059, %swap3A_3060, %swap3A_3061], %swap3A_3064 {strides = array<i32>} : memref<16x40x128xf32, #tpu.memory_space<vmem>>, vector<16x1x128xf32>,
    %broadcast_in_dim3A_3065 = vector.shape_cast %get3A_3048 : vector<16x128xf32> to vector<16x1x128xf32>
    %mul3A_3066 = vector.broadcast %broadcast_in_dim3A_3065 : vector<16x1x128xf32> to vector<16x32x128xf32>
    %mul3A_3067 = arith.mulf %mul3A_3056, %mul3A_3066 : vector<16x32x128xf32>
    %sub3A_3068 = arith.subf %get3A_3038, %mul3A_3067 : vector<16x32x128xf32>
    %broadcast_in_dim3A_3069 = vector.shape_cast %get3A_3043 : vector<16x32xf32> to vector<16x32x1xf32>
    %broadcast_in_dim3A_3070 = vector.shape_cast %get3A_3053 : vector<16x128xf32> to vector<16x1x128xf32>
    %mul3A_3071 = vector.broadcast %broadcast_in_dim3A_3069 : vector<16x32x1xf32> to vector<16x32x128xf32>
    %mul3A_3072 = vector.broadcast %broadcast_in_dim3A_3070 : vector<16x1x128xf32> to vector<16x32x128xf32>
    %mul3A_3073 = arith.mulf %mul3A_3071, %mul3A_3072 : vector<16x32x128xf32>
    %add3A_3074 = arith.addf %sub3A_3068, %mul3A_3073 : vector<16x32x128xf32>
    %swap3A_3075 = arith.constant 0 : index
    %swap3A_3076 = arith.constant 0 : index
    %swap3A_3077 = arith.constant 0 : index
    %swap3A_3078 = arith.constant 0 : index
    %swap3A_3079 = vector.load %arg10[%swap3A_3075, %swap3A_3076, %swap3A_3077, %swap3A_3078] : memref<2x16x32x128xf32, #tpu.memory_space<vmem>>, vector<1x16x32x128xf32>
    %swap3A_3080 = vector.shape_cast %swap3A_3079 : vector<1x16x32x128xf32> to vector<16x32x128xf32>
    %swap3A_3081 = vector.shape_cast %add3A_3074 : vector<16x32x128xf32> to vector<1x16x32x128xf32>
    tpu.vector_store %arg10[%swap3A_3075, %swap3A_3076, %swap3A_3077, %swap3A_3078], %swap3A_3081 {strides = array<i32>} : memref<2x16x32x128xf32, #tpu.memory_space<vmem>>, vector<1x16x32x128xf32>,
    %get3A_3082 = arith.constant 1 : index
    %get3A_3083 = arith.constant 0 : index
    %get3A_3084 = arith.constant 0 : index
    %get3A_3085 = arith.constant 0 : index
    %get3A_3086 = vector.load %arg10[%get3A_3082, %get3A_3083, %get3A_3084, %get3A_3085] : memref<2x16x32x128xf32, #tpu.memory_space<vmem>>, vector<1x16x32x128xf32>
    %get3A_3087 = vector.shape_cast %get3A_3086 : vector<1x16x32x128xf32> to vector<16x32x128xf32>
    %get3A_3088 = arith.constant 0 : index
    %get3A_3089 = arith.constant 31 : index
    %get3A_3090 = arith.constant 0 : index
    %get3A_3091 = vector.load %arg5[%get3A_3088, %get3A_3089, %get3A_3090] : memref<16x40x32xf32, #tpu.memory_space<vmem>>, vector<16x1x32xf32>
    %get3A_3092 = vector.shape_cast %get3A_3091 : vector<16x1x32xf32> to vector<16x32xf32>
    %get3A_3093 = arith.constant 0 : index
    %get3A_3094 = arith.constant 31 : index
    %get3A_3095 = arith.constant 0 : index
    %get3A_3096 = vector.load %arg6[%get3A_3093, %get3A_3094, %get3A_3095] : memref<16x40x128xf32, #tpu.memory_space<vmem>>, vector<16x1x128xf32>
    %get3A_3097 = vector.shape_cast %get3A_3096 : vector<16x1x128xf32> to vector<16x128xf32>
    %get3A_3098 = arith.constant 0 : index
    %get3A_3099 = arith.constant 31 : index
    %get3A_3100 = arith.constant 0 : index
    %get3A_3101 = vector.load %arg7[%get3A_3098, %get3A_3099, %get3A_3100] : memref<16x40x128xf32, #tpu.memory_space<vmem>>, vector<16x1x128xf32>
    %get3A_3102 = vector.shape_cast %get3A_3101 : vector<16x1x128xf32> to vector<16x128xf32>
    %broadcast_in_dim3A_3103 = vector.shape_cast %get3A_3092 : vector<16x32xf32> to vector<16x32x1xf32>
    %mul3A_3104 = vector.broadcast %broadcast_in_dim3A_3103 : vector<16x32x1xf32> to vector<16x32x128xf32>
    %mul3A_3105 = arith.mulf %get3A_3087, %mul3A_3104 : vector<16x32x128xf32>
    %reduce_sum3A_3106 = arith.constant dense<0.000000e+00> : vector<16x128xf32>
    %reduce_sum3A_3107 = vector.multi_reduction <add>, %mul3A_3105, %reduce_sum3A_3106 [1] : vector<16x32x128xf32> to vector<16x128xf32>
    %swap3A_3108 = arith.constant 0 : index
    %swap3A_3109 = arith.constant 31 : index
    %swap3A_3110 = arith.constant 0 : index
    %swap3A_3111 = vector.load %arg9[%swap3A_3108, %swap3A_3109, %swap3A_3110] : memref<16x40x128xf32, #tpu.memory_space<vmem>>, vector<16x1x128xf32>
    %swap3A_3112 = vector.shape_cast %swap3A_3111 : vector<16x1x128xf32> to vector<16x128xf32>
    %swap3A_3113 = vector.shape_cast %reduce_sum3A_3107 : vector<16x128xf32> to vector<16x1x128xf32>
    tpu.vector_store %arg9[%swap3A_3108, %swap3A_3109, %swap3A_3110], %swap3A_3113 {strides = array<i32>} : memref<16x40x128xf32, #tpu.memory_space<vmem>>, vector<16x1x128xf32>,
    %broadcast_in_dim3A_3114 = vector.shape_cast %get3A_3097 : vector<16x128xf32> to vector<16x1x128xf32>
    %mul3A_3115 = vector.broadcast %broadcast_in_dim3A_3114 : vector<16x1x128xf32> to vector<16x32x128xf32>
    %mul3A_3116 = arith.mulf %mul3A_3105, %mul3A_3115 : vector<16x32x128xf32>
    %sub3A_3117 = arith.subf %get3A_3087, %mul3A_3116 : vector<16x32x128xf32>
    %broadcast_in_dim3A_3118 = vector.shape_cast %get3A_3092 : vector<16x32xf32> to vector<16x32x1xf32>
    %broadcast_in_dim3A_3119 = vector.shape_cast %get3A_3102 : vector<16x128xf32> to vector<16x1x128xf32>
    %mul3A_3120 = vector.broadcast %broadcast_in_dim3A_3118 : vector<16x32x1xf32> to vector<16x32x128xf32>
    %mul3A_3121 = vector.broadcast %broadcast_in_dim3A_3119 : vector<16x1x128xf32> to vector<16x32x128xf32>
    %mul3A_3122 = arith.mulf %mul3A_3120, %mul3A_3121 : vector<16x32x128xf32>
    %add3A_3123 = arith.addf %sub3A_3117, %mul3A_3122 : vector<16x32x128xf32>
    %swap3A_3124 = arith.constant 1 : index
    %swap3A_3125 = arith.constant 0 : index
    %swap3A_3126 = arith.constant 0 : index
    %swap3A_3127 = arith.constant 0 : index
    %swap3A_3128 = vector.load %arg10[%swap3A_3124, %swap3A_3125, %swap3A_3126, %swap3A_3127] : memref<2x16x32x128xf32, #tpu.memory_space<vmem>>, vector<1x16x32x128xf32>
    %swap3A_3129 = vector.shape_cast %swap3A_3128 : vector<1x16x32x128xf32> to vector<16x32x128xf32>
    %swap3A_3130 = vector.shape_cast %add3A_3123 : vector<16x32x128xf32> to vector<1x16x32x128xf32>
    tpu.vector_store %arg10[%swap3A_3124, %swap3A_3125, %swap3A_3126, %swap3A_3127], %swap3A_3130 {strides = array<i32>} : memref<2x16x32x128xf32, #tpu.memory_space<vmem>>, vector<1x16x32x128xf32>,
    %get3A_3131 = arith.constant 0 : index
    %get3A_3132 = arith.constant 0 : index
    %get3A_3133 = arith.constant 0 : index
    %get3A_3134 = arith.constant 0 : index
    %get3A_3135 = vector.load %arg10[%get3A_3131, %get3A_3132, %get3A_3133, %get3A_3134] : memref<2x16x32x128xf32, #tpu.memory_space<vmem>>, vector<1x16x32x128xf32>
    %get3A_3136 = vector.shape_cast %get3A_3135 : vector<1x16x32x128xf32> to vector<16x32x128xf32>
    %get3A_3137 = arith.constant 0 : index
    %get3A_3138 = arith.constant 32 : index
    %get3A_3139 = arith.constant 0 : index
    %get3A_3140 = vector.load %arg2[%get3A_3137, %get3A_3138, %get3A_3139] : memref<16x40x32xf32, #tpu.memory_space<vmem>>, vector<16x1x32xf32>
    %get3A_3141 = vector.shape_cast %get3A_3140 : vector<16x1x32xf32> to vector<16x32xf32>
    %get3A_3142 = arith.constant 0 : index
    %get3A_3143 = arith.constant 32 : index
    %get3A_3144 = arith.constant 0 : index
    %get3A_3145 = vector.load %arg3[%get3A_3142, %get3A_3143, %get3A_3144] : memref<16x40x128xf32, #tpu.memory_space<vmem>>, vector<16x1x128xf32>
    %get3A_3146 = vector.shape_cast %get3A_3145 : vector<16x1x128xf32> to vector<16x128xf32>
    %get3A_3147 = arith.constant 0 : index
    %get3A_3148 = arith.constant 32 : index
    %get3A_3149 = arith.constant 0 : index
    %get3A_3150 = vector.load %arg4[%get3A_3147, %get3A_3148, %get3A_3149] : memref<16x40x128xf32, #tpu.memory_space<vmem>>, vector<16x1x128xf32>
    %get3A_3151 = vector.shape_cast %get3A_3150 : vector<16x1x128xf32> to vector<16x128xf32>
    %broadcast_in_dim3A_3152 = vector.shape_cast %get3A_3141 : vector<16x32xf32> to vector<16x32x1xf32>
    %mul3A_3153 = vector.broadcast %broadcast_in_dim3A_3152 : vector<16x32x1xf32> to vector<16x32x128xf32>
    %mul3A_3154 = arith.mulf %get3A_3136, %mul3A_3153 : vector<16x32x128xf32>
    %reduce_sum3A_3155 = arith.constant dense<0.000000e+00> : vector<16x128xf32>
    %reduce_sum3A_3156 = vector.multi_reduction <add>, %mul3A_3154, %reduce_sum3A_3155 [1] : vector<16x32x128xf32> to vector<16x128xf32>
    %swap3A_3157 = arith.constant 0 : index
    %swap3A_3158 = arith.constant 32 : index
    %swap3A_3159 = arith.constant 0 : index
    %swap3A_3160 = vector.load %arg8[%swap3A_3157, %swap3A_3158, %swap3A_3159] : memref<16x40x128xf32, #tpu.memory_space<vmem>>, vector<16x1x128xf32>
    %swap3A_3161 = vector.shape_cast %swap3A_3160 : vector<16x1x128xf32> to vector<16x128xf32>
    %swap3A_3162 = vector.shape_cast %reduce_sum3A_3156 : vector<16x128xf32> to vector<16x1x128xf32>
    tpu.vector_store %arg8[%swap3A_3157, %swap3A_3158, %swap3A_3159], %swap3A_3162 {strides = array<i32>} : memref<16x40x128xf32, #tpu.memory_space<vmem>>, vector<16x1x128xf32>,
    %broadcast_in_dim3A_3163 = vector.shape_cast %get3A_3146 : vector<16x128xf32> to vector<16x1x128xf32>
    %mul3A_3164 = vector.broadcast %broadcast_in_dim3A_3163 : vector<16x1x128xf32> to vector<16x32x128xf32>
    %mul3A_3165 = arith.mulf %mul3A_3154, %mul3A_3164 : vector<16x32x128xf32>
    %sub3A_3166 = arith.subf %get3A_3136, %mul3A_3165 : vector<16x32x128xf32>
    %broadcast_in_dim3A_3167 = vector.shape_cast %get3A_3141 : vector<16x32xf32> to vector<16x32x1xf32>
    %broadcast_in_dim3A_3168 = vector.shape_cast %get3A_3151 : vector<16x128xf32> to vector<16x1x128xf32>
    %mul3A_3169 = vector.broadcast %broadcast_in_dim3A_3167 : vector<16x32x1xf32> to vector<16x32x128xf32>
    %mul3A_3170 = vector.broadcast %broadcast_in_dim3A_3168 : vector<16x1x128xf32> to vector<16x32x128xf32>
    %mul3A_3171 = arith.mulf %mul3A_3169, %mul3A_3170 : vector<16x32x128xf32>
    %add3A_3172 = arith.addf %sub3A_3166, %mul3A_3171 : vector<16x32x128xf32>
    %swap3A_3173 = arith.constant 0 : index
    %swap3A_3174 = arith.constant 0 : index
    %swap3A_3175 = arith.constant 0 : index
    %swap3A_3176 = arith.constant 0 : index
    %swap3A_3177 = vector.load %arg10[%swap3A_3173, %swap3A_3174, %swap3A_3175, %swap3A_3176] : memref<2x16x32x128xf32, #tpu.memory_space<vmem>>, vector<1x16x32x128xf32>
    %swap3A_3178 = vector.shape_cast %swap3A_3177 : vector<1x16x32x128xf32> to vector<16x32x128xf32>
    %swap3A_3179 = vector.shape_cast %add3A_3172 : vector<16x32x128xf32> to vector<1x16x32x128xf32>
    tpu.vector_store %arg10[%swap3A_3173, %swap3A_3174, %swap3A_3175, %swap3A_3176], %swap3A_3179 {strides = array<i32>} : memref<2x16x32x128xf32, #tpu.memory_space<vmem>>, vector<1x16x32x128xf32>,
    %get3A_3180 = arith.constant 1 : index
    %get3A_3181 = arith.constant 0 : index
    %get3A_3182 = arith.constant 0 : index
    %get3A_3183 = arith.constant 0 : index
    %get3A_3184 = vector.load %arg10[%get3A_3180, %get3A_3181, %get3A_3182, %get3A_3183] : memref<2x16x32x128xf32, #tpu.memory_space<vmem>>, vector<1x16x32x128xf32>
    %get3A_3185 = vector.shape_cast %get3A_3184 : vector<1x16x32x128xf32> to vector<16x32x128xf32>
    %get3A_3186 = arith.constant 0 : index
    %get3A_3187 = arith.constant 32 : index
    %get3A_3188 = arith.constant 0 : index
    %get3A_3189 = vector.load %arg5[%get3A_3186, %get3A_3187, %get3A_3188] : memref<16x40x32xf32, #tpu.memory_space<vmem>>, vector<16x1x32xf32>
    %get3A_3190 = vector.shape_cast %get3A_3189 : vector<16x1x32xf32> to vector<16x32xf32>
    %get3A_3191 = arith.constant 0 : index
    %get3A_3192 = arith.constant 32 : index
    %get3A_3193 = arith.constant 0 : index
    %get3A_3194 = vector.load %arg6[%get3A_3191, %get3A_3192, %get3A_3193] : memref<16x40x128xf32, #tpu.memory_space<vmem>>, vector<16x1x128xf32>
    %get3A_3195 = vector.shape_cast %get3A_3194 : vector<16x1x128xf32> to vector<16x128xf32>
    %get3A_3196 = arith.constant 0 : index
    %get3A_3197 = arith.constant 32 : index
    %get3A_3198 = arith.constant 0 : index
    %get3A_3199 = vector.load %arg7[%get3A_3196, %get3A_3197, %get3A_3198] : memref<16x40x128xf32, #tpu.memory_space<vmem>>, vector<16x1x128xf32>
    %get3A_3200 = vector.shape_cast %get3A_3199 : vector<16x1x128xf32> to vector<16x128xf32>
    %broadcast_in_dim3A_3201 = vector.shape_cast %get3A_3190 : vector<16x32xf32> to vector<16x32x1xf32>
    %mul3A_3202 = vector.broadcast %broadcast_in_dim3A_3201 : vector<16x32x1xf32> to vector<16x32x128xf32>
    %mul3A_3203 = arith.mulf %get3A_3185, %mul3A_3202 : vector<16x32x128xf32>
    %reduce_sum3A_3204 = arith.constant dense<0.000000e+00> : vector<16x128xf32>
    %reduce_sum3A_3205 = vector.multi_reduction <add>, %mul3A_3203, %reduce_sum3A_3204 [1] : vector<16x32x128xf32> to vector<16x128xf32>
    %swap3A_3206 = arith.constant 0 : index
    %swap3A_3207 = arith.constant 32 : index
    %swap3A_3208 = arith.constant 0 : index
    %swap3A_3209 = vector.load %arg9[%swap3A_3206, %swap3A_3207, %swap3A_3208] : memref<16x40x128xf32, #tpu.memory_space<vmem>>, vector<16x1x128xf32>
    %swap3A_3210 = vector.shape_cast %swap3A_3209 : vector<16x1x128xf32> to vector<16x128xf32>
    %swap3A_3211 = vector.shape_cast %reduce_sum3A_3205 : vector<16x128xf32> to vector<16x1x128xf32>
    tpu.vector_store %arg9[%swap3A_3206, %swap3A_3207, %swap3A_3208], %swap3A_3211 {strides = array<i32>} : memref<16x40x128xf32, #tpu.memory_space<vmem>>, vector<16x1x128xf32>,
    %broadcast_in_dim3A_3212 = vector.shape_cast %get3A_3195 : vector<16x128xf32> to vector<16x1x128xf32>
    %mul3A_3213 = vector.broadcast %broadcast_in_dim3A_3212 : vector<16x1x128xf32> to vector<16x32x128xf32>
    %mul3A_3214 = arith.mulf %mul3A_3203, %mul3A_3213 : vector<16x32x128xf32>
    %sub3A_3215 = arith.subf %get3A_3185, %mul3A_3214 : vector<16x32x128xf32>
    %broadcast_in_dim3A_3216 = vector.shape_cast %get3A_3190 : vector<16x32xf32> to vector<16x32x1xf32>
    %broadcast_in_dim3A_3217 = vector.shape_cast %get3A_3200 : vector<16x128xf32> to vector<16x1x128xf32>
    %mul3A_3218 = vector.broadcast %broadcast_in_dim3A_3216 : vector<16x32x1xf32> to vector<16x32x128xf32>
    %mul3A_3219 = vector.broadcast %broadcast_in_dim3A_3217 : vector<16x1x128xf32> to vector<16x32x128xf32>
    %mul3A_3220 = arith.mulf %mul3A_3218, %mul3A_3219 : vector<16x32x128xf32>
    %add3A_3221 = arith.addf %sub3A_3215, %mul3A_3220 : vector<16x32x128xf32>
    %swap3A_3222 = arith.constant 1 : index
    %swap3A_3223 = arith.constant 0 : index
    %swap3A_3224 = arith.constant 0 : index
    %swap3A_3225 = arith.constant 0 : index
    %swap3A_3226 = vector.load %arg10[%swap3A_3222, %swap3A_3223, %swap3A_3224, %swap3A_3225] : memref<2x16x32x128xf32, #tpu.memory_space<vmem>>, vector<1x16x32x128xf32>
    %swap3A_3227 = vector.shape_cast %swap3A_3226 : vector<1x16x32x128xf32> to vector<16x32x128xf32>
    %swap3A_3228 = vector.shape_cast %add3A_3221 : vector<16x32x128xf32> to vector<1x16x32x128xf32>
    tpu.vector_store %arg10[%swap3A_3222, %swap3A_3223, %swap3A_3224, %swap3A_3225], %swap3A_3228 {strides = array<i32>} : memref<2x16x32x128xf32, #tpu.memory_space<vmem>>, vector<1x16x32x128xf32>,
    %get3A_3229 = arith.constant 0 : index
    %get3A_3230 = arith.constant 0 : index
    %get3A_3231 = arith.constant 0 : index
    %get3A_3232 = arith.constant 0 : index
    %get3A_3233 = vector.load %arg10[%get3A_3229, %get3A_3230, %get3A_3231, %get3A_3232] : memref<2x16x32x128xf32, #tpu.memory_space<vmem>>, vector<1x16x32x128xf32>
    %get3A_3234 = vector.shape_cast %get3A_3233 : vector<1x16x32x128xf32> to vector<16x32x128xf32>
    %get3A_3235 = arith.constant 0 : index
    %get3A_3236 = arith.constant 33 : index
    %get3A_3237 = arith.constant 0 : index
    %get3A_3238 = vector.load %arg2[%get3A_3235, %get3A_3236, %get3A_3237] : memref<16x40x32xf32, #tpu.memory_space<vmem>>, vector<16x1x32xf32>
    %get3A_3239 = vector.shape_cast %get3A_3238 : vector<16x1x32xf32> to vector<16x32xf32>
    %get3A_3240 = arith.constant 0 : index
    %get3A_3241 = arith.constant 33 : index
    %get3A_3242 = arith.constant 0 : index
    %get3A_3243 = vector.load %arg3[%get3A_3240, %get3A_3241, %get3A_3242] : memref<16x40x128xf32, #tpu.memory_space<vmem>>, vector<16x1x128xf32>
    %get3A_3244 = vector.shape_cast %get3A_3243 : vector<16x1x128xf32> to vector<16x128xf32>
    %get3A_3245 = arith.constant 0 : index
    %get3A_3246 = arith.constant 33 : index
    %get3A_3247 = arith.constant 0 : index
    %get3A_3248 = vector.load %arg4[%get3A_3245, %get3A_3246, %get3A_3247] : memref<16x40x128xf32, #tpu.memory_space<vmem>>, vector<16x1x128xf32>
    %get3A_3249 = vector.shape_cast %get3A_3248 : vector<16x1x128xf32> to vector<16x128xf32>
    %broadcast_in_dim3A_3250 = vector.shape_cast %get3A_3239 : vector<16x32xf32> to vector<16x32x1xf32>
    %mul3A_3251 = vector.broadcast %broadcast_in_dim3A_3250 : vector<16x32x1xf32> to vector<16x32x128xf32>
    %mul3A_3252 = arith.mulf %get3A_3234, %mul3A_3251 : vector<16x32x128xf32>
    %reduce_sum3A_3253 = arith.constant dense<0.000000e+00> : vector<16x128xf32>
    %reduce_sum3A_3254 = vector.multi_reduction <add>, %mul3A_3252, %reduce_sum3A_3253 [1] : vector<16x32x128xf32> to vector<16x128xf32>
    %swap3A_3255 = arith.constant 0 : index
    %swap3A_3256 = arith.constant 33 : index
    %swap3A_3257 = arith.constant 0 : index
    %swap3A_3258 = vector.load %arg8[%swap3A_3255, %swap3A_3256, %swap3A_3257] : memref<16x40x128xf32, #tpu.memory_space<vmem>>, vector<16x1x128xf32>
    %swap3A_3259 = vector.shape_cast %swap3A_3258 : vector<16x1x128xf32> to vector<16x128xf32>
    %swap3A_3260 = vector.shape_cast %reduce_sum3A_3254 : vector<16x128xf32> to vector<16x1x128xf32>
    tpu.vector_store %arg8[%swap3A_3255, %swap3A_3256, %swap3A_3257], %swap3A_3260 {strides = array<i32>} : memref<16x40x128xf32, #tpu.memory_space<vmem>>, vector<16x1x128xf32>,
    %broadcast_in_dim3A_3261 = vector.shape_cast %get3A_3244 : vector<16x128xf32> to vector<16x1x128xf32>
    %mul3A_3262 = vector.broadcast %broadcast_in_dim3A_3261 : vector<16x1x128xf32> to vector<16x32x128xf32>
    %mul3A_3263 = arith.mulf %mul3A_3252, %mul3A_3262 : vector<16x32x128xf32>
    %sub3A_3264 = arith.subf %get3A_3234, %mul3A_3263 : vector<16x32x128xf32>
    %broadcast_in_dim3A_3265 = vector.shape_cast %get3A_3239 : vector<16x32xf32> to vector<16x32x1xf32>
    %broadcast_in_dim3A_3266 = vector.shape_cast %get3A_3249 : vector<16x128xf32> to vector<16x1x128xf32>
    %mul3A_3267 = vector.broadcast %broadcast_in_dim3A_3265 : vector<16x32x1xf32> to vector<16x32x128xf32>
    %mul3A_3268 = vector.broadcast %broadcast_in_dim3A_3266 : vector<16x1x128xf32> to vector<16x32x128xf32>
    %mul3A_3269 = arith.mulf %mul3A_3267, %mul3A_3268 : vector<16x32x128xf32>
    %add3A_3270 = arith.addf %sub3A_3264, %mul3A_3269 : vector<16x32x128xf32>
    %swap3A_3271 = arith.constant 0 : index
    %swap3A_3272 = arith.constant 0 : index
    %swap3A_3273 = arith.constant 0 : index
    %swap3A_3274 = arith.constant 0 : index
    %swap3A_3275 = vector.load %arg10[%swap3A_3271, %swap3A_3272, %swap3A_3273, %swap3A_3274] : memref<2x16x32x128xf32, #tpu.memory_space<vmem>>, vector<1x16x32x128xf32>
    %swap3A_3276 = vector.shape_cast %swap3A_3275 : vector<1x16x32x128xf32> to vector<16x32x128xf32>
    %swap3A_3277 = vector.shape_cast %add3A_3270 : vector<16x32x128xf32> to vector<1x16x32x128xf32>
    tpu.vector_store %arg10[%swap3A_3271, %swap3A_3272, %swap3A_3273, %swap3A_3274], %swap3A_3277 {strides = array<i32>} : memref<2x16x32x128xf32, #tpu.memory_space<vmem>>, vector<1x16x32x128xf32>,
    %get3A_3278 = arith.constant 1 : index
    %get3A_3279 = arith.constant 0 : index
    %get3A_3280 = arith.constant 0 : index
    %get3A_3281 = arith.constant 0 : index
    %get3A_3282 = vector.load %arg10[%get3A_3278, %get3A_3279, %get3A_3280, %get3A_3281] : memref<2x16x32x128xf32, #tpu.memory_space<vmem>>, vector<1x16x32x128xf32>
    %get3A_3283 = vector.shape_cast %get3A_3282 : vector<1x16x32x128xf32> to vector<16x32x128xf32>
    %get3A_3284 = arith.constant 0 : index
    %get3A_3285 = arith.constant 33 : index
    %get3A_3286 = arith.constant 0 : index
    %get3A_3287 = vector.load %arg5[%get3A_3284, %get3A_3285, %get3A_3286] : memref<16x40x32xf32, #tpu.memory_space<vmem>>, vector<16x1x32xf32>
    %get3A_3288 = vector.shape_cast %get3A_3287 : vector<16x1x32xf32> to vector<16x32xf32>
    %get3A_3289 = arith.constant 0 : index
    %get3A_3290 = arith.constant 33 : index
    %get3A_3291 = arith.constant 0 : index
    %get3A_3292 = vector.load %arg6[%get3A_3289, %get3A_3290, %get3A_3291] : memref<16x40x128xf32, #tpu.memory_space<vmem>>, vector<16x1x128xf32>
    %get3A_3293 = vector.shape_cast %get3A_3292 : vector<16x1x128xf32> to vector<16x128xf32>
    %get3A_3294 = arith.constant 0 : index
    %get3A_3295 = arith.constant 33 : index
    %get3A_3296 = arith.constant 0 : index
    %get3A_3297 = vector.load %arg7[%get3A_3294, %get3A_3295, %get3A_3296] : memref<16x40x128xf32, #tpu.memory_space<vmem>>, vector<16x1x128xf32>
    %get3A_3298 = vector.shape_cast %get3A_3297 : vector<16x1x128xf32> to vector<16x128xf32>
    %broadcast_in_dim3A_3299 = vector.shape_cast %get3A_3288 : vector<16x32xf32> to vector<16x32x1xf32>
    %mul3A_3300 = vector.broadcast %broadcast_in_dim3A_3299 : vector<16x32x1xf32> to vector<16x32x128xf32>
    %mul3A_3301 = arith.mulf %get3A_3283, %mul3A_3300 : vector<16x32x128xf32>
    %reduce_sum3A_3302 = arith.constant dense<0.000000e+00> : vector<16x128xf32>
    %reduce_sum3A_3303 = vector.multi_reduction <add>, %mul3A_3301, %reduce_sum3A_3302 [1] : vector<16x32x128xf32> to vector<16x128xf32>
    %swap3A_3304 = arith.constant 0 : index
    %swap3A_3305 = arith.constant 33 : index
    %swap3A_3306 = arith.constant 0 : index
    %swap3A_3307 = vector.load %arg9[%swap3A_3304, %swap3A_3305, %swap3A_3306] : memref<16x40x128xf32, #tpu.memory_space<vmem>>, vector<16x1x128xf32>
    %swap3A_3308 = vector.shape_cast %swap3A_3307 : vector<16x1x128xf32> to vector<16x128xf32>
    %swap3A_3309 = vector.shape_cast %reduce_sum3A_3303 : vector<16x128xf32> to vector<16x1x128xf32>
    tpu.vector_store %arg9[%swap3A_3304, %swap3A_3305, %swap3A_3306], %swap3A_3309 {strides = array<i32>} : memref<16x40x128xf32, #tpu.memory_space<vmem>>, vector<16x1x128xf32>,
    %broadcast_in_dim3A_3310 = vector.shape_cast %get3A_3293 : vector<16x128xf32> to vector<16x1x128xf32>
    %mul3A_3311 = vector.broadcast %broadcast_in_dim3A_3310 : vector<16x1x128xf32> to vector<16x32x128xf32>
    %mul3A_3312 = arith.mulf %mul3A_3301, %mul3A_3311 : vector<16x32x128xf32>
    %sub3A_3313 = arith.subf %get3A_3283, %mul3A_3312 : vector<16x32x128xf32>
    %broadcast_in_dim3A_3314 = vector.shape_cast %get3A_3288 : vector<16x32xf32> to vector<16x32x1xf32>
    %broadcast_in_dim3A_3315 = vector.shape_cast %get3A_3298 : vector<16x128xf32> to vector<16x1x128xf32>
    %mul3A_3316 = vector.broadcast %broadcast_in_dim3A_3314 : vector<16x32x1xf32> to vector<16x32x128xf32>
    %mul3A_3317 = vector.broadcast %broadcast_in_dim3A_3315 : vector<16x1x128xf32> to vector<16x32x128xf32>
    %mul3A_3318 = arith.mulf %mul3A_3316, %mul3A_3317 : vector<16x32x128xf32>
    %add3A_3319 = arith.addf %sub3A_3313, %mul3A_3318 : vector<16x32x128xf32>
    %swap3A_3320 = arith.constant 1 : index
    %swap3A_3321 = arith.constant 0 : index
    %swap3A_3322 = arith.constant 0 : index
    %swap3A_3323 = arith.constant 0 : index
    %swap3A_3324 = vector.load %arg10[%swap3A_3320, %swap3A_3321, %swap3A_3322, %swap3A_3323] : memref<2x16x32x128xf32, #tpu.memory_space<vmem>>, vector<1x16x32x128xf32>
    %swap3A_3325 = vector.shape_cast %swap3A_3324 : vector<1x16x32x128xf32> to vector<16x32x128xf32>
    %swap3A_3326 = vector.shape_cast %add3A_3319 : vector<16x32x128xf32> to vector<1x16x32x128xf32>
    tpu.vector_store %arg10[%swap3A_3320, %swap3A_3321, %swap3A_3322, %swap3A_3323], %swap3A_3326 {strides = array<i32>} : memref<2x16x32x128xf32, #tpu.memory_space<vmem>>, vector<1x16x32x128xf32>,
    %get3A_3327 = arith.constant 0 : index
    %get3A_3328 = arith.constant 0 : index
    %get3A_3329 = arith.constant 0 : index
    %get3A_3330 = arith.constant 0 : index
    %get3A_3331 = vector.load %arg10[%get3A_3327, %get3A_3328, %get3A_3329, %get3A_3330] : memref<2x16x32x128xf32, #tpu.memory_space<vmem>>, vector<1x16x32x128xf32>
    %get3A_3332 = vector.shape_cast %get3A_3331 : vector<1x16x32x128xf32> to vector<16x32x128xf32>
    %get3A_3333 = arith.constant 0 : index
    %get3A_3334 = arith.constant 34 : index
    %get3A_3335 = arith.constant 0 : index
    %get3A_3336 = vector.load %arg2[%get3A_3333, %get3A_3334, %get3A_3335] : memref<16x40x32xf32, #tpu.memory_space<vmem>>, vector<16x1x32xf32>
    %get3A_3337 = vector.shape_cast %get3A_3336 : vector<16x1x32xf32> to vector<16x32xf32>
    %get3A_3338 = arith.constant 0 : index
    %get3A_3339 = arith.constant 34 : index
    %get3A_3340 = arith.constant 0 : index
    %get3A_3341 = vector.load %arg3[%get3A_3338, %get3A_3339, %get3A_3340] : memref<16x40x128xf32, #tpu.memory_space<vmem>>, vector<16x1x128xf32>
    %get3A_3342 = vector.shape_cast %get3A_3341 : vector<16x1x128xf32> to vector<16x128xf32>
    %get3A_3343 = arith.constant 0 : index
    %get3A_3344 = arith.constant 34 : index
    %get3A_3345 = arith.constant 0 : index
    %get3A_3346 = vector.load %arg4[%get3A_3343, %get3A_3344, %get3A_3345] : memref<16x40x128xf32, #tpu.memory_space<vmem>>, vector<16x1x128xf32>
    %get3A_3347 = vector.shape_cast %get3A_3346 : vector<16x1x128xf32> to vector<16x128xf32>
    %broadcast_in_dim3A_3348 = vector.shape_cast %get3A_3337 : vector<16x32xf32> to vector<16x32x1xf32>
    %mul3A_3349 = vector.broadcast %broadcast_in_dim3A_3348 : vector<16x32x1xf32> to vector<16x32x128xf32>
    %mul3A_3350 = arith.mulf %get3A_3332, %mul3A_3349 : vector<16x32x128xf32>
    %reduce_sum3A_3351 = arith.constant dense<0.000000e+00> : vector<16x128xf32>
    %reduce_sum3A_3352 = vector.multi_reduction <add>, %mul3A_3350, %reduce_sum3A_3351 [1] : vector<16x32x128xf32> to vector<16x128xf32>
    %swap3A_3353 = arith.constant 0 : index
    %swap3A_3354 = arith.constant 34 : index
    %swap3A_3355 = arith.constant 0 : index
    %swap3A_3356 = vector.load %arg8[%swap3A_3353, %swap3A_3354, %swap3A_3355] : memref<16x40x128xf32, #tpu.memory_space<vmem>>, vector<16x1x128xf32>
    %swap3A_3357 = vector.shape_cast %swap3A_3356 : vector<16x1x128xf32> to vector<16x128xf32>
    %swap3A_3358 = vector.shape_cast %reduce_sum3A_3352 : vector<16x128xf32> to vector<16x1x128xf32>
    tpu.vector_store %arg8[%swap3A_3353, %swap3A_3354, %swap3A_3355], %swap3A_3358 {strides = array<i32>} : memref<16x40x128xf32, #tpu.memory_space<vmem>>, vector<16x1x128xf32>,
    %broadcast_in_dim3A_3359 = vector.shape_cast %get3A_3342 : vector<16x128xf32> to vector<16x1x128xf32>
    %mul3A_3360 = vector.broadcast %broadcast_in_dim3A_3359 : vector<16x1x128xf32> to vector<16x32x128xf32>
    %mul3A_3361 = arith.mulf %mul3A_3350, %mul3A_3360 : vector<16x32x128xf32>
    %sub3A_3362 = arith.subf %get3A_3332, %mul3A_3361 : vector<16x32x128xf32>
    %broadcast_in_dim3A_3363 = vector.shape_cast %get3A_3337 : vector<16x32xf32> to vector<16x32x1xf32>
    %broadcast_in_dim3A_3364 = vector.shape_cast %get3A_3347 : vector<16x128xf32> to vector<16x1x128xf32>
    %mul3A_3365 = vector.broadcast %broadcast_in_dim3A_3363 : vector<16x32x1xf32> to vector<16x32x128xf32>
    %mul3A_3366 = vector.broadcast %broadcast_in_dim3A_3364 : vector<16x1x128xf32> to vector<16x32x128xf32>
    %mul3A_3367 = arith.mulf %mul3A_3365, %mul3A_3366 : vector<16x32x128xf32>
    %add3A_3368 = arith.addf %sub3A_3362, %mul3A_3367 : vector<16x32x128xf32>
    %swap3A_3369 = arith.constant 0 : index
    %swap3A_3370 = arith.constant 0 : index
    %swap3A_3371 = arith.constant 0 : index
    %swap3A_3372 = arith.constant 0 : index
    %swap3A_3373 = vector.load %arg10[%swap3A_3369, %swap3A_3370, %swap3A_3371, %swap3A_3372] : memref<2x16x32x128xf32, #tpu.memory_space<vmem>>, vector<1x16x32x128xf32>
    %swap3A_3374 = vector.shape_cast %swap3A_3373 : vector<1x16x32x128xf32> to vector<16x32x128xf32>
    %swap3A_3375 = vector.shape_cast %add3A_3368 : vector<16x32x128xf32> to vector<1x16x32x128xf32>
    tpu.vector_store %arg10[%swap3A_3369, %swap3A_3370, %swap3A_3371, %swap3A_3372], %swap3A_3375 {strides = array<i32>} : memref<2x16x32x128xf32, #tpu.memory_space<vmem>>, vector<1x16x32x128xf32>,
    %get3A_3376 = arith.constant 1 : index
    %get3A_3377 = arith.constant 0 : index
    %get3A_3378 = arith.constant 0 : index
    %get3A_3379 = arith.constant 0 : index
    %get3A_3380 = vector.load %arg10[%get3A_3376, %get3A_3377, %get3A_3378, %get3A_3379] : memref<2x16x32x128xf32, #tpu.memory_space<vmem>>, vector<1x16x32x128xf32>
    %get3A_3381 = vector.shape_cast %get3A_3380 : vector<1x16x32x128xf32> to vector<16x32x128xf32>
    %get3A_3382 = arith.constant 0 : index
    %get3A_3383 = arith.constant 34 : index
    %get3A_3384 = arith.constant 0 : index
    %get3A_3385 = vector.load %arg5[%get3A_3382, %get3A_3383, %get3A_3384] : memref<16x40x32xf32, #tpu.memory_space<vmem>>, vector<16x1x32xf32>
    %get3A_3386 = vector.shape_cast %get3A_3385 : vector<16x1x32xf32> to vector<16x32xf32>
    %get3A_3387 = arith.constant 0 : index
    %get3A_3388 = arith.constant 34 : index
    %get3A_3389 = arith.constant 0 : index
    %get3A_3390 = vector.load %arg6[%get3A_3387, %get3A_3388, %get3A_3389] : memref<16x40x128xf32, #tpu.memory_space<vmem>>, vector<16x1x128xf32>
    %get3A_3391 = vector.shape_cast %get3A_3390 : vector<16x1x128xf32> to vector<16x128xf32>
    %get3A_3392 = arith.constant 0 : index
    %get3A_3393 = arith.constant 34 : index
    %get3A_3394 = arith.constant 0 : index
    %get3A_3395 = vector.load %arg7[%get3A_3392, %get3A_3393, %get3A_3394] : memref<16x40x128xf32, #tpu.memory_space<vmem>>, vector<16x1x128xf32>
    %get3A_3396 = vector.shape_cast %get3A_3395 : vector<16x1x128xf32> to vector<16x128xf32>
    %broadcast_in_dim3A_3397 = vector.shape_cast %get3A_3386 : vector<16x32xf32> to vector<16x32x1xf32>
    %mul3A_3398 = vector.broadcast %broadcast_in_dim3A_3397 : vector<16x32x1xf32> to vector<16x32x128xf32>
    %mul3A_3399 = arith.mulf %get3A_3381, %mul3A_3398 : vector<16x32x128xf32>
    %reduce_sum3A_3400 = arith.constant dense<0.000000e+00> : vector<16x128xf32>
    %reduce_sum3A_3401 = vector.multi_reduction <add>, %mul3A_3399, %reduce_sum3A_3400 [1] : vector<16x32x128xf32> to vector<16x128xf32>
    %swap3A_3402 = arith.constant 0 : index
    %swap3A_3403 = arith.constant 34 : index
    %swap3A_3404 = arith.constant 0 : index
    %swap3A_3405 = vector.load %arg9[%swap3A_3402, %swap3A_3403, %swap3A_3404] : memref<16x40x128xf32, #tpu.memory_space<vmem>>, vector<16x1x128xf32>
    %swap3A_3406 = vector.shape_cast %swap3A_3405 : vector<16x1x128xf32> to vector<16x128xf32>
    %swap3A_3407 = vector.shape_cast %reduce_sum3A_3401 : vector<16x128xf32> to vector<16x1x128xf32>
    tpu.vector_store %arg9[%swap3A_3402, %swap3A_3403, %swap3A_3404], %swap3A_3407 {strides = array<i32>} : memref<16x40x128xf32, #tpu.memory_space<vmem>>, vector<16x1x128xf32>,
    %broadcast_in_dim3A_3408 = vector.shape_cast %get3A_3391 : vector<16x128xf32> to vector<16x1x128xf32>
    %mul3A_3409 = vector.broadcast %broadcast_in_dim3A_3408 : vector<16x1x128xf32> to vector<16x32x128xf32>
    %mul3A_3410 = arith.mulf %mul3A_3399, %mul3A_3409 : vector<16x32x128xf32>
    %sub3A_3411 = arith.subf %get3A_3381, %mul3A_3410 : vector<16x32x128xf32>
    %broadcast_in_dim3A_3412 = vector.shape_cast %get3A_3386 : vector<16x32xf32> to vector<16x32x1xf32>
    %broadcast_in_dim3A_3413 = vector.shape_cast %get3A_3396 : vector<16x128xf32> to vector<16x1x128xf32>
    %mul3A_3414 = vector.broadcast %broadcast_in_dim3A_3412 : vector<16x32x1xf32> to vector<16x32x128xf32>
    %mul3A_3415 = vector.broadcast %broadcast_in_dim3A_3413 : vector<16x1x128xf32> to vector<16x32x128xf32>
    %mul3A_3416 = arith.mulf %mul3A_3414, %mul3A_3415 : vector<16x32x128xf32>
    %add3A_3417 = arith.addf %sub3A_3411, %mul3A_3416 : vector<16x32x128xf32>
    %swap3A_3418 = arith.constant 1 : index
    %swap3A_3419 = arith.constant 0 : index
    %swap3A_3420 = arith.constant 0 : index
    %swap3A_3421 = arith.constant 0 : index
    %swap3A_3422 = vector.load %arg10[%swap3A_3418, %swap3A_3419, %swap3A_3420, %swap3A_3421] : memref<2x16x32x128xf32, #tpu.memory_space<vmem>>, vector<1x16x32x128xf32>
    %swap3A_3423 = vector.shape_cast %swap3A_3422 : vector<1x16x32x128xf32> to vector<16x32x128xf32>
    %swap3A_3424 = vector.shape_cast %add3A_3417 : vector<16x32x128xf32> to vector<1x16x32x128xf32>
    tpu.vector_store %arg10[%swap3A_3418, %swap3A_3419, %swap3A_3420, %swap3A_3421], %swap3A_3424 {strides = array<i32>} : memref<2x16x32x128xf32, #tpu.memory_space<vmem>>, vector<1x16x32x128xf32>,
    %get3A_3425 = arith.constant 0 : index
    %get3A_3426 = arith.constant 0 : index
    %get3A_3427 = arith.constant 0 : index
    %get3A_3428 = arith.constant 0 : index
    %get3A_3429 = vector.load %arg10[%get3A_3425, %get3A_3426, %get3A_3427, %get3A_3428] : memref<2x16x32x128xf32, #tpu.memory_space<vmem>>, vector<1x16x32x128xf32>
    %get3A_3430 = vector.shape_cast %get3A_3429 : vector<1x16x32x128xf32> to vector<16x32x128xf32>
    %get3A_3431 = arith.constant 0 : index
    %get3A_3432 = arith.constant 35 : index
    %get3A_3433 = arith.constant 0 : index
    %get3A_3434 = vector.load %arg2[%get3A_3431, %get3A_3432, %get3A_3433] : memref<16x40x32xf32, #tpu.memory_space<vmem>>, vector<16x1x32xf32>
    %get3A_3435 = vector.shape_cast %get3A_3434 : vector<16x1x32xf32> to vector<16x32xf32>
    %get3A_3436 = arith.constant 0 : index
    %get3A_3437 = arith.constant 35 : index
    %get3A_3438 = arith.constant 0 : index
    %get3A_3439 = vector.load %arg3[%get3A_3436, %get3A_3437, %get3A_3438] : memref<16x40x128xf32, #tpu.memory_space<vmem>>, vector<16x1x128xf32>
    %get3A_3440 = vector.shape_cast %get3A_3439 : vector<16x1x128xf32> to vector<16x128xf32>
    %get3A_3441 = arith.constant 0 : index
    %get3A_3442 = arith.constant 35 : index
    %get3A_3443 = arith.constant 0 : index
    %get3A_3444 = vector.load %arg4[%get3A_3441, %get3A_3442, %get3A_3443] : memref<16x40x128xf32, #tpu.memory_space<vmem>>, vector<16x1x128xf32>
    %get3A_3445 = vector.shape_cast %get3A_3444 : vector<16x1x128xf32> to vector<16x128xf32>
    %broadcast_in_dim3A_3446 = vector.shape_cast %get3A_3435 : vector<16x32xf32> to vector<16x32x1xf32>
    %mul3A_3447 = vector.broadcast %broadcast_in_dim3A_3446 : vector<16x32x1xf32> to vector<16x32x128xf32>
    %mul3A_3448 = arith.mulf %get3A_3430, %mul3A_3447 : vector<16x32x128xf32>
    %reduce_sum3A_3449 = arith.constant dense<0.000000e+00> : vector<16x128xf32>
    %reduce_sum3A_3450 = vector.multi_reduction <add>, %mul3A_3448, %reduce_sum3A_3449 [1] : vector<16x32x128xf32> to vector<16x128xf32>
    %swap3A_3451 = arith.constant 0 : index
    %swap3A_3452 = arith.constant 35 : index
    %swap3A_3453 = arith.constant 0 : index
    %swap3A_3454 = vector.load %arg8[%swap3A_3451, %swap3A_3452, %swap3A_3453] : memref<16x40x128xf32, #tpu.memory_space<vmem>>, vector<16x1x128xf32>
    %swap3A_3455 = vector.shape_cast %swap3A_3454 : vector<16x1x128xf32> to vector<16x128xf32>
    %swap3A_3456 = vector.shape_cast %reduce_sum3A_3450 : vector<16x128xf32> to vector<16x1x128xf32>
    tpu.vector_store %arg8[%swap3A_3451, %swap3A_3452, %swap3A_3453], %swap3A_3456 {strides = array<i32>} : memref<16x40x128xf32, #tpu.memory_space<vmem>>, vector<16x1x128xf32>,
    %broadcast_in_dim3A_3457 = vector.shape_cast %get3A_3440 : vector<16x128xf32> to vector<16x1x128xf32>
    %mul3A_3458 = vector.broadcast %broadcast_in_dim3A_3457 : vector<16x1x128xf32> to vector<16x32x128xf32>
    %mul3A_3459 = arith.mulf %mul3A_3448, %mul3A_3458 : vector<16x32x128xf32>
    %sub3A_3460 = arith.subf %get3A_3430, %mul3A_3459 : vector<16x32x128xf32>
    %broadcast_in_dim3A_3461 = vector.shape_cast %get3A_3435 : vector<16x32xf32> to vector<16x32x1xf32>
    %broadcast_in_dim3A_3462 = vector.shape_cast %get3A_3445 : vector<16x128xf32> to vector<16x1x128xf32>
    %mul3A_3463 = vector.broadcast %broadcast_in_dim3A_3461 : vector<16x32x1xf32> to vector<16x32x128xf32>
    %mul3A_3464 = vector.broadcast %broadcast_in_dim3A_3462 : vector<16x1x128xf32> to vector<16x32x128xf32>
    %mul3A_3465 = arith.mulf %mul3A_3463, %mul3A_3464 : vector<16x32x128xf32>
    %add3A_3466 = arith.addf %sub3A_3460, %mul3A_3465 : vector<16x32x128xf32>
    %swap3A_3467 = arith.constant 0 : index
    %swap3A_3468 = arith.constant 0 : index
    %swap3A_3469 = arith.constant 0 : index
    %swap3A_3470 = arith.constant 0 : index
    %swap3A_3471 = vector.load %arg10[%swap3A_3467, %swap3A_3468, %swap3A_3469, %swap3A_3470] : memref<2x16x32x128xf32, #tpu.memory_space<vmem>>, vector<1x16x32x128xf32>
    %swap3A_3472 = vector.shape_cast %swap3A_3471 : vector<1x16x32x128xf32> to vector<16x32x128xf32>
    %swap3A_3473 = vector.shape_cast %add3A_3466 : vector<16x32x128xf32> to vector<1x16x32x128xf32>
    tpu.vector_store %arg10[%swap3A_3467, %swap3A_3468, %swap3A_3469, %swap3A_3470], %swap3A_3473 {strides = array<i32>} : memref<2x16x32x128xf32, #tpu.memory_space<vmem>>, vector<1x16x32x128xf32>,
    %get3A_3474 = arith.constant 1 : index
    %get3A_3475 = arith.constant 0 : index
    %get3A_3476 = arith.constant 0 : index
    %get3A_3477 = arith.constant 0 : index
    %get3A_3478 = vector.load %arg10[%get3A_3474, %get3A_3475, %get3A_3476, %get3A_3477] : memref<2x16x32x128xf32, #tpu.memory_space<vmem>>, vector<1x16x32x128xf32>
    %get3A_3479 = vector.shape_cast %get3A_3478 : vector<1x16x32x128xf32> to vector<16x32x128xf32>
    %get3A_3480 = arith.constant 0 : index
    %get3A_3481 = arith.constant 35 : index
    %get3A_3482 = arith.constant 0 : index
    %get3A_3483 = vector.load %arg5[%get3A_3480, %get3A_3481, %get3A_3482] : memref<16x40x32xf32, #tpu.memory_space<vmem>>, vector<16x1x32xf32>
    %get3A_3484 = vector.shape_cast %get3A_3483 : vector<16x1x32xf32> to vector<16x32xf32>
    %get3A_3485 = arith.constant 0 : index
    %get3A_3486 = arith.constant 35 : index
    %get3A_3487 = arith.constant 0 : index
    %get3A_3488 = vector.load %arg6[%get3A_3485, %get3A_3486, %get3A_3487] : memref<16x40x128xf32, #tpu.memory_space<vmem>>, vector<16x1x128xf32>
    %get3A_3489 = vector.shape_cast %get3A_3488 : vector<16x1x128xf32> to vector<16x128xf32>
    %get3A_3490 = arith.constant 0 : index
    %get3A_3491 = arith.constant 35 : index
    %get3A_3492 = arith.constant 0 : index
    %get3A_3493 = vector.load %arg7[%get3A_3490, %get3A_3491, %get3A_3492] : memref<16x40x128xf32, #tpu.memory_space<vmem>>, vector<16x1x128xf32>
    %get3A_3494 = vector.shape_cast %get3A_3493 : vector<16x1x128xf32> to vector<16x128xf32>
    %broadcast_in_dim3A_3495 = vector.shape_cast %get3A_3484 : vector<16x32xf32> to vector<16x32x1xf32>
    %mul3A_3496 = vector.broadcast %broadcast_in_dim3A_3495 : vector<16x32x1xf32> to vector<16x32x128xf32>
    %mul3A_3497 = arith.mulf %get3A_3479, %mul3A_3496 : vector<16x32x128xf32>
    %reduce_sum3A_3498 = arith.constant dense<0.000000e+00> : vector<16x128xf32>
    %reduce_sum3A_3499 = vector.multi_reduction <add>, %mul3A_3497, %reduce_sum3A_3498 [1] : vector<16x32x128xf32> to vector<16x128xf32>
    %swap3A_3500 = arith.constant 0 : index
    %swap3A_3501 = arith.constant 35 : index
    %swap3A_3502 = arith.constant 0 : index
    %swap3A_3503 = vector.load %arg9[%swap3A_3500, %swap3A_3501, %swap3A_3502] : memref<16x40x128xf32, #tpu.memory_space<vmem>>, vector<16x1x128xf32>
    %swap3A_3504 = vector.shape_cast %swap3A_3503 : vector<16x1x128xf32> to vector<16x128xf32>
    %swap3A_3505 = vector.shape_cast %reduce_sum3A_3499 : vector<16x128xf32> to vector<16x1x128xf32>
    tpu.vector_store %arg9[%swap3A_3500, %swap3A_3501, %swap3A_3502], %swap3A_3505 {strides = array<i32>} : memref<16x40x128xf32, #tpu.memory_space<vmem>>, vector<16x1x128xf32>,
    %broadcast_in_dim3A_3506 = vector.shape_cast %get3A_3489 : vector<16x128xf32> to vector<16x1x128xf32>
    %mul3A_3507 = vector.broadcast %broadcast_in_dim3A_3506 : vector<16x1x128xf32> to vector<16x32x128xf32>
    %mul3A_3508 = arith.mulf %mul3A_3497, %mul3A_3507 : vector<16x32x128xf32>
    %sub3A_3509 = arith.subf %get3A_3479, %mul3A_3508 : vector<16x32x128xf32>
    %broadcast_in_dim3A_3510 = vector.shape_cast %get3A_3484 : vector<16x32xf32> to vector<16x32x1xf32>
    %broadcast_in_dim3A_3511 = vector.shape_cast %get3A_3494 : vector<16x128xf32> to vector<16x1x128xf32>
    %mul3A_3512 = vector.broadcast %broadcast_in_dim3A_3510 : vector<16x32x1xf32> to vector<16x32x128xf32>
    %mul3A_3513 = vector.broadcast %broadcast_in_dim3A_3511 : vector<16x1x128xf32> to vector<16x32x128xf32>
    %mul3A_3514 = arith.mulf %mul3A_3512, %mul3A_3513 : vector<16x32x128xf32>
    %add3A_3515 = arith.addf %sub3A_3509, %mul3A_3514 : vector<16x32x128xf32>
    %swap3A_3516 = arith.constant 1 : index
    %swap3A_3517 = arith.constant 0 : index
    %swap3A_3518 = arith.constant 0 : index
    %swap3A_3519 = arith.constant 0 : index
    %swap3A_3520 = vector.load %arg10[%swap3A_3516, %swap3A_3517, %swap3A_3518, %swap3A_3519] : memref<2x16x32x128xf32, #tpu.memory_space<vmem>>, vector<1x16x32x128xf32>
    %swap3A_3521 = vector.shape_cast %swap3A_3520 : vector<1x16x32x128xf32> to vector<16x32x128xf32>
    %swap3A_3522 = vector.shape_cast %add3A_3515 : vector<16x32x128xf32> to vector<1x16x32x128xf32>
    tpu.vector_store %arg10[%swap3A_3516, %swap3A_3517, %swap3A_3518, %swap3A_3519], %swap3A_3522 {strides = array<i32>} : memref<2x16x32x128xf32, #tpu.memory_space<vmem>>, vector<1x16x32x128xf32>,
    %get3A_3523 = arith.constant 0 : index
    %get3A_3524 = arith.constant 0 : index
    %get3A_3525 = arith.constant 0 : index
    %get3A_3526 = arith.constant 0 : index
    %get3A_3527 = vector.load %arg10[%get3A_3523, %get3A_3524, %get3A_3525, %get3A_3526] : memref<2x16x32x128xf32, #tpu.memory_space<vmem>>, vector<1x16x32x128xf32>
    %get3A_3528 = vector.shape_cast %get3A_3527 : vector<1x16x32x128xf32> to vector<16x32x128xf32>
    %get3A_3529 = arith.constant 0 : index
    %get3A_3530 = arith.constant 36 : index
    %get3A_3531 = arith.constant 0 : index
    %get3A_3532 = vector.load %arg2[%get3A_3529, %get3A_3530, %get3A_3531] : memref<16x40x32xf32, #tpu.memory_space<vmem>>, vector<16x1x32xf32>
    %get3A_3533 = vector.shape_cast %get3A_3532 : vector<16x1x32xf32> to vector<16x32xf32>
    %get3A_3534 = arith.constant 0 : index
    %get3A_3535 = arith.constant 36 : index
    %get3A_3536 = arith.constant 0 : index
    %get3A_3537 = vector.load %arg3[%get3A_3534, %get3A_3535, %get3A_3536] : memref<16x40x128xf32, #tpu.memory_space<vmem>>, vector<16x1x128xf32>
    %get3A_3538 = vector.shape_cast %get3A_3537 : vector<16x1x128xf32> to vector<16x128xf32>
    %get3A_3539 = arith.constant 0 : index
    %get3A_3540 = arith.constant 36 : index
    %get3A_3541 = arith.constant 0 : index
    %get3A_3542 = vector.load %arg4[%get3A_3539, %get3A_3540, %get3A_3541] : memref<16x40x128xf32, #tpu.memory_space<vmem>>, vector<16x1x128xf32>
    %get3A_3543 = vector.shape_cast %get3A_3542 : vector<16x1x128xf32> to vector<16x128xf32>
    %broadcast_in_dim3A_3544 = vector.shape_cast %get3A_3533 : vector<16x32xf32> to vector<16x32x1xf32>
    %mul3A_3545 = vector.broadcast %broadcast_in_dim3A_3544 : vector<16x32x1xf32> to vector<16x32x128xf32>
    %mul3A_3546 = arith.mulf %get3A_3528, %mul3A_3545 : vector<16x32x128xf32>
    %reduce_sum3A_3547 = arith.constant dense<0.000000e+00> : vector<16x128xf32>
    %reduce_sum3A_3548 = vector.multi_reduction <add>, %mul3A_3546, %reduce_sum3A_3547 [1] : vector<16x32x128xf32> to vector<16x128xf32>
    %swap3A_3549 = arith.constant 0 : index
    %swap3A_3550 = arith.constant 36 : index
    %swap3A_3551 = arith.constant 0 : index
    %swap3A_3552 = vector.load %arg8[%swap3A_3549, %swap3A_3550, %swap3A_3551] : memref<16x40x128xf32, #tpu.memory_space<vmem>>, vector<16x1x128xf32>
    %swap3A_3553 = vector.shape_cast %swap3A_3552 : vector<16x1x128xf32> to vector<16x128xf32>
    %swap3A_3554 = vector.shape_cast %reduce_sum3A_3548 : vector<16x128xf32> to vector<16x1x128xf32>
    tpu.vector_store %arg8[%swap3A_3549, %swap3A_3550, %swap3A_3551], %swap3A_3554 {strides = array<i32>} : memref<16x40x128xf32, #tpu.memory_space<vmem>>, vector<16x1x128xf32>,
    %broadcast_in_dim3A_3555 = vector.shape_cast %get3A_3538 : vector<16x128xf32> to vector<16x1x128xf32>
    %mul3A_3556 = vector.broadcast %broadcast_in_dim3A_3555 : vector<16x1x128xf32> to vector<16x32x128xf32>
    %mul3A_3557 = arith.mulf %mul3A_3546, %mul3A_3556 : vector<16x32x128xf32>
    %sub3A_3558 = arith.subf %get3A_3528, %mul3A_3557 : vector<16x32x128xf32>
    %broadcast_in_dim3A_3559 = vector.shape_cast %get3A_3533 : vector<16x32xf32> to vector<16x32x1xf32>
    %broadcast_in_dim3A_3560 = vector.shape_cast %get3A_3543 : vector<16x128xf32> to vector<16x1x128xf32>
    %mul3A_3561 = vector.broadcast %broadcast_in_dim3A_3559 : vector<16x32x1xf32> to vector<16x32x128xf32>
    %mul3A_3562 = vector.broadcast %broadcast_in_dim3A_3560 : vector<16x1x128xf32> to vector<16x32x128xf32>
    %mul3A_3563 = arith.mulf %mul3A_3561, %mul3A_3562 : vector<16x32x128xf32>
    %add3A_3564 = arith.addf %sub3A_3558, %mul3A_3563 : vector<16x32x128xf32>
    %swap3A_3565 = arith.constant 0 : index
    %swap3A_3566 = arith.constant 0 : index
    %swap3A_3567 = arith.constant 0 : index
    %swap3A_3568 = arith.constant 0 : index
    %swap3A_3569 = vector.load %arg10[%swap3A_3565, %swap3A_3566, %swap3A_3567, %swap3A_3568] : memref<2x16x32x128xf32, #tpu.memory_space<vmem>>, vector<1x16x32x128xf32>
    %swap3A_3570 = vector.shape_cast %swap3A_3569 : vector<1x16x32x128xf32> to vector<16x32x128xf32>
    %swap3A_3571 = vector.shape_cast %add3A_3564 : vector<16x32x128xf32> to vector<1x16x32x128xf32>
    tpu.vector_store %arg10[%swap3A_3565, %swap3A_3566, %swap3A_3567, %swap3A_3568], %swap3A_3571 {strides = array<i32>} : memref<2x16x32x128xf32, #tpu.memory_space<vmem>>, vector<1x16x32x128xf32>,
    %get3A_3572 = arith.constant 1 : index
    %get3A_3573 = arith.constant 0 : index
    %get3A_3574 = arith.constant 0 : index
    %get3A_3575 = arith.constant 0 : index
    %get3A_3576 = vector.load %arg10[%get3A_3572, %get3A_3573, %get3A_3574, %get3A_3575] : memref<2x16x32x128xf32, #tpu.memory_space<vmem>>, vector<1x16x32x128xf32>
    %get3A_3577 = vector.shape_cast %get3A_3576 : vector<1x16x32x128xf32> to vector<16x32x128xf32>
    %get3A_3578 = arith.constant 0 : index
    %get3A_3579 = arith.constant 36 : index
    %get3A_3580 = arith.constant 0 : index
    %get3A_3581 = vector.load %arg5[%get3A_3578, %get3A_3579, %get3A_3580] : memref<16x40x32xf32, #tpu.memory_space<vmem>>, vector<16x1x32xf32>
    %get3A_3582 = vector.shape_cast %get3A_3581 : vector<16x1x32xf32> to vector<16x32xf32>
    %get3A_3583 = arith.constant 0 : index
    %get3A_3584 = arith.constant 36 : index
    %get3A_3585 = arith.constant 0 : index
    %get3A_3586 = vector.load %arg6[%get3A_3583, %get3A_3584, %get3A_3585] : memref<16x40x128xf32, #tpu.memory_space<vmem>>, vector<16x1x128xf32>
    %get3A_3587 = vector.shape_cast %get3A_3586 : vector<16x1x128xf32> to vector<16x128xf32>
    %get3A_3588 = arith.constant 0 : index
    %get3A_3589 = arith.constant 36 : index
    %get3A_3590 = arith.constant 0 : index
    %get3A_3591 = vector.load %arg7[%get3A_3588, %get3A_3589, %get3A_3590] : memref<16x40x128xf32, #tpu.memory_space<vmem>>, vector<16x1x128xf32>
    %get3A_3592 = vector.shape_cast %get3A_3591 : vector<16x1x128xf32> to vector<16x128xf32>
    %broadcast_in_dim3A_3593 = vector.shape_cast %get3A_3582 : vector<16x32xf32> to vector<16x32x1xf32>
    %mul3A_3594 = vector.broadcast %broadcast_in_dim3A_3593 : vector<16x32x1xf32> to vector<16x32x128xf32>
    %mul3A_3595 = arith.mulf %get3A_3577, %mul3A_3594 : vector<16x32x128xf32>
    %reduce_sum3A_3596 = arith.constant dense<0.000000e+00> : vector<16x128xf32>
    %reduce_sum3A_3597 = vector.multi_reduction <add>, %mul3A_3595, %reduce_sum3A_3596 [1] : vector<16x32x128xf32> to vector<16x128xf32>
    %swap3A_3598 = arith.constant 0 : index
    %swap3A_3599 = arith.constant 36 : index
    %swap3A_3600 = arith.constant 0 : index
    %swap3A_3601 = vector.load %arg9[%swap3A_3598, %swap3A_3599, %swap3A_3600] : memref<16x40x128xf32, #tpu.memory_space<vmem>>, vector<16x1x128xf32>
    %swap3A_3602 = vector.shape_cast %swap3A_3601 : vector<16x1x128xf32> to vector<16x128xf32>
    %swap3A_3603 = vector.shape_cast %reduce_sum3A_3597 : vector<16x128xf32> to vector<16x1x128xf32>
    tpu.vector_store %arg9[%swap3A_3598, %swap3A_3599, %swap3A_3600], %swap3A_3603 {strides = array<i32>} : memref<16x40x128xf32, #tpu.memory_space<vmem>>, vector<16x1x128xf32>,
    %broadcast_in_dim3A_3604 = vector.shape_cast %get3A_3587 : vector<16x128xf32> to vector<16x1x128xf32>
    %mul3A_3605 = vector.broadcast %broadcast_in_dim3A_3604 : vector<16x1x128xf32> to vector<16x32x128xf32>
    %mul3A_3606 = arith.mulf %mul3A_3595, %mul3A_3605 : vector<16x32x128xf32>
    %sub3A_3607 = arith.subf %get3A_3577, %mul3A_3606 : vector<16x32x128xf32>
    %broadcast_in_dim3A_3608 = vector.shape_cast %get3A_3582 : vector<16x32xf32> to vector<16x32x1xf32>
    %broadcast_in_dim3A_3609 = vector.shape_cast %get3A_3592 : vector<16x128xf32> to vector<16x1x128xf32>
    %mul3A_3610 = vector.broadcast %broadcast_in_dim3A_3608 : vector<16x32x1xf32> to vector<16x32x128xf32>
    %mul3A_3611 = vector.broadcast %broadcast_in_dim3A_3609 : vector<16x1x128xf32> to vector<16x32x128xf32>
    %mul3A_3612 = arith.mulf %mul3A_3610, %mul3A_3611 : vector<16x32x128xf32>
    %add3A_3613 = arith.addf %sub3A_3607, %mul3A_3612 : vector<16x32x128xf32>
    %swap3A_3614 = arith.constant 1 : index
    %swap3A_3615 = arith.constant 0 : index
    %swap3A_3616 = arith.constant 0 : index
    %swap3A_3617 = arith.constant 0 : index
    %swap3A_3618 = vector.load %arg10[%swap3A_3614, %swap3A_3615, %swap3A_3616, %swap3A_3617] : memref<2x16x32x128xf32, #tpu.memory_space<vmem>>, vector<1x16x32x128xf32>
    %swap3A_3619 = vector.shape_cast %swap3A_3618 : vector<1x16x32x128xf32> to vector<16x32x128xf32>
    %swap3A_3620 = vector.shape_cast %add3A_3613 : vector<16x32x128xf32> to vector<1x16x32x128xf32>
    tpu.vector_store %arg10[%swap3A_3614, %swap3A_3615, %swap3A_3616, %swap3A_3617], %swap3A_3620 {strides = array<i32>} : memref<2x16x32x128xf32, #tpu.memory_space<vmem>>, vector<1x16x32x128xf32>,
    %get3A_3621 = arith.constant 0 : index
    %get3A_3622 = arith.constant 0 : index
    %get3A_3623 = arith.constant 0 : index
    %get3A_3624 = arith.constant 0 : index
    %get3A_3625 = vector.load %arg10[%get3A_3621, %get3A_3622, %get3A_3623, %get3A_3624] : memref<2x16x32x128xf32, #tpu.memory_space<vmem>>, vector<1x16x32x128xf32>
    %get3A_3626 = vector.shape_cast %get3A_3625 : vector<1x16x32x128xf32> to vector<16x32x128xf32>
    %get3A_3627 = arith.constant 0 : index
    %get3A_3628 = arith.constant 37 : index
    %get3A_3629 = arith.constant 0 : index
    %get3A_3630 = vector.load %arg2[%get3A_3627, %get3A_3628, %get3A_3629] : memref<16x40x32xf32, #tpu.memory_space<vmem>>, vector<16x1x32xf32>
    %get3A_3631 = vector.shape_cast %get3A_3630 : vector<16x1x32xf32> to vector<16x32xf32>
    %get3A_3632 = arith.constant 0 : index
    %get3A_3633 = arith.constant 37 : index
    %get3A_3634 = arith.constant 0 : index
    %get3A_3635 = vector.load %arg3[%get3A_3632, %get3A_3633, %get3A_3634] : memref<16x40x128xf32, #tpu.memory_space<vmem>>, vector<16x1x128xf32>
    %get3A_3636 = vector.shape_cast %get3A_3635 : vector<16x1x128xf32> to vector<16x128xf32>
    %get3A_3637 = arith.constant 0 : index
    %get3A_3638 = arith.constant 37 : index
    %get3A_3639 = arith.constant 0 : index
    %get3A_3640 = vector.load %arg4[%get3A_3637, %get3A_3638, %get3A_3639] : memref<16x40x128xf32, #tpu.memory_space<vmem>>, vector<16x1x128xf32>
    %get3A_3641 = vector.shape_cast %get3A_3640 : vector<16x1x128xf32> to vector<16x128xf32>
    %broadcast_in_dim3A_3642 = vector.shape_cast %get3A_3631 : vector<16x32xf32> to vector<16x32x1xf32>
    %mul3A_3643 = vector.broadcast %broadcast_in_dim3A_3642 : vector<16x32x1xf32> to vector<16x32x128xf32>
    %mul3A_3644 = arith.mulf %get3A_3626, %mul3A_3643 : vector<16x32x128xf32>
    %reduce_sum3A_3645 = arith.constant dense<0.000000e+00> : vector<16x128xf32>
    %reduce_sum3A_3646 = vector.multi_reduction <add>, %mul3A_3644, %reduce_sum3A_3645 [1] : vector<16x32x128xf32> to vector<16x128xf32>
    %swap3A_3647 = arith.constant 0 : index
    %swap3A_3648 = arith.constant 37 : index
    %swap3A_3649 = arith.constant 0 : index
    %swap3A_3650 = vector.load %arg8[%swap3A_3647, %swap3A_3648, %swap3A_3649] : memref<16x40x128xf32, #tpu.memory_space<vmem>>, vector<16x1x128xf32>
    %swap3A_3651 = vector.shape_cast %swap3A_3650 : vector<16x1x128xf32> to vector<16x128xf32>
    %swap3A_3652 = vector.shape_cast %reduce_sum3A_3646 : vector<16x128xf32> to vector<16x1x128xf32>
    tpu.vector_store %arg8[%swap3A_3647, %swap3A_3648, %swap3A_3649], %swap3A_3652 {strides = array<i32>} : memref<16x40x128xf32, #tpu.memory_space<vmem>>, vector<16x1x128xf32>,
    %broadcast_in_dim3A_3653 = vector.shape_cast %get3A_3636 : vector<16x128xf32> to vector<16x1x128xf32>
    %mul3A_3654 = vector.broadcast %broadcast_in_dim3A_3653 : vector<16x1x128xf32> to vector<16x32x128xf32>
    %mul3A_3655 = arith.mulf %mul3A_3644, %mul3A_3654 : vector<16x32x128xf32>
    %sub3A_3656 = arith.subf %get3A_3626, %mul3A_3655 : vector<16x32x128xf32>
    %broadcast_in_dim3A_3657 = vector.shape_cast %get3A_3631 : vector<16x32xf32> to vector<16x32x1xf32>
    %broadcast_in_dim3A_3658 = vector.shape_cast %get3A_3641 : vector<16x128xf32> to vector<16x1x128xf32>
    %mul3A_3659 = vector.broadcast %broadcast_in_dim3A_3657 : vector<16x32x1xf32> to vector<16x32x128xf32>
    %mul3A_3660 = vector.broadcast %broadcast_in_dim3A_3658 : vector<16x1x128xf32> to vector<16x32x128xf32>
    %mul3A_3661 = arith.mulf %mul3A_3659, %mul3A_3660 : vector<16x32x128xf32>
    %add3A_3662 = arith.addf %sub3A_3656, %mul3A_3661 : vector<16x32x128xf32>
    %swap3A_3663 = arith.constant 0 : index
    %swap3A_3664 = arith.constant 0 : index
    %swap3A_3665 = arith.constant 0 : index
    %swap3A_3666 = arith.constant 0 : index
    %swap3A_3667 = vector.load %arg10[%swap3A_3663, %swap3A_3664, %swap3A_3665, %swap3A_3666] : memref<2x16x32x128xf32, #tpu.memory_space<vmem>>, vector<1x16x32x128xf32>
    %swap3A_3668 = vector.shape_cast %swap3A_3667 : vector<1x16x32x128xf32> to vector<16x32x128xf32>
    %swap3A_3669 = vector.shape_cast %add3A_3662 : vector<16x32x128xf32> to vector<1x16x32x128xf32>
    tpu.vector_store %arg10[%swap3A_3663, %swap3A_3664, %swap3A_3665, %swap3A_3666], %swap3A_3669 {strides = array<i32>} : memref<2x16x32x128xf32, #tpu.memory_space<vmem>>, vector<1x16x32x128xf32>,
    %get3A_3670 = arith.constant 1 : index
    %get3A_3671 = arith.constant 0 : index
    %get3A_3672 = arith.constant 0 : index
    %get3A_3673 = arith.constant 0 : index
    %get3A_3674 = vector.load %arg10[%get3A_3670, %get3A_3671, %get3A_3672, %get3A_3673] : memref<2x16x32x128xf32, #tpu.memory_space<vmem>>, vector<1x16x32x128xf32>
    %get3A_3675 = vector.shape_cast %get3A_3674 : vector<1x16x32x128xf32> to vector<16x32x128xf32>
    %get3A_3676 = arith.constant 0 : index
    %get3A_3677 = arith.constant 37 : index
    %get3A_3678 = arith.constant 0 : index
    %get3A_3679 = vector.load %arg5[%get3A_3676, %get3A_3677, %get3A_3678] : memref<16x40x32xf32, #tpu.memory_space<vmem>>, vector<16x1x32xf32>
    %get3A_3680 = vector.shape_cast %get3A_3679 : vector<16x1x32xf32> to vector<16x32xf32>
    %get3A_3681 = arith.constant 0 : index
    %get3A_3682 = arith.constant 37 : index
    %get3A_3683 = arith.constant 0 : index
    %get3A_3684 = vector.load %arg6[%get3A_3681, %get3A_3682, %get3A_3683] : memref<16x40x128xf32, #tpu.memory_space<vmem>>, vector<16x1x128xf32>
    %get3A_3685 = vector.shape_cast %get3A_3684 : vector<16x1x128xf32> to vector<16x128xf32>
    %get3A_3686 = arith.constant 0 : index
    %get3A_3687 = arith.constant 37 : index
    %get3A_3688 = arith.constant 0 : index
    %get3A_3689 = vector.load %arg7[%get3A_3686, %get3A_3687, %get3A_3688] : memref<16x40x128xf32, #tpu.memory_space<vmem>>, vector<16x1x128xf32>
    %get3A_3690 = vector.shape_cast %get3A_3689 : vector<16x1x128xf32> to vector<16x128xf32>
    %broadcast_in_dim3A_3691 = vector.shape_cast %get3A_3680 : vector<16x32xf32> to vector<16x32x1xf32>
    %mul3A_3692 = vector.broadcast %broadcast_in_dim3A_3691 : vector<16x32x1xf32> to vector<16x32x128xf32>
    %mul3A_3693 = arith.mulf %get3A_3675, %mul3A_3692 : vector<16x32x128xf32>
    %reduce_sum3A_3694 = arith.constant dense<0.000000e+00> : vector<16x128xf32>
    %reduce_sum3A_3695 = vector.multi_reduction <add>, %mul3A_3693, %reduce_sum3A_3694 [1] : vector<16x32x128xf32> to vector<16x128xf32>
    %swap3A_3696 = arith.constant 0 : index
    %swap3A_3697 = arith.constant 37 : index
    %swap3A_3698 = arith.constant 0 : index
    %swap3A_3699 = vector.load %arg9[%swap3A_3696, %swap3A_3697, %swap3A_3698] : memref<16x40x128xf32, #tpu.memory_space<vmem>>, vector<16x1x128xf32>
    %swap3A_3700 = vector.shape_cast %swap3A_3699 : vector<16x1x128xf32> to vector<16x128xf32>
    %swap3A_3701 = vector.shape_cast %reduce_sum3A_3695 : vector<16x128xf32> to vector<16x1x128xf32>
    tpu.vector_store %arg9[%swap3A_3696, %swap3A_3697, %swap3A_3698], %swap3A_3701 {strides = array<i32>} : memref<16x40x128xf32, #tpu.memory_space<vmem>>, vector<16x1x128xf32>,
    %broadcast_in_dim3A_3702 = vector.shape_cast %get3A_3685 : vector<16x128xf32> to vector<16x1x128xf32>
    %mul3A_3703 = vector.broadcast %broadcast_in_dim3A_3702 : vector<16x1x128xf32> to vector<16x32x128xf32>
    %mul3A_3704 = arith.mulf %mul3A_3693, %mul3A_3703 : vector<16x32x128xf32>
    %sub3A_3705 = arith.subf %get3A_3675, %mul3A_3704 : vector<16x32x128xf32>
    %broadcast_in_dim3A_3706 = vector.shape_cast %get3A_3680 : vector<16x32xf32> to vector<16x32x1xf32>
    %broadcast_in_dim3A_3707 = vector.shape_cast %get3A_3690 : vector<16x128xf32> to vector<16x1x128xf32>
    %mul3A_3708 = vector.broadcast %broadcast_in_dim3A_3706 : vector<16x32x1xf32> to vector<16x32x128xf32>
    %mul3A_3709 = vector.broadcast %broadcast_in_dim3A_3707 : vector<16x1x128xf32> to vector<16x32x128xf32>
    %mul3A_3710 = arith.mulf %mul3A_3708, %mul3A_3709 : vector<16x32x128xf32>
    %add3A_3711 = arith.addf %sub3A_3705, %mul3A_3710 : vector<16x32x128xf32>
    %swap3A_3712 = arith.constant 1 : index
    %swap3A_3713 = arith.constant 0 : index
    %swap3A_3714 = arith.constant 0 : index
    %swap3A_3715 = arith.constant 0 : index
    %swap3A_3716 = vector.load %arg10[%swap3A_3712, %swap3A_3713, %swap3A_3714, %swap3A_3715] : memref<2x16x32x128xf32, #tpu.memory_space<vmem>>, vector<1x16x32x128xf32>
    %swap3A_3717 = vector.shape_cast %swap3A_3716 : vector<1x16x32x128xf32> to vector<16x32x128xf32>
    %swap3A_3718 = vector.shape_cast %add3A_3711 : vector<16x32x128xf32> to vector<1x16x32x128xf32>
    tpu.vector_store %arg10[%swap3A_3712, %swap3A_3713, %swap3A_3714, %swap3A_3715], %swap3A_3718 {strides = array<i32>} : memref<2x16x32x128xf32, #tpu.memory_space<vmem>>, vector<1x16x32x128xf32>,
    %get3A_3719 = arith.constant 0 : index
    %get3A_3720 = arith.constant 0 : index
    %get3A_3721 = arith.constant 0 : index
    %get3A_3722 = arith.constant 0 : index
    %get3A_3723 = vector.load %arg10[%get3A_3719, %get3A_3720, %get3A_3721, %get3A_3722] : memref<2x16x32x128xf32, #tpu.memory_space<vmem>>, vector<1x16x32x128xf32>
    %get3A_3724 = vector.shape_cast %get3A_3723 : vector<1x16x32x128xf32> to vector<16x32x128xf32>
    %get3A_3725 = arith.constant 0 : index
    %get3A_3726 = arith.constant 38 : index
    %get3A_3727 = arith.constant 0 : index
    %get3A_3728 = vector.load %arg2[%get3A_3725, %get3A_3726, %get3A_3727] : memref<16x40x32xf32, #tpu.memory_space<vmem>>, vector<16x1x32xf32>
    %get3A_3729 = vector.shape_cast %get3A_3728 : vector<16x1x32xf32> to vector<16x32xf32>
    %get3A_3730 = arith.constant 0 : index
    %get3A_3731 = arith.constant 38 : index
    %get3A_3732 = arith.constant 0 : index
    %get3A_3733 = vector.load %arg3[%get3A_3730, %get3A_3731, %get3A_3732] : memref<16x40x128xf32, #tpu.memory_space<vmem>>, vector<16x1x128xf32>
    %get3A_3734 = vector.shape_cast %get3A_3733 : vector<16x1x128xf32> to vector<16x128xf32>
    %get3A_3735 = arith.constant 0 : index
    %get3A_3736 = arith.constant 38 : index
    %get3A_3737 = arith.constant 0 : index
    %get3A_3738 = vector.load %arg4[%get3A_3735, %get3A_3736, %get3A_3737] : memref<16x40x128xf32, #tpu.memory_space<vmem>>, vector<16x1x128xf32>
    %get3A_3739 = vector.shape_cast %get3A_3738 : vector<16x1x128xf32> to vector<16x128xf32>
    %broadcast_in_dim3A_3740 = vector.shape_cast %get3A_3729 : vector<16x32xf32> to vector<16x32x1xf32>
    %mul3A_3741 = vector.broadcast %broadcast_in_dim3A_3740 : vector<16x32x1xf32> to vector<16x32x128xf32>
    %mul3A_3742 = arith.mulf %get3A_3724, %mul3A_3741 : vector<16x32x128xf32>
    %reduce_sum3A_3743 = arith.constant dense<0.000000e+00> : vector<16x128xf32>
    %reduce_sum3A_3744 = vector.multi_reduction <add>, %mul3A_3742, %reduce_sum3A_3743 [1] : vector<16x32x128xf32> to vector<16x128xf32>
    %swap3A_3745 = arith.constant 0 : index
    %swap3A_3746 = arith.constant 38 : index
    %swap3A_3747 = arith.constant 0 : index
    %swap3A_3748 = vector.load %arg8[%swap3A_3745, %swap3A_3746, %swap3A_3747] : memref<16x40x128xf32, #tpu.memory_space<vmem>>, vector<16x1x128xf32>
    %swap3A_3749 = vector.shape_cast %swap3A_3748 : vector<16x1x128xf32> to vector<16x128xf32>
    %swap3A_3750 = vector.shape_cast %reduce_sum3A_3744 : vector<16x128xf32> to vector<16x1x128xf32>
    tpu.vector_store %arg8[%swap3A_3745, %swap3A_3746, %swap3A_3747], %swap3A_3750 {strides = array<i32>} : memref<16x40x128xf32, #tpu.memory_space<vmem>>, vector<16x1x128xf32>,
    %broadcast_in_dim3A_3751 = vector.shape_cast %get3A_3734 : vector<16x128xf32> to vector<16x1x128xf32>
    %mul3A_3752 = vector.broadcast %broadcast_in_dim3A_3751 : vector<16x1x128xf32> to vector<16x32x128xf32>
    %mul3A_3753 = arith.mulf %mul3A_3742, %mul3A_3752 : vector<16x32x128xf32>
    %sub3A_3754 = arith.subf %get3A_3724, %mul3A_3753 : vector<16x32x128xf32>
    %broadcast_in_dim3A_3755 = vector.shape_cast %get3A_3729 : vector<16x32xf32> to vector<16x32x1xf32>
    %broadcast_in_dim3A_3756 = vector.shape_cast %get3A_3739 : vector<16x128xf32> to vector<16x1x128xf32>
    %mul3A_3757 = vector.broadcast %broadcast_in_dim3A_3755 : vector<16x32x1xf32> to vector<16x32x128xf32>
    %mul3A_3758 = vector.broadcast %broadcast_in_dim3A_3756 : vector<16x1x128xf32> to vector<16x32x128xf32>
    %mul3A_3759 = arith.mulf %mul3A_3757, %mul3A_3758 : vector<16x32x128xf32>
    %add3A_3760 = arith.addf %sub3A_3754, %mul3A_3759 : vector<16x32x128xf32>
    %swap3A_3761 = arith.constant 0 : index
    %swap3A_3762 = arith.constant 0 : index
    %swap3A_3763 = arith.constant 0 : index
    %swap3A_3764 = arith.constant 0 : index
    %swap3A_3765 = vector.load %arg10[%swap3A_3761, %swap3A_3762, %swap3A_3763, %swap3A_3764] : memref<2x16x32x128xf32, #tpu.memory_space<vmem>>, vector<1x16x32x128xf32>
    %swap3A_3766 = vector.shape_cast %swap3A_3765 : vector<1x16x32x128xf32> to vector<16x32x128xf32>
    %swap3A_3767 = vector.shape_cast %add3A_3760 : vector<16x32x128xf32> to vector<1x16x32x128xf32>
    tpu.vector_store %arg10[%swap3A_3761, %swap3A_3762, %swap3A_3763, %swap3A_3764], %swap3A_3767 {strides = array<i32>} : memref<2x16x32x128xf32, #tpu.memory_space<vmem>>, vector<1x16x32x128xf32>,
    %get3A_3768 = arith.constant 1 : index
    %get3A_3769 = arith.constant 0 : index
    %get3A_3770 = arith.constant 0 : index
    %get3A_3771 = arith.constant 0 : index
    %get3A_3772 = vector.load %arg10[%get3A_3768, %get3A_3769, %get3A_3770, %get3A_3771] : memref<2x16x32x128xf32, #tpu.memory_space<vmem>>, vector<1x16x32x128xf32>
    %get3A_3773 = vector.shape_cast %get3A_3772 : vector<1x16x32x128xf32> to vector<16x32x128xf32>
    %get3A_3774 = arith.constant 0 : index
    %get3A_3775 = arith.constant 38 : index
    %get3A_3776 = arith.constant 0 : index
    %get3A_3777 = vector.load %arg5[%get3A_3774, %get3A_3775, %get3A_3776] : memref<16x40x32xf32, #tpu.memory_space<vmem>>, vector<16x1x32xf32>
    %get3A_3778 = vector.shape_cast %get3A_3777 : vector<16x1x32xf32> to vector<16x32xf32>
    %get3A_3779 = arith.constant 0 : index
    %get3A_3780 = arith.constant 38 : index
    %get3A_3781 = arith.constant 0 : index
    %get3A_3782 = vector.load %arg6[%get3A_3779, %get3A_3780, %get3A_3781] : memref<16x40x128xf32, #tpu.memory_space<vmem>>, vector<16x1x128xf32>
    %get3A_3783 = vector.shape_cast %get3A_3782 : vector<16x1x128xf32> to vector<16x128xf32>
    %get3A_3784 = arith.constant 0 : index
    %get3A_3785 = arith.constant 38 : index
    %get3A_3786 = arith.constant 0 : index
    %get3A_3787 = vector.load %arg7[%get3A_3784, %get3A_3785, %get3A_3786] : memref<16x40x128xf32, #tpu.memory_space<vmem>>, vector<16x1x128xf32>
    %get3A_3788 = vector.shape_cast %get3A_3787 : vector<16x1x128xf32> to vector<16x128xf32>
    %broadcast_in_dim3A_3789 = vector.shape_cast %get3A_3778 : vector<16x32xf32> to vector<16x32x1xf32>
    %mul3A_3790 = vector.broadcast %broadcast_in_dim3A_3789 : vector<16x32x1xf32> to vector<16x32x128xf32>
    %mul3A_3791 = arith.mulf %get3A_3773, %mul3A_3790 : vector<16x32x128xf32>
    %reduce_sum3A_3792 = arith.constant dense<0.000000e+00> : vector<16x128xf32>
    %reduce_sum3A_3793 = vector.multi_reduction <add>, %mul3A_3791, %reduce_sum3A_3792 [1] : vector<16x32x128xf32> to vector<16x128xf32>
    %swap3A_3794 = arith.constant 0 : index
    %swap3A_3795 = arith.constant 38 : index
    %swap3A_3796 = arith.constant 0 : index
    %swap3A_3797 = vector.load %arg9[%swap3A_3794, %swap3A_3795, %swap3A_3796] : memref<16x40x128xf32, #tpu.memory_space<vmem>>, vector<16x1x128xf32>
    %swap3A_3798 = vector.shape_cast %swap3A_3797 : vector<16x1x128xf32> to vector<16x128xf32>
    %swap3A_3799 = vector.shape_cast %reduce_sum3A_3793 : vector<16x128xf32> to vector<16x1x128xf32>
    tpu.vector_store %arg9[%swap3A_3794, %swap3A_3795, %swap3A_3796], %swap3A_3799 {strides = array<i32>} : memref<16x40x128xf32, #tpu.memory_space<vmem>>, vector<16x1x128xf32>,
    %broadcast_in_dim3A_3800 = vector.shape_cast %get3A_3783 : vector<16x128xf32> to vector<16x1x128xf32>
    %mul3A_3801 = vector.broadcast %broadcast_in_dim3A_3800 : vector<16x1x128xf32> to vector<16x32x128xf32>
    %mul3A_3802 = arith.mulf %mul3A_3791, %mul3A_3801 : vector<16x32x128xf32>
    %sub3A_3803 = arith.subf %get3A_3773, %mul3A_3802 : vector<16x32x128xf32>
    %broadcast_in_dim3A_3804 = vector.shape_cast %get3A_3778 : vector<16x32xf32> to vector<16x32x1xf32>
    %broadcast_in_dim3A_3805 = vector.shape_cast %get3A_3788 : vector<16x128xf32> to vector<16x1x128xf32>
    %mul3A_3806 = vector.broadcast %broadcast_in_dim3A_3804 : vector<16x32x1xf32> to vector<16x32x128xf32>
    %mul3A_3807 = vector.broadcast %broadcast_in_dim3A_3805 : vector<16x1x128xf32> to vector<16x32x128xf32>
    %mul3A_3808 = arith.mulf %mul3A_3806, %mul3A_3807 : vector<16x32x128xf32>
    %add3A_3809 = arith.addf %sub3A_3803, %mul3A_3808 : vector<16x32x128xf32>
    %swap3A_3810 = arith.constant 1 : index
    %swap3A_3811 = arith.constant 0 : index
    %swap3A_3812 = arith.constant 0 : index
    %swap3A_3813 = arith.constant 0 : index
    %swap3A_3814 = vector.load %arg10[%swap3A_3810, %swap3A_3811, %swap3A_3812, %swap3A_3813] : memref<2x16x32x128xf32, #tpu.memory_space<vmem>>, vector<1x16x32x128xf32>
    %swap3A_3815 = vector.shape_cast %swap3A_3814 : vector<1x16x32x128xf32> to vector<16x32x128xf32>
    %swap3A_3816 = vector.shape_cast %add3A_3809 : vector<16x32x128xf32> to vector<1x16x32x128xf32>
    tpu.vector_store %arg10[%swap3A_3810, %swap3A_3811, %swap3A_3812, %swap3A_3813], %swap3A_3816 {strides = array<i32>} : memref<2x16x32x128xf32, #tpu.memory_space<vmem>>, vector<1x16x32x128xf32>,
    %get3A_3817 = arith.constant 0 : index
    %get3A_3818 = arith.constant 0 : index
    %get3A_3819 = arith.constant 0 : index
    %get3A_3820 = arith.constant 0 : index
    %get3A_3821 = vector.load %arg10[%get3A_3817, %get3A_3818, %get3A_3819, %get3A_3820] : memref<2x16x32x128xf32, #tpu.memory_space<vmem>>, vector<1x16x32x128xf32>
    %get3A_3822 = vector.shape_cast %get3A_3821 : vector<1x16x32x128xf32> to vector<16x32x128xf32>
    %get3A_3823 = arith.constant 0 : index
    %get3A_3824 = arith.constant 39 : index
    %get3A_3825 = arith.constant 0 : index
    %get3A_3826 = vector.load %arg2[%get3A_3823, %get3A_3824, %get3A_3825] : memref<16x40x32xf32, #tpu.memory_space<vmem>>, vector<16x1x32xf32>
    %get3A_3827 = vector.shape_cast %get3A_3826 : vector<16x1x32xf32> to vector<16x32xf32>
    %get3A_3828 = arith.constant 0 : index
    %get3A_3829 = arith.constant 39 : index
    %get3A_3830 = arith.constant 0 : index
    %get3A_3831 = vector.load %arg3[%get3A_3828, %get3A_3829, %get3A_3830] : memref<16x40x128xf32, #tpu.memory_space<vmem>>, vector<16x1x128xf32>
    %get3A_3832 = vector.shape_cast %get3A_3831 : vector<16x1x128xf32> to vector<16x128xf32>
    %get3A_3833 = arith.constant 0 : index
    %get3A_3834 = arith.constant 39 : index
    %get3A_3835 = arith.constant 0 : index
    %get3A_3836 = vector.load %arg4[%get3A_3833, %get3A_3834, %get3A_3835] : memref<16x40x128xf32, #tpu.memory_space<vmem>>, vector<16x1x128xf32>
    %get3A_3837 = vector.shape_cast %get3A_3836 : vector<16x1x128xf32> to vector<16x128xf32>
    %broadcast_in_dim3A_3838 = vector.shape_cast %get3A_3827 : vector<16x32xf32> to vector<16x32x1xf32>
    %mul3A_3839 = vector.broadcast %broadcast_in_dim3A_3838 : vector<16x32x1xf32> to vector<16x32x128xf32>
    %mul3A_3840 = arith.mulf %get3A_3822, %mul3A_3839 : vector<16x32x128xf32>
    %reduce_sum3A_3841 = arith.constant dense<0.000000e+00> : vector<16x128xf32>
    %reduce_sum3A_3842 = vector.multi_reduction <add>, %mul3A_3840, %reduce_sum3A_3841 [1] : vector<16x32x128xf32> to vector<16x128xf32>
    %swap3A_3843 = arith.constant 0 : index
    %swap3A_3844 = arith.constant 39 : index
    %swap3A_3845 = arith.constant 0 : index
    %swap3A_3846 = vector.load %arg8[%swap3A_3843, %swap3A_3844, %swap3A_3845] : memref<16x40x128xf32, #tpu.memory_space<vmem>>, vector<16x1x128xf32>
    %swap3A_3847 = vector.shape_cast %swap3A_3846 : vector<16x1x128xf32> to vector<16x128xf32>
    %swap3A_3848 = vector.shape_cast %reduce_sum3A_3842 : vector<16x128xf32> to vector<16x1x128xf32>
    tpu.vector_store %arg8[%swap3A_3843, %swap3A_3844, %swap3A_3845], %swap3A_3848 {strides = array<i32>} : memref<16x40x128xf32, #tpu.memory_space<vmem>>, vector<16x1x128xf32>,
    %broadcast_in_dim3A_3849 = vector.shape_cast %get3A_3832 : vector<16x128xf32> to vector<16x1x128xf32>
    %mul3A_3850 = vector.broadcast %broadcast_in_dim3A_3849 : vector<16x1x128xf32> to vector<16x32x128xf32>
    %mul3A_3851 = arith.mulf %mul3A_3840, %mul3A_3850 : vector<16x32x128xf32>
    %sub3A_3852 = arith.subf %get3A_3822, %mul3A_3851 : vector<16x32x128xf32>
    %broadcast_in_dim3A_3853 = vector.shape_cast %get3A_3827 : vector<16x32xf32> to vector<16x32x1xf32>
    %broadcast_in_dim3A_3854 = vector.shape_cast %get3A_3837 : vector<16x128xf32> to vector<16x1x128xf32>
    %mul3A_3855 = vector.broadcast %broadcast_in_dim3A_3853 : vector<16x32x1xf32> to vector<16x32x128xf32>
    %mul3A_3856 = vector.broadcast %broadcast_in_dim3A_3854 : vector<16x1x128xf32> to vector<16x32x128xf32>
    %mul3A_3857 = arith.mulf %mul3A_3855, %mul3A_3856 : vector<16x32x128xf32>
    %add3A_3858 = arith.addf %sub3A_3852, %mul3A_3857 : vector<16x32x128xf32>
    %swap3A_3859 = arith.constant 0 : index
    %swap3A_3860 = arith.constant 0 : index
    %swap3A_3861 = arith.constant 0 : index
    %swap3A_3862 = arith.constant 0 : index
    %swap3A_3863 = vector.load %arg10[%swap3A_3859, %swap3A_3860, %swap3A_3861, %swap3A_3862] : memref<2x16x32x128xf32, #tpu.memory_space<vmem>>, vector<1x16x32x128xf32>
    %swap3A_3864 = vector.shape_cast %swap3A_3863 : vector<1x16x32x128xf32> to vector<16x32x128xf32>
    %swap3A_3865 = vector.shape_cast %add3A_3858 : vector<16x32x128xf32> to vector<1x16x32x128xf32>
    tpu.vector_store %arg10[%swap3A_3859, %swap3A_3860, %swap3A_3861, %swap3A_3862], %swap3A_3865 {strides = array<i32>} : memref<2x16x32x128xf32, #tpu.memory_space<vmem>>, vector<1x16x32x128xf32>,
    %get3A_3866 = arith.constant 1 : index
    %get3A_3867 = arith.constant 0 : index
    %get3A_3868 = arith.constant 0 : index
    %get3A_3869 = arith.constant 0 : index
    %get3A_3870 = vector.load %arg10[%get3A_3866, %get3A_3867, %get3A_3868, %get3A_3869] : memref<2x16x32x128xf32, #tpu.memory_space<vmem>>, vector<1x16x32x128xf32>
    %get3A_3871 = vector.shape_cast %get3A_3870 : vector<1x16x32x128xf32> to vector<16x32x128xf32>
    %get3A_3872 = arith.constant 0 : index
    %get3A_3873 = arith.constant 39 : index
    %get3A_3874 = arith.constant 0 : index
    %get3A_3875 = vector.load %arg5[%get3A_3872, %get3A_3873, %get3A_3874] : memref<16x40x32xf32, #tpu.memory_space<vmem>>, vector<16x1x32xf32>
    %get3A_3876 = vector.shape_cast %get3A_3875 : vector<16x1x32xf32> to vector<16x32xf32>
    %get3A_3877 = arith.constant 0 : index
    %get3A_3878 = arith.constant 39 : index
    %get3A_3879 = arith.constant 0 : index
    %get3A_3880 = vector.load %arg6[%get3A_3877, %get3A_3878, %get3A_3879] : memref<16x40x128xf32, #tpu.memory_space<vmem>>, vector<16x1x128xf32>
    %get3A_3881 = vector.shape_cast %get3A_3880 : vector<16x1x128xf32> to vector<16x128xf32>
    %get3A_3882 = arith.constant 0 : index
    %get3A_3883 = arith.constant 39 : index
    %get3A_3884 = arith.constant 0 : index
    %get3A_3885 = vector.load %arg7[%get3A_3882, %get3A_3883, %get3A_3884] : memref<16x40x128xf32, #tpu.memory_space<vmem>>, vector<16x1x128xf32>
    %get3A_3886 = vector.shape_cast %get3A_3885 : vector<16x1x128xf32> to vector<16x128xf32>
    %broadcast_in_dim3A_3887 = vector.shape_cast %get3A_3876 : vector<16x32xf32> to vector<16x32x1xf32>
    %mul3A_3888 = vector.broadcast %broadcast_in_dim3A_3887 : vector<16x32x1xf32> to vector<16x32x128xf32>
    %mul3A_3889 = arith.mulf %get3A_3871, %mul3A_3888 : vector<16x32x128xf32>
    %reduce_sum3A_3890 = arith.constant dense<0.000000e+00> : vector<16x128xf32>
    %reduce_sum3A_3891 = vector.multi_reduction <add>, %mul3A_3889, %reduce_sum3A_3890 [1] : vector<16x32x128xf32> to vector<16x128xf32>
    %swap3A_3892 = arith.constant 0 : index
    %swap3A_3893 = arith.constant 39 : index
    %swap3A_3894 = arith.constant 0 : index
    %swap3A_3895 = vector.load %arg9[%swap3A_3892, %swap3A_3893, %swap3A_3894] : memref<16x40x128xf32, #tpu.memory_space<vmem>>, vector<16x1x128xf32>
    %swap3A_3896 = vector.shape_cast %swap3A_3895 : vector<16x1x128xf32> to vector<16x128xf32>
    %swap3A_3897 = vector.shape_cast %reduce_sum3A_3891 : vector<16x128xf32> to vector<16x1x128xf32>
    tpu.vector_store %arg9[%swap3A_3892, %swap3A_3893, %swap3A_3894], %swap3A_3897 {strides = array<i32>} : memref<16x40x128xf32, #tpu.memory_space<vmem>>, vector<16x1x128xf32>,
    %broadcast_in_dim3A_3898 = vector.shape_cast %get3A_3881 : vector<16x128xf32> to vector<16x1x128xf32>
    %mul3A_3899 = vector.broadcast %broadcast_in_dim3A_3898 : vector<16x1x128xf32> to vector<16x32x128xf32>
    %mul3A_3900 = arith.mulf %mul3A_3889, %mul3A_3899 : vector<16x32x128xf32>
    %sub3A_3901 = arith.subf %get3A_3871, %mul3A_3900 : vector<16x32x128xf32>
    %broadcast_in_dim3A_3902 = vector.shape_cast %get3A_3876 : vector<16x32xf32> to vector<16x32x1xf32>
    %broadcast_in_dim3A_3903 = vector.shape_cast %get3A_3886 : vector<16x128xf32> to vector<16x1x128xf32>
    %mul3A_3904 = vector.broadcast %broadcast_in_dim3A_3902 : vector<16x32x1xf32> to vector<16x32x128xf32>
    %mul3A_3905 = vector.broadcast %broadcast_in_dim3A_3903 : vector<16x1x128xf32> to vector<16x32x128xf32>
    %mul3A_3906 = arith.mulf %mul3A_3904, %mul3A_3905 : vector<16x32x128xf32>
    %add3A_3907 = arith.addf %sub3A_3901, %mul3A_3906 : vector<16x32x128xf32>
    %swap3A_3908 = arith.constant 1 : index
    %swap3A_3909 = arith.constant 0 : index
    %swap3A_3910 = arith.constant 0 : index
    %swap3A_3911 = arith.constant 0 : index
    %swap3A_3912 = vector.load %arg10[%swap3A_3908, %swap3A_3909, %swap3A_3910, %swap3A_3911] : memref<2x16x32x128xf32, #tpu.memory_space<vmem>>, vector<1x16x32x128xf32>
    %swap3A_3913 = vector.shape_cast %swap3A_3912 : vector<1x16x32x128xf32> to vector<16x32x128xf32>
    %swap3A_3914 = vector.shape_cast %add3A_3907 : vector<16x32x128xf32> to vector<1x16x32x128xf32>
    tpu.vector_store %arg10[%swap3A_3908, %swap3A_3909, %swap3A_3910, %swap3A_3911], %swap3A_3914 {strides = array<i32>} : memref<2x16x32x128xf32, #tpu.memory_space<vmem>>, vector<1x16x32x128xf32>,
    return
  }
  func.func @transform_0(%arg0: i32) -> (i32, i32) {
    %c0_i32 = arith.constant 0 : i32
    %c0_i32_0 = arith.constant 0 : i32
    %c0_i32_1 = arith.constant 0 : i32
    return %c0_i32, %c0_i32_0 : i32, i32
  }
  func.func @transform_1(%arg0: i32) -> (i32, i32, i32) {
    %c0_i32 = arith.constant 0 : i32
    %c0_i32_0 = arith.constant 0 : i32
    %c0_i32_1 = arith.constant 0 : i32
    return %c0_i32, %arg0, %c0_i32_0 : i32, i32, i32
  }
  func.func @transform_2(%arg0: i32) -> (i32, i32, i32) {
    %c0_i32 = arith.constant 0 : i32
    %c0_i32_0 = arith.constant 0 : i32
    %c0_i32_1 = arith.constant 0 : i32
    return %c0_i32, %arg0, %c0_i32_0 : i32, i32, i32
  }
  func.func @transform_3(%arg0: i32) -> (i32, i32, i32) {
    %c0_i32 = arith.constant 0 : i32
    %c0_i32_0 = arith.constant 0 : i32
    %c0_i32_1 = arith.constant 0 : i32
    return %c0_i32, %arg0, %c0_i32_0 : i32, i32, i32
  }
  func.func @transform_4(%arg0: i32) -> (i32, i32, i32) {
    %c0_i32 = arith.constant 0 : i32
    %c0_i32_0 = arith.constant 0 : i32
    %c0_i32_1 = arith.constant 0 : i32
    return %c0_i32, %arg0, %c0_i32_0 : i32, i32, i32
  }
  func.func @transform_5(%arg0: i32) -> (i32, i32, i32) {
    %c0_i32 = arith.constant 0 : i32
    %c0_i32_0 = arith.constant 0 : i32
    %c0_i32_1 = arith.constant 0 : i32
    return %c0_i32, %arg0, %c0_i32_0 : i32, i32, i32
  }
  func.func @transform_6(%arg0: i32) -> (i32, i32, i32) {
    %c0_i32 = arith.constant 0 : i32
    %c0_i32_0 = arith.constant 0 : i32
    %c0_i32_1 = arith.constant 0 : i32
    return %c0_i32, %arg0, %c0_i32_0 : i32, i32, i32
  }
  func.func @transform_7(%arg0: i32) -> (i32, i32, i32) {
    %c0_i32 = arith.constant 0 : i32
    %c0_i32_0 = arith.constant 0 : i32
    %c0_i32_1 = arith.constant 0 : i32
    return %c0_i32, %arg0, %c0_i32_0 : i32, i32, i32
  }
  func.func @transform_8(%arg0: i32) -> (i32, i32, i32) {
    %c0_i32 = arith.constant 0 : i32
    %c0_i32_0 = arith.constant 0 : i32
    %c0_i32_1 = arith.constant 0 : i32
    return %c0_i32, %arg0, %c0_i32_0 : i32, i32, i32
  }
}

</mosaic_0001>

<sc_bundles>
// kernel: kernel.10.cloned.1.call-start
scs
__scs_entry_jumppad:
0x0: {  	(pc) =	sbr.rel $0x88, $3  }
0x1: {  	(tag) =	ssettag $0x0;
	lr =	simm.s32 $0x1  }
0x2: {  	[smem:$0x3F76] =	sst lr;
	_ =	strace $0xD0000000  }
0x3: {  	_ = 	snop  }
0x4: {  	_ = 	snop  }
0x5: {  	_ = 	snop  }
0x6: {  	_ = 	snop  }
0x7: {  	_ = 	snop  }
__scs_overlays_trampoline_lowered:
0x8: {  	[smem:$0x3F85] =	sst s0  }
0x9: {  	[smem:$0x3F86] =	sst s1  }
0xa: {  	[smem:$0x3F87] =	sst s2  }
0xb: {  	[smem:$0x3F88] =	sst s3  }
0xc: {  	[smem:$0x3F89] =	sst s4  }
0xd: {  	[smem:$0x3F8A] =	sst s5  }
0xe: {  	[smem:$0x3F8B] =	sst s6  }
0xf: {  	[smem:$0x3F8C] =	sst s7  }
0x10: {  	[smem:$0x3F8D] =	sst s8  }
0x11: {  	[smem:$0x3F8E] =	sst s9;
	s0 =	simm.s32 @!p0 $0x0  }
0x12: {  	s1 =	sld [smem:$0x3F74];
	s0 =	simm.s32 @p0 $0x1  }
0x13: {  	[smem:$0x3F8F] =	sst s0;
	s0 =	simm.s32 @!p1 $0x0  }
0x14: {  	s2 =	sld [smem:$0x3F73];
	s0 =	simm.s32 @p1 $0x1  }
0x15: {  	[smem:$0x3F90] =	sst s0;
	s0 =	simm.s32 @!p2 $0x0  }
0x16: {  	s3 =	sld [smem:$0x3FDB];
	s0 =	simm.s32 @p2 $0x1  }
0x17: {  	s4 =	simm.s32 $0x1BF5;
	[smem:$0x3F92] =	sst s0  }
0x18: {  	s0 =	sld [smem:$0x3F75];
	_ =	swait.ge [sflag:s4], $0x0  }
0x19: {  	s7 =	sld [smem:$0x3F76]  }
0x1a: {  	s8 =	sadd.s32 $0xFFFFE003, lr  }
0x1b: {  	s9 =	sadd.s32 $0xFFFFFEF7, lr;
	s5 =	simm.s32 $0xFFFFFFFF;
	p2 =	slt.u32 s8, $0xFFFFF086  }
0x1c: {  	p1 =	slt.u32 s9, $0xF7A;
	s5 =	simm.s32 @!p2 $0x0  }
0x1d: {  	s5 =	simm.s32 @p1 $0x1;
	p0 =	seq.s32 s7, s2  }
0x1e: {  	s7 =	smul.u32 @!p0 $0xF7A, s2;
	p2 =	seq.s32 @!p0 s5, $0x0  }
0x1f: {  	s9 =	smul.u32 $0xF7A, s1;
	s8 =	simm.s32 @!p0 $0x1BF5;
	p2 =	por !p2, p0  }
0x20: {  	[sflag:s8] =	ssyncset.s32 @!p0 $0xFFFFF086;
	s6 =	sadd.s32 @!p0 s3, s7;
	s7 =	simm.s32 @!p0 $0x108  }
0x21: {  	s3 =	sadd.s32 s3, s9;
	s6 =	sadd.s32 @!p0 $0x88, s6;
	s7 =	simm.s32 @p2 $0x1082  }
0x22: {  	[simem:s7], [sflag:s8] =	dma.local @!p0 [hbm:s6], $0xF7A  }
0x23: {  	s9 =	sor.u32 $0xD0000000, s2;
	s6 =	simm.s32 $0x108;
	_ =	swait.ge @!p0 [sflag:s8], $0x0  }
0x24: {  	s3 =	sadd.s32 $0x88, s3;
	s6 =	simm.s32 @!p1 $0x1082;
	[sflag:s4] =	ssyncset.s32 $0xFFFFF086  }
0x25: {  	[simem:s6], [sflag:s4] =	dma.local [hbm:s3], $0xF7A  }
0x26: {  	[smem:$0x3F76] =	sst s1;
	(tag) =	ssettag s2;
	_ =	strace s9  }
0x27: {  	s1 =	sld [smem:$0x3F86]  }
0x28: {  	s2 =	sld [smem:$0x3F87]  }
0x29: {  	s4 =	sld [smem:$0x3F89]  }
0x2a: {  	p0 =	seq.s32 s5, $0x0;
	s5 =	sld [smem:$0x3F8A]  }
0x2b: {  	s6 =	sld [smem:$0x3F8B]  }
0x2c: {  	s7 =	sld [smem:$0x3F8C]  }
0x2d: {  	s3 =	simm.s32 $0x108;
	s8 =	sld [smem:$0x3F8D]  }
0x2e: {  	s3 =	simm.s32 @!p0 $0x1082;
	s9 =	sld [smem:$0x3F8E]  }
0x2f: {  	lr =	sadd.s32 s0, s3;
	s0 =	sld [smem:$0x3F85]  }
0x30: {  	s3 =	sld [smem:$0x3F88]  }
0x31: {  	[smem:$0x3F91] =	sst s10  }
0x32: {  	s10 =	sld [smem:$0x3F8F];
	_ =	sdelay $0x3  }
0x33: {  	p0 =	seq.s32 s10, $0x1;
	s10 =	sld [smem:$0x3F91];
	_ =	sdelay $0x3  }
0x34: {  	[smem:$0x3F91] =	sst s10  }
0x35: {  	s10 =	sld [smem:$0x3F90];
	_ =	sdelay $0x3  }
0x36: {  	p1 =	seq.s32 s10, $0x1;
	s10 =	sld [smem:$0x3F91];
	_ =	sdelay $0x3  }
0x37: {  	[smem:$0x3F91] =	sst s10  }
0x38: {  	s10 =	sld [smem:$0x3F92]  }
0x39: {  	_ = 	snop;
	(pc) =	sbr.ind lr, $3  }
0x3a: {  	_ = 	snop  }
0x3b: {  	_ = 	snop  }
0x3c: {  	p2 =	seq.s32 s10, $0x1;
	s10 =	sld [smem:$0x3F91]  }
0x3d: {  	_ =	shalt  }
0x3e: {  	_ =	shalt  }
0x3f: {  	_ =	shalt  }
0x40: {  	_ =	shalt  }
0x41: {  	_ =	shalt  }
0x42: {  	_ =	shalt  }
0x43: {  	_ =	shalt  }
0x44: {  	_ =	shalt  }
0x45: {  	_ =	shalt  }
0x46: {  	_ =	shalt  }
0x47: {  	_ =	shalt  }
0x48: {  	_ =	shalt  }
0x49: {  	_ =	shalt  }
0x4a: {  	_ =	shalt  }
0x4b: {  	_ =	shalt  }
0x4c: {  	_ =	shalt  }
0x4d: {  	_ =	shalt  }
0x4e: {  	_ =	shalt  }
0x4f: {  	_ =	shalt  }
0x50: {  	_ =	shalt  }
0x51: {  	_ =	shalt  }
0x52: {  	_ =	shalt  }
0x53: {  	_ =	shalt  }
0x54: {  	_ =	shalt  }
0x55: {  	_ =	shalt  }
0x56: {  	_ =	shalt  }
0x57: {  	_ =	shalt  }
0x58: {  	_ =	shalt  }
0x59: {  	_ =	shalt  }
0x5a: {  	_ =	shalt  }
0x5b: {  	_ =	shalt  }
0x5c: {  	_ =	shalt  }
0x5d: {  	_ =	shalt  }
0x5e: {  	_ =	shalt  }
0x5f: {  	_ =	shalt  }
0x60: {  	_ =	shalt  }
0x61: {  	_ =	shalt  }
0x62: {  	_ =	shalt  }
0x63: {  	_ =	shalt  }
0x64: {  	_ =	shalt  }
0x65: {  	_ =	shalt  }
0x66: {  	_ =	shalt  }
0x67: {  	_ =	shalt  }
0x68: {  	_ =	shalt  }
0x69: {  	_ =	shalt  }
0x6a: {  	_ =	shalt  }
0x6b: {  	_ =	shalt  }
0x6c: {  	_ =	shalt  }
0x6d: {  	_ =	shalt  }
0x6e: {  	_ =	shalt  }
0x6f: {  	_ =	shalt  }
0x70: {  	_ =	shalt  }
0x71: {  	_ =	shalt  }
0x72: {  	_ =	shalt  }
0x73: {  	_ =	shalt  }
0x74: {  	_ =	shalt  }
0x75: {  	_ =	shalt  }
0x76: {  	_ =	shalt  }
0x77: {  	_ =	shalt  }
0x78: {  	_ =	shalt  }
0x79: {  	_ =	shalt  }
0x7a: {  	_ =	shalt  }
0x7b: {  	_ =	shalt  }
0x7c: {  	_ =	shalt  }
0x7d: {  	_ =	shalt  }
0x7e: {  	_ =	shalt  }
0x7f: {  	_ =	shalt  }
0x80: {  	_ =	shalt  }
0x81: {  	_ =	shalt  }
0x82: {  	_ =	shalt  }
0x83: {  	_ =	shalt  }
0x84: {  	_ =	shalt  }
0x85: {  	_ =	shalt  }
0x86: {  	_ =	shalt  }
0x87: {  	_ =	shalt  }
.Lfunc_end0:
.L_simem_size_0:
called_computation_lowered:
.L_overlay_start_0:
0x88: {  	s2 =	sld [smem:$0x3FD9]  }
0x89: {  	s3 =	sld [smem:$0x3FFE];
	_ =	sdelay $0x1  }
0x8a: {  	s1 =	srdreg.scid  }
0x8b: {  	s0 =	sand.u32 $0x1, s1  }
0x8c: {  	s14 =	sshll.u32 s0, $0xA;
	s2 =	sadd.s32 s3, s2  }
0x8d: {  	s2 =	sadd.s32 s2, s14  }
0x8e: {  	[smem:$0x3F9D] =	sst s2  }
0x8f: {  	_ = 	snop  }
0x90: {  	s2 =	sld [smem:$0x3FD0];
	_ =	sdelay $0x2  }
0x91: {  	s15 =	simm.s32 $0xB;
	s4 =	simm.s32 $0x10  }
0x92: {  	[smem:s4], [sflag:s15] =	dma.local [hbm:s2], $0x1  }
0x93: {  	_ =	swait.eq [sflag:s15], $0x1  }
0x94: {  	[sflag:s15] =	ssyncset.done $0x0  }
0x95: {  	s16 =	sld [smem:$0x10];
	[sflag:s15] =	ssyncadd.s32 $0xFFFFFFFF  }
0x96: {  	s17 =	sld [smem:$0x11];
	(tm) =	ssettm $0x1  }
0x97: {  	s18 =	sld [smem:$0x3FFB];
	_ =	sdelay $0x3  }
0x98: {  	_ =	strace s18  }
0x99: {  	s4 =	sld [smem:$0x3FFC];
	_ =	sdelay $0x3  }
0x9a: {  	_ =	strace s4  }
0x9b: {  	s4 =	sld [smem:$0x3FFD];
	_ =	sdelay $0x3  }
0x9c: {  	_ =	strace s4  }
0x9d: {  	_ =	strace $0x8FFFFFFF  }
0x9e: {  	s19 =	sld [smem:$0x3FDB];
	_ =	sdelay $0x1  }
0x9f: {  	s5 =	simm.s32 $_scs_section_size  }
0xa0: {  	s6 =	simm.s32 $_size__tile_overlayer_lowered;
	s7 =	simm.s32 $_tile_overlayer_lowered  }
0xa1: {  	s22 =	simm.s32 $0x1BFF;
	s21 =	sshll.u32 s7, $0x1;
	s4 =	sadd.s32 s5, s19  }
0xa2: {  	s8 =	simm.s32 $0x0;
	s20 =	sshll.u32 s6, $0x1;
	s6 =	sadd.s32 s21, s4  }
0xa3: {  	[timem:s8], [sflag:s22] =	dma.local [hbm:s6], s20  }
0xa4: {  	_ =	swait.ge [sflag:s22], s20  }
0xa5: {  	s5 =	ssub.s32 $0x0, s20;
	[sflag:s22] =	ssyncset.done $0x0  }
0xa6: {  	[sflag:s22] =	ssyncadd.s32 s5;
	_ =	sdelay $0x1  }
0xa7: {  	s23 =	simm.s32 $0x1B8B  }
0xa8: {  	_ =	swait.ge [sflag:s23], $0x1  }
0xa9: {  	[sflag:s23] =	ssyncset.done $0x0  }
0xaa: {  	s25 =	simm.s32 $0x1B8E;
	s24 =	sld [smem:$0x3FFE];
	[sflag:s23] =	ssyncadd.s32 $0xFFFFFFFF  }
0xab: {  	s26 =	simm.s32 $execute0_lowered;
	[smem:$0x3FD2] =	sst s25  }
0xac: {  	s6 =	sshll.u32 s26, $0x1;
	_ =	strace $0x80000046;
	[dreg:$0x1] =	wrdreg $0xFFFFFFFF  }
0xad: {  	s28 =	simm.s32 $_size_execute0_lowered;
	s4 =	sadd.s32 s4, s6;
	[dreg:$0x0] =	wrdreg $0x0  }
0xae: {  	s6 =	sshll.u32 s28, $0x1;
	[dreg:$0x2] =	wrdreg s4  }
0xaf: {  	[dreg:$0x3] =	wrdreg s6  }
0xb0: {  	[dreg:$0x4] =	wrdreg $0xC0  }
0xb1: {  	_ =	task [dreg:s8], $0x5FFFF  }
0xb2: {  	[dreg:$0x1] =	wrdreg $0xFFFFFFFF  }
0xb3: {  	[dreg:$0x0] =	wrdreg $0x60  }
0xb4: {  	[dreg:$0x2] =	wrdreg s24  }
0xb5: {  	[dreg:$0x3] =	wrdreg s17  }
0xb6: {  	[dreg:$0x4] =	wrdreg s16  }
0xb7: {  	[dreg:$0x5] =	wrdreg $0x9  }
0xb8: {  	_ =	task.clear_ibuf [dreg:s8], $0x6FFFF;
	_ =	strace $0x90000046  }
0xb9: {  	s29 =	simm.s32 $0x9;
	_ =	strace $0x80000048  }
0xba: {  	_ =	swait.ge [sflag:s29], $0x1  }
0xbb: {  	[sflag:s29] =	ssyncadd.s32 $0xFFFFFFFF  }
0xbc: {  	_ =	strace $0x90000048  }
0xbd: {  	_ =	sfence  }
0xbe: {  	s30 =	sld [smem:$0x0];
	_ =	sdelay $0x2  }
0xbf: {  	s31 =	sshll.u32 s1, $0xD;
	s1 =	sshrl.u32 s1, $0x2  }
0xc0: {  	s3 =	sand.u32 $0x4000, s31;
	s1 =	sadd.s32 s1, s30  }
0xc1: {  	s0 =	sor.u32 s3, s0;
	s1 =	sshll.u32 s1, $0x11  }
0xc2: {  	s0 =	sor.u32 s1, s0  }
0xc3: {  	s0 =	sadd.s32 $0x8F2B, s0  }
0xc4: {  	[sflag:s0] =	ssyncadd.remote.s32 $0x1  }
0xc5: {  	_ =	sfence.sel $0xFFFF  }
0xc6: {  	[dreg:$0x0] =	wrdreg $0xFFFFFFFF;
	(pc) =	sbr.abs _section_cstart, $3  }
0xc7: {  	[dreg:$0x1] =	wrdreg $0xFFFFFFFF  }
0xc8: {  	_ =	task.clear_ibuf [dreg:s8], $0x2FFFF;
	_ =	strace $0x9FFFFFFF  }
0xc9: {  	(tm) =	ssettm $0x7FFFFFFF  }
tec
execute0_lowered:
.L_overlay_start_1:
0x0: {  	(tag) =	ssettag $0x1  }
0x1: {  	s1 =	rddreg [dreg:$0x0];
	s2 =	srdreg.scid  }
0x2: {  	s0 =	stileid.u32;
	s4 =	rddreg [dreg:$0x1]  }
0x3: {  	s6 =	rddreg [dreg:$0x2];
	s22 =	simm.s32 $0x68;
	s23 =	simm.s32 $0x3480  }
0x4: {  	s24 =	simm.s32 $0x3D00;
	s25 =	simm.s32 $0x4100;
	s26 =	simm.s32 $0x4900  }
0x5: {  	s11 =	simm.s32 $0x5500;
	s12 =	simm.s32 $0x5900;
	s13 =	simm.s32 $0x6100  }
0x6: {  	s14 =	simm.s32 $0x6500;
	s15 =	simm.s32 $0x6D00;
	s16 =	simm.s32 $0x7100  }
0x7: {  	s28 =	simm.s32 $0xB500;
	s29 =	simm.s32 $0xB900;
	s30 =	simm.s32 $0xC100  }
0x8: {  	s31 =	simm.s32 $0xC500;
	s5 =	sand.u32 $0x1, s2;
	s2 =	simm.s32 $0x0  }
0x9: {  	s17 =	sshll.u32 s0, $0x1;
	s9 =	sadd.s32 $0x5800, s1;
	[smem:$0x7FF] =	sst s2  }
0xa: {  	s3 =	sor.u32 s5, s17;
	_ =	strace $0x80000047;
	[dreg:$0x4] =	wrdreg s9  }
0xb: {  	s5 =	ssub.s32 $0x2, s5;
	s7 =	smul.u32 $0x680, s3;
	[dreg:$0x9] =	wrdreg s22  }
0xc: {  	s17 =	simm.s32 $0x7900;
	s8 =	smul.u32 $0x1380, s3;
	[dreg:$0xa] =	wrdreg s23  }
0xd: {  	s10 =	smul.u32 $0xD, s3;
	s3 =	sadd.s32 $0x15400, s1;
	[dreg:$0xb] =	wrdreg s24  }
0xe: {  	s19 =	sshrl.u32 s5, $0x1;
	[dreg:$0xc] =	wrdreg s25;
	s9 =	simm.s32 $0x3500  }
0xf: {  	[dreg:$0xd] =	wrdreg s26;
	s22 =	simm.s32 $0x9500;
	s23 =	simm.s32 $0x9D00  }
0x10: {  	s24 =	simm.s32 $0xA100;
	s25 =	simm.s32 $0xA900;
	s26 =	simm.s32 $0xAD00  }
0x11: {  	s5 =	ssub.s32 s5, s19;
	s19 =	simm.s32 $0x8500;
	s7 =	sadd.s32 s7, s1  }
0x12: {  	s8 =	sadd.s32 s8, s1;
	s4 =	sadd.s32 s4, s10;
	s20 =	sadd.s32 s6, s10  }
0x13: {  	s5 =	smax.u32 s5, $0x1;
	s6 =	simm.s32 $0x2;
	[dreg:$0x5] =	wrdreg s4  }
0x14: {  	s18 =	sadd.s32 $0x2CC00, s7;
	[dreg:$0x7] =	wrdreg s20;
	s21 =	sadd.s32 $0x39C00, s8  }
0x15: {  	v2 =	vlaneseq.u32;
	s4 =	sadd.s32 $0x15500, s1;
	s7 =	simm.s32 $0x80;
	s8 =	simm.s32 $0x1  }
0x16: {  	vm0 =	vmmov $0xffff;
	vm1 =	vmmov $0xff;
	v1 =	vshrl.u32 v2, $0x3;
	s20 =	simm.s32 $0x8900;
	s1 =	simm.s32 $0xCD00;
	[dreg:$0x6] =	wrdreg s18  }
0x17: {  	v0 =	vand.u32 $0x7, v2;
	v2 =	vor.u32 $0x8, v2;
	v1 =	vmul.u32 $0x8, v1;
	[dreg:$0x8] =	wrdreg s21;
	s18 =	simm.s32 $0x7D00;
	s21 =	simm.s32 $0x9100  }
.LBB2_1:
0x18: {  	s0 =	rddreg [dreg:$0x5]  }
0x19: {  	[tilespmem:s2], [sflag:$0x2] =	stream.linear.gather [hbm4b:s0+s2], $0x68, $0x38;
	[tilespmem:$0xD100] =	vst v63  }
0x1a: {  	_ =	swait.ge [sflag:s6], $0x68  }
0x1b: {  	s0 =	rddreg [dreg:$0x4];
	[sflag:s6] =	ssyncset.done $0x0  }
0x1c: {  	s10 =	rddreg [dreg:$0x9];
	[sflag:s6] =	ssyncadd.s32 $0xFFFFFF98  }
0x1d: {  	[tilespmem:s7], [sflag:$0x1] =	stream.indirect.gather [hbm4b:s0+s10], $0x80, s2, s10, $0xb8;
	[tilespmem:$0xD100] =	vst v63  }
0x1e: {  	_ =	swait.ge [sflag:s8], $0x3400  }
0x1f: {  	[sflag:s8] =	ssyncset.done $0x0  }
0x20: {  	s10 =	rddreg [dreg:$0x6];
	[sflag:s8] =	ssyncadd.s32 $0xFFFFCC00  }
0x21: {  	[hbm4b:s10+s2] =	stream.linear.scatter [tilespmem:s7], [sflag:$0x2], $0x3400, $0x38;
	[tilespmem:$0xD100] =	vst v63  }
0x22: {  	_ =	swait.ge [sflag:s6], $0x3400  }
0x23: {  	s0 =	rddreg [dreg:$0x7];
	[sflag:s6] =	ssyncset.done $0x0  }
0x24: {  	s10 =	rddreg [dreg:$0xa];
	[sflag:s6] =	ssyncadd.s32 $0xFFFFCC00  }
0x25: {  	[tilespmem:s10], [sflag:$0x2] =	stream.linear.gather [hbm4b:s0+s2], $0x68, $0x38;
	[tilespmem:$0xD100] =	vst v63  }
0x26: {  	_ =	swait.ge [sflag:s6], $0x68  }
0x27: {  	[sflag:s6] =	ssyncset.done $0x0  }
0x28: {  	[sflag:s6] =	ssyncadd.s32 $0xFFFFFF98  }
0x29: {  	v3 =	vld [tilespmem:$0x3480];
	_ =	sdelay $0x4  }
0x2a: {  	v4 =	vshrl.u32 v3, $0x3  }
0x2b: {  	v4 =	vmul.u32 $0x18, v4  }
0x2c: {  	v3 =	vand.u32 $0x7, v3  }
0x2d: {  	v3 =	vor.u32 v3, v4  }
0x2e: {  	v4 =	vperm.xlane v3, v0;
	_ =	sdelay $0x1  }
0x2f: {  	v4 =	vadd.s32 v1, v4;
	_ =	sdelay $0x1  }
0x30: {  	v3 =	vperm.xlane v3, v2;
	_ =	sdelay $0x1  }
0x31: {  	v3 =	vadd.s32 v1, v3  }
0x32: {  	[tilespmem:s9], [sflag:$0x1] =	stream.indirect_vreg.gather [hbm4b:s3+s2], $0x80, v4, vm0, $0xb8;
	[tilespmem:$0xD100] =	vst v63  }
0x33: {  	s0 =	rddreg [dreg:$0xb]  }
0x34: {  	[tilespmem:s0], [sflag:$0x1] =	stream.indirect_vreg.gather [hbm4b:s4+s2], $0x80, v4, vm1, $0xb8;
	[tilespmem:$0xD100] =	vst v63  }
0x35: {  	s10 =	rddreg [dreg:$0xc]  }
0x36: {  	[tilespmem:s10], [sflag:$0x1] =	stream.indirect_vreg.gather [hbm4b:s3+s2], $0x80, v3, vm0, $0xb8;
	[tilespmem:$0xD100] =	vst v63  }
0x37: {  	s0 =	rddreg [dreg:$0xd]  }
0x38: {  	[tilespmem:s0], [sflag:$0x1] =	stream.indirect_vreg.gather [hbm4b:s4+s2], $0x80, v3, vm1, $0xb8;
	[tilespmem:$0xD100] =	vst v63  }
0x39: {  	v3 =	vld [tilespmem:$0x3490];
	_ =	sdelay $0x4  }
0x3a: {  	v58 =	vshrl.u32 v3, $0x3  }
0x3b: {  	v4 =	vmul.u32 $0x18, v58  }
0x3c: {  	v3 =	vand.u32 $0x7, v3  }
0x3d: {  	v3 =	vor.u32 v3, v4  }
0x3e: {  	v4 =	vperm.xlane v3, v0;
	_ =	sdelay $0x1  }
0x3f: {  	v4 =	vadd.s32 v1, v4;
	_ =	sdelay $0x1  }
0x40: {  	v3 =	vperm.xlane v3, v2;
	_ =	sdelay $0x1  }
0x41: {  	s10 =	simm.s32 $0x4D00;
	v3 =	vadd.s32 v1, v3  }
0x42: {  	[tilespmem:s10], [sflag:$0x1] =	stream.indirect_vreg.gather [hbm4b:s3+s2], $0x80, v4, vm0, $0xb8;
	[tilespmem:$0xD100] =	vst v63  }
0x43: {  	_ = 	snop  }
0x44: {  	[tilespmem:s11], [sflag:$0x1] =	stream.indirect_vreg.gather [hbm4b:s4+s2], $0x80, v4, vm1, $0xb8;
	[tilespmem:$0xD100] =	vst v63  }
0x45: {  	_ = 	snop  }
0x46: {  	[tilespmem:s12], [sflag:$0x1] =	stream.indirect_vreg.gather [hbm4b:s3+s2], $0x80, v3, vm0, $0xb8;
	[tilespmem:$0xD100] =	vst v63  }
0x47: {  	_ = 	snop  }
0x48: {  	[tilespmem:s13], [sflag:$0x1] =	stream.indirect_vreg.gather [hbm4b:s4+s2], $0x80, v3, vm1, $0xb8;
	[tilespmem:$0xD100] =	vst v63  }
0x49: {  	v3 =	vld [tilespmem:$0x34A0];
	_ =	sdelay $0x4  }
0x4a: {  	v59 =	vshrl.u32 v3, $0x3  }
0x4b: {  	v4 =	vmul.u32 $0x18, v59  }
0x4c: {  	v3 =	vand.u32 $0x7, v3  }
0x4d: {  	v3 =	vor.u32 v3, v4  }
0x4e: {  	v4 =	vperm.xlane v3, v0;
	_ =	sdelay $0x1  }
0x4f: {  	v4 =	vadd.s32 v1, v4;
	_ =	sdelay $0x1  }
0x50: {  	v3 =	vperm.xlane v3, v2;
	_ =	sdelay $0x1  }
0x51: {  	v3 =	vadd.s32 v1, v3  }
0x52: {  	[tilespmem:s14], [sflag:$0x1] =	stream.indirect_vreg.gather [hbm4b:s3+s2], $0x80, v4, vm0, $0xb8;
	[tilespmem:$0xD100] =	vst v63  }
0x53: {  	_ = 	snop  }
0x54: {  	[tilespmem:s15], [sflag:$0x1] =	stream.indirect_vreg.gather [hbm4b:s4+s2], $0x80, v4, vm1, $0xb8;
	[tilespmem:$0xD100] =	vst v63  }
0x55: {  	_ = 	snop  }
0x56: {  	[tilespmem:s16], [sflag:$0x1] =	stream.indirect_vreg.gather [hbm4b:s3+s2], $0x80, v3, vm0, $0xb8;
	[tilespmem:$0xD100] =	vst v63  }
0x57: {  	_ = 	snop  }
0x58: {  	[tilespmem:s17], [sflag:$0x1] =	stream.indirect_vreg.gather [hbm4b:s4+s2], $0x80, v3, vm1, $0xb8;
	[tilespmem:$0xD100] =	vst v63  }
0x59: {  	v3 =	vld [tilespmem:$0x34B0];
	_ =	sdelay $0x4  }
0x5a: {  	v60 =	vshrl.u32 v3, $0x3  }
0x5b: {  	v4 =	vmul.u32 $0x18, v60  }
0x5c: {  	v3 =	vand.u32 $0x7, v3  }
0x5d: {  	v3 =	vor.u32 v3, v4  }
0x5e: {  	v4 =	vperm.xlane v3, v0;
	_ =	sdelay $0x1  }
0x5f: {  	v4 =	vadd.s32 v1, v4;
	_ =	sdelay $0x1  }
0x60: {  	v3 =	vperm.xlane v3, v2;
	_ =	sdelay $0x1  }
0x61: {  	v3 =	vadd.s32 v1, v3  }
0x62: {  	[tilespmem:s18], [sflag:$0x1] =	stream.indirect_vreg.gather [hbm4b:s3+s2], $0x80, v4, vm0, $0xb8;
	[tilespmem:$0xD100] =	vst v63  }
0x63: {  	_ = 	snop  }
0x64: {  	[tilespmem:s19], [sflag:$0x1] =	stream.indirect_vreg.gather [hbm4b:s4+s2], $0x80, v4, vm1, $0xb8;
	[tilespmem:$0xD100] =	vst v63  }
0x65: {  	_ = 	snop  }
0x66: {  	[tilespmem:s20], [sflag:$0x1] =	stream.indirect_vreg.gather [hbm4b:s3+s2], $0x80, v3, vm0, $0xb8;
	[tilespmem:$0xD100] =	vst v63  }
0x67: {  	_ = 	snop  }
0x68: {  	[tilespmem:s21], [sflag:$0x1] =	stream.indirect_vreg.gather [hbm4b:s4+s2], $0x80, v3, vm1, $0xb8;
	[tilespmem:$0xD100] =	vst v63  }
0x69: {  	v3 =	vld [tilespmem:$0x34C0];
	_ =	sdelay $0x4  }
0x6a: {  	v61 =	vshrl.u32 v3, $0x3  }
0x6b: {  	v4 =	vmul.u32 $0x18, v61  }
0x6c: {  	v3 =	vand.u32 $0x7, v3  }
0x6d: {  	v3 =	vor.u32 v3, v4  }
0x6e: {  	v4 =	vperm.xlane v3, v0;
	_ =	sdelay $0x1  }
0x6f: {  	v4 =	vadd.s32 v1, v4;
	_ =	sdelay $0x1  }
0x70: {  	v3 =	vperm.xlane v3, v2;
	_ =	sdelay $0x1  }
0x71: {  	v3 =	vadd.s32 v1, v3  }
0x72: {  	[tilespmem:s22], [sflag:$0x1] =	stream.indirect_vreg.gather [hbm4b:s3+s2], $0x80, v4, vm0, $0xb8;
	[tilespmem:$0xD100] =	vst v63  }
0x73: {  	_ = 	snop  }
0x74: {  	[tilespmem:s23], [sflag:$0x1] =	stream.indirect_vreg.gather [hbm4b:s4+s2], $0x80, v4, vm1, $0xb8;
	[tilespmem:$0xD100] =	vst v63  }
0x75: {  	_ = 	snop  }
0x76: {  	[tilespmem:s24], [sflag:$0x1] =	stream.indirect_vreg.gather [hbm4b:s3+s2], $0x80, v3, vm0, $0xb8;
	[tilespmem:$0xD100] =	vst v63  }
0x77: {  	_ = 	snop  }
0x78: {  	[tilespmem:s25], [sflag:$0x1] =	stream.indirect_vreg.gather [hbm4b:s4+s2], $0x80, v3, vm1, $0xb8;
	[tilespmem:$0xD100] =	vst v63  }
0x79: {  	v3 =	vld [tilespmem:$0x34D0];
	_ =	sdelay $0x4  }
0x7a: {  	v62 =	vshrl.u32 v3, $0x3  }
0x7b: {  	v4 =	vmul.u32 $0x18, v62  }
0x7c: {  	v3 =	vand.u32 $0x7, v3  }
0x7d: {  	v3 =	vor.u32 v3, v4  }
0x7e: {  	v4 =	vperm.xlane v3, v0;
	_ =	sdelay $0x1  }
0x7f: {  	v4 =	vadd.s32 v1, v4;
	_ =	sdelay $0x1  }
0x80: {  	v3 =	vperm.xlane v3, v2;
	_ =	sdelay $0x1  }
0x81: {  	v3 =	vadd.s32 v1, v3  }
0x82: {  	[tilespmem:s26], [sflag:$0x1] =	stream.indirect_vreg.gather [hbm4b:s3+s2], $0x80, v4, vm0, $0xb8;
	[tilespmem:$0xD100] =	vst v63  }
0x83: {  	_ = 	snop  }
0x84: {  	[tilespmem:s28], [sflag:$0x1] =	stream.indirect_vreg.gather [hbm4b:s4+s2], $0x80, v4, vm1, $0xb8;
	[tilespmem:$0xD100] =	vst v63  }
0x85: {  	_ = 	snop  }
0x86: {  	[tilespmem:s29], [sflag:$0x1] =	stream.indirect_vreg.gather [hbm4b:s3+s2], $0x80, v3, vm0, $0xb8;
	[tilespmem:$0xD100] =	vst v63  }
0x87: {  	_ = 	snop  }
0x88: {  	[tilespmem:s30], [sflag:$0x1] =	stream.indirect_vreg.gather [hbm4b:s4+s2], $0x80, v3, vm1, $0xb8;
	[tilespmem:$0xD100] =	vst v63  }
0x89: {  	v3 =	vld.msk [tilespmem:$0x34E0], $0xff;
	_ =	sdelay $0x4  }
0x8a: {  	v63 =	vshrl.u32 v3, $0x3  }
0x8b: {  	v4 =	vmul.u32 $0x18, v63  }
0x8c: {  	v3 =	vand.u32 $0x7, v3  }
0x8d: {  	v3 =	vor.u32 v3, v4  }
0x8e: {  	v3 =	vperm.xlane v3, v0;
	_ =	sdelay $0x1  }
0x8f: {  	v3 =	vadd.s32 v1, v3;
	_ =	sdelay $0x4  }
0x90: {  	[tilespmem:s31], [sflag:$0x1] =	stream.indirect_vreg.gather [hbm4b:s3+s2], $0x80, v3, vm0, $0xb8;
	[tilespmem:$0xD100] =	vst v63  }
0x91: {  	_ = 	snop  }
0x92: {  	[tilespmem:s1], [sflag:$0x1] =	stream.indirect_vreg.gather [hbm4b:s4+s2], $0x80, v3, vm1, $0xb8;
	[tilespmem:$0xD100] =	vst v63  }
0x93: {  	_ =	swait.ge [sflag:s8], $0x9C00  }
0x94: {  	p0 =	sne.s32 s5, $0x1;
	[sflag:s8] =	ssyncset.done $0x0  }
.Ltmp0:
0x95: {  	s10 =	rddreg [dreg:$0x8];
	[sflag:s8] =	ssyncadd.s32 $0xFFFF6400;
	(pc) =	sbr.rel @p0 .LBB2_1-.Ltmp0, $4  }
0x96: {  	[hbm4b:s10+s2] =	stream.linear.scatter [tilespmem:s9], [sflag:$0x2], $0x9C00, $0x38;
	[tilespmem:$0xD100] =	vst v63  }
0x97: {  	_ =	swait.ge [sflag:s6], $0x9C00  }
0x98: {  	[sflag:s6] =	ssyncset.done $0x0  }
0x99: {  	s5 =	sadd.s32 $0xFFFFFFFF, s5;
	[sflag:s6] =	ssyncadd.s32 $0xFFFF6400  }
0x9a: {  	_ =	sfence.sel $0x180000  }
0x9b: {  	[bflag:$0x0] =	sbarrier.arrive $0xFFFF  }
0x9c: {  	_ =	strace $0x90000047  }
0x9d: {  	s0 =	stileid.u32;
	[bflag:$0x2] =	sbarrier.arrive $0xFFFF  }
0x9e: {  	p0 =	sne.s32 s0, $0x0;
	s0 =	rddreg [dreg:$0x3]  }
0x9f: {  	s0 =	sadd.s32 @!p0 $0x100000, s0  }
0xa0: {  	[sflag:s0] =	ssyncadd.tile.s32 @!p0 $0x1;
	_ =	shalt  }
.Lfunc_end2:
_tile_overlayer_lowered:
.L_overlay_start_2:
0xa1: {  	(tag) =	ssettag $0x2  }
0xa2: {  	s0 =	rddreg [dreg:$0x0];
	s2 =	stileid.u32  }
0xa3: {  	s1 =	rddreg [dreg:$0x1];
	p0 =	sne.s32 s2, $0x0  }
0xa4: {  	s3 =	rddreg [dreg:$0x2];
	[bflag:$0x3] =	sbarrier.arrive $0xFFFF;
	s2 =	simm.s32 @!p0 $0x1C02  }
0xa5: {  	[timem:s3], [sflag:s2] =	dma.local @!p0 [hbm:s0], s1  }
0xa6: {  	s0 =	simm.s32 @!p0 $0x2  }
0xa7: {  	_ =	swait.ge @!p0 [sflag:s0], s1  }
0xa8: {  	s1 =	ssub.s32 @!p0 $0x0, s1;
	[sflag:s0] =	ssyncset.done @!p0 $0x0  }
0xa9: {  	[sflag:s0] =	ssyncadd.s32 @!p0 s1  }
0xaa: {  	[bflag:$0x3] =	sbarrier.arrive $0xFFFF  }
0xab: {  	_ =	shalt  }

// kernel: kernel.13.cloned.1.call-start
scs
__scs_entry_jumppad:
0x0: {  	(pc) =	sbr.rel $0x88, $3  }
0x1: {  	(tag) =	ssettag $0x0;
	lr =	simm.s32 $0x1  }
0x2: {  	[smem:$0x3F76] =	sst lr;
	_ =	strace $0xD0000000  }
0x3: {  	_ = 	snop  }
0x4: {  	_ = 	snop  }
0x5: {  	_ = 	snop  }
0x6: {  	_ = 	snop  }
0x7: {  	_ = 	snop  }
__scs_overlays_trampoline_lowered:
0x8: {  	[smem:$0x3F85] =	sst s0  }
0x9: {  	[smem:$0x3F86] =	sst s1  }
0xa: {  	[smem:$0x3F87] =	sst s2  }
0xb: {  	[smem:$0x3F88] =	sst s3  }
0xc: {  	[smem:$0x3F89] =	sst s4  }
0xd: {  	[smem:$0x3F8A] =	sst s5  }
0xe: {  	[smem:$0x3F8B] =	sst s6  }
0xf: {  	[smem:$0x3F8C] =	sst s7  }
0x10: {  	[smem:$0x3F8D] =	sst s8  }
0x11: {  	[smem:$0x3F8E] =	sst s9;
	s0 =	simm.s32 @!p0 $0x0  }
0x12: {  	s1 =	sld [smem:$0x3F74];
	s0 =	simm.s32 @p0 $0x1  }
0x13: {  	[smem:$0x3F8F] =	sst s0;
	s0 =	simm.s32 @!p1 $0x0  }
0x14: {  	s2 =	sld [smem:$0x3F73];
	s0 =	simm.s32 @p1 $0x1  }
0x15: {  	[smem:$0x3F90] =	sst s0;
	s0 =	simm.s32 @!p2 $0x0  }
0x16: {  	s3 =	sld [smem:$0x3FDB];
	s0 =	simm.s32 @p2 $0x1  }
0x17: {  	s4 =	simm.s32 $0x1BF5;
	[smem:$0x3F92] =	sst s0  }
0x18: {  	s0 =	sld [smem:$0x3F75];
	_ =	swait.ge [sflag:s4], $0x0  }
0x19: {  	s7 =	sld [smem:$0x3F76]  }
0x1a: {  	s8 =	sadd.s32 $0xFFFFE003, lr  }
0x1b: {  	s9 =	sadd.s32 $0xFFFFFEF7, lr;
	s5 =	simm.s32 $0xFFFFFFFF;
	p2 =	slt.u32 s8, $0xFFFFF086  }
0x1c: {  	p1 =	slt.u32 s9, $0xF7A;
	s5 =	simm.s32 @!p2 $0x0  }
0x1d: {  	s5 =	simm.s32 @p1 $0x1;
	p0 =	seq.s32 s7, s2  }
0x1e: {  	s7 =	smul.u32 @!p0 $0xF7A, s2;
	p2 =	seq.s32 @!p0 s5, $0x0  }
0x1f: {  	s9 =	smul.u32 $0xF7A, s1;
	s8 =	simm.s32 @!p0 $0x1BF5;
	p2 =	por !p2, p0  }
0x20: {  	[sflag:s8] =	ssyncset.s32 @!p0 $0xFFFFF086;
	s6 =	sadd.s32 @!p0 s3, s7;
	s7 =	simm.s32 @!p0 $0x108  }
0x21: {  	s3 =	sadd.s32 s3, s9;
	s6 =	sadd.s32 @!p0 $0x88, s6;
	s7 =	simm.s32 @p2 $0x1082  }
0x22: {  	[simem:s7], [sflag:s8] =	dma.local @!p0 [hbm:s6], $0xF7A  }
0x23: {  	s9 =	sor.u32 $0xD0000000, s2;
	s6 =	simm.s32 $0x108;
	_ =	swait.ge @!p0 [sflag:s8], $0x0  }
0x24: {  	s3 =	sadd.s32 $0x88, s3;
	s6 =	simm.s32 @!p1 $0x1082;
	[sflag:s4] =	ssyncset.s32 $0xFFFFF086  }
0x25: {  	[simem:s6], [sflag:s4] =	dma.local [hbm:s3], $0xF7A  }
0x26: {  	[smem:$0x3F76] =	sst s1;
	(tag) =	ssettag s2;
	_ =	strace s9  }
0x27: {  	s1 =	sld [smem:$0x3F86]  }
0x28: {  	s2 =	sld [smem:$0x3F87]  }
0x29: {  	s4 =	sld [smem:$0x3F89]  }
0x2a: {  	p0 =	seq.s32 s5, $0x0;
	s5 =	sld [smem:$0x3F8A]  }
0x2b: {  	s6 =	sld [smem:$0x3F8B]  }
0x2c: {  	s7 =	sld [smem:$0x3F8C]  }
0x2d: {  	s3 =	simm.s32 $0x108;
	s8 =	sld [smem:$0x3F8D]  }
0x2e: {  	s3 =	simm.s32 @!p0 $0x1082;
	s9 =	sld [smem:$0x3F8E]  }
0x2f: {  	lr =	sadd.s32 s0, s3;
	s0 =	sld [smem:$0x3F85]  }
0x30: {  	s3 =	sld [smem:$0x3F88]  }
0x31: {  	[smem:$0x3F91] =	sst s10  }
0x32: {  	s10 =	sld [smem:$0x3F8F];
	_ =	sdelay $0x3  }
0x33: {  	p0 =	seq.s32 s10, $0x1;
	s10 =	sld [smem:$0x3F91];
	_ =	sdelay $0x3  }
0x34: {  	[smem:$0x3F91] =	sst s10  }
0x35: {  	s10 =	sld [smem:$0x3F90];
	_ =	sdelay $0x3  }
0x36: {  	p1 =	seq.s32 s10, $0x1;
	s10 =	sld [smem:$0x3F91];
	_ =	sdelay $0x3  }
0x37: {  	[smem:$0x3F91] =	sst s10  }
0x38: {  	s10 =	sld [smem:$0x3F92]  }
0x39: {  	_ = 	snop;
	(pc) =	sbr.ind lr, $3  }
0x3a: {  	_ = 	snop  }
0x3b: {  	_ = 	snop  }
0x3c: {  	p2 =	seq.s32 s10, $0x1;
	s10 =	sld [smem:$0x3F91]  }
0x3d: {  	_ =	shalt  }
0x3e: {  	_ =	shalt  }
0x3f: {  	_ =	shalt  }
0x40: {  	_ =	shalt  }
0x41: {  	_ =	shalt  }
0x42: {  	_ =	shalt  }
0x43: {  	_ =	shalt  }
0x44: {  	_ =	shalt  }
0x45: {  	_ =	shalt  }
0x46: {  	_ =	shalt  }
0x47: {  	_ =	shalt  }
0x48: {  	_ =	shalt  }
0x49: {  	_ =	shalt  }
0x4a: {  	_ =	shalt  }
0x4b: {  	_ =	shalt  }
0x4c: {  	_ =	shalt  }
0x4d: {  	_ =	shalt  }
0x4e: {  	_ =	shalt  }
0x4f: {  	_ =	shalt  }
0x50: {  	_ =	shalt  }
0x51: {  	_ =	shalt  }
0x52: {  	_ =	shalt  }
0x53: {  	_ =	shalt  }
0x54: {  	_ =	shalt  }
0x55: {  	_ =	shalt  }
0x56: {  	_ =	shalt  }
0x57: {  	_ =	shalt  }
0x58: {  	_ =	shalt  }
0x59: {  	_ =	shalt  }
0x5a: {  	_ =	shalt  }
0x5b: {  	_ =	shalt  }
0x5c: {  	_ =	shalt  }
0x5d: {  	_ =	shalt  }
0x5e: {  	_ =	shalt  }
0x5f: {  	_ =	shalt  }
0x60: {  	_ =	shalt  }
0x61: {  	_ =	shalt  }
0x62: {  	_ =	shalt  }
0x63: {  	_ =	shalt  }
0x64: {  	_ =	shalt  }
0x65: {  	_ =	shalt  }
0x66: {  	_ =	shalt  }
0x67: {  	_ =	shalt  }
0x68: {  	_ =	shalt  }
0x69: {  	_ =	shalt  }
0x6a: {  	_ =	shalt  }
0x6b: {  	_ =	shalt  }
0x6c: {  	_ =	shalt  }
0x6d: {  	_ =	shalt  }
0x6e: {  	_ =	shalt  }
0x6f: {  	_ =	shalt  }
0x70: {  	_ =	shalt  }
0x71: {  	_ =	shalt  }
0x72: {  	_ =	shalt  }
0x73: {  	_ =	shalt  }
0x74: {  	_ =	shalt  }
0x75: {  	_ =	shalt  }
0x76: {  	_ =	shalt  }
0x77: {  	_ =	shalt  }
0x78: {  	_ =	shalt  }
0x79: {  	_ =	shalt  }
0x7a: {  	_ =	shalt  }
0x7b: {  	_ =	shalt  }
0x7c: {  	_ =	shalt  }
0x7d: {  	_ =	shalt  }
0x7e: {  	_ =	shalt  }
0x7f: {  	_ =	shalt  }
0x80: {  	_ =	shalt  }
0x81: {  	_ =	shalt  }
0x82: {  	_ =	shalt  }
0x83: {  	_ =	shalt  }
0x84: {  	_ =	shalt  }
0x85: {  	_ =	shalt  }
0x86: {  	_ =	shalt  }
0x87: {  	_ =	shalt  }
.Lfunc_end0:
.L_simem_size_0:
called_computation.1_lowered:
.L_overlay_start_0:
0x88: {  	s2 =	sld [smem:$0x3FD9]  }
0x89: {  	s3 =	sld [smem:$0x3FFE];
	_ =	sdelay $0x1  }
0x8a: {  	s1 =	srdreg.scid  }
0x8b: {  	s0 =	sand.u32 $0x1, s1  }
0x8c: {  	s15 =	sshll.u32 s0, $0xA;
	s2 =	sadd.s32 s3, s2  }
0x8d: {  	s2 =	sadd.s32 s2, s15  }
0x8e: {  	[smem:$0x3F9D] =	sst s2  }
0x8f: {  	_ = 	snop  }
0x90: {  	s2 =	sld [smem:$0x3FD0];
	_ =	sdelay $0x2  }
0x91: {  	s16 =	simm.s32 $0xB;
	s4 =	simm.s32 $0x10  }
0x92: {  	[smem:s4], [sflag:s16] =	dma.local [hbm:s2], $0x1  }
0x93: {  	_ =	swait.eq [sflag:s16], $0x1  }
0x94: {  	[sflag:s16] =	ssyncset.done $0x0  }
0x95: {  	[sflag:s16] =	ssyncadd.s32 $0xFFFFFFFF  }
0x96: {  	s17 =	sld [smem:$0x12];
	(tm) =	ssettm $0x1  }
0x97: {  	s18 =	sld [smem:$0x3FFB];
	_ =	sdelay $0x3  }
0x98: {  	_ =	strace s18  }
0x99: {  	s2 =	sld [smem:$0x3FFC];
	_ =	sdelay $0x3  }
0x9a: {  	_ =	strace s2  }
0x9b: {  	s2 =	sld [smem:$0x3FFD];
	_ =	sdelay $0x3  }
0x9c: {  	_ =	strace s2  }
0x9d: {  	_ =	strace $0x8FFFFFFF  }
0x9e: {  	s19 =	sld [smem:$0x3FDB];
	_ =	sdelay $0x1  }
0x9f: {  	s20 =	simm.s32 $_scs_section_size  }
0xa0: {  	s5 =	simm.s32 $_size__tile_overlayer_lowered;
	s6 =	simm.s32 $_tile_overlayer_lowered  }
0xa1: {  	s7 =	simm.s32 $0x1BFF;
	s21 =	sshll.u32 s6, $0x1;
	s4 =	sadd.s32 s20, s19  }
0xa2: {  	s22 =	simm.s32 $0x0;
	s5 =	sshll.u32 s5, $0x1;
	s6 =	sadd.s32 s21, s4  }
0xa3: {  	[timem:s22], [sflag:s7] =	dma.local [hbm:s6], s5  }
0xa4: {  	_ =	swait.ge [sflag:s7], s5  }
0xa5: {  	s5 =	ssub.s32 $0x0, s5;
	[sflag:s7] =	ssyncset.done $0x0  }
0xa6: {  	[sflag:s7] =	ssyncadd.s32 s5;
	_ =	sdelay $0x1  }
0xa7: {  	s23 =	simm.s32 $0x1B8B  }
0xa8: {  	_ =	swait.ge [sflag:s23], $0x1  }
0xa9: {  	[sflag:s23] =	ssyncset.done $0x0  }
0xaa: {  	[sflag:s23] =	ssyncadd.s32 $0xFFFFFFFF  }
0xab: {  	s5 =	sld [smem:$0x0]  }
0xac: {  	s6 =	sand.u32 $0xFFFFFFFE, s1  }
0xad: {  	p0 =	sne.s32 s1, s6  }
0xae: {  	s6 =	sshll.u32 @p0 s6, $0xE  }
0xaf: {  	s6 =	sadd.s32 @p0 $0x11B8D, s6;
	s7 =	sshll.u32 @p0 s5, $0x11  }
0xb0: {  	s6 =	sor.u32 @p0 s7, s6  }
0xb1: {  	[sflag:s6] =	ssyncadd.remote.s32 @p0 $0x1;
	_ =	sdelay $0x1  }
0xb2: {  	s6 =	simm.s32 @p0 $0x1B8D  }
0xb3: {  	_ =	swait.eq @p0 [sflag:s6], $0x1  }
0xb4: {  	[sflag:s6] =	ssyncadd.s32 @p0 $0xFFFFFFFF  }
0xb5: {  	s7 =	sshll.u32 @!p0 s1, $0xE  }
0xb6: {  	s7 =	sor.u32 @!p0 $0x4000, s7;
	s6 =	simm.s32 @!p0 $0x1B8D  }
0xb7: {  	s5 =	sshll.u32 @!p0 s5, $0x11;
	s7 =	sadd.s32 @!p0 $0x11B8D, s7;
	_ =	swait.eq @!p0 [sflag:s6], $0x1  }
0xb8: {  	s5 =	sor.u32 @!p0 s5, s7;
	[sflag:s6] =	ssyncadd.s32 @!p0 $0xFFFFFFFF  }
0xb9: {  	s25 =	simm.s32 $0x1B8E;
	s24 =	sld [smem:$0x3FFE];
	[sflag:s5] =	ssyncadd.remote.s32 @!p0 $0x1  }
0xba: {  	s26 =	simm.s32 $execute0_lowered;
	[smem:$0x3FD2] =	sst s25  }
0xbb: {  	s6 =	sshll.u32 s26, $0x1;
	_ =	strace $0x80000049;
	[dreg:$0x1] =	wrdreg $0xFFFFFFFF  }
0xbc: {  	s28 =	simm.s32 $_size_execute0_lowered;
	s4 =	sadd.s32 s4, s6;
	[dreg:$0x0] =	wrdreg $0x0  }
0xbd: {  	s6 =	sshll.u32 s28, $0x1;
	[dreg:$0x2] =	wrdreg s4  }
0xbe: {  	[dreg:$0x3] =	wrdreg s6  }
0xbf: {  	[dreg:$0x4] =	wrdreg $0xC0  }
0xc0: {  	_ =	task [dreg:s22], $0x5FFFF  }
0xc1: {  	[dreg:$0x1] =	wrdreg $0xFFFFFFFF  }
0xc2: {  	[dreg:$0x0] =	wrdreg $0x60  }
0xc3: {  	[dreg:$0x2] =	wrdreg s24  }
0xc4: {  	[dreg:$0x3] =	wrdreg s17  }
0xc5: {  	[dreg:$0x4] =	wrdreg $0xA  }
0xc6: {  	_ =	task.clear_ibuf [dreg:s22], $0x5FFFF;
	_ =	strace $0x90000049  }
0xc7: {  	s29 =	simm.s32 $0xA;
	_ =	strace $0x8000004B  }
0xc8: {  	_ =	swait.ge [sflag:s29], $0x1  }
0xc9: {  	[sflag:s29] =	ssyncadd.s32 $0xFFFFFFFF  }
0xca: {  	_ =	strace $0x9000004B  }
0xcb: {  	_ =	sfence  }
0xcc: {  	s30 =	sld [smem:$0x0];
	_ =	sdelay $0x2  }
0xcd: {  	s31 =	sshll.u32 s1, $0xD;
	s1 =	sshrl.u32 s1, $0x2  }
0xce: {  	s4 =	sand.u32 $0x4000, s31;
	s1 =	sadd.s32 s1, s30  }
0xcf: {  	s0 =	sor.u32 s4, s0;
	s1 =	sshll.u32 s1, $0x11  }
0xd0: {  	s0 =	sor.u32 s1, s0  }
0xd1: {  	s0 =	sadd.s32 $0x8F2B, s0  }
0xd2: {  	[sflag:s0] =	ssyncadd.remote.s32 $0x1  }
0xd3: {  	_ =	sfence.sel $0xFFFF  }
0xd4: {  	[dreg:$0x0] =	wrdreg $0xFFFFFFFF;
	(pc) =	sbr.abs _section_cstart, $3  }
0xd5: {  	[dreg:$0x1] =	wrdreg $0xFFFFFFFF  }
0xd6: {  	_ =	task.clear_ibuf [dreg:s22], $0x2FFFF;
	_ =	strace $0x9FFFFFFF  }
0xd7: {  	(tm) =	ssettm $0x7FFFFFFF  }
tec
execute0_lowered:
.L_overlay_start_1:
0x0: {  	(tag) =	ssettag $0x1  }
0x1: {  	s1 =	srdreg.scid  }
0x2: {  	s0 =	stileid.u32;
	s9 =	rddreg [dreg:$0x0]  }
0x3: {  	s3 =	rddreg [dreg:$0x1];
	s6 =	sand.u32 $0x1, s1;
	s30 =	sshll.u32 s0, $0x1  }
0x4: {  	s2 =	simm.s32 $0x0;
	s1 =	rddreg [dreg:$0x2];
	s7 =	sor.u32 s6, s30  }
0x5: {  	s8 =	simm.s32 $0x1;
	[smem:$0x7FF] =	sst s2;
	s4 =	smul.u32 $0xD, s7  }
0x6: {  	s5 =	sadd.s32 $0x60C00, s9;
	_ =	strace $0x8000004A;
	s11 =	ssub.s32 $0x2, s6  }
0x7: {  	s6 =	simm.s32 $0x68;
	s4 =	sadd.s32 s3, s4;
	s3 =	simm.s32 $0x2  }
0x8: {  	[tilespmem:s2], [sflag:$0x2] =	stream.linear.gather [hbm4b:s4+s2], $0x68, $0x38;
	[tilespmem:$0x3480] =	vst v63  }
0x9: {  	s10 =	smul.u32 $0x680, s7;
	s12 =	sshrl.u32 s11, $0x1;
	_ =	swait.ge [sflag:s3], $0x68  }
0xa: {  	s7 =	simm.s32 $0x80;
	s31 =	ssub.s32 s11, s12;
	[sflag:s3] =	ssyncset.done $0x0  }
0xb: {  	s9 =	sadd.s32 s10, s9;
	s10 =	smax.u32 s31, $0x1;
	[sflag:s3] =	ssyncadd.s32 $0xFFFFFF98  }
0xc: {  	[tilespmem:s7], [sflag:$0x1] =	stream.indirect.gather [hbm4b:s5+s6], $0x80, s2, s6, $0xb8;
	[tilespmem:$0x3480] =	vst v63  }
0xd: {  	p0 =	sne.s32 s10, $0x1;
	_ =	swait.ge [sflag:s8], $0x3400  }
.Ltmp0:
0xe: {  	[sflag:s8] =	ssyncset.done $0x0;
	(pc) =	sbr.rel @!p0 .LBB2_2-.Ltmp0, $4  }
0xf: {  	s9 =	sadd.s32 $0x68C00, s9;
	[sflag:s8] =	ssyncadd.s32 $0xFFFFCC00  }
0x10: {  	[hbm4b:s9+s2] =	stream.linear.scatter [tilespmem:s7], [sflag:$0x2], $0x3400, $0x38;
	[tilespmem:$0x3480] =	vst v63  }
0x11: {  	_ =	swait.ge [sflag:s3], $0x3400  }
0x12: {  	s10 =	sadd.s32 $0xFFFFFFFF, s10;
	[sflag:s3] =	ssyncset.done $0x0  }
.LBB2_1:
0x13: {  	p0 =	sne.s32 s10, $0x1;
	s10 =	sadd.s32 $0xFFFFFFFF, s10;
	[sflag:s3] =	ssyncadd.s32 $0xFFFFCC00  }
0x14: {  	[tilespmem:s2], [sflag:$0x2] =	stream.linear.gather [hbm4b:s4+s2], $0x68, $0x38;
	[tilespmem:$0x3480] =	vst v63  }
0x15: {  	_ =	swait.ge [sflag:s3], $0x68  }
0x16: {  	[sflag:s3] =	ssyncset.done $0x0  }
0x17: {  	[sflag:s3] =	ssyncadd.s32 $0xFFFFFF98  }
0x18: {  	[tilespmem:s7], [sflag:$0x1] =	stream.indirect.gather [hbm4b:s5+s6], $0x80, s2, s6, $0xb8;
	[tilespmem:$0x3480] =	vst v63  }
0x19: {  	_ =	swait.ge [sflag:s8], $0x3400  }
.Ltmp1:
0x1a: {  	[sflag:s8] =	ssyncset.done $0x0;
	(pc) =	sbr.rel @p0 .LBB2_1-.Ltmp1, $4  }
0x1b: {  	[sflag:s8] =	ssyncadd.s32 $0xFFFFCC00  }
0x1c: {  	[hbm4b:s9+s2] =	stream.linear.scatter [tilespmem:s7], [sflag:$0x2], $0x3400, $0x38;
	[tilespmem:$0x3480] =	vst v63  }
0x1d: {  	_ =	swait.ge [sflag:s3], $0x3400  }
0x1e: {  	[sflag:s3] =	ssyncset.done $0x0  }
.LBB2_2:
0x1f: {  	[sflag:s3] =	ssyncadd.s32 $0xFFFFCC00  }
0x20: {  	_ =	sfence.sel $0x180000  }
0x21: {  	[bflag:$0x0] =	sbarrier.arrive $0xFFFF  }
0x22: {  	p0 =	sne.s32 s0, $0x0;
	_ =	strace $0x9000004A  }
0x23: {  	s0 =	sadd.s32 @!p0 $0x100000, s1;
	[bflag:$0x2] =	sbarrier.arrive $0xFFFF  }
0x24: {  	[sflag:s0] =	ssyncadd.tile.s32 @!p0 $0x1;
	_ =	shalt  }
.Lfunc_end2:
_tile_overlayer_lowered:
.L_overlay_start_2:
0x25: {  	(tag) =	ssettag $0x2  }
0x26: {  	s0 =	rddreg [dreg:$0x0];
	s2 =	stileid.u32  }
0x27: {  	s1 =	rddreg [dreg:$0x1];
	p0 =	sne.s32 s2, $0x0  }
0x28: {  	s3 =	rddreg [dreg:$0x2];
	[bflag:$0x3] =	sbarrier.arrive $0xFFFF;
	s2 =	simm.s32 @!p0 $0x1C02  }
0x29: {  	[timem:s3], [sflag:s2] =	dma.local @!p0 [hbm:s0], s1  }
0x2a: {  	s0 =	simm.s32 @!p0 $0x2  }
0x2b: {  	_ =	swait.ge @!p0 [sflag:s0], s1  }
0x2c: {  	s1 =	ssub.s32 @!p0 $0x0, s1;
	[sflag:s0] =	ssyncset.done @!p0 $0x0  }
0x2d: {  	[sflag:s0] =	ssyncadd.s32 @!p0 s1  }
0x2e: {  	[bflag:$0x3] =	sbarrier.arrive $0xFFFF  }
0x2f: {  	_ =	shalt  }

</sc_bundles>
